<compile_context>
chip_gen: v7x
topology: tpu7x:2x2x1
jax: 0.10.2.dev20260603
libtpu: 0.0.44.dev20260713+nightly
codegen_flags: <defaults>
</compile_context>

<pallas_src>
import functools

import jax
import jax.numpy as jnp
from jax import lax
from jax.experimental import pallas as pl
from jax.experimental.pallas import tpu as pltpu
from jax.experimental.pallas import tpu_sc as plsc

N = 10000
E = 320000
D = 64
NUM_CLASSES = 47
EPS_BN = 1e-5

NC, NS = 2, 16
NW = NC * NS
CH = 128
NROWS = E // CH
RPW = NROWS // NW
NEXTRA = NROWS - NW * RPW
NACC = N + 16
RPT = 624
TAIL = N - NS * RPT


def _sc_aggregate_call(y, e_r):
  mesh = plsc.VectorSubcoreMesh(core_axis_name="c", subcore_axis_name="s")

  @functools.partial(
      pl.kernel,
      out_type=jax.ShapeDtypeStruct((NC, N, D), jnp.float32),
      mesh=mesh,
      scratch_types=[
          pltpu.VMEM((RPW + 1, CH), jnp.int32),
          pltpu.VMEM((RPW + 1, CH), jnp.int32),
          pltpu.VMEM((2, CH, D), jnp.float32),
          pltpu.VMEM_SHARED((NACC, D), jnp.float32),
          pltpu.VMEM_SHARED((N, D), jnp.float32),
          pltpu.SemaphoreType.DMA((2,)),
          pltpu.SemaphoreType.DMA((3,)),
      ],
      compiler_params=pltpu.CompilerParams(use_tc_tiling_on_sc=False),
  )
  def agg(y_hbm, e_hbm, out_hbm, src_v, dst_v, rows_v,
          acc_s, y_s, sem, ssem):
    cid = lax.axis_index("c")
    sid = lax.axis_index("s")
    wid = sid * NC + cid
    nch = jnp.where(wid < NEXTRA, RPW + 1, RPW)

    c1 = pltpu.async_copy(y_hbm.at[pl.ds(sid * RPT, RPT)],
                          y_s.at[pl.ds(sid * RPT, RPT)], ssem.at[0])
    c2 = pltpu.async_copy(y_hbm.at[pl.ds(sid * RPT, RPT)],
                          acc_s.at[pl.ds(sid * RPT, RPT)], ssem.at[1])
    c3 = pltpu.async_copy(e_hbm.at[0, pl.ds(wid * RPW, RPW)],
                          src_v.at[pl.ds(0, RPW)], ssem.at[2])
    pltpu.async_copy(e_hbm.at[1, pl.ds(wid * RPW, RPW)],
                     dst_v.at[pl.ds(0, RPW)], ssem.at[2])
    c1.wait()
    c2.wait()
    c3.wait()
    c3.wait()

    @pl.when(wid < NEXTRA)
    def _stage_extra_row():
      pltpu.sync_copy(e_hbm.at[0, pl.ds(NW * RPW + wid, 1)],
                      src_v.at[pl.ds(RPW, 1)])
      pltpu.sync_copy(e_hbm.at[1, pl.ds(NW * RPW + wid, 1)],
                      dst_v.at[pl.ds(RPW, 1)])

    @pl.when(sid == NS - 1)
    def _seed_tail():
      pltpu.sync_copy(y_hbm.at[pl.ds(NS * RPT, TAIL)],
                      y_s.at[pl.ds(NS * RPT, TAIL)])
      pltpu.sync_copy(y_hbm.at[pl.ds(NS * RPT, TAIL)],
                      acc_s.at[pl.ds(NS * RPT, TAIL)])

    plsc.subcore_barrier()

    pltpu.async_copy(y_s.at[src_v.at[0]], rows_v.at[0], sem.at[0])

    def step(j, carry):
      b = lax.rem(j, 2)
      pltpu.make_async_copy(y_s.at[src_v.at[j]], rows_v.at[b],
                            sem.at[b]).wait()

      @pl.when(j < nch - 1)
      def _prefetch():
        nb = 1 - b
        pltpu.async_copy(y_s.at[src_v.at[j + 1]], rows_v.at[nb], sem.at[nb])

      pltpu.sync_copy(rows_v.at[b], acc_s.at[dst_v.at[j]], add=True)
      return carry

    lax.fori_loop(0, RPW, step, 0, unroll=2)

    @pl.when(wid < NEXTRA)
    def _extra_chunk():
      eb = RPW % 2
      pltpu.make_async_copy(y_s.at[src_v.at[RPW]], rows_v.at[eb],
                            sem.at[eb]).wait()
      pltpu.sync_copy(rows_v.at[eb], acc_s.at[dst_v.at[RPW]], add=True)

    plsc.subcore_barrier()
    pltpu.sync_copy(acc_s.at[pl.ds(sid * RPT, RPT)],
                    out_hbm.at[cid, pl.ds(sid * RPT, RPT)])

    @pl.when(sid == NS - 1)
    def _write_tail():
      pltpu.sync_copy(acc_s.at[pl.ds(NS * RPT, TAIL)],
                      out_hbm.at[cid, pl.ds(NS * RPT, TAIL)])

  return agg(y, e_r)


NP = N // 2
DP = 2 * D


def _mm_body(x_ref, w_ref, o_ref):
  o_ref[...] = lax.dot_general(
      x_ref[...], w_ref[...], (((1,), (0,)), ((), ())),
      preferred_element_type=jnp.float32, precision=lax.Precision.HIGHEST)


def _input_matmul(x2, b0):
  return pl.pallas_call(
      _mm_body,
      out_shape=jax.ShapeDtypeStruct((NP, DP), jnp.float32),
  )(x2, b0)


def _layer_body(y_ref, acc_ref, b_ref, g_ref, be_ref, p_ref, w_ref, o_ref):
  z = acc_ref[0] + acc_ref[1] - y_ref[...] + b_ref[...]
  fold = lambda s: lax.dot_general(
      s, p_ref[...], (((1,), (0,)), ((), ())),
      preferred_element_type=jnp.float32,
      precision=lax.Precision.HIGHEST) * (1.0 / N)
  mean = fold(jnp.sum(z, axis=0, keepdims=True))
  d = z - mean
  var = fold(jnp.sum(d * d, axis=0, keepdims=True))
  h = d * lax.rsqrt(var + EPS_BN) * g_ref[...] + be_ref[...]
  h = jnp.maximum(h, 0.0)
  o_ref[...] = lax.dot_general(
      h, w_ref[...], (((1,), (0,)), ((), ())),
      preferred_element_type=jnp.float32, precision=lax.Precision.HIGHEST)


def _tc_layer(y2, acc2, b, g, be, p, w_next):
  return pl.pallas_call(
      _layer_body,
      out_shape=jax.ShapeDtypeStruct((NP, DP), jnp.float32),
  )(y2, acc2, b, g, be, p, w_next)


def _final_body(y_ref, acc_ref, b_ref, o_ref):
  o_ref[...] = acc_ref[0] + acc_ref[1] - y_ref[...] + b_ref[...]


def _tc_final(y2, acc2, b):
  return pl.pallas_call(
      _final_body,
      out_shape=jax.ShapeDtypeStruct((NP, DP), jnp.float32),
  )(y2, acc2, b)


def _blockdiag2(m):
  a, b = m.shape
  zero = jnp.zeros((a, b), jnp.float32)
  return jnp.concatenate(
      [jnp.concatenate([m, zero], axis=1),
       jnp.concatenate([zero, m], axis=1)], axis=0)


def kernel(x, edge_index, Ws, bs, gammas, betas):
  e_r = edge_index.reshape(2, NROWS, CH)

  pad = D - NUM_CLASSES
  w4 = jnp.concatenate([Ws[4], jnp.zeros((pad, D), jnp.float32)], axis=0)
  b4 = jnp.concatenate([bs[4], jnp.zeros((pad,), jnp.float32)])
  b4_2 = jnp.tile(b4, 2).reshape(1, DP)
  bd_next = [_blockdiag2(Ws[i].T) for i in range(1, 4)] + [_blockdiag2(w4.T)]
  proj = jnp.tile(jnp.eye(D, dtype=jnp.float32), (2, 2))

  x2 = x.reshape(NP, 2 * x.shape[1])
  y2 = _input_matmul(x2, _blockdiag2(Ws[0].T))
  for i in range(4):
    acc = _sc_aggregate_call(y2.reshape(N, D), e_r)
    y2 = _tc_layer(y2, acc.reshape(NC, NP, DP), jnp.tile(bs[i], 2).reshape(1, DP),
                   jnp.tile(gammas[i], 2).reshape(1, DP),
                   jnp.tile(betas[i], 2).reshape(1, DP), proj, bd_next[i])
  acc = _sc_aggregate_call(y2.reshape(N, D), e_r)
  z2 = _tc_final(y2, acc.reshape(NC, NP, DP), b4_2)
  return z2.reshape(N, D)[:, :NUM_CLASSES]

# --- scband reference (transcript-rebuilt; emitter-appended) ---
"""Pipeline reference for scband-gin-30520037606037 (READ-ONLY COPY).

The authoritative reference and input builder live on the scoring server;
editing this copy changes nothing except your own understanding.
"""

import jax, jax.numpy as jnp
import numpy as np

NUM_NODES = 10000
NUM_EDGES = 320000
NUM_FEATURES = 128
HIDDEN = 64
NUM_CLASSES = 47
NUM_LAYERS = 5
EPS_BN = 1e-5


def setup_inputs(seed: int = 0) -> dict:
    key = jax.random.key(seed)
    ks = jax.random.split(key, 2 + 2 * NUM_LAYERS)
    x = jax.random.normal(ks[0], (NUM_NODES, NUM_FEATURES), dtype=jnp.float32)
    edge_index = jax.random.randint(ks[1], (2, NUM_EDGES), 0, NUM_NODES, dtype=jnp.int32)
    in_dims = [NUM_FEATURES] + [HIDDEN] * (NUM_LAYERS - 1)
    out_dims = [HIDDEN] * (NUM_LAYERS - 1) + [NUM_CLASSES]
    Ws = tuple(
        jax.random.normal(ks[2 + i], (out_dims[i], in_dims[i]), dtype=jnp.float32)
        * (1.0 / np.sqrt(in_dims[i]))
        for i in range(NUM_LAYERS)
    )
    bs = tuple(jnp.zeros((out_dims[i],), dtype=jnp.float32) for i in range(NUM_LAYERS))
    gammas = tuple(jnp.ones((HIDDEN,), dtype=jnp.float32) for _ in range(NUM_LAYERS - 1))
    betas = tuple(jnp.zeros((HIDDEN,), dtype=jnp.float32) for _ in range(NUM_LAYERS - 1))
    return {"x": x, "edge_index": edge_index, "Ws": Ws, "bs": bs, "gammas": gammas, "betas": betas}


def reference(x, edge_index, Ws, bs, gammas, betas):
    src = edge_index[0]
    dst = edge_index[1]
    h = x
    for i in range(NUM_LAYERS):
        # GINConv with eps=0: nn((1+eps)*x + sum_{j in N(i)} x_j)
        msgs = jnp.take(h, src, axis=0)
        aggr = jax.ops.segment_sum(msgs, dst, num_segments=NUM_NODES)
        h = h + aggr
        h = h @ Ws[i].T + bs[i]
        if i < NUM_LAYERS - 1:
            # BatchNorm1d (batch statistics, biased variance as in torch)
            mean = jnp.mean(h, axis=0)
            var = jnp.var(h, axis=0)
            h = (h - mean) / jnp.sqrt(var + EPS_BN) * gammas[i] + betas[i]
            h = jax.nn.relu(h)
    return h

if __name__ == "__main__":
    import jax
    _d = setup_inputs()
    print(jax.jit(kernel)(*tuple(_d.values())))

</pallas_src>

<mosaic_0001>
#map = affine_map<(d0, d1) -> (0, 0)>
#map1 = affine_map<(d0, d1) -> (0, 0, 0)>
module attributes {stable_mosaic.version = 14 : i64} {
  func.func @agg(%arg0: i32, %arg1: i32, %arg2: memref<10000x64xf32, #tpu.memory_space<hbm>>, %arg3: memref<2x2500x128xi32, #tpu.memory_space<hbm>>, %arg4: memref<2x10000x64xf32, #tpu.memory_space<hbm>>, %arg5: memref<79x128xi32, #tpu.memory_space<vmem>>, %arg6: memref<79x128xi32, #tpu.memory_space<vmem>>, %arg7: memref<2x128x64xf32, #tpu.memory_space<vmem>>, %arg8: memref<10016x64xf32, #tpu.memory_space<vmem_shared>>, %arg9: memref<10000x64xf32, #tpu.memory_space<vmem_shared>>, %arg10: memref<2x!tpu.dma_semaphore, #tpu.memory_space<semaphore_mem>>, %arg11: memref<3x!tpu.dma_semaphore, #tpu.memory_space<semaphore_mem>>) attributes {dimension_semantics = [#tpu.dimension_semantics<core_parallel>, #tpu.dimension_semantics<subcore_parallel>], iteration_bounds = array<i64: 2, 16>, scalar_prefetch = 0 : i64, scratch_operands = 7 : i64, tpu.core_type = #tpu.core_type<sc_vector_subcore>, window_params = [{transform_indices = #map}, {transform_indices = #map1}, {transform_indices = #map1}]} {
    %mul3A = arith.constant 2 : i32
    %mul3A_0 = arith.muli %arg1, %mul3A : i32
    %add3A = arith.addi %mul3A_0, %arg0 : i32
    %lt3A = arith.constant 4 : i32
    %lt3A_1 = arith.cmpi slt, %add3A, %lt3A : i32
    %jit3A = arith.constant 79 : i32
    %jit3A_2 = arith.constant 78 : i32
    %select_n3A = arith.select %lt3A_1, %jit3A, %jit3A_2 : i32
    %mul3A_3 = arith.constant 624 : i32
    %mul3A_4 = arith.muli %arg1, %mul3A_3 : i32
    %mul3A_5 = arith.constant 624 : i32
    %mul3A_6 = arith.muli %arg1, %mul3A_5 : i32
    %dma_start3A = arith.constant 0 : i32
    %dma_start3A_7 = tpu.memref_slice %arg11[%dma_start3A] : memref<3x!tpu.dma_semaphore, #tpu.memory_space<semaphore_mem>> -> memref<1x!tpu.dma_semaphore, #tpu.memory_space<semaphore_mem>>
    %dma_start3A_8 = tpu.memref_squeeze %dma_start3A_7 : memref<1x!tpu.dma_semaphore, #tpu.memory_space<semaphore_mem>> -> memref<!tpu.dma_semaphore, #tpu.memory_space<semaphore_mem>>
    %dma_start3A_9 = arith.constant 0 : i32
    %dma_start3A_10 = tpu.memref_slice %arg9[%mul3A_6, %dma_start3A_9] : memref<10000x64xf32, #tpu.memory_space<vmem_shared>> -> memref<624x64xf32, #tpu.memory_space<vmem_shared>>
    %dma_start3A_11 = arith.constant 0 : i32
    %dma_start3A_12 = tpu.memref_slice %arg2[%mul3A_4, %dma_start3A_11] : memref<10000x64xf32, #tpu.memory_space<hbm>> -> memref<624x64xf32, #tpu.memory_space<hbm>>
    tpu.enqueue_dma source(%dma_start3A_12 : memref<624x64xf32, #tpu.memory_space<hbm>>) target(%dma_start3A_10 : memref<624x64xf32, #tpu.memory_space<vmem_shared>>) target_semaphore(%dma_start3A_8 : memref<!tpu.dma_semaphore, #tpu.memory_space<semaphore_mem>>)
    %mul3A_13 = arith.constant 624 : i32
    %mul3A_14 = arith.muli %arg1, %mul3A_13 : i32
    %mul3A_15 = arith.constant 624 : i32
    %mul3A_16 = arith.muli %arg1, %mul3A_15 : i32
    %dma_start3A_17 = arith.constant 1 : i32
    %dma_start3A_18 = tpu.memref_slice %arg11[%dma_start3A_17] : memref<3x!tpu.dma_semaphore, #tpu.memory_space<semaphore_mem>> -> memref<1x!tpu.dma_semaphore, #tpu.memory_space<semaphore_mem>>
    %dma_start3A_19 = tpu.memref_squeeze %dma_start3A_18 : memref<1x!tpu.dma_semaphore, #tpu.memory_space<semaphore_mem>> -> memref<!tpu.dma_semaphore, #tpu.memory_space<semaphore_mem>>
    %dma_start3A_20 = arith.constant 0 : i32
    %dma_start3A_21 = tpu.memref_slice %arg8[%mul3A_16, %dma_start3A_20] : memref<10016x64xf32, #tpu.memory_space<vmem_shared>> -> memref<624x64xf32, #tpu.memory_space<vmem_shared>>
    %dma_start3A_22 = arith.constant 0 : i32
    %dma_start3A_23 = tpu.memref_slice %arg2[%mul3A_14, %dma_start3A_22] : memref<10000x64xf32, #tpu.memory_space<hbm>> -> memref<624x64xf32, #tpu.memory_space<hbm>>
    tpu.enqueue_dma source(%dma_start3A_23 : memref<624x64xf32, #tpu.memory_space<hbm>>) target(%dma_start3A_21 : memref<624x64xf32, #tpu.memory_space<vmem_shared>>) target_semaphore(%dma_start3A_19 : memref<!tpu.dma_semaphore, #tpu.memory_space<semaphore_mem>>)
    %mul3A_24 = arith.constant 78 : i32
    %mul3A_25 = arith.muli %add3A, %mul3A_24 : i32
    %dma_start3A_26 = arith.constant 0 : i32
    %dma_start3A_27 = arith.constant 2 : i32
    %dma_start3A_28 = arith.constant 0 : i32
    %dma_start3A_29 = arith.constant 0 : i32
    %dma_start3A_30 = tpu.memref_slice %arg5[%dma_start3A_28, %dma_start3A_29] : memref<79x128xi32, #tpu.memory_space<vmem>> -> memref<78x128xi32, #tpu.memory_space<vmem>>
    %dma_start3A_31 = arith.constant 0 : i32
    %dma_start3A_32 = tpu.memref_slice %arg3[%dma_start3A_26, %mul3A_25, %dma_start3A_31] : memref<2x2500x128xi32, #tpu.memory_space<hbm>> -> memref<1x78x128xi32, #tpu.memory_space<hbm>>
    %dma_start3A_33 = tpu.memref_squeeze %dma_start3A_32 : memref<1x78x128xi32, #tpu.memory_space<hbm>> -> memref<78x128xi32, #tpu.memory_space<hbm>>
    %dma_start3A_34 = tpu.memref_slice %arg11[%dma_start3A_27] : memref<3x!tpu.dma_semaphore, #tpu.memory_space<semaphore_mem>> -> memref<1x!tpu.dma_semaphore, #tpu.memory_space<semaphore_mem>>
    %dma_start3A_35 = tpu.memref_squeeze %dma_start3A_34 : memref<1x!tpu.dma_semaphore, #tpu.memory_space<semaphore_mem>> -> memref<!tpu.dma_semaphore, #tpu.memory_space<semaphore_mem>>
    %dma_start3A_36 = arith.constant 0 : i32
    %dma_start3A_37 = arith.constant 0 : i32
    %dma_start3A_38 = tpu.memref_slice %arg5[%dma_start3A_36, %dma_start3A_37] : memref<79x128xi32, #tpu.memory_space<vmem>> -> memref<78x128xi32, #tpu.memory_space<vmem>>
    %dma_start3A_39 = arith.constant 0 : i32
    %dma_start3A_40 = tpu.memref_slice %arg3[%dma_start3A_26, %mul3A_25, %dma_start3A_39] : memref<2x2500x128xi32, #tpu.memory_space<hbm>> -> memref<1x78x128xi32, #tpu.memory_space<hbm>>
    %dma_start3A_41 = tpu.memref_squeeze %dma_start3A_40 : memref<1x78x128xi32, #tpu.memory_space<hbm>> -> memref<78x128xi32, #tpu.memory_space<hbm>>
    tpu.enqueue_dma source(%dma_start3A_41 : memref<78x128xi32, #tpu.memory_space<hbm>>) target(%dma_start3A_38 : memref<78x128xi32, #tpu.memory_space<vmem>>) target_semaphore(%dma_start3A_35 : memref<!tpu.dma_semaphore, #tpu.memory_space<semaphore_mem>>)
    %mul3A_42 = arith.constant 78 : i32
    %mul3A_43 = arith.muli %add3A, %mul3A_42 : i32
    %dma_start3A_44 = arith.constant 1 : i32
    %dma_start3A_45 = arith.constant 2 : i32
    %dma_start3A_46 = arith.constant 0 : i32
    %dma_start3A_47 = arith.constant 0 : i32
    %dma_start3A_48 = tpu.memref_slice %arg6[%dma_start3A_46, %dma_start3A_47] : memref<79x128xi32, #tpu.memory_space<vmem>> -> memref<78x128xi32, #tpu.memory_space<vmem>>
    %dma_start3A_49 = arith.constant 0 : i32
    %dma_start3A_50 = tpu.memref_slice %arg3[%dma_start3A_44, %mul3A_43, %dma_start3A_49] : memref<2x2500x128xi32, #tpu.memory_space<hbm>> -> memref<1x78x128xi32, #tpu.memory_space<hbm>>
    %dma_start3A_51 = tpu.memref_squeeze %dma_start3A_50 : memref<1x78x128xi32, #tpu.memory_space<hbm>> -> memref<78x128xi32, #tpu.memory_space<hbm>>
    %dma_start3A_52 = tpu.memref_slice %arg11[%dma_start3A_45] : memref<3x!tpu.dma_semaphore, #tpu.memory_space<semaphore_mem>> -> memref<1x!tpu.dma_semaphore, #tpu.memory_space<semaphore_mem>>
    %dma_start3A_53 = tpu.memref_squeeze %dma_start3A_52 : memref<1x!tpu.dma_semaphore, #tpu.memory_space<semaphore_mem>> -> memref<!tpu.dma_semaphore, #tpu.memory_space<semaphore_mem>>
    %dma_start3A_54 = arith.constant 0 : i32
    %dma_start3A_55 = arith.constant 0 : i32
    %dma_start3A_56 = tpu.memref_slice %arg6[%dma_start3A_54, %dma_start3A_55] : memref<79x128xi32, #tpu.memory_space<vmem>> -> memref<78x128xi32, #tpu.memory_space<vmem>>
    %dma_start3A_57 = arith.constant 0 : i32
    %dma_start3A_58 = tpu.memref_slice %arg3[%dma_start3A_44, %mul3A_43, %dma_start3A_57] : memref<2x2500x128xi32, #tpu.memory_space<hbm>> -> memref<1x78x128xi32, #tpu.memory_space<hbm>>
    %dma_start3A_59 = tpu.memref_squeeze %dma_start3A_58 : memref<1x78x128xi32, #tpu.memory_space<hbm>> -> memref<78x128xi32, #tpu.memory_space<hbm>>
    tpu.enqueue_dma source(%dma_start3A_59 : memref<78x128xi32, #tpu.memory_space<hbm>>) target(%dma_start3A_56 : memref<78x128xi32, #tpu.memory_space<vmem>>) target_semaphore(%dma_start3A_53 : memref<!tpu.dma_semaphore, #tpu.memory_space<semaphore_mem>>)
    %dma_wait3A = arith.constant 0 : i32
    %dma_wait3A_60 = tpu.memref_slice %arg11[%dma_wait3A] : memref<3x!tpu.dma_semaphore, #tpu.memory_space<semaphore_mem>> -> memref<1x!tpu.dma_semaphore, #tpu.memory_space<semaphore_mem>>
    %dma_wait3A_61 = tpu.memref_squeeze %dma_wait3A_60 : memref<1x!tpu.dma_semaphore, #tpu.memory_space<semaphore_mem>> -> memref<!tpu.dma_semaphore, #tpu.memory_space<semaphore_mem>>
    %dma_wait3A_62 = arith.constant 0 : i32
    %dma_wait3A_63 = tpu.memref_slice %arg9[%mul3A_6, %dma_wait3A_62] : memref<10000x64xf32, #tpu.memory_space<vmem_shared>> -> memref<624x64xf32, #tpu.memory_space<vmem_shared>>
    %dma_wait3A_64 = arith.constant 0 : i32
    %dma_wait3A_65 = tpu.memref_slice %arg2[%mul3A_4, %dma_wait3A_64] : memref<10000x64xf32, #tpu.memory_space<hbm>> -> memref<624x64xf32, #tpu.memory_space<hbm>>
    tpu.wait_dma2 semaphore(%dma_wait3A_61 : memref<!tpu.dma_semaphore, #tpu.memory_space<semaphore_mem>>) src(%dma_wait3A_65 : memref<624x64xf32, #tpu.memory_space<hbm>>) dst(%dma_wait3A_63 : memref<624x64xf32, #tpu.memory_space<vmem_shared>>)
    %dma_wait3A_66 = arith.constant 1 : i32
    %dma_wait3A_67 = tpu.memref_slice %arg11[%dma_wait3A_66] : memref<3x!tpu.dma_semaphore, #tpu.memory_space<semaphore_mem>> -> memref<1x!tpu.dma_semaphore, #tpu.memory_space<semaphore_mem>>
    %dma_wait3A_68 = tpu.memref_squeeze %dma_wait3A_67 : memref<1x!tpu.dma_semaphore, #tpu.memory_space<semaphore_mem>> -> memref<!tpu.dma_semaphore, #tpu.memory_space<semaphore_mem>>
    %dma_wait3A_69 = arith.constant 0 : i32
    %dma_wait3A_70 = tpu.memref_slice %arg8[%mul3A_16, %dma_wait3A_69] : memref<10016x64xf32, #tpu.memory_space<vmem_shared>> -> memref<624x64xf32, #tpu.memory_space<vmem_shared>>
    %dma_wait3A_71 = arith.constant 0 : i32
    %dma_wait3A_72 = tpu.memref_slice %arg2[%mul3A_14, %dma_wait3A_71] : memref<10000x64xf32, #tpu.memory_space<hbm>> -> memref<624x64xf32, #tpu.memory_space<hbm>>
    tpu.wait_dma2 semaphore(%dma_wait3A_68 : memref<!tpu.dma_semaphore, #tpu.memory_space<semaphore_mem>>) src(%dma_wait3A_72 : memref<624x64xf32, #tpu.memory_space<hbm>>) dst(%dma_wait3A_70 : memref<624x64xf32, #tpu.memory_space<vmem_shared>>)
    %dma_wait3A_73 = arith.constant 0 : i32
    %dma_wait3A_74 = arith.constant 2 : i32
    %dma_wait3A_75 = arith.constant 0 : i32
    %dma_wait3A_76 = arith.constant 0 : i32
    %dma_wait3A_77 = tpu.memref_slice %arg5[%dma_wait3A_75, %dma_wait3A_76] : memref<79x128xi32, #tpu.memory_space<vmem>> -> memref<78x128xi32, #tpu.memory_space<vmem>>
    %dma_wait3A_78 = arith.constant 0 : i32
    %dma_wait3A_79 = tpu.memref_slice %arg3[%dma_wait3A_73, %mul3A_25, %dma_wait3A_78] : memref<2x2500x128xi32, #tpu.memory_space<hbm>> -> memref<1x78x128xi32, #tpu.memory_space<hbm>>
    %dma_wait3A_80 = tpu.memref_squeeze %dma_wait3A_79 : memref<1x78x128xi32, #tpu.memory_space<hbm>> -> memref<78x128xi32, #tpu.memory_space<hbm>>
    %dma_wait3A_81 = tpu.memref_slice %arg11[%dma_wait3A_74] : memref<3x!tpu.dma_semaphore, #tpu.memory_space<semaphore_mem>> -> memref<1x!tpu.dma_semaphore, #tpu.memory_space<semaphore_mem>>
    %dma_wait3A_82 = tpu.memref_squeeze %dma_wait3A_81 : memref<1x!tpu.dma_semaphore, #tpu.memory_space<semaphore_mem>> -> memref<!tpu.dma_semaphore, #tpu.memory_space<semaphore_mem>>
    %dma_wait3A_83 = arith.constant 0 : i32
    %dma_wait3A_84 = arith.constant 0 : i32
    %dma_wait3A_85 = tpu.memref_slice %arg5[%dma_wait3A_83, %dma_wait3A_84] : memref<79x128xi32, #tpu.memory_space<vmem>> -> memref<78x128xi32, #tpu.memory_space<vmem>>
    %dma_wait3A_86 = arith.constant 0 : i32
    %dma_wait3A_87 = tpu.memref_slice %arg3[%dma_wait3A_73, %mul3A_25, %dma_wait3A_86] : memref<2x2500x128xi32, #tpu.memory_space<hbm>> -> memref<1x78x128xi32, #tpu.memory_space<hbm>>
    %dma_wait3A_88 = tpu.memref_squeeze %dma_wait3A_87 : memref<1x78x128xi32, #tpu.memory_space<hbm>> -> memref<78x128xi32, #tpu.memory_space<hbm>>
    tpu.wait_dma2 semaphore(%dma_wait3A_82 : memref<!tpu.dma_semaphore, #tpu.memory_space<semaphore_mem>>) src(%dma_wait3A_88 : memref<78x128xi32, #tpu.memory_space<hbm>>) dst(%dma_wait3A_85 : memref<78x128xi32, #tpu.memory_space<vmem>>)
    %dma_wait3A_89 = arith.constant 0 : i32
    %dma_wait3A_90 = arith.constant 2 : i32
    %dma_wait3A_91 = arith.constant 0 : i32
    %dma_wait3A_92 = arith.constant 0 : i32
    %dma_wait3A_93 = tpu.memref_slice %arg5[%dma_wait3A_91, %dma_wait3A_92] : memref<79x128xi32, #tpu.memory_space<vmem>> -> memref<78x128xi32, #tpu.memory_space<vmem>>
    %dma_wait3A_94 = arith.constant 0 : i32
    %dma_wait3A_95 = tpu.memref_slice %arg3[%dma_wait3A_89, %mul3A_25, %dma_wait3A_94] : memref<2x2500x128xi32, #tpu.memory_space<hbm>> -> memref<1x78x128xi32, #tpu.memory_space<hbm>>
    %dma_wait3A_96 = tpu.memref_squeeze %dma_wait3A_95 : memref<1x78x128xi32, #tpu.memory_space<hbm>> -> memref<78x128xi32, #tpu.memory_space<hbm>>
    %dma_wait3A_97 = tpu.memref_slice %arg11[%dma_wait3A_90] : memref<3x!tpu.dma_semaphore, #tpu.memory_space<semaphore_mem>> -> memref<1x!tpu.dma_semaphore, #tpu.memory_space<semaphore_mem>>
    %dma_wait3A_98 = tpu.memref_squeeze %dma_wait3A_97 : memref<1x!tpu.dma_semaphore, #tpu.memory_space<semaphore_mem>> -> memref<!tpu.dma_semaphore, #tpu.memory_space<semaphore_mem>>
    %dma_wait3A_99 = arith.constant 0 : i32
    %dma_wait3A_100 = arith.constant 0 : i32
    %dma_wait3A_101 = tpu.memref_slice %arg5[%dma_wait3A_99, %dma_wait3A_100] : memref<79x128xi32, #tpu.memory_space<vmem>> -> memref<78x128xi32, #tpu.memory_space<vmem>>
    %dma_wait3A_102 = arith.constant 0 : i32
    %dma_wait3A_103 = tpu.memref_slice %arg3[%dma_wait3A_89, %mul3A_25, %dma_wait3A_102] : memref<2x2500x128xi32, #tpu.memory_space<hbm>> -> memref<1x78x128xi32, #tpu.memory_space<hbm>>
    %dma_wait3A_104 = tpu.memref_squeeze %dma_wait3A_103 : memref<1x78x128xi32, #tpu.memory_space<hbm>> -> memref<78x128xi32, #tpu.memory_space<hbm>>
    tpu.wait_dma2 semaphore(%dma_wait3A_98 : memref<!tpu.dma_semaphore, #tpu.memory_space<semaphore_mem>>) src(%dma_wait3A_104 : memref<78x128xi32, #tpu.memory_space<hbm>>) dst(%dma_wait3A_101 : memref<78x128xi32, #tpu.memory_space<vmem>>)
    %lt3A_105 = arith.constant 4 : i32
    %lt3A_106 = arith.cmpi slt, %add3A, %lt3A_105 : i32
    %convert_element_type3A = arith.extui %lt3A_106 : i1 to i32
    %cond3A = arith.constant 0 : i32
    %cond3A_107 = arith.cmpi ne, %convert_element_type3A, %cond3A : i32
    scf.if %cond3A_107 {
      %add3A_147 = arith.constant 2496 : i32
      %add3A_148 = arith.addi %add3A_147, %add3A : i32
      %run_scoped3A = arith.constant 0 : i32
      "tpu.region"() ({
        %run_scoped3A_152 = tpu.sem_alloc : memref<!tpu.dma_semaphore, #tpu.memory_space<semaphore_mem>>
        %dma_start3A_153 = arith.constant 78 : i32
        %dma_start3A_154 = arith.constant 0 : i32
        %dma_start3A_155 = tpu.memref_slice %arg5[%dma_start3A_153, %dma_start3A_154] : memref<79x128xi32, #tpu.memory_space<vmem>> -> memref<1x128xi32, #tpu.memory_space<vmem>>
        %dma_start3A_156 = arith.constant 0 : i32
        %dma_start3A_157 = tpu.memref_slice %arg3[%run_scoped3A, %add3A_148, %dma_start3A_156] : memref<2x2500x128xi32, #tpu.memory_space<hbm>> -> memref<1x1x128xi32, #tpu.memory_space<hbm>>
        %dma_start3A_158 = tpu.memref_squeeze %dma_start3A_157 : memref<1x1x128xi32, #tpu.memory_space<hbm>> -> memref<1x128xi32, #tpu.memory_space<hbm>>
        %dma_start3A_159 = arith.constant 78 : i32
        %dma_start3A_160 = arith.constant 0 : i32
        %dma_start3A_161 = tpu.memref_slice %arg5[%dma_start3A_159, %dma_start3A_160] : memref<79x128xi32, #tpu.memory_space<vmem>> -> memref<1x128xi32, #tpu.memory_space<vmem>>
        %dma_start3A_162 = arith.constant 0 : i32
        %dma_start3A_163 = tpu.memref_slice %arg3[%run_scoped3A, %add3A_148, %dma_start3A_162] : memref<2x2500x128xi32, #tpu.memory_space<hbm>> -> memref<1x1x128xi32, #tpu.memory_space<hbm>>
        %dma_start3A_164 = tpu.memref_squeeze %dma_start3A_163 : memref<1x1x128xi32, #tpu.memory_space<hbm>> -> memref<1x128xi32, #tpu.memory_space<hbm>>
        tpu.enqueue_dma source(%dma_start3A_164 : memref<1x128xi32, #tpu.memory_space<hbm>>) target(%dma_start3A_161 : memref<1x128xi32, #tpu.memory_space<vmem>>) target_semaphore(%run_scoped3A_152 : memref<!tpu.dma_semaphore, #tpu.memory_space<semaphore_mem>>)
        %dma_wait3A_165 = arith.constant 78 : i32
        %dma_wait3A_166 = arith.constant 0 : i32
        %dma_wait3A_167 = tpu.memref_slice %arg5[%dma_wait3A_165, %dma_wait3A_166] : memref<79x128xi32, #tpu.memory_space<vmem>> -> memref<1x128xi32, #tpu.memory_space<vmem>>
        %dma_wait3A_168 = arith.constant 0 : i32
        %dma_wait3A_169 = tpu.memref_slice %arg3[%run_scoped3A, %add3A_148, %dma_wait3A_168] : memref<2x2500x128xi32, #tpu.memory_space<hbm>> -> memref<1x1x128xi32, #tpu.memory_space<hbm>>
        %dma_wait3A_170 = tpu.memref_squeeze %dma_wait3A_169 : memref<1x1x128xi32, #tpu.memory_space<hbm>> -> memref<1x128xi32, #tpu.memory_space<hbm>>
        %dma_wait3A_171 = arith.constant 78 : i32
        %dma_wait3A_172 = arith.constant 0 : i32
        %dma_wait3A_173 = tpu.memref_slice %arg5[%dma_wait3A_171, %dma_wait3A_172] : memref<79x128xi32, #tpu.memory_space<vmem>> -> memref<1x128xi32, #tpu.memory_space<vmem>>
        %dma_wait3A_174 = arith.constant 0 : i32
        %dma_wait3A_175 = tpu.memref_slice %arg3[%run_scoped3A, %add3A_148, %dma_wait3A_174] : memref<2x2500x128xi32, #tpu.memory_space<hbm>> -> memref<1x1x128xi32, #tpu.memory_space<hbm>>
        %dma_wait3A_176 = tpu.memref_squeeze %dma_wait3A_175 : memref<1x1x128xi32, #tpu.memory_space<hbm>> -> memref<1x128xi32, #tpu.memory_space<hbm>>
        tpu.wait_dma2 semaphore(%run_scoped3A_152 : memref<!tpu.dma_semaphore, #tpu.memory_space<semaphore_mem>>) src(%dma_wait3A_176 : memref<1x128xi32, #tpu.memory_space<hbm>>) dst(%dma_wait3A_173 : memref<1x128xi32, #tpu.memory_space<vmem>>)
        tpu.yield
      }) : () -> ()
      %add3A_149 = arith.constant 2496 : i32
      %add3A_150 = arith.addi %add3A_149, %add3A : i32
      %run_scoped3A_151 = arith.constant 1 : i32
      "tpu.region"() ({
        %run_scoped3A_152 = tpu.sem_alloc : memref<!tpu.dma_semaphore, #tpu.memory_space<semaphore_mem>>
        %dma_start3A_153 = arith.constant 78 : i32
        %dma_start3A_154 = arith.constant 0 : i32
        %dma_start3A_155 = tpu.memref_slice %arg6[%dma_start3A_153, %dma_start3A_154] : memref<79x128xi32, #tpu.memory_space<vmem>> -> memref<1x128xi32, #tpu.memory_space<vmem>>
        %dma_start3A_156 = arith.constant 0 : i32
        %dma_start3A_157 = tpu.memref_slice %arg3[%run_scoped3A_151, %add3A_150, %dma_start3A_156] : memref<2x2500x128xi32, #tpu.memory_space<hbm>> -> memref<1x1x128xi32, #tpu.memory_space<hbm>>
        %dma_start3A_158 = tpu.memref_squeeze %dma_start3A_157 : memref<1x1x128xi32, #tpu.memory_space<hbm>> -> memref<1x128xi32, #tpu.memory_space<hbm>>
        %dma_start3A_159 = arith.constant 78 : i32
        %dma_start3A_160 = arith.constant 0 : i32
        %dma_start3A_161 = tpu.memref_slice %arg6[%dma_start3A_159, %dma_start3A_160] : memref<79x128xi32, #tpu.memory_space<vmem>> -> memref<1x128xi32, #tpu.memory_space<vmem>>
        %dma_start3A_162 = arith.constant 0 : i32
        %dma_start3A_163 = tpu.memref_slice %arg3[%run_scoped3A_151, %add3A_150, %dma_start3A_162] : memref<2x2500x128xi32, #tpu.memory_space<hbm>> -> memref<1x1x128xi32, #tpu.memory_space<hbm>>
        %dma_start3A_164 = tpu.memref_squeeze %dma_start3A_163 : memref<1x1x128xi32, #tpu.memory_space<hbm>> -> memref<1x128xi32, #tpu.memory_space<hbm>>
        tpu.enqueue_dma source(%dma_start3A_164 : memref<1x128xi32, #tpu.memory_space<hbm>>) target(%dma_start3A_161 : memref<1x128xi32, #tpu.memory_space<vmem>>) target_semaphore(%run_scoped3A_152 : memref<!tpu.dma_semaphore, #tpu.memory_space<semaphore_mem>>)
        %dma_wait3A_165 = arith.constant 78 : i32
        %dma_wait3A_166 = arith.constant 0 : i32
        %dma_wait3A_167 = tpu.memref_slice %arg6[%dma_wait3A_165, %dma_wait3A_166] : memref<79x128xi32, #tpu.memory_space<vmem>> -> memref<1x128xi32, #tpu.memory_space<vmem>>
        %dma_wait3A_168 = arith.constant 0 : i32
        %dma_wait3A_169 = tpu.memref_slice %arg3[%run_scoped3A_151, %add3A_150, %dma_wait3A_168] : memref<2x2500x128xi32, #tpu.memory_space<hbm>> -> memref<1x1x128xi32, #tpu.memory_space<hbm>>
        %dma_wait3A_170 = tpu.memref_squeeze %dma_wait3A_169 : memref<1x1x128xi32, #tpu.memory_space<hbm>> -> memref<1x128xi32, #tpu.memory_space<hbm>>
        %dma_wait3A_171 = arith.constant 78 : i32
        %dma_wait3A_172 = arith.constant 0 : i32
        %dma_wait3A_173 = tpu.memref_slice %arg6[%dma_wait3A_171, %dma_wait3A_172] : memref<79x128xi32, #tpu.memory_space<vmem>> -> memref<1x128xi32, #tpu.memory_space<vmem>>
        %dma_wait3A_174 = arith.constant 0 : i32
        %dma_wait3A_175 = tpu.memref_slice %arg3[%run_scoped3A_151, %add3A_150, %dma_wait3A_174] : memref<2x2500x128xi32, #tpu.memory_space<hbm>> -> memref<1x1x128xi32, #tpu.memory_space<hbm>>
        %dma_wait3A_176 = tpu.memref_squeeze %dma_wait3A_175 : memref<1x1x128xi32, #tpu.memory_space<hbm>> -> memref<1x128xi32, #tpu.memory_space<hbm>>
        tpu.wait_dma2 semaphore(%run_scoped3A_152 : memref<!tpu.dma_semaphore, #tpu.memory_space<semaphore_mem>>) src(%dma_wait3A_176 : memref<1x128xi32, #tpu.memory_space<hbm>>) dst(%dma_wait3A_173 : memref<1x128xi32, #tpu.memory_space<vmem>>)
        tpu.yield
      }) : () -> ()
    } else {
    }
    %eq3A = arith.constant 15 : i32
    %eq3A_108 = arith.cmpi eq, %arg1, %eq3A : i32
    %convert_element_type3A_109 = arith.extui %eq3A_108 : i1 to i32
    %cond3A_110 = arith.constant 0 : i32
    %cond3A_111 = arith.cmpi ne, %convert_element_type3A_109, %cond3A_110 : i32
    scf.if %cond3A_111 {
      "tpu.region"() ({
        %run_scoped3A = tpu.sem_alloc : memref<!tpu.dma_semaphore, #tpu.memory_space<semaphore_mem>>
        %dma_start3A_147 = arith.constant 9984 : i32
        %dma_start3A_148 = arith.constant 0 : i32
        %dma_start3A_149 = tpu.memref_slice %arg9[%dma_start3A_147, %dma_start3A_148] : memref<10000x64xf32, #tpu.memory_space<vmem_shared>> -> memref<16x64xf32, #tpu.memory_space<vmem_shared>>
        %dma_start3A_150 = arith.constant 9984 : i32
        %dma_start3A_151 = arith.constant 0 : i32
        %dma_start3A_152 = tpu.memref_slice %arg2[%dma_start3A_150, %dma_start3A_151] : memref<10000x64xf32, #tpu.memory_space<hbm>> -> memref<16x64xf32, #tpu.memory_space<hbm>>
        tpu.enqueue_dma source(%dma_start3A_152 : memref<16x64xf32, #tpu.memory_space<hbm>>) target(%dma_start3A_149 : memref<16x64xf32, #tpu.memory_space<vmem_shared>>) target_semaphore(%run_scoped3A : memref<!tpu.dma_semaphore, #tpu.memory_space<semaphore_mem>>)
        %dma_wait3A_153 = arith.constant 9984 : i32
        %dma_wait3A_154 = arith.constant 0 : i32
        %dma_wait3A_155 = tpu.memref_slice %arg9[%dma_wait3A_153, %dma_wait3A_154] : memref<10000x64xf32, #tpu.memory_space<vmem_shared>> -> memref<16x64xf32, #tpu.memory_space<vmem_shared>>
        %dma_wait3A_156 = arith.constant 9984 : i32
        %dma_wait3A_157 = arith.constant 0 : i32
        %dma_wait3A_158 = tpu.memref_slice %arg2[%dma_wait3A_156, %dma_wait3A_157] : memref<10000x64xf32, #tpu.memory_space<hbm>> -> memref<16x64xf32, #tpu.memory_space<hbm>>
        tpu.wait_dma2 semaphore(%run_scoped3A : memref<!tpu.dma_semaphore, #tpu.memory_space<semaphore_mem>>) src(%dma_wait3A_158 : memref<16x64xf32, #tpu.memory_space<hbm>>) dst(%dma_wait3A_155 : memref<16x64xf32, #tpu.memory_space<vmem_shared>>)
        tpu.yield
      }) : () -> ()
      "tpu.region"() ({
        %run_scoped3A = tpu.sem_alloc : memref<!tpu.dma_semaphore, #tpu.memory_space<semaphore_mem>>
        %dma_start3A_147 = arith.constant 9984 : i32
        %dma_start3A_148 = arith.constant 0 : i32
        %dma_start3A_149 = tpu.memref_slice %arg8[%dma_start3A_147, %dma_start3A_148] : memref<10016x64xf32, #tpu.memory_space<vmem_shared>> -> memref<16x64xf32, #tpu.memory_space<vmem_shared>>
        %dma_start3A_150 = arith.constant 9984 : i32
        %dma_start3A_151 = arith.constant 0 : i32
        %dma_start3A_152 = tpu.memref_slice %arg2[%dma_start3A_150, %dma_start3A_151] : memref<10000x64xf32, #tpu.memory_space<hbm>> -> memref<16x64xf32, #tpu.memory_space<hbm>>
        tpu.enqueue_dma source(%dma_start3A_152 : memref<16x64xf32, #tpu.memory_space<hbm>>) target(%dma_start3A_149 : memref<16x64xf32, #tpu.memory_space<vmem_shared>>) target_semaphore(%run_scoped3A : memref<!tpu.dma_semaphore, #tpu.memory_space<semaphore_mem>>)
        %dma_wait3A_153 = arith.constant 9984 : i32
        %dma_wait3A_154 = arith.constant 0 : i32
        %dma_wait3A_155 = tpu.memref_slice %arg8[%dma_wait3A_153, %dma_wait3A_154] : memref<10016x64xf32, #tpu.memory_space<vmem_shared>> -> memref<16x64xf32, #tpu.memory_space<vmem_shared>>
        %dma_wait3A_156 = arith.constant 9984 : i32
        %dma_wait3A_157 = arith.constant 0 : i32
        %dma_wait3A_158 = tpu.memref_slice %arg2[%dma_wait3A_156, %dma_wait3A_157] : memref<10000x64xf32, #tpu.memory_space<hbm>> -> memref<16x64xf32, #tpu.memory_space<hbm>>
        tpu.wait_dma2 semaphore(%run_scoped3A : memref<!tpu.dma_semaphore, #tpu.memory_space<semaphore_mem>>) src(%dma_wait3A_158 : memref<16x64xf32, #tpu.memory_space<hbm>>) dst(%dma_wait3A_155 : memref<16x64xf32, #tpu.memory_space<vmem_shared>>)
        tpu.yield
      }) : () -> ()
    } else {
    }
    %barrier3A = arith.constant 0 : index
    tpu.barrier barrier_id(%barrier3A)
    %dma_start3A_112 = arith.constant 0 : i32
    %dma_start3A_113 = arith.constant 0 : i32
    %dma_start3A_114 = arith.constant 0 : i32
    %dma_start3A_115 = arith.constant 0 : i32
    %dma_start3A_116 = arith.constant 0 : i32
    %dma_start3A_117 = tpu.memref_slice %arg7[%dma_start3A_113, %dma_start3A_115, %dma_start3A_116] : memref<2x128x64xf32, #tpu.memory_space<vmem>> -> memref<1x128x64xf32, #tpu.memory_space<vmem>>
    %dma_start3A_118 = tpu.memref_squeeze %dma_start3A_117 : memref<1x128x64xf32, #tpu.memory_space<vmem>> -> memref<128x64xf32, #tpu.memory_space<vmem>>
    %dma_start3A_119 = arith.constant 0 : i32
    %dma_start3A_120 = tpu.memref_slice %arg5[%dma_start3A_112, %dma_start3A_119] : memref<79x128xi32, #tpu.memory_space<vmem>> -> memref<1x128xi32, #tpu.memory_space<vmem>>
    %dma_start3A_121 = tpu.memref_squeeze %dma_start3A_120 : memref<1x128xi32, #tpu.memory_space<vmem>> -> memref<128xi32, #tpu.memory_space<vmem>>
    %dma_start3A_122 = arith.constant 0 : i32
    %dma_start3A_123 = arith.constant 0 : i32
    %dma_start3A_124 = tpu.memref_slice %arg9[%dma_start3A_122, %dma_start3A_123] : memref<10000x64xf32, #tpu.memory_space<vmem_shared>> -> memref<10000x64xf32, #tpu.memory_space<vmem_shared>>
    %dma_start3A_125 = tpu.memref_slice %arg10[%dma_start3A_114] : memref<2x!tpu.dma_semaphore, #tpu.memory_space<semaphore_mem>> -> memref<1x!tpu.dma_semaphore, #tpu.memory_space<semaphore_mem>>
    %dma_start3A_126 = tpu.memref_squeeze %dma_start3A_125 : memref<1x!tpu.dma_semaphore, #tpu.memory_space<semaphore_mem>> -> memref<!tpu.dma_semaphore, #tpu.memory_space<semaphore_mem>>
    tpu.enqueue_indirect_dma source(%dma_start3A_124 : memref<10000x64xf32, #tpu.memory_space<vmem_shared>>) target(%dma_start3A_118 : memref<128x64xf32, #tpu.memory_space<vmem>>) offsets(%dma_start3A_121 : memref<128xi32, #tpu.memory_space<vmem>>) semaphore(%dma_start3A_126 : memref<!tpu.dma_semaphore, #tpu.memory_space<semaphore_mem>>)
    %scan3A = arith.constant 0 : i32
    %scan3A_127 = arith.constant 0 : i32
    %scan3A_128 = arith.constant 78 : i32
    %scan3A_129 = arith.addi %scan3A_127, %scan3A_128 : i32
    %scan3A_130 = arith.constant 2 : i32
    scf.for %scan3A_147 = %scan3A_127 to %scan3A_129 step %scan3A_130  : i32 {
      %rem3A = arith.constant 2 : i32
      %rem3A_148 = arith.remsi %scan3A_147, %rem3A : i32
      %dma_wait3A_149 = arith.constant 0 : i32
      %dma_wait3A_150 = arith.constant 0 : i32
      %dma_wait3A_151 = tpu.memref_slice %arg7[%rem3A_148, %dma_wait3A_149, %dma_wait3A_150] : memref<2x128x64xf32, #tpu.memory_space<vmem>> -> memref<1x128x64xf32, #tpu.memory_space<vmem>>
      %dma_wait3A_152 = tpu.memref_squeeze %dma_wait3A_151 : memref<1x128x64xf32, #tpu.memory_space<vmem>> -> memref<128x64xf32, #tpu.memory_space<vmem>>
      %dma_wait3A_153 = arith.constant 0 : i32
      %dma_wait3A_154 = tpu.memref_slice %arg5[%scan3A_147, %dma_wait3A_153] : memref<79x128xi32, #tpu.memory_space<vmem>> -> memref<1x128xi32, #tpu.memory_space<vmem>>
      %dma_wait3A_155 = tpu.memref_squeeze %dma_wait3A_154 : memref<1x128xi32, #tpu.memory_space<vmem>> -> memref<128xi32, #tpu.memory_space<vmem>>
      %dma_wait3A_156 = arith.constant 0 : i32
      %dma_wait3A_157 = arith.constant 0 : i32
      %dma_wait3A_158 = tpu.memref_slice %arg9[%dma_wait3A_156, %dma_wait3A_157] : memref<10000x64xf32, #tpu.memory_space<vmem_shared>> -> memref<10000x64xf32, #tpu.memory_space<vmem_shared>>
      %dma_wait3A_159 = tpu.memref_slice %arg10[%rem3A_148] : memref<2x!tpu.dma_semaphore, #tpu.memory_space<semaphore_mem>> -> memref<1x!tpu.dma_semaphore, #tpu.memory_space<semaphore_mem>>
      %dma_wait3A_160 = tpu.memref_squeeze %dma_wait3A_159 : memref<1x!tpu.dma_semaphore, #tpu.memory_space<semaphore_mem>> -> memref<!tpu.dma_semaphore, #tpu.memory_space<semaphore_mem>>
      tpu.wait_indirect_dma semaphore(%dma_wait3A_160 : memref<!tpu.dma_semaphore, #tpu.memory_space<semaphore_mem>>) src(%dma_wait3A_158 : memref<10000x64xf32, #tpu.memory_space<vmem_shared>>) dst(%dma_wait3A_152 : memref<128x64xf32, #tpu.memory_space<vmem>>)
      %sub3A = arith.constant 1 : i32
      %sub3A_161 = arith.subi %select_n3A, %sub3A : i32
      %lt3A_162 = arith.cmpi slt, %scan3A_147, %sub3A_161 : i32
      %convert_element_type3A_163 = arith.extui %lt3A_162 : i1 to i32
      %cond3A_164 = arith.constant 0 : i32
      %cond3A_165 = arith.cmpi ne, %convert_element_type3A_163, %cond3A_164 : i32
      scf.if %cond3A_165 {
        %sub3A_188 = arith.constant 1 : i32
        %sub3A_189 = arith.subi %sub3A_188, %rem3A_148 : i32
        %add3A_190 = arith.constant 1 : i32
        %add3A_191 = arith.addi %scan3A_147, %add3A_190 : i32
        %dma_start3A_192 = arith.constant 0 : i32
        %dma_start3A_193 = arith.constant 0 : i32
        %dma_start3A_194 = tpu.memref_slice %arg7[%sub3A_189, %dma_start3A_192, %dma_start3A_193] : memref<2x128x64xf32, #tpu.memory_space<vmem>> -> memref<1x128x64xf32, #tpu.memory_space<vmem>>
        %dma_start3A_195 = tpu.memref_squeeze %dma_start3A_194 : memref<1x128x64xf32, #tpu.memory_space<vmem>> -> memref<128x64xf32, #tpu.memory_space<vmem>>
        %dma_start3A_196 = arith.constant 0 : i32
        %dma_start3A_197 = tpu.memref_slice %arg5[%add3A_191, %dma_start3A_196] : memref<79x128xi32, #tpu.memory_space<vmem>> -> memref<1x128xi32, #tpu.memory_space<vmem>>
        %dma_start3A_198 = tpu.memref_squeeze %dma_start3A_197 : memref<1x128xi32, #tpu.memory_space<vmem>> -> memref<128xi32, #tpu.memory_space<vmem>>
        %dma_start3A_199 = arith.constant 0 : i32
        %dma_start3A_200 = arith.constant 0 : i32
        %dma_start3A_201 = tpu.memref_slice %arg9[%dma_start3A_199, %dma_start3A_200] : memref<10000x64xf32, #tpu.memory_space<vmem_shared>> -> memref<10000x64xf32, #tpu.memory_space<vmem_shared>>
        %dma_start3A_202 = tpu.memref_slice %arg10[%sub3A_189] : memref<2x!tpu.dma_semaphore, #tpu.memory_space<semaphore_mem>> -> memref<1x!tpu.dma_semaphore, #tpu.memory_space<semaphore_mem>>
        %dma_start3A_203 = tpu.memref_squeeze %dma_start3A_202 : memref<1x!tpu.dma_semaphore, #tpu.memory_space<semaphore_mem>> -> memref<!tpu.dma_semaphore, #tpu.memory_space<semaphore_mem>>
        tpu.enqueue_indirect_dma source(%dma_start3A_201 : memref<10000x64xf32, #tpu.memory_space<vmem_shared>>) target(%dma_start3A_195 : memref<128x64xf32, #tpu.memory_space<vmem>>) offsets(%dma_start3A_198 : memref<128xi32, #tpu.memory_space<vmem>>) semaphore(%dma_start3A_203 : memref<!tpu.dma_semaphore, #tpu.memory_space<semaphore_mem>>)
      } else {
      }
      "tpu.region"() ({
        %run_scoped3A = tpu.sem_alloc : memref<!tpu.dma_semaphore, #tpu.memory_space<semaphore_mem>>
        %dma_start3A_188 = arith.constant 0 : i32
        %dma_start3A_189 = arith.constant 0 : i32
        %dma_start3A_190 = tpu.memref_slice %arg7[%rem3A_148, %dma_start3A_188, %dma_start3A_189] : memref<2x128x64xf32, #tpu.memory_space<vmem>> -> memref<1x128x64xf32, #tpu.memory_space<vmem>>
        %dma_start3A_191 = tpu.memref_squeeze %dma_start3A_190 : memref<1x128x64xf32, #tpu.memory_space<vmem>> -> memref<128x64xf32, #tpu.memory_space<vmem>>
        %dma_start3A_192 = arith.constant 0 : i32
        %dma_start3A_193 = tpu.memref_slice %arg6[%scan3A_147, %dma_start3A_192] : memref<79x128xi32, #tpu.memory_space<vmem>> -> memref<1x128xi32, #tpu.memory_space<vmem>>
        %dma_start3A_194 = tpu.memref_squeeze %dma_start3A_193 : memref<1x128xi32, #tpu.memory_space<vmem>> -> memref<128xi32, #tpu.memory_space<vmem>>
        %dma_start3A_195 = arith.constant 0 : i32
        %dma_start3A_196 = arith.constant 0 : i32
        %dma_start3A_197 = tpu.memref_slice %arg8[%dma_start3A_195, %dma_start3A_196] : memref<10016x64xf32, #tpu.memory_space<vmem_shared>> -> memref<10016x64xf32, #tpu.memory_space<vmem_shared>>
        tpu.enqueue_indirect_dma source(%dma_start3A_191 : memref<128x64xf32, #tpu.memory_space<vmem>>) target(%dma_start3A_197 : memref<10016x64xf32, #tpu.memory_space<vmem_shared>>) offsets(%dma_start3A_194 : memref<128xi32, #tpu.memory_space<vmem>>) semaphore(%run_scoped3A : memref<!tpu.dma_semaphore, #tpu.memory_space<semaphore_mem>>) {add = true}
        %dma_wait3A_198 = arith.constant 0 : i32
        %dma_wait3A_199 = arith.constant 0 : i32
        %dma_wait3A_200 = tpu.memref_slice %arg7[%rem3A_148, %dma_wait3A_198, %dma_wait3A_199] : memref<2x128x64xf32, #tpu.memory_space<vmem>> -> memref<1x128x64xf32, #tpu.memory_space<vmem>>
        %dma_wait3A_201 = tpu.memref_squeeze %dma_wait3A_200 : memref<1x128x64xf32, #tpu.memory_space<vmem>> -> memref<128x64xf32, #tpu.memory_space<vmem>>
        %dma_wait3A_202 = arith.constant 0 : i32
        %dma_wait3A_203 = tpu.memref_slice %arg6[%scan3A_147, %dma_wait3A_202] : memref<79x128xi32, #tpu.memory_space<vmem>> -> memref<1x128xi32, #tpu.memory_space<vmem>>
        %dma_wait3A_204 = tpu.memref_squeeze %dma_wait3A_203 : memref<1x128xi32, #tpu.memory_space<vmem>> -> memref<128xi32, #tpu.memory_space<vmem>>
        %dma_wait3A_205 = arith.constant 0 : i32
        %dma_wait3A_206 = arith.constant 0 : i32
        %dma_wait3A_207 = tpu.memref_slice %arg8[%dma_wait3A_205, %dma_wait3A_206] : memref<10016x64xf32, #tpu.memory_space<vmem_shared>> -> memref<10016x64xf32, #tpu.memory_space<vmem_shared>>
        tpu.wait_indirect_dma semaphore(%run_scoped3A : memref<!tpu.dma_semaphore, #tpu.memory_space<semaphore_mem>>) src(%dma_wait3A_201 : memref<128x64xf32, #tpu.memory_space<vmem>>) dst(%dma_wait3A_207 : memref<10016x64xf32, #tpu.memory_space<vmem_shared>>)
        tpu.yield
      }) : () -> ()
      %scan3A_166 = arith.constant 1 : i32
      %scan3A_167 = arith.addi %scan3A_147, %scan3A_166 : i32
      %rem3A_168 = arith.constant 2 : i32
      %rem3A_169 = arith.remsi %scan3A_167, %rem3A_168 : i32
      %dma_wait3A_170 = arith.constant 0 : i32
      %dma_wait3A_171 = arith.constant 0 : i32
      %dma_wait3A_172 = tpu.memref_slice %arg7[%rem3A_169, %dma_wait3A_170, %dma_wait3A_171] : memref<2x128x64xf32, #tpu.memory_space<vmem>> -> memref<1x128x64xf32, #tpu.memory_space<vmem>>
      %dma_wait3A_173 = tpu.memref_squeeze %dma_wait3A_172 : memref<1x128x64xf32, #tpu.memory_space<vmem>> -> memref<128x64xf32, #tpu.memory_space<vmem>>
      %dma_wait3A_174 = arith.constant 0 : i32
      %dma_wait3A_175 = tpu.memref_slice %arg5[%scan3A_167, %dma_wait3A_174] : memref<79x128xi32, #tpu.memory_space<vmem>> -> memref<1x128xi32, #tpu.memory_space<vmem>>
      %dma_wait3A_176 = tpu.memref_squeeze %dma_wait3A_175 : memref<1x128xi32, #tpu.memory_space<vmem>> -> memref<128xi32, #tpu.memory_space<vmem>>
      %dma_wait3A_177 = arith.constant 0 : i32
      %dma_wait3A_178 = arith.constant 0 : i32
      %dma_wait3A_179 = tpu.memref_slice %arg9[%dma_wait3A_177, %dma_wait3A_178] : memref<10000x64xf32, #tpu.memory_space<vmem_shared>> -> memref<10000x64xf32, #tpu.memory_space<vmem_shared>>
      %dma_wait3A_180 = tpu.memref_slice %arg10[%rem3A_169] : memref<2x!tpu.dma_semaphore, #tpu.memory_space<semaphore_mem>> -> memref<1x!tpu.dma_semaphore, #tpu.memory_space<semaphore_mem>>
      %dma_wait3A_181 = tpu.memref_squeeze %dma_wait3A_180 : memref<1x!tpu.dma_semaphore, #tpu.memory_space<semaphore_mem>> -> memref<!tpu.dma_semaphore, #tpu.memory_space<semaphore_mem>>
      tpu.wait_indirect_dma semaphore(%dma_wait3A_181 : memref<!tpu.dma_semaphore, #tpu.memory_space<semaphore_mem>>) src(%dma_wait3A_179 : memref<10000x64xf32, #tpu.memory_space<vmem_shared>>) dst(%dma_wait3A_173 : memref<128x64xf32, #tpu.memory_space<vmem>>)
      %sub3A_182 = arith.constant 1 : i32
      %sub3A_183 = arith.subi %select_n3A, %sub3A_182 : i32
      %lt3A_184 = arith.cmpi slt, %scan3A_167, %sub3A_183 : i32
      %convert_element_type3A_185 = arith.extui %lt3A_184 : i1 to i32
      %cond3A_186 = arith.constant 0 : i32
      %cond3A_187 = arith.cmpi ne, %convert_element_type3A_185, %cond3A_186 : i32
      scf.if %cond3A_187 {
        %sub3A_188 = arith.constant 1 : i32
        %sub3A_189 = arith.subi %sub3A_188, %rem3A_169 : i32
        %add3A_190 = arith.constant 1 : i32
        %add3A_191 = arith.addi %scan3A_167, %add3A_190 : i32
        %dma_start3A_192 = arith.constant 0 : i32
        %dma_start3A_193 = arith.constant 0 : i32
        %dma_start3A_194 = tpu.memref_slice %arg7[%sub3A_189, %dma_start3A_192, %dma_start3A_193] : memref<2x128x64xf32, #tpu.memory_space<vmem>> -> memref<1x128x64xf32, #tpu.memory_space<vmem>>
        %dma_start3A_195 = tpu.memref_squeeze %dma_start3A_194 : memref<1x128x64xf32, #tpu.memory_space<vmem>> -> memref<128x64xf32, #tpu.memory_space<vmem>>
        %dma_start3A_196 = arith.constant 0 : i32
        %dma_start3A_197 = tpu.memref_slice %arg5[%add3A_191, %dma_start3A_196] : memref<79x128xi32, #tpu.memory_space<vmem>> -> memref<1x128xi32, #tpu.memory_space<vmem>>
        %dma_start3A_198 = tpu.memref_squeeze %dma_start3A_197 : memref<1x128xi32, #tpu.memory_space<vmem>> -> memref<128xi32, #tpu.memory_space<vmem>>
        %dma_start3A_199 = arith.constant 0 : i32
        %dma_start3A_200 = arith.constant 0 : i32
        %dma_start3A_201 = tpu.memref_slice %arg9[%dma_start3A_199, %dma_start3A_200] : memref<10000x64xf32, #tpu.memory_space<vmem_shared>> -> memref<10000x64xf32, #tpu.memory_space<vmem_shared>>
        %dma_start3A_202 = tpu.memref_slice %arg10[%sub3A_189] : memref<2x!tpu.dma_semaphore, #tpu.memory_space<semaphore_mem>> -> memref<1x!tpu.dma_semaphore, #tpu.memory_space<semaphore_mem>>
        %dma_start3A_203 = tpu.memref_squeeze %dma_start3A_202 : memref<1x!tpu.dma_semaphore, #tpu.memory_space<semaphore_mem>> -> memref<!tpu.dma_semaphore, #tpu.memory_space<semaphore_mem>>
        tpu.enqueue_indirect_dma source(%dma_start3A_201 : memref<10000x64xf32, #tpu.memory_space<vmem_shared>>) target(%dma_start3A_195 : memref<128x64xf32, #tpu.memory_space<vmem>>) offsets(%dma_start3A_198 : memref<128xi32, #tpu.memory_space<vmem>>) semaphore(%dma_start3A_203 : memref<!tpu.dma_semaphore, #tpu.memory_space<semaphore_mem>>)
      } else {
      }
      "tpu.region"() ({
        %run_scoped3A = tpu.sem_alloc : memref<!tpu.dma_semaphore, #tpu.memory_space<semaphore_mem>>
        %dma_start3A_188 = arith.constant 0 : i32
        %dma_start3A_189 = arith.constant 0 : i32
        %dma_start3A_190 = tpu.memref_slice %arg7[%rem3A_169, %dma_start3A_188, %dma_start3A_189] : memref<2x128x64xf32, #tpu.memory_space<vmem>> -> memref<1x128x64xf32, #tpu.memory_space<vmem>>
        %dma_start3A_191 = tpu.memref_squeeze %dma_start3A_190 : memref<1x128x64xf32, #tpu.memory_space<vmem>> -> memref<128x64xf32, #tpu.memory_space<vmem>>
        %dma_start3A_192 = arith.constant 0 : i32
        %dma_start3A_193 = tpu.memref_slice %arg6[%scan3A_167, %dma_start3A_192] : memref<79x128xi32, #tpu.memory_space<vmem>> -> memref<1x128xi32, #tpu.memory_space<vmem>>
        %dma_start3A_194 = tpu.memref_squeeze %dma_start3A_193 : memref<1x128xi32, #tpu.memory_space<vmem>> -> memref<128xi32, #tpu.memory_space<vmem>>
        %dma_start3A_195 = arith.constant 0 : i32
        %dma_start3A_196 = arith.constant 0 : i32
        %dma_start3A_197 = tpu.memref_slice %arg8[%dma_start3A_195, %dma_start3A_196] : memref<10016x64xf32, #tpu.memory_space<vmem_shared>> -> memref<10016x64xf32, #tpu.memory_space<vmem_shared>>
        tpu.enqueue_indirect_dma source(%dma_start3A_191 : memref<128x64xf32, #tpu.memory_space<vmem>>) target(%dma_start3A_197 : memref<10016x64xf32, #tpu.memory_space<vmem_shared>>) offsets(%dma_start3A_194 : memref<128xi32, #tpu.memory_space<vmem>>) semaphore(%run_scoped3A : memref<!tpu.dma_semaphore, #tpu.memory_space<semaphore_mem>>) {add = true}
        %dma_wait3A_198 = arith.constant 0 : i32
        %dma_wait3A_199 = arith.constant 0 : i32
        %dma_wait3A_200 = tpu.memref_slice %arg7[%rem3A_169, %dma_wait3A_198, %dma_wait3A_199] : memref<2x128x64xf32, #tpu.memory_space<vmem>> -> memref<1x128x64xf32, #tpu.memory_space<vmem>>
        %dma_wait3A_201 = tpu.memref_squeeze %dma_wait3A_200 : memref<1x128x64xf32, #tpu.memory_space<vmem>> -> memref<128x64xf32, #tpu.memory_space<vmem>>
        %dma_wait3A_202 = arith.constant 0 : i32
        %dma_wait3A_203 = tpu.memref_slice %arg6[%scan3A_167, %dma_wait3A_202] : memref<79x128xi32, #tpu.memory_space<vmem>> -> memref<1x128xi32, #tpu.memory_space<vmem>>
        %dma_wait3A_204 = tpu.memref_squeeze %dma_wait3A_203 : memref<1x128xi32, #tpu.memory_space<vmem>> -> memref<128xi32, #tpu.memory_space<vmem>>
        %dma_wait3A_205 = arith.constant 0 : i32
        %dma_wait3A_206 = arith.constant 0 : i32
        %dma_wait3A_207 = tpu.memref_slice %arg8[%dma_wait3A_205, %dma_wait3A_206] : memref<10016x64xf32, #tpu.memory_space<vmem_shared>> -> memref<10016x64xf32, #tpu.memory_space<vmem_shared>>
        tpu.wait_indirect_dma semaphore(%run_scoped3A : memref<!tpu.dma_semaphore, #tpu.memory_space<semaphore_mem>>) src(%dma_wait3A_201 : memref<128x64xf32, #tpu.memory_space<vmem>>) dst(%dma_wait3A_207 : memref<10016x64xf32, #tpu.memory_space<vmem_shared>>)
        tpu.yield
      }) : () -> ()
    }
    %scan3A_131 = arith.constant 78 : i32
    %lt3A_132 = arith.constant 4 : i32
    %lt3A_133 = arith.cmpi slt, %add3A, %lt3A_132 : i32
    %convert_element_type3A_134 = arith.extui %lt3A_133 : i1 to i32
    %cond3A_135 = arith.constant 0 : i32
    %cond3A_136 = arith.cmpi ne, %convert_element_type3A_134, %cond3A_135 : i32
    scf.if %cond3A_136 {
      %dma_wait3A_147 = arith.constant 78 : i32
      %dma_wait3A_148 = arith.constant 0 : i32
      %dma_wait3A_149 = arith.constant 0 : i32
      %dma_wait3A_150 = arith.constant 0 : i32
      %dma_wait3A_151 = arith.constant 0 : i32
      %dma_wait3A_152 = tpu.memref_slice %arg7[%dma_wait3A_148, %dma_wait3A_150, %dma_wait3A_151] : memref<2x128x64xf32, #tpu.memory_space<vmem>> -> memref<1x128x64xf32, #tpu.memory_space<vmem>>
      %dma_wait3A_153 = tpu.memref_squeeze %dma_wait3A_152 : memref<1x128x64xf32, #tpu.memory_space<vmem>> -> memref<128x64xf32, #tpu.memory_space<vmem>>
      %dma_wait3A_154 = arith.constant 0 : i32
      %dma_wait3A_155 = tpu.memref_slice %arg5[%dma_wait3A_147, %dma_wait3A_154] : memref<79x128xi32, #tpu.memory_space<vmem>> -> memref<1x128xi32, #tpu.memory_space<vmem>>
      %dma_wait3A_156 = tpu.memref_squeeze %dma_wait3A_155 : memref<1x128xi32, #tpu.memory_space<vmem>> -> memref<128xi32, #tpu.memory_space<vmem>>
      %dma_wait3A_157 = arith.constant 0 : i32
      %dma_wait3A_158 = arith.constant 0 : i32
      %dma_wait3A_159 = tpu.memref_slice %arg9[%dma_wait3A_157, %dma_wait3A_158] : memref<10000x64xf32, #tpu.memory_space<vmem_shared>> -> memref<10000x64xf32, #tpu.memory_space<vmem_shared>>
      %dma_wait3A_160 = tpu.memref_slice %arg10[%dma_wait3A_149] : memref<2x!tpu.dma_semaphore, #tpu.memory_space<semaphore_mem>> -> memref<1x!tpu.dma_semaphore, #tpu.memory_space<semaphore_mem>>
      %dma_wait3A_161 = tpu.memref_squeeze %dma_wait3A_160 : memref<1x!tpu.dma_semaphore, #tpu.memory_space<semaphore_mem>> -> memref<!tpu.dma_semaphore, #tpu.memory_space<semaphore_mem>>
      tpu.wait_indirect_dma semaphore(%dma_wait3A_161 : memref<!tpu.dma_semaphore, #tpu.memory_space<semaphore_mem>>) src(%dma_wait3A_159 : memref<10000x64xf32, #tpu.memory_space<vmem_shared>>) dst(%dma_wait3A_153 : memref<128x64xf32, #tpu.memory_space<vmem>>)
      %run_scoped3A = arith.constant 0 : i32
      %run_scoped3A_162 = arith.constant 78 : i32
      "tpu.region"() ({
        %run_scoped3A_163 = tpu.sem_alloc : memref<!tpu.dma_semaphore, #tpu.memory_space<semaphore_mem>>
        %dma_start3A_164 = arith.constant 0 : i32
        %dma_start3A_165 = arith.constant 0 : i32
        %dma_start3A_166 = tpu.memref_slice %arg7[%run_scoped3A, %dma_start3A_164, %dma_start3A_165] : memref<2x128x64xf32, #tpu.memory_space<vmem>> -> memref<1x128x64xf32, #tpu.memory_space<vmem>>
        %dma_start3A_167 = tpu.memref_squeeze %dma_start3A_166 : memref<1x128x64xf32, #tpu.memory_space<vmem>> -> memref<128x64xf32, #tpu.memory_space<vmem>>
        %dma_start3A_168 = arith.constant 0 : i32
        %dma_start3A_169 = tpu.memref_slice %arg6[%run_scoped3A_162, %dma_start3A_168] : memref<79x128xi32, #tpu.memory_space<vmem>> -> memref<1x128xi32, #tpu.memory_space<vmem>>
        %dma_start3A_170 = tpu.memref_squeeze %dma_start3A_169 : memref<1x128xi32, #tpu.memory_space<vmem>> -> memref<128xi32, #tpu.memory_space<vmem>>
        %dma_start3A_171 = arith.constant 0 : i32
        %dma_start3A_172 = arith.constant 0 : i32
        %dma_start3A_173 = tpu.memref_slice %arg8[%dma_start3A_171, %dma_start3A_172] : memref<10016x64xf32, #tpu.memory_space<vmem_shared>> -> memref<10016x64xf32, #tpu.memory_space<vmem_shared>>
        tpu.enqueue_indirect_dma source(%dma_start3A_167 : memref<128x64xf32, #tpu.memory_space<vmem>>) target(%dma_start3A_173 : memref<10016x64xf32, #tpu.memory_space<vmem_shared>>) offsets(%dma_start3A_170 : memref<128xi32, #tpu.memory_space<vmem>>) semaphore(%run_scoped3A_163 : memref<!tpu.dma_semaphore, #tpu.memory_space<semaphore_mem>>) {add = true}
        %dma_wait3A_174 = arith.constant 0 : i32
        %dma_wait3A_175 = arith.constant 0 : i32
        %dma_wait3A_176 = tpu.memref_slice %arg7[%run_scoped3A, %dma_wait3A_174, %dma_wait3A_175] : memref<2x128x64xf32, #tpu.memory_space<vmem>> -> memref<1x128x64xf32, #tpu.memory_space<vmem>>
        %dma_wait3A_177 = tpu.memref_squeeze %dma_wait3A_176 : memref<1x128x64xf32, #tpu.memory_space<vmem>> -> memref<128x64xf32, #tpu.memory_space<vmem>>
        %dma_wait3A_178 = arith.constant 0 : i32
        %dma_wait3A_179 = tpu.memref_slice %arg6[%run_scoped3A_162, %dma_wait3A_178] : memref<79x128xi32, #tpu.memory_space<vmem>> -> memref<1x128xi32, #tpu.memory_space<vmem>>
        %dma_wait3A_180 = tpu.memref_squeeze %dma_wait3A_179 : memref<1x128xi32, #tpu.memory_space<vmem>> -> memref<128xi32, #tpu.memory_space<vmem>>
        %dma_wait3A_181 = arith.constant 0 : i32
        %dma_wait3A_182 = arith.constant 0 : i32
        %dma_wait3A_183 = tpu.memref_slice %arg8[%dma_wait3A_181, %dma_wait3A_182] : memref<10016x64xf32, #tpu.memory_space<vmem_shared>> -> memref<10016x64xf32, #tpu.memory_space<vmem_shared>>
        tpu.wait_indirect_dma semaphore(%run_scoped3A_163 : memref<!tpu.dma_semaphore, #tpu.memory_space<semaphore_mem>>) src(%dma_wait3A_177 : memref<128x64xf32, #tpu.memory_space<vmem>>) dst(%dma_wait3A_183 : memref<10016x64xf32, #tpu.memory_space<vmem_shared>>)
        tpu.yield
      }) : () -> ()
    } else {
    }
    %barrier3A_137 = arith.constant 0 : index
    tpu.barrier barrier_id(%barrier3A_137)
    %mul3A_138 = arith.constant 624 : i32
    %mul3A_139 = arith.muli %arg1, %mul3A_138 : i32
    %mul3A_140 = arith.constant 624 : i32
    %mul3A_141 = arith.muli %arg1, %mul3A_140 : i32
    "tpu.region"() ({
      %run_scoped3A = tpu.sem_alloc : memref<!tpu.dma_semaphore, #tpu.memory_space<semaphore_mem>>
      %dma_start3A_147 = arith.constant 0 : i32
      %dma_start3A_148 = tpu.memref_slice %arg4[%arg0, %mul3A_141, %dma_start3A_147] : memref<2x10000x64xf32, #tpu.memory_space<hbm>> -> memref<1x624x64xf32, #tpu.memory_space<hbm>>
      %dma_start3A_149 = tpu.memref_squeeze %dma_start3A_148 : memref<1x624x64xf32, #tpu.memory_space<hbm>> -> memref<624x64xf32, #tpu.memory_space<hbm>>
      %dma_start3A_150 = arith.constant 0 : i32
      %dma_start3A_151 = tpu.memref_slice %arg8[%mul3A_139, %dma_start3A_150] : memref<10016x64xf32, #tpu.memory_space<vmem_shared>> -> memref<624x64xf32, #tpu.memory_space<vmem_shared>>
      tpu.enqueue_dma source(%dma_start3A_151 : memref<624x64xf32, #tpu.memory_space<vmem_shared>>) target(%dma_start3A_149 : memref<624x64xf32, #tpu.memory_space<hbm>>) target_semaphore(%run_scoped3A : memref<!tpu.dma_semaphore, #tpu.memory_space<semaphore_mem>>)
      %dma_wait3A_152 = arith.constant 0 : i32
      %dma_wait3A_153 = tpu.memref_slice %arg4[%arg0, %mul3A_141, %dma_wait3A_152] : memref<2x10000x64xf32, #tpu.memory_space<hbm>> -> memref<1x624x64xf32, #tpu.memory_space<hbm>>
      %dma_wait3A_154 = tpu.memref_squeeze %dma_wait3A_153 : memref<1x624x64xf32, #tpu.memory_space<hbm>> -> memref<624x64xf32, #tpu.memory_space<hbm>>
      %dma_wait3A_155 = arith.constant 0 : i32
      %dma_wait3A_156 = tpu.memref_slice %arg8[%mul3A_139, %dma_wait3A_155] : memref<10016x64xf32, #tpu.memory_space<vmem_shared>> -> memref<624x64xf32, #tpu.memory_space<vmem_shared>>
      tpu.wait_dma2 semaphore(%run_scoped3A : memref<!tpu.dma_semaphore, #tpu.memory_space<semaphore_mem>>) src(%dma_wait3A_156 : memref<624x64xf32, #tpu.memory_space<vmem_shared>>) dst(%dma_wait3A_154 : memref<624x64xf32, #tpu.memory_space<hbm>>)
      tpu.yield
    }) : () -> ()
    %eq3A_142 = arith.constant 15 : i32
    %eq3A_143 = arith.cmpi eq, %arg1, %eq3A_142 : i32
    %convert_element_type3A_144 = arith.extui %eq3A_143 : i1 to i32
    %cond3A_145 = arith.constant 0 : i32
    %cond3A_146 = arith.cmpi ne, %convert_element_type3A_144, %cond3A_145 : i32
    scf.if %cond3A_146 {
      "tpu.region"() ({
        %run_scoped3A = tpu.sem_alloc : memref<!tpu.dma_semaphore, #tpu.memory_space<semaphore_mem>>
        %dma_start3A_147 = arith.constant 9984 : i32
        %dma_start3A_148 = arith.constant 0 : i32
        %dma_start3A_149 = tpu.memref_slice %arg4[%arg0, %dma_start3A_147, %dma_start3A_148] : memref<2x10000x64xf32, #tpu.memory_space<hbm>> -> memref<1x16x64xf32, #tpu.memory_space<hbm>>
        %dma_start3A_150 = tpu.memref_squeeze %dma_start3A_149 : memref<1x16x64xf32, #tpu.memory_space<hbm>> -> memref<16x64xf32, #tpu.memory_space<hbm>>
        %dma_start3A_151 = arith.constant 9984 : i32
        %dma_start3A_152 = arith.constant 0 : i32
        %dma_start3A_153 = tpu.memref_slice %arg8[%dma_start3A_151, %dma_start3A_152] : memref<10016x64xf32, #tpu.memory_space<vmem_shared>> -> memref<16x64xf32, #tpu.memory_space<vmem_shared>>
        tpu.enqueue_dma source(%dma_start3A_153 : memref<16x64xf32, #tpu.memory_space<vmem_shared>>) target(%dma_start3A_150 : memref<16x64xf32, #tpu.memory_space<hbm>>) target_semaphore(%run_scoped3A : memref<!tpu.dma_semaphore, #tpu.memory_space<semaphore_mem>>)
        %dma_wait3A_154 = arith.constant 9984 : i32
        %dma_wait3A_155 = arith.constant 0 : i32
        %dma_wait3A_156 = tpu.memref_slice %arg4[%arg0, %dma_wait3A_154, %dma_wait3A_155] : memref<2x10000x64xf32, #tpu.memory_space<hbm>> -> memref<1x16x64xf32, #tpu.memory_space<hbm>>
        %dma_wait3A_157 = tpu.memref_squeeze %dma_wait3A_156 : memref<1x16x64xf32, #tpu.memory_space<hbm>> -> memref<16x64xf32, #tpu.memory_space<hbm>>
        %dma_wait3A_158 = arith.constant 9984 : i32
        %dma_wait3A_159 = arith.constant 0 : i32
        %dma_wait3A_160 = tpu.memref_slice %arg8[%dma_wait3A_158, %dma_wait3A_159] : memref<10016x64xf32, #tpu.memory_space<vmem_shared>> -> memref<16x64xf32, #tpu.memory_space<vmem_shared>>
        tpu.wait_dma2 semaphore(%run_scoped3A : memref<!tpu.dma_semaphore, #tpu.memory_space<semaphore_mem>>) src(%dma_wait3A_160 : memref<16x64xf32, #tpu.memory_space<vmem_shared>>) dst(%dma_wait3A_157 : memref<16x64xf32, #tpu.memory_space<hbm>>)
        tpu.yield
      }) : () -> ()
    } else {
    }
    return
  }
}

#map = affine_map<(d0, d1) -> (0, 0)>
#map1 = affine_map<(d0, d1) -> (0, 0, 0)>
module attributes {stable_mosaic.version = 14 : i64} {
  func.func @agg(%arg0: i32, %arg1: i32, %arg2: memref<10000x64xf32, #tpu.memory_space<hbm>>, %arg3: memref<2x2500x128xi32, #tpu.memory_space<hbm>>, %arg4: memref<2x10000x64xf32, #tpu.memory_space<hbm>>, %arg5: memref<79x128xi32, #tpu.memory_space<vmem>>, %arg6: memref<79x128xi32, #tpu.memory_space<vmem>>, %arg7: memref<2x128x64xf32, #tpu.memory_space<vmem>>, %arg8: memref<10016x64xf32, #tpu.memory_space<vmem_shared>>, %arg9: memref<10000x64xf32, #tpu.memory_space<vmem_shared>>, %arg10: memref<2x!tpu.dma_semaphore, #tpu.memory_space<semaphore_mem>>, %arg11: memref<3x!tpu.dma_semaphore, #tpu.memory_space<semaphore_mem>>) attributes {dimension_semantics = [#tpu.dimension_semantics<core_parallel>, #tpu.dimension_semantics<subcore_parallel>], iteration_bounds = array<i64: 2, 16>, scalar_prefetch = 0 : i64, scratch_operands = 7 : i64, tpu.core_type = #tpu.core_type<sc_vector_subcore>, window_params = [{transform_indices = #map}, {transform_indices = #map1}, {transform_indices = #map1}]} {
    %mul3A = arith.constant 2 : i32
    %mul3A_0 = arith.muli %arg1, %mul3A : i32
    %add3A = arith.addi %mul3A_0, %arg0 : i32
    %lt3A = arith.constant 4 : i32
    %lt3A_1 = arith.cmpi slt, %add3A, %lt3A : i32
    %jit3A = arith.constant 79 : i32
    %jit3A_2 = arith.constant 78 : i32
    %select_n3A = arith.select %lt3A_1, %jit3A, %jit3A_2 : i32
    %mul3A_3 = arith.constant 624 : i32
    %mul3A_4 = arith.muli %arg1, %mul3A_3 : i32
    %mul3A_5 = arith.constant 624 : i32
    %mul3A_6 = arith.muli %arg1, %mul3A_5 : i32
    %dma_start3A = arith.constant 0 : i32
    %dma_start3A_7 = tpu.memref_slice %arg11[%dma_start3A] : memref<3x!tpu.dma_semaphore, #tpu.memory_space<semaphore_mem>> -> memref<1x!tpu.dma_semaphore, #tpu.memory_space<semaphore_mem>>
    %dma_start3A_8 = tpu.memref_squeeze %dma_start3A_7 : memref<1x!tpu.dma_semaphore, #tpu.memory_space<semaphore_mem>> -> memref<!tpu.dma_semaphore, #tpu.memory_space<semaphore_mem>>
    %dma_start3A_9 = arith.constant 0 : i32
    %dma_start3A_10 = tpu.memref_slice %arg9[%mul3A_6, %dma_start3A_9] : memref<10000x64xf32, #tpu.memory_space<vmem_shared>> -> memref<624x64xf32, #tpu.memory_space<vmem_shared>>
    %dma_start3A_11 = arith.constant 0 : i32
    %dma_start3A_12 = tpu.memref_slice %arg2[%mul3A_4, %dma_start3A_11] : memref<10000x64xf32, #tpu.memory_space<hbm>> -> memref<624x64xf32, #tpu.memory_space<hbm>>
    tpu.enqueue_dma source(%dma_start3A_12 : memref<624x64xf32, #tpu.memory_space<hbm>>) target(%dma_start3A_10 : memref<624x64xf32, #tpu.memory_space<vmem_shared>>) target_semaphore(%dma_start3A_8 : memref<!tpu.dma_semaphore, #tpu.memory_space<semaphore_mem>>)
    %mul3A_13 = arith.constant 624 : i32
    %mul3A_14 = arith.muli %arg1, %mul3A_13 : i32
    %mul3A_15 = arith.constant 624 : i32
    %mul3A_16 = arith.muli %arg1, %mul3A_15 : i32
    %dma_start3A_17 = arith.constant 1 : i32
    %dma_start3A_18 = tpu.memref_slice %arg11[%dma_start3A_17] : memref<3x!tpu.dma_semaphore, #tpu.memory_space<semaphore_mem>> -> memref<1x!tpu.dma_semaphore, #tpu.memory_space<semaphore_mem>>
    %dma_start3A_19 = tpu.memref_squeeze %dma_start3A_18 : memref<1x!tpu.dma_semaphore, #tpu.memory_space<semaphore_mem>> -> memref<!tpu.dma_semaphore, #tpu.memory_space<semaphore_mem>>
    %dma_start3A_20 = arith.constant 0 : i32
    %dma_start3A_21 = tpu.memref_slice %arg8[%mul3A_16, %dma_start3A_20] : memref<10016x64xf32, #tpu.memory_space<vmem_shared>> -> memref<624x64xf32, #tpu.memory_space<vmem_shared>>
    %dma_start3A_22 = arith.constant 0 : i32
    %dma_start3A_23 = tpu.memref_slice %arg2[%mul3A_14, %dma_start3A_22] : memref<10000x64xf32, #tpu.memory_space<hbm>> -> memref<624x64xf32, #tpu.memory_space<hbm>>
    tpu.enqueue_dma source(%dma_start3A_23 : memref<624x64xf32, #tpu.memory_space<hbm>>) target(%dma_start3A_21 : memref<624x64xf32, #tpu.memory_space<vmem_shared>>) target_semaphore(%dma_start3A_19 : memref<!tpu.dma_semaphore, #tpu.memory_space<semaphore_mem>>)
    %mul3A_24 = arith.constant 78 : i32
    %mul3A_25 = arith.muli %add3A, %mul3A_24 : i32
    %dma_start3A_26 = arith.constant 0 : i32
    %dma_start3A_27 = arith.constant 2 : i32
    %dma_start3A_28 = arith.constant 0 : i32
    %dma_start3A_29 = arith.constant 0 : i32
    %dma_start3A_30 = tpu.memref_slice %arg5[%dma_start3A_28, %dma_start3A_29] : memref<79x128xi32, #tpu.memory_space<vmem>> -> memref<78x128xi32, #tpu.memory_space<vmem>>
    %dma_start3A_31 = arith.constant 0 : i32
    %dma_start3A_32 = tpu.memref_slice %arg3[%dma_start3A_26, %mul3A_25, %dma_start3A_31] : memref<2x2500x128xi32, #tpu.memory_space<hbm>> -> memref<1x78x128xi32, #tpu.memory_space<hbm>>
    %dma_start3A_33 = tpu.memref_squeeze %dma_start3A_32 : memref<1x78x128xi32, #tpu.memory_space<hbm>> -> memref<78x128xi32, #tpu.memory_space<hbm>>
    %dma_start3A_34 = tpu.memref_slice %arg11[%dma_start3A_27] : memref<3x!tpu.dma_semaphore, #tpu.memory_space<semaphore_mem>> -> memref<1x!tpu.dma_semaphore, #tpu.memory_space<semaphore_mem>>
    %dma_start3A_35 = tpu.memref_squeeze %dma_start3A_34 : memref<1x!tpu.dma_semaphore, #tpu.memory_space<semaphore_mem>> -> memref<!tpu.dma_semaphore, #tpu.memory_space<semaphore_mem>>
    %dma_start3A_36 = arith.constant 0 : i32
    %dma_start3A_37 = arith.constant 0 : i32
    %dma_start3A_38 = tpu.memref_slice %arg5[%dma_start3A_36, %dma_start3A_37] : memref<79x128xi32, #tpu.memory_space<vmem>> -> memref<78x128xi32, #tpu.memory_space<vmem>>
    %dma_start3A_39 = arith.constant 0 : i32
    %dma_start3A_40 = tpu.memref_slice %arg3[%dma_start3A_26, %mul3A_25, %dma_start3A_39] : memref<2x2500x128xi32, #tpu.memory_space<hbm>> -> memref<1x78x128xi32, #tpu.memory_space<hbm>>
    %dma_start3A_41 = tpu.memref_squeeze %dma_start3A_40 : memref<1x78x128xi32, #tpu.memory_space<hbm>> -> memref<78x128xi32, #tpu.memory_space<hbm>>
    tpu.enqueue_dma source(%dma_start3A_41 : memref<78x128xi32, #tpu.memory_space<hbm>>) target(%dma_start3A_38 : memref<78x128xi32, #tpu.memory_space<vmem>>) target_semaphore(%dma_start3A_35 : memref<!tpu.dma_semaphore, #tpu.memory_space<semaphore_mem>>)
    %mul3A_42 = arith.constant 78 : i32
    %mul3A_43 = arith.muli %add3A, %mul3A_42 : i32
    %dma_start3A_44 = arith.constant 1 : i32
    %dma_start3A_45 = arith.constant 2 : i32
    %dma_start3A_46 = arith.constant 0 : i32
    %dma_start3A_47 = arith.constant 0 : i32
    %dma_start3A_48 = tpu.memref_slice %arg6[%dma_start3A_46, %dma_start3A_47] : memref<79x128xi32, #tpu.memory_space<vmem>> -> memref<78x128xi32, #tpu.memory_space<vmem>>
    %dma_start3A_49 = arith.constant 0 : i32
    %dma_start3A_50 = tpu.memref_slice %arg3[%dma_start3A_44, %mul3A_43, %dma_start3A_49] : memref<2x2500x128xi32, #tpu.memory_space<hbm>> -> memref<1x78x128xi32, #tpu.memory_space<hbm>>
    %dma_start3A_51 = tpu.memref_squeeze %dma_start3A_50 : memref<1x78x128xi32, #tpu.memory_space<hbm>> -> memref<78x128xi32, #tpu.memory_space<hbm>>
    %dma_start3A_52 = tpu.memref_slice %arg11[%dma_start3A_45] : memref<3x!tpu.dma_semaphore, #tpu.memory_space<semaphore_mem>> -> memref<1x!tpu.dma_semaphore, #tpu.memory_space<semaphore_mem>>
    %dma_start3A_53 = tpu.memref_squeeze %dma_start3A_52 : memref<1x!tpu.dma_semaphore, #tpu.memory_space<semaphore_mem>> -> memref<!tpu.dma_semaphore, #tpu.memory_space<semaphore_mem>>
    %dma_start3A_54 = arith.constant 0 : i32
    %dma_start3A_55 = arith.constant 0 : i32
    %dma_start3A_56 = tpu.memref_slice %arg6[%dma_start3A_54, %dma_start3A_55] : memref<79x128xi32, #tpu.memory_space<vmem>> -> memref<78x128xi32, #tpu.memory_space<vmem>>
    %dma_start3A_57 = arith.constant 0 : i32
    %dma_start3A_58 = tpu.memref_slice %arg3[%dma_start3A_44, %mul3A_43, %dma_start3A_57] : memref<2x2500x128xi32, #tpu.memory_space<hbm>> -> memref<1x78x128xi32, #tpu.memory_space<hbm>>
    %dma_start3A_59 = tpu.memref_squeeze %dma_start3A_58 : memref<1x78x128xi32, #tpu.memory_space<hbm>> -> memref<78x128xi32, #tpu.memory_space<hbm>>
    tpu.enqueue_dma source(%dma_start3A_59 : memref<78x128xi32, #tpu.memory_space<hbm>>) target(%dma_start3A_56 : memref<78x128xi32, #tpu.memory_space<vmem>>) target_semaphore(%dma_start3A_53 : memref<!tpu.dma_semaphore, #tpu.memory_space<semaphore_mem>>)
    %dma_wait3A = arith.constant 0 : i32
    %dma_wait3A_60 = tpu.memref_slice %arg11[%dma_wait3A] : memref<3x!tpu.dma_semaphore, #tpu.memory_space<semaphore_mem>> -> memref<1x!tpu.dma_semaphore, #tpu.memory_space<semaphore_mem>>
    %dma_wait3A_61 = tpu.memref_squeeze %dma_wait3A_60 : memref<1x!tpu.dma_semaphore, #tpu.memory_space<semaphore_mem>> -> memref<!tpu.dma_semaphore, #tpu.memory_space<semaphore_mem>>
    %dma_wait3A_62 = arith.constant 0 : i32
    %dma_wait3A_63 = tpu.memref_slice %arg9[%mul3A_6, %dma_wait3A_62] : memref<10000x64xf32, #tpu.memory_space<vmem_shared>> -> memref<624x64xf32, #tpu.memory_space<vmem_shared>>
    %dma_wait3A_64 = arith.constant 0 : i32
    %dma_wait3A_65 = tpu.memref_slice %arg2[%mul3A_4, %dma_wait3A_64] : memref<10000x64xf32, #tpu.memory_space<hbm>> -> memref<624x64xf32, #tpu.memory_space<hbm>>
    tpu.wait_dma2 semaphore(%dma_wait3A_61 : memref<!tpu.dma_semaphore, #tpu.memory_space<semaphore_mem>>) src(%dma_wait3A_65 : memref<624x64xf32, #tpu.memory_space<hbm>>) dst(%dma_wait3A_63 : memref<624x64xf32, #tpu.memory_space<vmem_shared>>)
    %dma_wait3A_66 = arith.constant 1 : i32
    %dma_wait3A_67 = tpu.memref_slice %arg11[%dma_wait3A_66] : memref<3x!tpu.dma_semaphore, #tpu.memory_space<semaphore_mem>> -> memref<1x!tpu.dma_semaphore, #tpu.memory_space<semaphore_mem>>
    %dma_wait3A_68 = tpu.memref_squeeze %dma_wait3A_67 : memref<1x!tpu.dma_semaphore, #tpu.memory_space<semaphore_mem>> -> memref<!tpu.dma_semaphore, #tpu.memory_space<semaphore_mem>>
    %dma_wait3A_69 = arith.constant 0 : i32
    %dma_wait3A_70 = tpu.memref_slice %arg8[%mul3A_16, %dma_wait3A_69] : memref<10016x64xf32, #tpu.memory_space<vmem_shared>> -> memref<624x64xf32, #tpu.memory_space<vmem_shared>>
    %dma_wait3A_71 = arith.constant 0 : i32
    %dma_wait3A_72 = tpu.memref_slice %arg2[%mul3A_14, %dma_wait3A_71] : memref<10000x64xf32, #tpu.memory_space<hbm>> -> memref<624x64xf32, #tpu.memory_space<hbm>>
    tpu.wait_dma2 semaphore(%dma_wait3A_68 : memref<!tpu.dma_semaphore, #tpu.memory_space<semaphore_mem>>) src(%dma_wait3A_72 : memref<624x64xf32, #tpu.memory_space<hbm>>) dst(%dma_wait3A_70 : memref<624x64xf32, #tpu.memory_space<vmem_shared>>)
    %dma_wait3A_73 = arith.constant 0 : i32
    %dma_wait3A_74 = arith.constant 2 : i32
    %dma_wait3A_75 = arith.constant 0 : i32
    %dma_wait3A_76 = arith.constant 0 : i32
    %dma_wait3A_77 = tpu.memref_slice %arg5[%dma_wait3A_75, %dma_wait3A_76] : memref<79x128xi32, #tpu.memory_space<vmem>> -> memref<78x128xi32, #tpu.memory_space<vmem>>
    %dma_wait3A_78 = arith.constant 0 : i32
    %dma_wait3A_79 = tpu.memref_slice %arg3[%dma_wait3A_73, %mul3A_25, %dma_wait3A_78] : memref<2x2500x128xi32, #tpu.memory_space<hbm>> -> memref<1x78x128xi32, #tpu.memory_space<hbm>>
    %dma_wait3A_80 = tpu.memref_squeeze %dma_wait3A_79 : memref<1x78x128xi32, #tpu.memory_space<hbm>> -> memref<78x128xi32, #tpu.memory_space<hbm>>
    %dma_wait3A_81 = tpu.memref_slice %arg11[%dma_wait3A_74] : memref<3x!tpu.dma_semaphore, #tpu.memory_space<semaphore_mem>> -> memref<1x!tpu.dma_semaphore, #tpu.memory_space<semaphore_mem>>
    %dma_wait3A_82 = tpu.memref_squeeze %dma_wait3A_81 : memref<1x!tpu.dma_semaphore, #tpu.memory_space<semaphore_mem>> -> memref<!tpu.dma_semaphore, #tpu.memory_space<semaphore_mem>>
    %dma_wait3A_83 = arith.constant 0 : i32
    %dma_wait3A_84 = arith.constant 0 : i32
    %dma_wait3A_85 = tpu.memref_slice %arg5[%dma_wait3A_83, %dma_wait3A_84] : memref<79x128xi32, #tpu.memory_space<vmem>> -> memref<78x128xi32, #tpu.memory_space<vmem>>
    %dma_wait3A_86 = arith.constant 0 : i32
    %dma_wait3A_87 = tpu.memref_slice %arg3[%dma_wait3A_73, %mul3A_25, %dma_wait3A_86] : memref<2x2500x128xi32, #tpu.memory_space<hbm>> -> memref<1x78x128xi32, #tpu.memory_space<hbm>>
    %dma_wait3A_88 = tpu.memref_squeeze %dma_wait3A_87 : memref<1x78x128xi32, #tpu.memory_space<hbm>> -> memref<78x128xi32, #tpu.memory_space<hbm>>
    tpu.wait_dma2 semaphore(%dma_wait3A_82 : memref<!tpu.dma_semaphore, #tpu.memory_space<semaphore_mem>>) src(%dma_wait3A_88 : memref<78x128xi32, #tpu.memory_space<hbm>>) dst(%dma_wait3A_85 : memref<78x128xi32, #tpu.memory_space<vmem>>)
    %dma_wait3A_89 = arith.constant 0 : i32
    %dma_wait3A_90 = arith.constant 2 : i32
    %dma_wait3A_91 = arith.constant 0 : i32
    %dma_wait3A_92 = arith.constant 0 : i32
    %dma_wait3A_93 = tpu.memref_slice %arg5[%dma_wait3A_91, %dma_wait3A_92] : memref<79x128xi32, #tpu.memory_space<vmem>> -> memref<78x128xi32, #tpu.memory_space<vmem>>
    %dma_wait3A_94 = arith.constant 0 : i32
    %dma_wait3A_95 = tpu.memref_slice %arg3[%dma_wait3A_89, %mul3A_25, %dma_wait3A_94] : memref<2x2500x128xi32, #tpu.memory_space<hbm>> -> memref<1x78x128xi32, #tpu.memory_space<hbm>>
    %dma_wait3A_96 = tpu.memref_squeeze %dma_wait3A_95 : memref<1x78x128xi32, #tpu.memory_space<hbm>> -> memref<78x128xi32, #tpu.memory_space<hbm>>
    %dma_wait3A_97 = tpu.memref_slice %arg11[%dma_wait3A_90] : memref<3x!tpu.dma_semaphore, #tpu.memory_space<semaphore_mem>> -> memref<1x!tpu.dma_semaphore, #tpu.memory_space<semaphore_mem>>
    %dma_wait3A_98 = tpu.memref_squeeze %dma_wait3A_97 : memref<1x!tpu.dma_semaphore, #tpu.memory_space<semaphore_mem>> -> memref<!tpu.dma_semaphore, #tpu.memory_space<semaphore_mem>>
    %dma_wait3A_99 = arith.constant 0 : i32
    %dma_wait3A_100 = arith.constant 0 : i32
    %dma_wait3A_101 = tpu.memref_slice %arg5[%dma_wait3A_99, %dma_wait3A_100] : memref<79x128xi32, #tpu.memory_space<vmem>> -> memref<78x128xi32, #tpu.memory_space<vmem>>
    %dma_wait3A_102 = arith.constant 0 : i32
    %dma_wait3A_103 = tpu.memref_slice %arg3[%dma_wait3A_89, %mul3A_25, %dma_wait3A_102] : memref<2x2500x128xi32, #tpu.memory_space<hbm>> -> memref<1x78x128xi32, #tpu.memory_space<hbm>>
    %dma_wait3A_104 = tpu.memref_squeeze %dma_wait3A_103 : memref<1x78x128xi32, #tpu.memory_space<hbm>> -> memref<78x128xi32, #tpu.memory_space<hbm>>
    tpu.wait_dma2 semaphore(%dma_wait3A_98 : memref<!tpu.dma_semaphore, #tpu.memory_space<semaphore_mem>>) src(%dma_wait3A_104 : memref<78x128xi32, #tpu.memory_space<hbm>>) dst(%dma_wait3A_101 : memref<78x128xi32, #tpu.memory_space<vmem>>)
    %lt3A_105 = arith.constant 4 : i32
    %lt3A_106 = arith.cmpi slt, %add3A, %lt3A_105 : i32
    %convert_element_type3A = arith.extui %lt3A_106 : i1 to i32
    %cond3A = arith.constant 0 : i32
    %cond3A_107 = arith.cmpi ne, %convert_element_type3A, %cond3A : i32
    scf.if %cond3A_107 {
      %add3A_147 = arith.constant 2496 : i32
      %add3A_148 = arith.addi %add3A_147, %add3A : i32
      %run_scoped3A = arith.constant 0 : i32
      "tpu.region"() ({
        %run_scoped3A_152 = tpu.sem_alloc : memref<!tpu.dma_semaphore, #tpu.memory_space<semaphore_mem>>
        %dma_start3A_153 = arith.constant 78 : i32
        %dma_start3A_154 = arith.constant 0 : i32
        %dma_start3A_155 = tpu.memref_slice %arg5[%dma_start3A_153, %dma_start3A_154] : memref<79x128xi32, #tpu.memory_space<vmem>> -> memref<1x128xi32, #tpu.memory_space<vmem>>
        %dma_start3A_156 = arith.constant 0 : i32
        %dma_start3A_157 = tpu.memref_slice %arg3[%run_scoped3A, %add3A_148, %dma_start3A_156] : memref<2x2500x128xi32, #tpu.memory_space<hbm>> -> memref<1x1x128xi32, #tpu.memory_space<hbm>>
        %dma_start3A_158 = tpu.memref_squeeze %dma_start3A_157 : memref<1x1x128xi32, #tpu.memory_space<hbm>> -> memref<1x128xi32, #tpu.memory_space<hbm>>
        %dma_start3A_159 = arith.constant 78 : i32
        %dma_start3A_160 = arith.constant 0 : i32
        %dma_start3A_161 = tpu.memref_slice %arg5[%dma_start3A_159, %dma_start3A_160] : memref<79x128xi32, #tpu.memory_space<vmem>> -> memref<1x128xi32, #tpu.memory_space<vmem>>
        %dma_start3A_162 = arith.constant 0 : i32
        %dma_start3A_163 = tpu.memref_slice %arg3[%run_scoped3A, %add3A_148, %dma_start3A_162] : memref<2x2500x128xi32, #tpu.memory_space<hbm>> -> memref<1x1x128xi32, #tpu.memory_space<hbm>>
        %dma_start3A_164 = tpu.memref_squeeze %dma_start3A_163 : memref<1x1x128xi32, #tpu.memory_space<hbm>> -> memref<1x128xi32, #tpu.memory_space<hbm>>
        tpu.enqueue_dma source(%dma_start3A_164 : memref<1x128xi32, #tpu.memory_space<hbm>>) target(%dma_start3A_161 : memref<1x128xi32, #tpu.memory_space<vmem>>) target_semaphore(%run_scoped3A_152 : memref<!tpu.dma_semaphore, #tpu.memory_space<semaphore_mem>>)
        %dma_wait3A_165 = arith.constant 78 : i32
        %dma_wait3A_166 = arith.constant 0 : i32
        %dma_wait3A_167 = tpu.memref_slice %arg5[%dma_wait3A_165, %dma_wait3A_166] : memref<79x128xi32, #tpu.memory_space<vmem>> -> memref<1x128xi32, #tpu.memory_space<vmem>>
        %dma_wait3A_168 = arith.constant 0 : i32
        %dma_wait3A_169 = tpu.memref_slice %arg3[%run_scoped3A, %add3A_148, %dma_wait3A_168] : memref<2x2500x128xi32, #tpu.memory_space<hbm>> -> memref<1x1x128xi32, #tpu.memory_space<hbm>>
        %dma_wait3A_170 = tpu.memref_squeeze %dma_wait3A_169 : memref<1x1x128xi32, #tpu.memory_space<hbm>> -> memref<1x128xi32, #tpu.memory_space<hbm>>
        %dma_wait3A_171 = arith.constant 78 : i32
        %dma_wait3A_172 = arith.constant 0 : i32
        %dma_wait3A_173 = tpu.memref_slice %arg5[%dma_wait3A_171, %dma_wait3A_172] : memref<79x128xi32, #tpu.memory_space<vmem>> -> memref<1x128xi32, #tpu.memory_space<vmem>>
        %dma_wait3A_174 = arith.constant 0 : i32
        %dma_wait3A_175 = tpu.memref_slice %arg3[%run_scoped3A, %add3A_148, %dma_wait3A_174] : memref<2x2500x128xi32, #tpu.memory_space<hbm>> -> memref<1x1x128xi32, #tpu.memory_space<hbm>>
        %dma_wait3A_176 = tpu.memref_squeeze %dma_wait3A_175 : memref<1x1x128xi32, #tpu.memory_space<hbm>> -> memref<1x128xi32, #tpu.memory_space<hbm>>
        tpu.wait_dma2 semaphore(%run_scoped3A_152 : memref<!tpu.dma_semaphore, #tpu.memory_space<semaphore_mem>>) src(%dma_wait3A_176 : memref<1x128xi32, #tpu.memory_space<hbm>>) dst(%dma_wait3A_173 : memref<1x128xi32, #tpu.memory_space<vmem>>)
        tpu.yield
      }) : () -> ()
      %add3A_149 = arith.constant 2496 : i32
      %add3A_150 = arith.addi %add3A_149, %add3A : i32
      %run_scoped3A_151 = arith.constant 1 : i32
      "tpu.region"() ({
        %run_scoped3A_152 = tpu.sem_alloc : memref<!tpu.dma_semaphore, #tpu.memory_space<semaphore_mem>>
        %dma_start3A_153 = arith.constant 78 : i32
        %dma_start3A_154 = arith.constant 0 : i32
        %dma_start3A_155 = tpu.memref_slice %arg6[%dma_start3A_153, %dma_start3A_154] : memref<79x128xi32, #tpu.memory_space<vmem>> -> memref<1x128xi32, #tpu.memory_space<vmem>>
        %dma_start3A_156 = arith.constant 0 : i32
        %dma_start3A_157 = tpu.memref_slice %arg3[%run_scoped3A_151, %add3A_150, %dma_start3A_156] : memref<2x2500x128xi32, #tpu.memory_space<hbm>> -> memref<1x1x128xi32, #tpu.memory_space<hbm>>
        %dma_start3A_158 = tpu.memref_squeeze %dma_start3A_157 : memref<1x1x128xi32, #tpu.memory_space<hbm>> -> memref<1x128xi32, #tpu.memory_space<hbm>>
        %dma_start3A_159 = arith.constant 78 : i32
        %dma_start3A_160 = arith.constant 0 : i32
        %dma_start3A_161 = tpu.memref_slice %arg6[%dma_start3A_159, %dma_start3A_160] : memref<79x128xi32, #tpu.memory_space<vmem>> -> memref<1x128xi32, #tpu.memory_space<vmem>>
        %dma_start3A_162 = arith.constant 0 : i32
        %dma_start3A_163 = tpu.memref_slice %arg3[%run_scoped3A_151, %add3A_150, %dma_start3A_162] : memref<2x2500x128xi32, #tpu.memory_space<hbm>> -> memref<1x1x128xi32, #tpu.memory_space<hbm>>
        %dma_start3A_164 = tpu.memref_squeeze %dma_start3A_163 : memref<1x1x128xi32, #tpu.memory_space<hbm>> -> memref<1x128xi32, #tpu.memory_space<hbm>>
        tpu.enqueue_dma source(%dma_start3A_164 : memref<1x128xi32, #tpu.memory_space<hbm>>) target(%dma_start3A_161 : memref<1x128xi32, #tpu.memory_space<vmem>>) target_semaphore(%run_scoped3A_152 : memref<!tpu.dma_semaphore, #tpu.memory_space<semaphore_mem>>)
        %dma_wait3A_165 = arith.constant 78 : i32
        %dma_wait3A_166 = arith.constant 0 : i32
        %dma_wait3A_167 = tpu.memref_slice %arg6[%dma_wait3A_165, %dma_wait3A_166] : memref<79x128xi32, #tpu.memory_space<vmem>> -> memref<1x128xi32, #tpu.memory_space<vmem>>
        %dma_wait3A_168 = arith.constant 0 : i32
        %dma_wait3A_169 = tpu.memref_slice %arg3[%run_scoped3A_151, %add3A_150, %dma_wait3A_168] : memref<2x2500x128xi32, #tpu.memory_space<hbm>> -> memref<1x1x128xi32, #tpu.memory_space<hbm>>
        %dma_wait3A_170 = tpu.memref_squeeze %dma_wait3A_169 : memref<1x1x128xi32, #tpu.memory_space<hbm>> -> memref<1x128xi32, #tpu.memory_space<hbm>>
        %dma_wait3A_171 = arith.constant 78 : i32
        %dma_wait3A_172 = arith.constant 0 : i32
        %dma_wait3A_173 = tpu.memref_slice %arg6[%dma_wait3A_171, %dma_wait3A_172] : memref<79x128xi32, #tpu.memory_space<vmem>> -> memref<1x128xi32, #tpu.memory_space<vmem>>
        %dma_wait3A_174 = arith.constant 0 : i32
        %dma_wait3A_175 = tpu.memref_slice %arg3[%run_scoped3A_151, %add3A_150, %dma_wait3A_174] : memref<2x2500x128xi32, #tpu.memory_space<hbm>> -> memref<1x1x128xi32, #tpu.memory_space<hbm>>
        %dma_wait3A_176 = tpu.memref_squeeze %dma_wait3A_175 : memref<1x1x128xi32, #tpu.memory_space<hbm>> -> memref<1x128xi32, #tpu.memory_space<hbm>>
        tpu.wait_dma2 semaphore(%run_scoped3A_152 : memref<!tpu.dma_semaphore, #tpu.memory_space<semaphore_mem>>) src(%dma_wait3A_176 : memref<1x128xi32, #tpu.memory_space<hbm>>) dst(%dma_wait3A_173 : memref<1x128xi32, #tpu.memory_space<vmem>>)
        tpu.yield
      }) : () -> ()
    } else {
    }
    %eq3A = arith.constant 15 : i32
    %eq3A_108 = arith.cmpi eq, %arg1, %eq3A : i32
    %convert_element_type3A_109 = arith.extui %eq3A_108 : i1 to i32
    %cond3A_110 = arith.constant 0 : i32
    %cond3A_111 = arith.cmpi ne, %convert_element_type3A_109, %cond3A_110 : i32
    scf.if %cond3A_111 {
      "tpu.region"() ({
        %run_scoped3A = tpu.sem_alloc : memref<!tpu.dma_semaphore, #tpu.memory_space<semaphore_mem>>
        %dma_start3A_147 = arith.constant 9984 : i32
        %dma_start3A_148 = arith.constant 0 : i32
        %dma_start3A_149 = tpu.memref_slice %arg9[%dma_start3A_147, %dma_start3A_148] : memref<10000x64xf32, #tpu.memory_space<vmem_shared>> -> memref<16x64xf32, #tpu.memory_space<vmem_shared>>
        %dma_start3A_150 = arith.constant 9984 : i32
        %dma_start3A_151 = arith.constant 0 : i32
        %dma_start3A_152 = tpu.memref_slice %arg2[%dma_start3A_150, %dma_start3A_151] : memref<10000x64xf32, #tpu.memory_space<hbm>> -> memref<16x64xf32, #tpu.memory_space<hbm>>
        tpu.enqueue_dma source(%dma_start3A_152 : memref<16x64xf32, #tpu.memory_space<hbm>>) target(%dma_start3A_149 : memref<16x64xf32, #tpu.memory_space<vmem_shared>>) target_semaphore(%run_scoped3A : memref<!tpu.dma_semaphore, #tpu.memory_space<semaphore_mem>>)
        %dma_wait3A_153 = arith.constant 9984 : i32
        %dma_wait3A_154 = arith.constant 0 : i32
        %dma_wait3A_155 = tpu.memref_slice %arg9[%dma_wait3A_153, %dma_wait3A_154] : memref<10000x64xf32, #tpu.memory_space<vmem_shared>> -> memref<16x64xf32, #tpu.memory_space<vmem_shared>>
        %dma_wait3A_156 = arith.constant 9984 : i32
        %dma_wait3A_157 = arith.constant 0 : i32
        %dma_wait3A_158 = tpu.memref_slice %arg2[%dma_wait3A_156, %dma_wait3A_157] : memref<10000x64xf32, #tpu.memory_space<hbm>> -> memref<16x64xf32, #tpu.memory_space<hbm>>
        tpu.wait_dma2 semaphore(%run_scoped3A : memref<!tpu.dma_semaphore, #tpu.memory_space<semaphore_mem>>) src(%dma_wait3A_158 : memref<16x64xf32, #tpu.memory_space<hbm>>) dst(%dma_wait3A_155 : memref<16x64xf32, #tpu.memory_space<vmem_shared>>)
        tpu.yield
      }) : () -> ()
      "tpu.region"() ({
        %run_scoped3A = tpu.sem_alloc : memref<!tpu.dma_semaphore, #tpu.memory_space<semaphore_mem>>
        %dma_start3A_147 = arith.constant 9984 : i32
        %dma_start3A_148 = arith.constant 0 : i32
        %dma_start3A_149 = tpu.memref_slice %arg8[%dma_start3A_147, %dma_start3A_148] : memref<10016x64xf32, #tpu.memory_space<vmem_shared>> -> memref<16x64xf32, #tpu.memory_space<vmem_shared>>
        %dma_start3A_150 = arith.constant 9984 : i32
        %dma_start3A_151 = arith.constant 0 : i32
        %dma_start3A_152 = tpu.memref_slice %arg2[%dma_start3A_150, %dma_start3A_151] : memref<10000x64xf32, #tpu.memory_space<hbm>> -> memref<16x64xf32, #tpu.memory_space<hbm>>
        tpu.enqueue_dma source(%dma_start3A_152 : memref<16x64xf32, #tpu.memory_space<hbm>>) target(%dma_start3A_149 : memref<16x64xf32, #tpu.memory_space<vmem_shared>>) target_semaphore(%run_scoped3A : memref<!tpu.dma_semaphore, #tpu.memory_space<semaphore_mem>>)
        %dma_wait3A_153 = arith.constant 9984 : i32
        %dma_wait3A_154 = arith.constant 0 : i32
        %dma_wait3A_155 = tpu.memref_slice %arg8[%dma_wait3A_153, %dma_wait3A_154] : memref<10016x64xf32, #tpu.memory_space<vmem_shared>> -> memref<16x64xf32, #tpu.memory_space<vmem_shared>>
        %dma_wait3A_156 = arith.constant 9984 : i32
        %dma_wait3A_157 = arith.constant 0 : i32
        %dma_wait3A_158 = tpu.memref_slice %arg2[%dma_wait3A_156, %dma_wait3A_157] : memref<10000x64xf32, #tpu.memory_space<hbm>> -> memref<16x64xf32, #tpu.memory_space<hbm>>
        tpu.wait_dma2 semaphore(%run_scoped3A : memref<!tpu.dma_semaphore, #tpu.memory_space<semaphore_mem>>) src(%dma_wait3A_158 : memref<16x64xf32, #tpu.memory_space<hbm>>) dst(%dma_wait3A_155 : memref<16x64xf32, #tpu.memory_space<vmem_shared>>)
        tpu.yield
      }) : () -> ()
    } else {
    }
    %barrier3A = arith.constant 0 : index
    tpu.barrier barrier_id(%barrier3A)
    %dma_start3A_112 = arith.constant 0 : i32
    %dma_start3A_113 = arith.constant 0 : i32
    %dma_start3A_114 = arith.constant 0 : i32
    %dma_start3A_115 = arith.constant 0 : i32
    %dma_start3A_116 = arith.constant 0 : i32
    %dma_start3A_117 = tpu.memref_slice %arg7[%dma_start3A_113, %dma_start3A_115, %dma_start3A_116] : memref<2x128x64xf32, #tpu.memory_space<vmem>> -> memref<1x128x64xf32, #tpu.memory_space<vmem>>
    %dma_start3A_118 = tpu.memref_squeeze %dma_start3A_117 : memref<1x128x64xf32, #tpu.memory_space<vmem>> -> memref<128x64xf32, #tpu.memory_space<vmem>>
    %dma_start3A_119 = arith.constant 0 : i32
    %dma_start3A_120 = tpu.memref_slice %arg5[%dma_start3A_112, %dma_start3A_119] : memref<79x128xi32, #tpu.memory_space<vmem>> -> memref<1x128xi32, #tpu.memory_space<vmem>>
    %dma_start3A_121 = tpu.memref_squeeze %dma_start3A_120 : memref<1x128xi32, #tpu.memory_space<vmem>> -> memref<128xi32, #tpu.memory_space<vmem>>
    %dma_start3A_122 = arith.constant 0 : i32
    %dma_start3A_123 = arith.constant 0 : i32
    %dma_start3A_124 = tpu.memref_slice %arg9[%dma_start3A_122, %dma_start3A_123] : memref<10000x64xf32, #tpu.memory_space<vmem_shared>> -> memref<10000x64xf32, #tpu.memory_space<vmem_shared>>
    %dma_start3A_125 = tpu.memref_slice %arg10[%dma_start3A_114] : memref<2x!tpu.dma_semaphore, #tpu.memory_space<semaphore_mem>> -> memref<1x!tpu.dma_semaphore, #tpu.memory_space<semaphore_mem>>
    %dma_start3A_126 = tpu.memref_squeeze %dma_start3A_125 : memref<1x!tpu.dma_semaphore, #tpu.memory_space<semaphore_mem>> -> memref<!tpu.dma_semaphore, #tpu.memory_space<semaphore_mem>>
    tpu.enqueue_indirect_dma source(%dma_start3A_124 : memref<10000x64xf32, #tpu.memory_space<vmem_shared>>) target(%dma_start3A_118 : memref<128x64xf32, #tpu.memory_space<vmem>>) offsets(%dma_start3A_121 : memref<128xi32, #tpu.memory_space<vmem>>) semaphore(%dma_start3A_126 : memref<!tpu.dma_semaphore, #tpu.memory_space<semaphore_mem>>)
    %scan3A = arith.constant 0 : i32
    %scan3A_127 = arith.constant 0 : i32
    %scan3A_128 = arith.constant 78 : i32
    %scan3A_129 = arith.addi %scan3A_127, %scan3A_128 : i32
    %scan3A_130 = arith.constant 2 : i32
    scf.for %scan3A_147 = %scan3A_127 to %scan3A_129 step %scan3A_130  : i32 {
      %rem3A = arith.constant 2 : i32
      %rem3A_148 = arith.remsi %scan3A_147, %rem3A : i32
      %dma_wait3A_149 = arith.constant 0 : i32
      %dma_wait3A_150 = arith.constant 0 : i32
      %dma_wait3A_151 = tpu.memref_slice %arg7[%rem3A_148, %dma_wait3A_149, %dma_wait3A_150] : memref<2x128x64xf32, #tpu.memory_space<vmem>> -> memref<1x128x64xf32, #tpu.memory_space<vmem>>
      %dma_wait3A_152 = tpu.memref_squeeze %dma_wait3A_151 : memref<1x128x64xf32, #tpu.memory_space<vmem>> -> memref<128x64xf32, #tpu.memory_space<vmem>>
      %dma_wait3A_153 = arith.constant 0 : i32
      %dma_wait3A_154 = tpu.memref_slice %arg5[%scan3A_147, %dma_wait3A_153] : memref<79x128xi32, #tpu.memory_space<vmem>> -> memref<1x128xi32, #tpu.memory_space<vmem>>
      %dma_wait3A_155 = tpu.memref_squeeze %dma_wait3A_154 : memref<1x128xi32, #tpu.memory_space<vmem>> -> memref<128xi32, #tpu.memory_space<vmem>>
      %dma_wait3A_156 = arith.constant 0 : i32
      %dma_wait3A_157 = arith.constant 0 : i32
      %dma_wait3A_158 = tpu.memref_slice %arg9[%dma_wait3A_156, %dma_wait3A_157] : memref<10000x64xf32, #tpu.memory_space<vmem_shared>> -> memref<10000x64xf32, #tpu.memory_space<vmem_shared>>
      %dma_wait3A_159 = tpu.memref_slice %arg10[%rem3A_148] : memref<2x!tpu.dma_semaphore, #tpu.memory_space<semaphore_mem>> -> memref<1x!tpu.dma_semaphore, #tpu.memory_space<semaphore_mem>>
      %dma_wait3A_160 = tpu.memref_squeeze %dma_wait3A_159 : memref<1x!tpu.dma_semaphore, #tpu.memory_space<semaphore_mem>> -> memref<!tpu.dma_semaphore, #tpu.memory_space<semaphore_mem>>
      tpu.wait_indirect_dma semaphore(%dma_wait3A_160 : memref<!tpu.dma_semaphore, #tpu.memory_space<semaphore_mem>>) src(%dma_wait3A_158 : memref<10000x64xf32, #tpu.memory_space<vmem_shared>>) dst(%dma_wait3A_152 : memref<128x64xf32, #tpu.memory_space<vmem>>)
      %sub3A = arith.constant 1 : i32
      %sub3A_161 = arith.subi %select_n3A, %sub3A : i32
      %lt3A_162 = arith.cmpi slt, %scan3A_147, %sub3A_161 : i32
      %convert_element_type3A_163 = arith.extui %lt3A_162 : i1 to i32
      %cond3A_164 = arith.constant 0 : i32
      %cond3A_165 = arith.cmpi ne, %convert_element_type3A_163, %cond3A_164 : i32
      scf.if %cond3A_165 {
        %sub3A_188 = arith.constant 1 : i32
        %sub3A_189 = arith.subi %sub3A_188, %rem3A_148 : i32
        %add3A_190 = arith.constant 1 : i32
        %add3A_191 = arith.addi %scan3A_147, %add3A_190 : i32
        %dma_start3A_192 = arith.constant 0 : i32
        %dma_start3A_193 = arith.constant 0 : i32
        %dma_start3A_194 = tpu.memref_slice %arg7[%sub3A_189, %dma_start3A_192, %dma_start3A_193] : memref<2x128x64xf32, #tpu.memory_space<vmem>> -> memref<1x128x64xf32, #tpu.memory_space<vmem>>
        %dma_start3A_195 = tpu.memref_squeeze %dma_start3A_194 : memref<1x128x64xf32, #tpu.memory_space<vmem>> -> memref<128x64xf32, #tpu.memory_space<vmem>>
        %dma_start3A_196 = arith.constant 0 : i32
        %dma_start3A_197 = tpu.memref_slice %arg5[%add3A_191, %dma_start3A_196] : memref<79x128xi32, #tpu.memory_space<vmem>> -> memref<1x128xi32, #tpu.memory_space<vmem>>
        %dma_start3A_198 = tpu.memref_squeeze %dma_start3A_197 : memref<1x128xi32, #tpu.memory_space<vmem>> -> memref<128xi32, #tpu.memory_space<vmem>>
        %dma_start3A_199 = arith.constant 0 : i32
        %dma_start3A_200 = arith.constant 0 : i32
        %dma_start3A_201 = tpu.memref_slice %arg9[%dma_start3A_199, %dma_start3A_200] : memref<10000x64xf32, #tpu.memory_space<vmem_shared>> -> memref<10000x64xf32, #tpu.memory_space<vmem_shared>>
        %dma_start3A_202 = tpu.memref_slice %arg10[%sub3A_189] : memref<2x!tpu.dma_semaphore, #tpu.memory_space<semaphore_mem>> -> memref<1x!tpu.dma_semaphore, #tpu.memory_space<semaphore_mem>>
        %dma_start3A_203 = tpu.memref_squeeze %dma_start3A_202 : memref<1x!tpu.dma_semaphore, #tpu.memory_space<semaphore_mem>> -> memref<!tpu.dma_semaphore, #tpu.memory_space<semaphore_mem>>
        tpu.enqueue_indirect_dma source(%dma_start3A_201 : memref<10000x64xf32, #tpu.memory_space<vmem_shared>>) target(%dma_start3A_195 : memref<128x64xf32, #tpu.memory_space<vmem>>) offsets(%dma_start3A_198 : memref<128xi32, #tpu.memory_space<vmem>>) semaphore(%dma_start3A_203 : memref<!tpu.dma_semaphore, #tpu.memory_space<semaphore_mem>>)
      } else {
      }
      "tpu.region"() ({
        %run_scoped3A = tpu.sem_alloc : memref<!tpu.dma_semaphore, #tpu.memory_space<semaphore_mem>>
        %dma_start3A_188 = arith.constant 0 : i32
        %dma_start3A_189 = arith.constant 0 : i32
        %dma_start3A_190 = tpu.memref_slice %arg7[%rem3A_148, %dma_start3A_188, %dma_start3A_189] : memref<2x128x64xf32, #tpu.memory_space<vmem>> -> memref<1x128x64xf32, #tpu.memory_space<vmem>>
        %dma_start3A_191 = tpu.memref_squeeze %dma_start3A_190 : memref<1x128x64xf32, #tpu.memory_space<vmem>> -> memref<128x64xf32, #tpu.memory_space<vmem>>
        %dma_start3A_192 = arith.constant 0 : i32
        %dma_start3A_193 = tpu.memref_slice %arg6[%scan3A_147, %dma_start3A_192] : memref<79x128xi32, #tpu.memory_space<vmem>> -> memref<1x128xi32, #tpu.memory_space<vmem>>
        %dma_start3A_194 = tpu.memref_squeeze %dma_start3A_193 : memref<1x128xi32, #tpu.memory_space<vmem>> -> memref<128xi32, #tpu.memory_space<vmem>>
        %dma_start3A_195 = arith.constant 0 : i32
        %dma_start3A_196 = arith.constant 0 : i32
        %dma_start3A_197 = tpu.memref_slice %arg8[%dma_start3A_195, %dma_start3A_196] : memref<10016x64xf32, #tpu.memory_space<vmem_shared>> -> memref<10016x64xf32, #tpu.memory_space<vmem_shared>>
        tpu.enqueue_indirect_dma source(%dma_start3A_191 : memref<128x64xf32, #tpu.memory_space<vmem>>) target(%dma_start3A_197 : memref<10016x64xf32, #tpu.memory_space<vmem_shared>>) offsets(%dma_start3A_194 : memref<128xi32, #tpu.memory_space<vmem>>) semaphore(%run_scoped3A : memref<!tpu.dma_semaphore, #tpu.memory_space<semaphore_mem>>) {add = true}
        %dma_wait3A_198 = arith.constant 0 : i32
        %dma_wait3A_199 = arith.constant 0 : i32
        %dma_wait3A_200 = tpu.memref_slice %arg7[%rem3A_148, %dma_wait3A_198, %dma_wait3A_199] : memref<2x128x64xf32, #tpu.memory_space<vmem>> -> memref<1x128x64xf32, #tpu.memory_space<vmem>>
        %dma_wait3A_201 = tpu.memref_squeeze %dma_wait3A_200 : memref<1x128x64xf32, #tpu.memory_space<vmem>> -> memref<128x64xf32, #tpu.memory_space<vmem>>
        %dma_wait3A_202 = arith.constant 0 : i32
        %dma_wait3A_203 = tpu.memref_slice %arg6[%scan3A_147, %dma_wait3A_202] : memref<79x128xi32, #tpu.memory_space<vmem>> -> memref<1x128xi32, #tpu.memory_space<vmem>>
        %dma_wait3A_204 = tpu.memref_squeeze %dma_wait3A_203 : memref<1x128xi32, #tpu.memory_space<vmem>> -> memref<128xi32, #tpu.memory_space<vmem>>
        %dma_wait3A_205 = arith.constant 0 : i32
        %dma_wait3A_206 = arith.constant 0 : i32
        %dma_wait3A_207 = tpu.memref_slice %arg8[%dma_wait3A_205, %dma_wait3A_206] : memref<10016x64xf32, #tpu.memory_space<vmem_shared>> -> memref<10016x64xf32, #tpu.memory_space<vmem_shared>>
        tpu.wait_indirect_dma semaphore(%run_scoped3A : memref<!tpu.dma_semaphore, #tpu.memory_space<semaphore_mem>>) src(%dma_wait3A_201 : memref<128x64xf32, #tpu.memory_space<vmem>>) dst(%dma_wait3A_207 : memref<10016x64xf32, #tpu.memory_space<vmem_shared>>)
        tpu.yield
      }) : () -> ()
      %scan3A_166 = arith.constant 1 : i32
      %scan3A_167 = arith.addi %scan3A_147, %scan3A_166 : i32
      %rem3A_168 = arith.constant 2 : i32
      %rem3A_169 = arith.remsi %scan3A_167, %rem3A_168 : i32
      %dma_wait3A_170 = arith.constant 0 : i32
      %dma_wait3A_171 = arith.constant 0 : i32
      %dma_wait3A_172 = tpu.memref_slice %arg7[%rem3A_169, %dma_wait3A_170, %dma_wait3A_171] : memref<2x128x64xf32, #tpu.memory_space<vmem>> -> memref<1x128x64xf32, #tpu.memory_space<vmem>>
      %dma_wait3A_173 = tpu.memref_squeeze %dma_wait3A_172 : memref<1x128x64xf32, #tpu.memory_space<vmem>> -> memref<128x64xf32, #tpu.memory_space<vmem>>
      %dma_wait3A_174 = arith.constant 0 : i32
      %dma_wait3A_175 = tpu.memref_slice %arg5[%scan3A_167, %dma_wait3A_174] : memref<79x128xi32, #tpu.memory_space<vmem>> -> memref<1x128xi32, #tpu.memory_space<vmem>>
      %dma_wait3A_176 = tpu.memref_squeeze %dma_wait3A_175 : memref<1x128xi32, #tpu.memory_space<vmem>> -> memref<128xi32, #tpu.memory_space<vmem>>
      %dma_wait3A_177 = arith.constant 0 : i32
      %dma_wait3A_178 = arith.constant 0 : i32
      %dma_wait3A_179 = tpu.memref_slice %arg9[%dma_wait3A_177, %dma_wait3A_178] : memref<10000x64xf32, #tpu.memory_space<vmem_shared>> -> memref<10000x64xf32, #tpu.memory_space<vmem_shared>>
      %dma_wait3A_180 = tpu.memref_slice %arg10[%rem3A_169] : memref<2x!tpu.dma_semaphore, #tpu.memory_space<semaphore_mem>> -> memref<1x!tpu.dma_semaphore, #tpu.memory_space<semaphore_mem>>
      %dma_wait3A_181 = tpu.memref_squeeze %dma_wait3A_180 : memref<1x!tpu.dma_semaphore, #tpu.memory_space<semaphore_mem>> -> memref<!tpu.dma_semaphore, #tpu.memory_space<semaphore_mem>>
      tpu.wait_indirect_dma semaphore(%dma_wait3A_181 : memref<!tpu.dma_semaphore, #tpu.memory_space<semaphore_mem>>) src(%dma_wait3A_179 : memref<10000x64xf32, #tpu.memory_space<vmem_shared>>) dst(%dma_wait3A_173 : memref<128x64xf32, #tpu.memory_space<vmem>>)
      %sub3A_182 = arith.constant 1 : i32
      %sub3A_183 = arith.subi %select_n3A, %sub3A_182 : i32
      %lt3A_184 = arith.cmpi slt, %scan3A_167, %sub3A_183 : i32
      %convert_element_type3A_185 = arith.extui %lt3A_184 : i1 to i32
      %cond3A_186 = arith.constant 0 : i32
      %cond3A_187 = arith.cmpi ne, %convert_element_type3A_185, %cond3A_186 : i32
      scf.if %cond3A_187 {
        %sub3A_188 = arith.constant 1 : i32
        %sub3A_189 = arith.subi %sub3A_188, %rem3A_169 : i32
        %add3A_190 = arith.constant 1 : i32
        %add3A_191 = arith.addi %scan3A_167, %add3A_190 : i32
        %dma_start3A_192 = arith.constant 0 : i32
        %dma_start3A_193 = arith.constant 0 : i32
        %dma_start3A_194 = tpu.memref_slice %arg7[%sub3A_189, %dma_start3A_192, %dma_start3A_193] : memref<2x128x64xf32, #tpu.memory_space<vmem>> -> memref<1x128x64xf32, #tpu.memory_space<vmem>>
        %dma_start3A_195 = tpu.memref_squeeze %dma_start3A_194 : memref<1x128x64xf32, #tpu.memory_space<vmem>> -> memref<128x64xf32, #tpu.memory_space<vmem>>
        %dma_start3A_196 = arith.constant 0 : i32
        %dma_start3A_197 = tpu.memref_slice %arg5[%add3A_191, %dma_start3A_196] : memref<79x128xi32, #tpu.memory_space<vmem>> -> memref<1x128xi32, #tpu.memory_space<vmem>>
        %dma_start3A_198 = tpu.memref_squeeze %dma_start3A_197 : memref<1x128xi32, #tpu.memory_space<vmem>> -> memref<128xi32, #tpu.memory_space<vmem>>
        %dma_start3A_199 = arith.constant 0 : i32
        %dma_start3A_200 = arith.constant 0 : i32
        %dma_start3A_201 = tpu.memref_slice %arg9[%dma_start3A_199, %dma_start3A_200] : memref<10000x64xf32, #tpu.memory_space<vmem_shared>> -> memref<10000x64xf32, #tpu.memory_space<vmem_shared>>
        %dma_start3A_202 = tpu.memref_slice %arg10[%sub3A_189] : memref<2x!tpu.dma_semaphore, #tpu.memory_space<semaphore_mem>> -> memref<1x!tpu.dma_semaphore, #tpu.memory_space<semaphore_mem>>
        %dma_start3A_203 = tpu.memref_squeeze %dma_start3A_202 : memref<1x!tpu.dma_semaphore, #tpu.memory_space<semaphore_mem>> -> memref<!tpu.dma_semaphore, #tpu.memory_space<semaphore_mem>>
        tpu.enqueue_indirect_dma source(%dma_start3A_201 : memref<10000x64xf32, #tpu.memory_space<vmem_shared>>) target(%dma_start3A_195 : memref<128x64xf32, #tpu.memory_space<vmem>>) offsets(%dma_start3A_198 : memref<128xi32, #tpu.memory_space<vmem>>) semaphore(%dma_start3A_203 : memref<!tpu.dma_semaphore, #tpu.memory_space<semaphore_mem>>)
      } else {
      }
      "tpu.region"() ({
        %run_scoped3A = tpu.sem_alloc : memref<!tpu.dma_semaphore, #tpu.memory_space<semaphore_mem>>
        %dma_start3A_188 = arith.constant 0 : i32
        %dma_start3A_189 = arith.constant 0 : i32
        %dma_start3A_190 = tpu.memref_slice %arg7[%rem3A_169, %dma_start3A_188, %dma_start3A_189] : memref<2x128x64xf32, #tpu.memory_space<vmem>> -> memref<1x128x64xf32, #tpu.memory_space<vmem>>
        %dma_start3A_191 = tpu.memref_squeeze %dma_start3A_190 : memref<1x128x64xf32, #tpu.memory_space<vmem>> -> memref<128x64xf32, #tpu.memory_space<vmem>>
        %dma_start3A_192 = arith.constant 0 : i32
        %dma_start3A_193 = tpu.memref_slice %arg6[%scan3A_167, %dma_start3A_192] : memref<79x128xi32, #tpu.memory_space<vmem>> -> memref<1x128xi32, #tpu.memory_space<vmem>>
        %dma_start3A_194 = tpu.memref_squeeze %dma_start3A_193 : memref<1x128xi32, #tpu.memory_space<vmem>> -> memref<128xi32, #tpu.memory_space<vmem>>
        %dma_start3A_195 = arith.constant 0 : i32
        %dma_start3A_196 = arith.constant 0 : i32
        %dma_start3A_197 = tpu.memref_slice %arg8[%dma_start3A_195, %dma_start3A_196] : memref<10016x64xf32, #tpu.memory_space<vmem_shared>> -> memref<10016x64xf32, #tpu.memory_space<vmem_shared>>
        tpu.enqueue_indirect_dma source(%dma_start3A_191 : memref<128x64xf32, #tpu.memory_space<vmem>>) target(%dma_start3A_197 : memref<10016x64xf32, #tpu.memory_space<vmem_shared>>) offsets(%dma_start3A_194 : memref<128xi32, #tpu.memory_space<vmem>>) semaphore(%run_scoped3A : memref<!tpu.dma_semaphore, #tpu.memory_space<semaphore_mem>>) {add = true}
        %dma_wait3A_198 = arith.constant 0 : i32
        %dma_wait3A_199 = arith.constant 0 : i32
        %dma_wait3A_200 = tpu.memref_slice %arg7[%rem3A_169, %dma_wait3A_198, %dma_wait3A_199] : memref<2x128x64xf32, #tpu.memory_space<vmem>> -> memref<1x128x64xf32, #tpu.memory_space<vmem>>
        %dma_wait3A_201 = tpu.memref_squeeze %dma_wait3A_200 : memref<1x128x64xf32, #tpu.memory_space<vmem>> -> memref<128x64xf32, #tpu.memory_space<vmem>>
        %dma_wait3A_202 = arith.constant 0 : i32
        %dma_wait3A_203 = tpu.memref_slice %arg6[%scan3A_167, %dma_wait3A_202] : memref<79x128xi32, #tpu.memory_space<vmem>> -> memref<1x128xi32, #tpu.memory_space<vmem>>
        %dma_wait3A_204 = tpu.memref_squeeze %dma_wait3A_203 : memref<1x128xi32, #tpu.memory_space<vmem>> -> memref<128xi32, #tpu.memory_space<vmem>>
        %dma_wait3A_205 = arith.constant 0 : i32
        %dma_wait3A_206 = arith.constant 0 : i32
        %dma_wait3A_207 = tpu.memref_slice %arg8[%dma_wait3A_205, %dma_wait3A_206] : memref<10016x64xf32, #tpu.memory_space<vmem_shared>> -> memref<10016x64xf32, #tpu.memory_space<vmem_shared>>
        tpu.wait_indirect_dma semaphore(%run_scoped3A : memref<!tpu.dma_semaphore, #tpu.memory_space<semaphore_mem>>) src(%dma_wait3A_201 : memref<128x64xf32, #tpu.memory_space<vmem>>) dst(%dma_wait3A_207 : memref<10016x64xf32, #tpu.memory_space<vmem_shared>>)
        tpu.yield
      }) : () -> ()
    }
    %scan3A_131 = arith.constant 78 : i32
    %lt3A_132 = arith.constant 4 : i32
    %lt3A_133 = arith.cmpi slt, %add3A, %lt3A_132 : i32
    %convert_element_type3A_134 = arith.extui %lt3A_133 : i1 to i32
    %cond3A_135 = arith.constant 0 : i32
    %cond3A_136 = arith.cmpi ne, %convert_element_type3A_134, %cond3A_135 : i32
    scf.if %cond3A_136 {
      %dma_wait3A_147 = arith.constant 78 : i32
      %dma_wait3A_148 = arith.constant 0 : i32
      %dma_wait3A_149 = arith.constant 0 : i32
      %dma_wait3A_150 = arith.constant 0 : i32
      %dma_wait3A_151 = arith.constant 0 : i32
      %dma_wait3A_152 = tpu.memref_slice %arg7[%dma_wait3A_148, %dma_wait3A_150, %dma_wait3A_151] : memref<2x128x64xf32, #tpu.memory_space<vmem>> -> memref<1x128x64xf32, #tpu.memory_space<vmem>>
      %dma_wait3A_153 = tpu.memref_squeeze %dma_wait3A_152 : memref<1x128x64xf32, #tpu.memory_space<vmem>> -> memref<128x64xf32, #tpu.memory_space<vmem>>
      %dma_wait3A_154 = arith.constant 0 : i32
      %dma_wait3A_155 = tpu.memref_slice %arg5[%dma_wait3A_147, %dma_wait3A_154] : memref<79x128xi32, #tpu.memory_space<vmem>> -> memref<1x128xi32, #tpu.memory_space<vmem>>
      %dma_wait3A_156 = tpu.memref_squeeze %dma_wait3A_155 : memref<1x128xi32, #tpu.memory_space<vmem>> -> memref<128xi32, #tpu.memory_space<vmem>>
      %dma_wait3A_157 = arith.constant 0 : i32
      %dma_wait3A_158 = arith.constant 0 : i32
      %dma_wait3A_159 = tpu.memref_slice %arg9[%dma_wait3A_157, %dma_wait3A_158] : memref<10000x64xf32, #tpu.memory_space<vmem_shared>> -> memref<10000x64xf32, #tpu.memory_space<vmem_shared>>
      %dma_wait3A_160 = tpu.memref_slice %arg10[%dma_wait3A_149] : memref<2x!tpu.dma_semaphore, #tpu.memory_space<semaphore_mem>> -> memref<1x!tpu.dma_semaphore, #tpu.memory_space<semaphore_mem>>
      %dma_wait3A_161 = tpu.memref_squeeze %dma_wait3A_160 : memref<1x!tpu.dma_semaphore, #tpu.memory_space<semaphore_mem>> -> memref<!tpu.dma_semaphore, #tpu.memory_space<semaphore_mem>>
      tpu.wait_indirect_dma semaphore(%dma_wait3A_161 : memref<!tpu.dma_semaphore, #tpu.memory_space<semaphore_mem>>) src(%dma_wait3A_159 : memref<10000x64xf32, #tpu.memory_space<vmem_shared>>) dst(%dma_wait3A_153 : memref<128x64xf32, #tpu.memory_space<vmem>>)
      %run_scoped3A = arith.constant 0 : i32
      %run_scoped3A_162 = arith.constant 78 : i32
      "tpu.region"() ({
        %run_scoped3A_163 = tpu.sem_alloc : memref<!tpu.dma_semaphore, #tpu.memory_space<semaphore_mem>>
        %dma_start3A_164 = arith.constant 0 : i32
        %dma_start3A_165 = arith.constant 0 : i32
        %dma_start3A_166 = tpu.memref_slice %arg7[%run_scoped3A, %dma_start3A_164, %dma_start3A_165] : memref<2x128x64xf32, #tpu.memory_space<vmem>> -> memref<1x128x64xf32, #tpu.memory_space<vmem>>
        %dma_start3A_167 = tpu.memref_squeeze %dma_start3A_166 : memref<1x128x64xf32, #tpu.memory_space<vmem>> -> memref<128x64xf32, #tpu.memory_space<vmem>>
        %dma_start3A_168 = arith.constant 0 : i32
        %dma_start3A_169 = tpu.memref_slice %arg6[%run_scoped3A_162, %dma_start3A_168] : memref<79x128xi32, #tpu.memory_space<vmem>> -> memref<1x128xi32, #tpu.memory_space<vmem>>
        %dma_start3A_170 = tpu.memref_squeeze %dma_start3A_169 : memref<1x128xi32, #tpu.memory_space<vmem>> -> memref<128xi32, #tpu.memory_space<vmem>>
        %dma_start3A_171 = arith.constant 0 : i32
        %dma_start3A_172 = arith.constant 0 : i32
        %dma_start3A_173 = tpu.memref_slice %arg8[%dma_start3A_171, %dma_start3A_172] : memref<10016x64xf32, #tpu.memory_space<vmem_shared>> -> memref<10016x64xf32, #tpu.memory_space<vmem_shared>>
        tpu.enqueue_indirect_dma source(%dma_start3A_167 : memref<128x64xf32, #tpu.memory_space<vmem>>) target(%dma_start3A_173 : memref<10016x64xf32, #tpu.memory_space<vmem_shared>>) offsets(%dma_start3A_170 : memref<128xi32, #tpu.memory_space<vmem>>) semaphore(%run_scoped3A_163 : memref<!tpu.dma_semaphore, #tpu.memory_space<semaphore_mem>>) {add = true}
        %dma_wait3A_174 = arith.constant 0 : i32
        %dma_wait3A_175 = arith.constant 0 : i32
        %dma_wait3A_176 = tpu.memref_slice %arg7[%run_scoped3A, %dma_wait3A_174, %dma_wait3A_175] : memref<2x128x64xf32, #tpu.memory_space<vmem>> -> memref<1x128x64xf32, #tpu.memory_space<vmem>>
        %dma_wait3A_177 = tpu.memref_squeeze %dma_wait3A_176 : memref<1x128x64xf32, #tpu.memory_space<vmem>> -> memref<128x64xf32, #tpu.memory_space<vmem>>
        %dma_wait3A_178 = arith.constant 0 : i32
        %dma_wait3A_179 = tpu.memref_slice %arg6[%run_scoped3A_162, %dma_wait3A_178] : memref<79x128xi32, #tpu.memory_space<vmem>> -> memref<1x128xi32, #tpu.memory_space<vmem>>
        %dma_wait3A_180 = tpu.memref_squeeze %dma_wait3A_179 : memref<1x128xi32, #tpu.memory_space<vmem>> -> memref<128xi32, #tpu.memory_space<vmem>>
        %dma_wait3A_181 = arith.constant 0 : i32
        %dma_wait3A_182 = arith.constant 0 : i32
        %dma_wait3A_183 = tpu.memref_slice %arg8[%dma_wait3A_181, %dma_wait3A_182] : memref<10016x64xf32, #tpu.memory_space<vmem_shared>> -> memref<10016x64xf32, #tpu.memory_space<vmem_shared>>
        tpu.wait_indirect_dma semaphore(%run_scoped3A_163 : memref<!tpu.dma_semaphore, #tpu.memory_space<semaphore_mem>>) src(%dma_wait3A_177 : memref<128x64xf32, #tpu.memory_space<vmem>>) dst(%dma_wait3A_183 : memref<10016x64xf32, #tpu.memory_space<vmem_shared>>)
        tpu.yield
      }) : () -> ()
    } else {
    }
    %barrier3A_137 = arith.constant 0 : index
    tpu.barrier barrier_id(%barrier3A_137)
    %mul3A_138 = arith.constant 624 : i32
    %mul3A_139 = arith.muli %arg1, %mul3A_138 : i32
    %mul3A_140 = arith.constant 624 : i32
    %mul3A_141 = arith.muli %arg1, %mul3A_140 : i32
    "tpu.region"() ({
      %run_scoped3A = tpu.sem_alloc : memref<!tpu.dma_semaphore, #tpu.memory_space<semaphore_mem>>
      %dma_start3A_147 = arith.constant 0 : i32
      %dma_start3A_148 = tpu.memref_slice %arg4[%arg0, %mul3A_141, %dma_start3A_147] : memref<2x10000x64xf32, #tpu.memory_space<hbm>> -> memref<1x624x64xf32, #tpu.memory_space<hbm>>
      %dma_start3A_149 = tpu.memref_squeeze %dma_start3A_148 : memref<1x624x64xf32, #tpu.memory_space<hbm>> -> memref<624x64xf32, #tpu.memory_space<hbm>>
      %dma_start3A_150 = arith.constant 0 : i32
      %dma_start3A_151 = tpu.memref_slice %arg8[%mul3A_139, %dma_start3A_150] : memref<10016x64xf32, #tpu.memory_space<vmem_shared>> -> memref<624x64xf32, #tpu.memory_space<vmem_shared>>
      tpu.enqueue_dma source(%dma_start3A_151 : memref<624x64xf32, #tpu.memory_space<vmem_shared>>) target(%dma_start3A_149 : memref<624x64xf32, #tpu.memory_space<hbm>>) target_semaphore(%run_scoped3A : memref<!tpu.dma_semaphore, #tpu.memory_space<semaphore_mem>>)
      %dma_wait3A_152 = arith.constant 0 : i32
      %dma_wait3A_153 = tpu.memref_slice %arg4[%arg0, %mul3A_141, %dma_wait3A_152] : memref<2x10000x64xf32, #tpu.memory_space<hbm>> -> memref<1x624x64xf32, #tpu.memory_space<hbm>>
      %dma_wait3A_154 = tpu.memref_squeeze %dma_wait3A_153 : memref<1x624x64xf32, #tpu.memory_space<hbm>> -> memref<624x64xf32, #tpu.memory_space<hbm>>
      %dma_wait3A_155 = arith.constant 0 : i32
      %dma_wait3A_156 = tpu.memref_slice %arg8[%mul3A_139, %dma_wait3A_155] : memref<10016x64xf32, #tpu.memory_space<vmem_shared>> -> memref<624x64xf32, #tpu.memory_space<vmem_shared>>
      tpu.wait_dma2 semaphore(%run_scoped3A : memref<!tpu.dma_semaphore, #tpu.memory_space<semaphore_mem>>) src(%dma_wait3A_156 : memref<624x64xf32, #tpu.memory_space<vmem_shared>>) dst(%dma_wait3A_154 : memref<624x64xf32, #tpu.memory_space<hbm>>)
      tpu.yield
    }) : () -> ()
    %eq3A_142 = arith.constant 15 : i32
    %eq3A_143 = arith.cmpi eq, %arg1, %eq3A_142 : i32
    %convert_element_type3A_144 = arith.extui %eq3A_143 : i1 to i32
    %cond3A_145 = arith.constant 0 : i32
    %cond3A_146 = arith.cmpi ne, %convert_element_type3A_144, %cond3A_145 : i32
    scf.if %cond3A_146 {
      "tpu.region"() ({
        %run_scoped3A = tpu.sem_alloc : memref<!tpu.dma_semaphore, #tpu.memory_space<semaphore_mem>>
        %dma_start3A_147 = arith.constant 9984 : i32
        %dma_start3A_148 = arith.constant 0 : i32
        %dma_start3A_149 = tpu.memref_slice %arg4[%arg0, %dma_start3A_147, %dma_start3A_148] : memref<2x10000x64xf32, #tpu.memory_space<hbm>> -> memref<1x16x64xf32, #tpu.memory_space<hbm>>
        %dma_start3A_150 = tpu.memref_squeeze %dma_start3A_149 : memref<1x16x64xf32, #tpu.memory_space<hbm>> -> memref<16x64xf32, #tpu.memory_space<hbm>>
        %dma_start3A_151 = arith.constant 9984 : i32
        %dma_start3A_152 = arith.constant 0 : i32
        %dma_start3A_153 = tpu.memref_slice %arg8[%dma_start3A_151, %dma_start3A_152] : memref<10016x64xf32, #tpu.memory_space<vmem_shared>> -> memref<16x64xf32, #tpu.memory_space<vmem_shared>>
        tpu.enqueue_dma source(%dma_start3A_153 : memref<16x64xf32, #tpu.memory_space<vmem_shared>>) target(%dma_start3A_150 : memref<16x64xf32, #tpu.memory_space<hbm>>) target_semaphore(%run_scoped3A : memref<!tpu.dma_semaphore, #tpu.memory_space<semaphore_mem>>)
        %dma_wait3A_154 = arith.constant 9984 : i32
        %dma_wait3A_155 = arith.constant 0 : i32
        %dma_wait3A_156 = tpu.memref_slice %arg4[%arg0, %dma_wait3A_154, %dma_wait3A_155] : memref<2x10000x64xf32, #tpu.memory_space<hbm>> -> memref<1x16x64xf32, #tpu.memory_space<hbm>>
        %dma_wait3A_157 = tpu.memref_squeeze %dma_wait3A_156 : memref<1x16x64xf32, #tpu.memory_space<hbm>> -> memref<16x64xf32, #tpu.memory_space<hbm>>
        %dma_wait3A_158 = arith.constant 9984 : i32
        %dma_wait3A_159 = arith.constant 0 : i32
        %dma_wait3A_160 = tpu.memref_slice %arg8[%dma_wait3A_158, %dma_wait3A_159] : memref<10016x64xf32, #tpu.memory_space<vmem_shared>> -> memref<16x64xf32, #tpu.memory_space<vmem_shared>>
        tpu.wait_dma2 semaphore(%run_scoped3A : memref<!tpu.dma_semaphore, #tpu.memory_space<semaphore_mem>>) src(%dma_wait3A_160 : memref<16x64xf32, #tpu.memory_space<vmem_shared>>) dst(%dma_wait3A_157 : memref<16x64xf32, #tpu.memory_space<hbm>>)
        tpu.yield
      }) : () -> ()
    } else {
    }
    return
  }
}

#map = affine_map<(d0, d1) -> (0, 0)>
#map1 = affine_map<(d0, d1) -> (0, 0, 0)>
module attributes {stable_mosaic.version = 14 : i64} {
  func.func @agg(%arg0: i32, %arg1: i32, %arg2: memref<10000x64xf32, #tpu.memory_space<hbm>>, %arg3: memref<2x2500x128xi32, #tpu.memory_space<hbm>>, %arg4: memref<2x10000x64xf32, #tpu.memory_space<hbm>>, %arg5: memref<79x128xi32, #tpu.memory_space<vmem>>, %arg6: memref<79x128xi32, #tpu.memory_space<vmem>>, %arg7: memref<2x128x64xf32, #tpu.memory_space<vmem>>, %arg8: memref<10016x64xf32, #tpu.memory_space<vmem_shared>>, %arg9: memref<10000x64xf32, #tpu.memory_space<vmem_shared>>, %arg10: memref<2x!tpu.dma_semaphore, #tpu.memory_space<semaphore_mem>>, %arg11: memref<3x!tpu.dma_semaphore, #tpu.memory_space<semaphore_mem>>) attributes {dimension_semantics = [#tpu.dimension_semantics<core_parallel>, #tpu.dimension_semantics<subcore_parallel>], iteration_bounds = array<i64: 2, 16>, scalar_prefetch = 0 : i64, scratch_operands = 7 : i64, tpu.core_type = #tpu.core_type<sc_vector_subcore>, window_params = [{transform_indices = #map}, {transform_indices = #map1}, {transform_indices = #map1}]} {
    %mul3A = arith.constant 2 : i32
    %mul3A_0 = arith.muli %arg1, %mul3A : i32
    %add3A = arith.addi %mul3A_0, %arg0 : i32
    %lt3A = arith.constant 4 : i32
    %lt3A_1 = arith.cmpi slt, %add3A, %lt3A : i32
    %jit3A = arith.constant 79 : i32
    %jit3A_2 = arith.constant 78 : i32
    %select_n3A = arith.select %lt3A_1, %jit3A, %jit3A_2 : i32
    %mul3A_3 = arith.constant 624 : i32
    %mul3A_4 = arith.muli %arg1, %mul3A_3 : i32
    %mul3A_5 = arith.constant 624 : i32
    %mul3A_6 = arith.muli %arg1, %mul3A_5 : i32
    %dma_start3A = arith.constant 0 : i32
    %dma_start3A_7 = tpu.memref_slice %arg11[%dma_start3A] : memref<3x!tpu.dma_semaphore, #tpu.memory_space<semaphore_mem>> -> memref<1x!tpu.dma_semaphore, #tpu.memory_space<semaphore_mem>>
    %dma_start3A_8 = tpu.memref_squeeze %dma_start3A_7 : memref<1x!tpu.dma_semaphore, #tpu.memory_space<semaphore_mem>> -> memref<!tpu.dma_semaphore, #tpu.memory_space<semaphore_mem>>
    %dma_start3A_9 = arith.constant 0 : i32
    %dma_start3A_10 = tpu.memref_slice %arg9[%mul3A_6, %dma_start3A_9] : memref<10000x64xf32, #tpu.memory_space<vmem_shared>> -> memref<624x64xf32, #tpu.memory_space<vmem_shared>>
    %dma_start3A_11 = arith.constant 0 : i32
    %dma_start3A_12 = tpu.memref_slice %arg2[%mul3A_4, %dma_start3A_11] : memref<10000x64xf32, #tpu.memory_space<hbm>> -> memref<624x64xf32, #tpu.memory_space<hbm>>
    tpu.enqueue_dma source(%dma_start3A_12 : memref<624x64xf32, #tpu.memory_space<hbm>>) target(%dma_start3A_10 : memref<624x64xf32, #tpu.memory_space<vmem_shared>>) target_semaphore(%dma_start3A_8 : memref<!tpu.dma_semaphore, #tpu.memory_space<semaphore_mem>>)
    %mul3A_13 = arith.constant 624 : i32
    %mul3A_14 = arith.muli %arg1, %mul3A_13 : i32
    %mul3A_15 = arith.constant 624 : i32
    %mul3A_16 = arith.muli %arg1, %mul3A_15 : i32
    %dma_start3A_17 = arith.constant 1 : i32
    %dma_start3A_18 = tpu.memref_slice %arg11[%dma_start3A_17] : memref<3x!tpu.dma_semaphore, #tpu.memory_space<semaphore_mem>> -> memref<1x!tpu.dma_semaphore, #tpu.memory_space<semaphore_mem>>
    %dma_start3A_19 = tpu.memref_squeeze %dma_start3A_18 : memref<1x!tpu.dma_semaphore, #tpu.memory_space<semaphore_mem>> -> memref<!tpu.dma_semaphore, #tpu.memory_space<semaphore_mem>>
    %dma_start3A_20 = arith.constant 0 : i32
    %dma_start3A_21 = tpu.memref_slice %arg8[%mul3A_16, %dma_start3A_20] : memref<10016x64xf32, #tpu.memory_space<vmem_shared>> -> memref<624x64xf32, #tpu.memory_space<vmem_shared>>
    %dma_start3A_22 = arith.constant 0 : i32
    %dma_start3A_23 = tpu.memref_slice %arg2[%mul3A_14, %dma_start3A_22] : memref<10000x64xf32, #tpu.memory_space<hbm>> -> memref<624x64xf32, #tpu.memory_space<hbm>>
    tpu.enqueue_dma source(%dma_start3A_23 : memref<624x64xf32, #tpu.memory_space<hbm>>) target(%dma_start3A_21 : memref<624x64xf32, #tpu.memory_space<vmem_shared>>) target_semaphore(%dma_start3A_19 : memref<!tpu.dma_semaphore, #tpu.memory_space<semaphore_mem>>)
    %mul3A_24 = arith.constant 78 : i32
    %mul3A_25 = arith.muli %add3A, %mul3A_24 : i32
    %dma_start3A_26 = arith.constant 0 : i32
    %dma_start3A_27 = arith.constant 2 : i32
    %dma_start3A_28 = arith.constant 0 : i32
    %dma_start3A_29 = arith.constant 0 : i32
    %dma_start3A_30 = tpu.memref_slice %arg5[%dma_start3A_28, %dma_start3A_29] : memref<79x128xi32, #tpu.memory_space<vmem>> -> memref<78x128xi32, #tpu.memory_space<vmem>>
    %dma_start3A_31 = arith.constant 0 : i32
    %dma_start3A_32 = tpu.memref_slice %arg3[%dma_start3A_26, %mul3A_25, %dma_start3A_31] : memref<2x2500x128xi32, #tpu.memory_space<hbm>> -> memref<1x78x128xi32, #tpu.memory_space<hbm>>
    %dma_start3A_33 = tpu.memref_squeeze %dma_start3A_32 : memref<1x78x128xi32, #tpu.memory_space<hbm>> -> memref<78x128xi32, #tpu.memory_space<hbm>>
    %dma_start3A_34 = tpu.memref_slice %arg11[%dma_start3A_27] : memref<3x!tpu.dma_semaphore, #tpu.memory_space<semaphore_mem>> -> memref<1x!tpu.dma_semaphore, #tpu.memory_space<semaphore_mem>>
    %dma_start3A_35 = tpu.memref_squeeze %dma_start3A_34 : memref<1x!tpu.dma_semaphore, #tpu.memory_space<semaphore_mem>> -> memref<!tpu.dma_semaphore, #tpu.memory_space<semaphore_mem>>
    %dma_start3A_36 = arith.constant 0 : i32
    %dma_start3A_37 = arith.constant 0 : i32
    %dma_start3A_38 = tpu.memref_slice %arg5[%dma_start3A_36, %dma_start3A_37] : memref<79x128xi32, #tpu.memory_space<vmem>> -> memref<78x128xi32, #tpu.memory_space<vmem>>
    %dma_start3A_39 = arith.constant 0 : i32
    %dma_start3A_40 = tpu.memref_slice %arg3[%dma_start3A_26, %mul3A_25, %dma_start3A_39] : memref<2x2500x128xi32, #tpu.memory_space<hbm>> -> memref<1x78x128xi32, #tpu.memory_space<hbm>>
    %dma_start3A_41 = tpu.memref_squeeze %dma_start3A_40 : memref<1x78x128xi32, #tpu.memory_space<hbm>> -> memref<78x128xi32, #tpu.memory_space<hbm>>
    tpu.enqueue_dma source(%dma_start3A_41 : memref<78x128xi32, #tpu.memory_space<hbm>>) target(%dma_start3A_38 : memref<78x128xi32, #tpu.memory_space<vmem>>) target_semaphore(%dma_start3A_35 : memref<!tpu.dma_semaphore, #tpu.memory_space<semaphore_mem>>)
    %mul3A_42 = arith.constant 78 : i32
    %mul3A_43 = arith.muli %add3A, %mul3A_42 : i32
    %dma_start3A_44 = arith.constant 1 : i32
    %dma_start3A_45 = arith.constant 2 : i32
    %dma_start3A_46 = arith.constant 0 : i32
    %dma_start3A_47 = arith.constant 0 : i32
    %dma_start3A_48 = tpu.memref_slice %arg6[%dma_start3A_46, %dma_start3A_47] : memref<79x128xi32, #tpu.memory_space<vmem>> -> memref<78x128xi32, #tpu.memory_space<vmem>>
    %dma_start3A_49 = arith.constant 0 : i32
    %dma_start3A_50 = tpu.memref_slice %arg3[%dma_start3A_44, %mul3A_43, %dma_start3A_49] : memref<2x2500x128xi32, #tpu.memory_space<hbm>> -> memref<1x78x128xi32, #tpu.memory_space<hbm>>
    %dma_start3A_51 = tpu.memref_squeeze %dma_start3A_50 : memref<1x78x128xi32, #tpu.memory_space<hbm>> -> memref<78x128xi32, #tpu.memory_space<hbm>>
    %dma_start3A_52 = tpu.memref_slice %arg11[%dma_start3A_45] : memref<3x!tpu.dma_semaphore, #tpu.memory_space<semaphore_mem>> -> memref<1x!tpu.dma_semaphore, #tpu.memory_space<semaphore_mem>>
    %dma_start3A_53 = tpu.memref_squeeze %dma_start3A_52 : memref<1x!tpu.dma_semaphore, #tpu.memory_space<semaphore_mem>> -> memref<!tpu.dma_semaphore, #tpu.memory_space<semaphore_mem>>
    %dma_start3A_54 = arith.constant 0 : i32
    %dma_start3A_55 = arith.constant 0 : i32
    %dma_start3A_56 = tpu.memref_slice %arg6[%dma_start3A_54, %dma_start3A_55] : memref<79x128xi32, #tpu.memory_space<vmem>> -> memref<78x128xi32, #tpu.memory_space<vmem>>
    %dma_start3A_57 = arith.constant 0 : i32
    %dma_start3A_58 = tpu.memref_slice %arg3[%dma_start3A_44, %mul3A_43, %dma_start3A_57] : memref<2x2500x128xi32, #tpu.memory_space<hbm>> -> memref<1x78x128xi32, #tpu.memory_space<hbm>>
    %dma_start3A_59 = tpu.memref_squeeze %dma_start3A_58 : memref<1x78x128xi32, #tpu.memory_space<hbm>> -> memref<78x128xi32, #tpu.memory_space<hbm>>
    tpu.enqueue_dma source(%dma_start3A_59 : memref<78x128xi32, #tpu.memory_space<hbm>>) target(%dma_start3A_56 : memref<78x128xi32, #tpu.memory_space<vmem>>) target_semaphore(%dma_start3A_53 : memref<!tpu.dma_semaphore, #tpu.memory_space<semaphore_mem>>)
    %dma_wait3A = arith.constant 0 : i32
    %dma_wait3A_60 = tpu.memref_slice %arg11[%dma_wait3A] : memref<3x!tpu.dma_semaphore, #tpu.memory_space<semaphore_mem>> -> memref<1x!tpu.dma_semaphore, #tpu.memory_space<semaphore_mem>>
    %dma_wait3A_61 = tpu.memref_squeeze %dma_wait3A_60 : memref<1x!tpu.dma_semaphore, #tpu.memory_space<semaphore_mem>> -> memref<!tpu.dma_semaphore, #tpu.memory_space<semaphore_mem>>
    %dma_wait3A_62 = arith.constant 0 : i32
    %dma_wait3A_63 = tpu.memref_slice %arg9[%mul3A_6, %dma_wait3A_62] : memref<10000x64xf32, #tpu.memory_space<vmem_shared>> -> memref<624x64xf32, #tpu.memory_space<vmem_shared>>
    %dma_wait3A_64 = arith.constant 0 : i32
    %dma_wait3A_65 = tpu.memref_slice %arg2[%mul3A_4, %dma_wait3A_64] : memref<10000x64xf32, #tpu.memory_space<hbm>> -> memref<624x64xf32, #tpu.memory_space<hbm>>
    tpu.wait_dma2 semaphore(%dma_wait3A_61 : memref<!tpu.dma_semaphore, #tpu.memory_space<semaphore_mem>>) src(%dma_wait3A_65 : memref<624x64xf32, #tpu.memory_space<hbm>>) dst(%dma_wait3A_63 : memref<624x64xf32, #tpu.memory_space<vmem_shared>>)
    %dma_wait3A_66 = arith.constant 1 : i32
    %dma_wait3A_67 = tpu.memref_slice %arg11[%dma_wait3A_66] : memref<3x!tpu.dma_semaphore, #tpu.memory_space<semaphore_mem>> -> memref<1x!tpu.dma_semaphore, #tpu.memory_space<semaphore_mem>>
    %dma_wait3A_68 = tpu.memref_squeeze %dma_wait3A_67 : memref<1x!tpu.dma_semaphore, #tpu.memory_space<semaphore_mem>> -> memref<!tpu.dma_semaphore, #tpu.memory_space<semaphore_mem>>
    %dma_wait3A_69 = arith.constant 0 : i32
    %dma_wait3A_70 = tpu.memref_slice %arg8[%mul3A_16, %dma_wait3A_69] : memref<10016x64xf32, #tpu.memory_space<vmem_shared>> -> memref<624x64xf32, #tpu.memory_space<vmem_shared>>
    %dma_wait3A_71 = arith.constant 0 : i32
    %dma_wait3A_72 = tpu.memref_slice %arg2[%mul3A_14, %dma_wait3A_71] : memref<10000x64xf32, #tpu.memory_space<hbm>> -> memref<624x64xf32, #tpu.memory_space<hbm>>
    tpu.wait_dma2 semaphore(%dma_wait3A_68 : memref<!tpu.dma_semaphore, #tpu.memory_space<semaphore_mem>>) src(%dma_wait3A_72 : memref<624x64xf32, #tpu.memory_space<hbm>>) dst(%dma_wait3A_70 : memref<624x64xf32, #tpu.memory_space<vmem_shared>>)
    %dma_wait3A_73 = arith.constant 0 : i32
    %dma_wait3A_74 = arith.constant 2 : i32
    %dma_wait3A_75 = arith.constant 0 : i32
    %dma_wait3A_76 = arith.constant 0 : i32
    %dma_wait3A_77 = tpu.memref_slice %arg5[%dma_wait3A_75, %dma_wait3A_76] : memref<79x128xi32, #tpu.memory_space<vmem>> -> memref<78x128xi32, #tpu.memory_space<vmem>>
    %dma_wait3A_78 = arith.constant 0 : i32
    %dma_wait3A_79 = tpu.memref_slice %arg3[%dma_wait3A_73, %mul3A_25, %dma_wait3A_78] : memref<2x2500x128xi32, #tpu.memory_space<hbm>> -> memref<1x78x128xi32, #tpu.memory_space<hbm>>
    %dma_wait3A_80 = tpu.memref_squeeze %dma_wait3A_79 : memref<1x78x128xi32, #tpu.memory_space<hbm>> -> memref<78x128xi32, #tpu.memory_space<hbm>>
    %dma_wait3A_81 = tpu.memref_slice %arg11[%dma_wait3A_74] : memref<3x!tpu.dma_semaphore, #tpu.memory_space<semaphore_mem>> -> memref<1x!tpu.dma_semaphore, #tpu.memory_space<semaphore_mem>>
    %dma_wait3A_82 = tpu.memref_squeeze %dma_wait3A_81 : memref<1x!tpu.dma_semaphore, #tpu.memory_space<semaphore_mem>> -> memref<!tpu.dma_semaphore, #tpu.memory_space<semaphore_mem>>
    %dma_wait3A_83 = arith.constant 0 : i32
    %dma_wait3A_84 = arith.constant 0 : i32
    %dma_wait3A_85 = tpu.memref_slice %arg5[%dma_wait3A_83, %dma_wait3A_84] : memref<79x128xi32, #tpu.memory_space<vmem>> -> memref<78x128xi32, #tpu.memory_space<vmem>>
    %dma_wait3A_86 = arith.constant 0 : i32
    %dma_wait3A_87 = tpu.memref_slice %arg3[%dma_wait3A_73, %mul3A_25, %dma_wait3A_86] : memref<2x2500x128xi32, #tpu.memory_space<hbm>> -> memref<1x78x128xi32, #tpu.memory_space<hbm>>
    %dma_wait3A_88 = tpu.memref_squeeze %dma_wait3A_87 : memref<1x78x128xi32, #tpu.memory_space<hbm>> -> memref<78x128xi32, #tpu.memory_space<hbm>>
    tpu.wait_dma2 semaphore(%dma_wait3A_82 : memref<!tpu.dma_semaphore, #tpu.memory_space<semaphore_mem>>) src(%dma_wait3A_88 : memref<78x128xi32, #tpu.memory_space<hbm>>) dst(%dma_wait3A_85 : memref<78x128xi32, #tpu.memory_space<vmem>>)
    %dma_wait3A_89 = arith.constant 0 : i32
    %dma_wait3A_90 = arith.constant 2 : i32
    %dma_wait3A_91 = arith.constant 0 : i32
    %dma_wait3A_92 = arith.constant 0 : i32
    %dma_wait3A_93 = tpu.memref_slice %arg5[%dma_wait3A_91, %dma_wait3A_92] : memref<79x128xi32, #tpu.memory_space<vmem>> -> memref<78x128xi32, #tpu.memory_space<vmem>>
    %dma_wait3A_94 = arith.constant 0 : i32
    %dma_wait3A_95 = tpu.memref_slice %arg3[%dma_wait3A_89, %mul3A_25, %dma_wait3A_94] : memref<2x2500x128xi32, #tpu.memory_space<hbm>> -> memref<1x78x128xi32, #tpu.memory_space<hbm>>
    %dma_wait3A_96 = tpu.memref_squeeze %dma_wait3A_95 : memref<1x78x128xi32, #tpu.memory_space<hbm>> -> memref<78x128xi32, #tpu.memory_space<hbm>>
    %dma_wait3A_97 = tpu.memref_slice %arg11[%dma_wait3A_90] : memref<3x!tpu.dma_semaphore, #tpu.memory_space<semaphore_mem>> -> memref<1x!tpu.dma_semaphore, #tpu.memory_space<semaphore_mem>>
    %dma_wait3A_98 = tpu.memref_squeeze %dma_wait3A_97 : memref<1x!tpu.dma_semaphore, #tpu.memory_space<semaphore_mem>> -> memref<!tpu.dma_semaphore, #tpu.memory_space<semaphore_mem>>
    %dma_wait3A_99 = arith.constant 0 : i32
    %dma_wait3A_100 = arith.constant 0 : i32
    %dma_wait3A_101 = tpu.memref_slice %arg5[%dma_wait3A_99, %dma_wait3A_100] : memref<79x128xi32, #tpu.memory_space<vmem>> -> memref<78x128xi32, #tpu.memory_space<vmem>>
    %dma_wait3A_102 = arith.constant 0 : i32
    %dma_wait3A_103 = tpu.memref_slice %arg3[%dma_wait3A_89, %mul3A_25, %dma_wait3A_102] : memref<2x2500x128xi32, #tpu.memory_space<hbm>> -> memref<1x78x128xi32, #tpu.memory_space<hbm>>
    %dma_wait3A_104 = tpu.memref_squeeze %dma_wait3A_103 : memref<1x78x128xi32, #tpu.memory_space<hbm>> -> memref<78x128xi32, #tpu.memory_space<hbm>>
    tpu.wait_dma2 semaphore(%dma_wait3A_98 : memref<!tpu.dma_semaphore, #tpu.memory_space<semaphore_mem>>) src(%dma_wait3A_104 : memref<78x128xi32, #tpu.memory_space<hbm>>) dst(%dma_wait3A_101 : memref<78x128xi32, #tpu.memory_space<vmem>>)
    %lt3A_105 = arith.constant 4 : i32
    %lt3A_106 = arith.cmpi slt, %add3A, %lt3A_105 : i32
    %convert_element_type3A = arith.extui %lt3A_106 : i1 to i32
    %cond3A = arith.constant 0 : i32
    %cond3A_107 = arith.cmpi ne, %convert_element_type3A, %cond3A : i32
    scf.if %cond3A_107 {
      %add3A_147 = arith.constant 2496 : i32
      %add3A_148 = arith.addi %add3A_147, %add3A : i32
      %run_scoped3A = arith.constant 0 : i32
      "tpu.region"() ({
        %run_scoped3A_152 = tpu.sem_alloc : memref<!tpu.dma_semaphore, #tpu.memory_space<semaphore_mem>>
        %dma_start3A_153 = arith.constant 78 : i32
        %dma_start3A_154 = arith.constant 0 : i32
        %dma_start3A_155 = tpu.memref_slice %arg5[%dma_start3A_153, %dma_start3A_154] : memref<79x128xi32, #tpu.memory_space<vmem>> -> memref<1x128xi32, #tpu.memory_space<vmem>>
        %dma_start3A_156 = arith.constant 0 : i32
        %dma_start3A_157 = tpu.memref_slice %arg3[%run_scoped3A, %add3A_148, %dma_start3A_156] : memref<2x2500x128xi32, #tpu.memory_space<hbm>> -> memref<1x1x128xi32, #tpu.memory_space<hbm>>
        %dma_start3A_158 = tpu.memref_squeeze %dma_start3A_157 : memref<1x1x128xi32, #tpu.memory_space<hbm>> -> memref<1x128xi32, #tpu.memory_space<hbm>>
        %dma_start3A_159 = arith.constant 78 : i32
        %dma_start3A_160 = arith.constant 0 : i32
        %dma_start3A_161 = tpu.memref_slice %arg5[%dma_start3A_159, %dma_start3A_160] : memref<79x128xi32, #tpu.memory_space<vmem>> -> memref<1x128xi32, #tpu.memory_space<vmem>>
        %dma_start3A_162 = arith.constant 0 : i32
        %dma_start3A_163 = tpu.memref_slice %arg3[%run_scoped3A, %add3A_148, %dma_start3A_162] : memref<2x2500x128xi32, #tpu.memory_space<hbm>> -> memref<1x1x128xi32, #tpu.memory_space<hbm>>
        %dma_start3A_164 = tpu.memref_squeeze %dma_start3A_163 : memref<1x1x128xi32, #tpu.memory_space<hbm>> -> memref<1x128xi32, #tpu.memory_space<hbm>>
        tpu.enqueue_dma source(%dma_start3A_164 : memref<1x128xi32, #tpu.memory_space<hbm>>) target(%dma_start3A_161 : memref<1x128xi32, #tpu.memory_space<vmem>>) target_semaphore(%run_scoped3A_152 : memref<!tpu.dma_semaphore, #tpu.memory_space<semaphore_mem>>)
        %dma_wait3A_165 = arith.constant 78 : i32
        %dma_wait3A_166 = arith.constant 0 : i32
        %dma_wait3A_167 = tpu.memref_slice %arg5[%dma_wait3A_165, %dma_wait3A_166] : memref<79x128xi32, #tpu.memory_space<vmem>> -> memref<1x128xi32, #tpu.memory_space<vmem>>
        %dma_wait3A_168 = arith.constant 0 : i32
        %dma_wait3A_169 = tpu.memref_slice %arg3[%run_scoped3A, %add3A_148, %dma_wait3A_168] : memref<2x2500x128xi32, #tpu.memory_space<hbm>> -> memref<1x1x128xi32, #tpu.memory_space<hbm>>
        %dma_wait3A_170 = tpu.memref_squeeze %dma_wait3A_169 : memref<1x1x128xi32, #tpu.memory_space<hbm>> -> memref<1x128xi32, #tpu.memory_space<hbm>>
        %dma_wait3A_171 = arith.constant 78 : i32
        %dma_wait3A_172 = arith.constant 0 : i32
        %dma_wait3A_173 = tpu.memref_slice %arg5[%dma_wait3A_171, %dma_wait3A_172] : memref<79x128xi32, #tpu.memory_space<vmem>> -> memref<1x128xi32, #tpu.memory_space<vmem>>
        %dma_wait3A_174 = arith.constant 0 : i32
        %dma_wait3A_175 = tpu.memref_slice %arg3[%run_scoped3A, %add3A_148, %dma_wait3A_174] : memref<2x2500x128xi32, #tpu.memory_space<hbm>> -> memref<1x1x128xi32, #tpu.memory_space<hbm>>
        %dma_wait3A_176 = tpu.memref_squeeze %dma_wait3A_175 : memref<1x1x128xi32, #tpu.memory_space<hbm>> -> memref<1x128xi32, #tpu.memory_space<hbm>>
        tpu.wait_dma2 semaphore(%run_scoped3A_152 : memref<!tpu.dma_semaphore, #tpu.memory_space<semaphore_mem>>) src(%dma_wait3A_176 : memref<1x128xi32, #tpu.memory_space<hbm>>) dst(%dma_wait3A_173 : memref<1x128xi32, #tpu.memory_space<vmem>>)
        tpu.yield
      }) : () -> ()
      %add3A_149 = arith.constant 2496 : i32
      %add3A_150 = arith.addi %add3A_149, %add3A : i32
      %run_scoped3A_151 = arith.constant 1 : i32
      "tpu.region"() ({
        %run_scoped3A_152 = tpu.sem_alloc : memref<!tpu.dma_semaphore, #tpu.memory_space<semaphore_mem>>
        %dma_start3A_153 = arith.constant 78 : i32
        %dma_start3A_154 = arith.constant 0 : i32
        %dma_start3A_155 = tpu.memref_slice %arg6[%dma_start3A_153, %dma_start3A_154] : memref<79x128xi32, #tpu.memory_space<vmem>> -> memref<1x128xi32, #tpu.memory_space<vmem>>
        %dma_start3A_156 = arith.constant 0 : i32
        %dma_start3A_157 = tpu.memref_slice %arg3[%run_scoped3A_151, %add3A_150, %dma_start3A_156] : memref<2x2500x128xi32, #tpu.memory_space<hbm>> -> memref<1x1x128xi32, #tpu.memory_space<hbm>>
        %dma_start3A_158 = tpu.memref_squeeze %dma_start3A_157 : memref<1x1x128xi32, #tpu.memory_space<hbm>> -> memref<1x128xi32, #tpu.memory_space<hbm>>
        %dma_start3A_159 = arith.constant 78 : i32
        %dma_start3A_160 = arith.constant 0 : i32
        %dma_start3A_161 = tpu.memref_slice %arg6[%dma_start3A_159, %dma_start3A_160] : memref<79x128xi32, #tpu.memory_space<vmem>> -> memref<1x128xi32, #tpu.memory_space<vmem>>
        %dma_start3A_162 = arith.constant 0 : i32
        %dma_start3A_163 = tpu.memref_slice %arg3[%run_scoped3A_151, %add3A_150, %dma_start3A_162] : memref<2x2500x128xi32, #tpu.memory_space<hbm>> -> memref<1x1x128xi32, #tpu.memory_space<hbm>>
        %dma_start3A_164 = tpu.memref_squeeze %dma_start3A_163 : memref<1x1x128xi32, #tpu.memory_space<hbm>> -> memref<1x128xi32, #tpu.memory_space<hbm>>
        tpu.enqueue_dma source(%dma_start3A_164 : memref<1x128xi32, #tpu.memory_space<hbm>>) target(%dma_start3A_161 : memref<1x128xi32, #tpu.memory_space<vmem>>) target_semaphore(%run_scoped3A_152 : memref<!tpu.dma_semaphore, #tpu.memory_space<semaphore_mem>>)
        %dma_wait3A_165 = arith.constant 78 : i32
        %dma_wait3A_166 = arith.constant 0 : i32
        %dma_wait3A_167 = tpu.memref_slice %arg6[%dma_wait3A_165, %dma_wait3A_166] : memref<79x128xi32, #tpu.memory_space<vmem>> -> memref<1x128xi32, #tpu.memory_space<vmem>>
        %dma_wait3A_168 = arith.constant 0 : i32
        %dma_wait3A_169 = tpu.memref_slice %arg3[%run_scoped3A_151, %add3A_150, %dma_wait3A_168] : memref<2x2500x128xi32, #tpu.memory_space<hbm>> -> memref<1x1x128xi32, #tpu.memory_space<hbm>>
        %dma_wait3A_170 = tpu.memref_squeeze %dma_wait3A_169 : memref<1x1x128xi32, #tpu.memory_space<hbm>> -> memref<1x128xi32, #tpu.memory_space<hbm>>
        %dma_wait3A_171 = arith.constant 78 : i32
        %dma_wait3A_172 = arith.constant 0 : i32
        %dma_wait3A_173 = tpu.memref_slice %arg6[%dma_wait3A_171, %dma_wait3A_172] : memref<79x128xi32, #tpu.memory_space<vmem>> -> memref<1x128xi32, #tpu.memory_space<vmem>>
        %dma_wait3A_174 = arith.constant 0 : i32
        %dma_wait3A_175 = tpu.memref_slice %arg3[%run_scoped3A_151, %add3A_150, %dma_wait3A_174] : memref<2x2500x128xi32, #tpu.memory_space<hbm>> -> memref<1x1x128xi32, #tpu.memory_space<hbm>>
        %dma_wait3A_176 = tpu.memref_squeeze %dma_wait3A_175 : memref<1x1x128xi32, #tpu.memory_space<hbm>> -> memref<1x128xi32, #tpu.memory_space<hbm>>
        tpu.wait_dma2 semaphore(%run_scoped3A_152 : memref<!tpu.dma_semaphore, #tpu.memory_space<semaphore_mem>>) src(%dma_wait3A_176 : memref<1x128xi32, #tpu.memory_space<hbm>>) dst(%dma_wait3A_173 : memref<1x128xi32, #tpu.memory_space<vmem>>)
        tpu.yield
      }) : () -> ()
    } else {
    }
    %eq3A = arith.constant 15 : i32
    %eq3A_108 = arith.cmpi eq, %arg1, %eq3A : i32
    %convert_element_type3A_109 = arith.extui %eq3A_108 : i1 to i32
    %cond3A_110 = arith.constant 0 : i32
    %cond3A_111 = arith.cmpi ne, %convert_element_type3A_109, %cond3A_110 : i32
    scf.if %cond3A_111 {
      "tpu.region"() ({
        %run_scoped3A = tpu.sem_alloc : memref<!tpu.dma_semaphore, #tpu.memory_space<semaphore_mem>>
        %dma_start3A_147 = arith.constant 9984 : i32
        %dma_start3A_148 = arith.constant 0 : i32
        %dma_start3A_149 = tpu.memref_slice %arg9[%dma_start3A_147, %dma_start3A_148] : memref<10000x64xf32, #tpu.memory_space<vmem_shared>> -> memref<16x64xf32, #tpu.memory_space<vmem_shared>>
        %dma_start3A_150 = arith.constant 9984 : i32
        %dma_start3A_151 = arith.constant 0 : i32
        %dma_start3A_152 = tpu.memref_slice %arg2[%dma_start3A_150, %dma_start3A_151] : memref<10000x64xf32, #tpu.memory_space<hbm>> -> memref<16x64xf32, #tpu.memory_space<hbm>>
        tpu.enqueue_dma source(%dma_start3A_152 : memref<16x64xf32, #tpu.memory_space<hbm>>) target(%dma_start3A_149 : memref<16x64xf32, #tpu.memory_space<vmem_shared>>) target_semaphore(%run_scoped3A : memref<!tpu.dma_semaphore, #tpu.memory_space<semaphore_mem>>)
        %dma_wait3A_153 = arith.constant 9984 : i32
        %dma_wait3A_154 = arith.constant 0 : i32
        %dma_wait3A_155 = tpu.memref_slice %arg9[%dma_wait3A_153, %dma_wait3A_154] : memref<10000x64xf32, #tpu.memory_space<vmem_shared>> -> memref<16x64xf32, #tpu.memory_space<vmem_shared>>
        %dma_wait3A_156 = arith.constant 9984 : i32
        %dma_wait3A_157 = arith.constant 0 : i32
        %dma_wait3A_158 = tpu.memref_slice %arg2[%dma_wait3A_156, %dma_wait3A_157] : memref<10000x64xf32, #tpu.memory_space<hbm>> -> memref<16x64xf32, #tpu.memory_space<hbm>>
        tpu.wait_dma2 semaphore(%run_scoped3A : memref<!tpu.dma_semaphore, #tpu.memory_space<semaphore_mem>>) src(%dma_wait3A_158 : memref<16x64xf32, #tpu.memory_space<hbm>>) dst(%dma_wait3A_155 : memref<16x64xf32, #tpu.memory_space<vmem_shared>>)
        tpu.yield
      }) : () -> ()
      "tpu.region"() ({
        %run_scoped3A = tpu.sem_alloc : memref<!tpu.dma_semaphore, #tpu.memory_space<semaphore_mem>>
        %dma_start3A_147 = arith.constant 9984 : i32
        %dma_start3A_148 = arith.constant 0 : i32
        %dma_start3A_149 = tpu.memref_slice %arg8[%dma_start3A_147, %dma_start3A_148] : memref<10016x64xf32, #tpu.memory_space<vmem_shared>> -> memref<16x64xf32, #tpu.memory_space<vmem_shared>>
        %dma_start3A_150 = arith.constant 9984 : i32
        %dma_start3A_151 = arith.constant 0 : i32
        %dma_start3A_152 = tpu.memref_slice %arg2[%dma_start3A_150, %dma_start3A_151] : memref<10000x64xf32, #tpu.memory_space<hbm>> -> memref<16x64xf32, #tpu.memory_space<hbm>>
        tpu.enqueue_dma source(%dma_start3A_152 : memref<16x64xf32, #tpu.memory_space<hbm>>) target(%dma_start3A_149 : memref<16x64xf32, #tpu.memory_space<vmem_shared>>) target_semaphore(%run_scoped3A : memref<!tpu.dma_semaphore, #tpu.memory_space<semaphore_mem>>)
        %dma_wait3A_153 = arith.constant 9984 : i32
        %dma_wait3A_154 = arith.constant 0 : i32
        %dma_wait3A_155 = tpu.memref_slice %arg8[%dma_wait3A_153, %dma_wait3A_154] : memref<10016x64xf32, #tpu.memory_space<vmem_shared>> -> memref<16x64xf32, #tpu.memory_space<vmem_shared>>
        %dma_wait3A_156 = arith.constant 9984 : i32
        %dma_wait3A_157 = arith.constant 0 : i32
        %dma_wait3A_158 = tpu.memref_slice %arg2[%dma_wait3A_156, %dma_wait3A_157] : memref<10000x64xf32, #tpu.memory_space<hbm>> -> memref<16x64xf32, #tpu.memory_space<hbm>>
        tpu.wait_dma2 semaphore(%run_scoped3A : memref<!tpu.dma_semaphore, #tpu.memory_space<semaphore_mem>>) src(%dma_wait3A_158 : memref<16x64xf32, #tpu.memory_space<hbm>>) dst(%dma_wait3A_155 : memref<16x64xf32, #tpu.memory_space<vmem_shared>>)
        tpu.yield
      }) : () -> ()
    } else {
    }
    %barrier3A = arith.constant 0 : index
    tpu.barrier barrier_id(%barrier3A)
    %dma_start3A_112 = arith.constant 0 : i32
    %dma_start3A_113 = arith.constant 0 : i32
    %dma_start3A_114 = arith.constant 0 : i32
    %dma_start3A_115 = arith.constant 0 : i32
    %dma_start3A_116 = arith.constant 0 : i32
    %dma_start3A_117 = tpu.memref_slice %arg7[%dma_start3A_113, %dma_start3A_115, %dma_start3A_116] : memref<2x128x64xf32, #tpu.memory_space<vmem>> -> memref<1x128x64xf32, #tpu.memory_space<vmem>>
    %dma_start3A_118 = tpu.memref_squeeze %dma_start3A_117 : memref<1x128x64xf32, #tpu.memory_space<vmem>> -> memref<128x64xf32, #tpu.memory_space<vmem>>
    %dma_start3A_119 = arith.constant 0 : i32
    %dma_start3A_120 = tpu.memref_slice %arg5[%dma_start3A_112, %dma_start3A_119] : memref<79x128xi32, #tpu.memory_space<vmem>> -> memref<1x128xi32, #tpu.memory_space<vmem>>
    %dma_start3A_121 = tpu.memref_squeeze %dma_start3A_120 : memref<1x128xi32, #tpu.memory_space<vmem>> -> memref<128xi32, #tpu.memory_space<vmem>>
    %dma_start3A_122 = arith.constant 0 : i32
    %dma_start3A_123 = arith.constant 0 : i32
    %dma_start3A_124 = tpu.memref_slice %arg9[%dma_start3A_122, %dma_start3A_123] : memref<10000x64xf32, #tpu.memory_space<vmem_shared>> -> memref<10000x64xf32, #tpu.memory_space<vmem_shared>>
    %dma_start3A_125 = tpu.memref_slice %arg10[%dma_start3A_114] : memref<2x!tpu.dma_semaphore, #tpu.memory_space<semaphore_mem>> -> memref<1x!tpu.dma_semaphore, #tpu.memory_space<semaphore_mem>>
    %dma_start3A_126 = tpu.memref_squeeze %dma_start3A_125 : memref<1x!tpu.dma_semaphore, #tpu.memory_space<semaphore_mem>> -> memref<!tpu.dma_semaphore, #tpu.memory_space<semaphore_mem>>
    tpu.enqueue_indirect_dma source(%dma_start3A_124 : memref<10000x64xf32, #tpu.memory_space<vmem_shared>>) target(%dma_start3A_118 : memref<128x64xf32, #tpu.memory_space<vmem>>) offsets(%dma_start3A_121 : memref<128xi32, #tpu.memory_space<vmem>>) semaphore(%dma_start3A_126 : memref<!tpu.dma_semaphore, #tpu.memory_space<semaphore_mem>>)
    %scan3A = arith.constant 0 : i32
    %scan3A_127 = arith.constant 0 : i32
    %scan3A_128 = arith.constant 78 : i32
    %scan3A_129 = arith.addi %scan3A_127, %scan3A_128 : i32
    %scan3A_130 = arith.constant 2 : i32
    scf.for %scan3A_147 = %scan3A_127 to %scan3A_129 step %scan3A_130  : i32 {
      %rem3A = arith.constant 2 : i32
      %rem3A_148 = arith.remsi %scan3A_147, %rem3A : i32
      %dma_wait3A_149 = arith.constant 0 : i32
      %dma_wait3A_150 = arith.constant 0 : i32
      %dma_wait3A_151 = tpu.memref_slice %arg7[%rem3A_148, %dma_wait3A_149, %dma_wait3A_150] : memref<2x128x64xf32, #tpu.memory_space<vmem>> -> memref<1x128x64xf32, #tpu.memory_space<vmem>>
      %dma_wait3A_152 = tpu.memref_squeeze %dma_wait3A_151 : memref<1x128x64xf32, #tpu.memory_space<vmem>> -> memref<128x64xf32, #tpu.memory_space<vmem>>
      %dma_wait3A_153 = arith.constant 0 : i32
      %dma_wait3A_154 = tpu.memref_slice %arg5[%scan3A_147, %dma_wait3A_153] : memref<79x128xi32, #tpu.memory_space<vmem>> -> memref<1x128xi32, #tpu.memory_space<vmem>>
      %dma_wait3A_155 = tpu.memref_squeeze %dma_wait3A_154 : memref<1x128xi32, #tpu.memory_space<vmem>> -> memref<128xi32, #tpu.memory_space<vmem>>
      %dma_wait3A_156 = arith.constant 0 : i32
      %dma_wait3A_157 = arith.constant 0 : i32
      %dma_wait3A_158 = tpu.memref_slice %arg9[%dma_wait3A_156, %dma_wait3A_157] : memref<10000x64xf32, #tpu.memory_space<vmem_shared>> -> memref<10000x64xf32, #tpu.memory_space<vmem_shared>>
      %dma_wait3A_159 = tpu.memref_slice %arg10[%rem3A_148] : memref<2x!tpu.dma_semaphore, #tpu.memory_space<semaphore_mem>> -> memref<1x!tpu.dma_semaphore, #tpu.memory_space<semaphore_mem>>
      %dma_wait3A_160 = tpu.memref_squeeze %dma_wait3A_159 : memref<1x!tpu.dma_semaphore, #tpu.memory_space<semaphore_mem>> -> memref<!tpu.dma_semaphore, #tpu.memory_space<semaphore_mem>>
      tpu.wait_indirect_dma semaphore(%dma_wait3A_160 : memref<!tpu.dma_semaphore, #tpu.memory_space<semaphore_mem>>) src(%dma_wait3A_158 : memref<10000x64xf32, #tpu.memory_space<vmem_shared>>) dst(%dma_wait3A_152 : memref<128x64xf32, #tpu.memory_space<vmem>>)
      %sub3A = arith.constant 1 : i32
      %sub3A_161 = arith.subi %select_n3A, %sub3A : i32
      %lt3A_162 = arith.cmpi slt, %scan3A_147, %sub3A_161 : i32
      %convert_element_type3A_163 = arith.extui %lt3A_162 : i1 to i32
      %cond3A_164 = arith.constant 0 : i32
      %cond3A_165 = arith.cmpi ne, %convert_element_type3A_163, %cond3A_164 : i32
      scf.if %cond3A_165 {
        %sub3A_188 = arith.constant 1 : i32
        %sub3A_189 = arith.subi %sub3A_188, %rem3A_148 : i32
        %add3A_190 = arith.constant 1 : i32
        %add3A_191 = arith.addi %scan3A_147, %add3A_190 : i32
        %dma_start3A_192 = arith.constant 0 : i32
        %dma_start3A_193 = arith.constant 0 : i32
        %dma_start3A_194 = tpu.memref_slice %arg7[%sub3A_189, %dma_start3A_192, %dma_start3A_193] : memref<2x128x64xf32, #tpu.memory_space<vmem>> -> memref<1x128x64xf32, #tpu.memory_space<vmem>>
        %dma_start3A_195 = tpu.memref_squeeze %dma_start3A_194 : memref<1x128x64xf32, #tpu.memory_space<vmem>> -> memref<128x64xf32, #tpu.memory_space<vmem>>
        %dma_start3A_196 = arith.constant 0 : i32
        %dma_start3A_197 = tpu.memref_slice %arg5[%add3A_191, %dma_start3A_196] : memref<79x128xi32, #tpu.memory_space<vmem>> -> memref<1x128xi32, #tpu.memory_space<vmem>>
        %dma_start3A_198 = tpu.memref_squeeze %dma_start3A_197 : memref<1x128xi32, #tpu.memory_space<vmem>> -> memref<128xi32, #tpu.memory_space<vmem>>
        %dma_start3A_199 = arith.constant 0 : i32
        %dma_start3A_200 = arith.constant 0 : i32
        %dma_start3A_201 = tpu.memref_slice %arg9[%dma_start3A_199, %dma_start3A_200] : memref<10000x64xf32, #tpu.memory_space<vmem_shared>> -> memref<10000x64xf32, #tpu.memory_space<vmem_shared>>
        %dma_start3A_202 = tpu.memref_slice %arg10[%sub3A_189] : memref<2x!tpu.dma_semaphore, #tpu.memory_space<semaphore_mem>> -> memref<1x!tpu.dma_semaphore, #tpu.memory_space<semaphore_mem>>
        %dma_start3A_203 = tpu.memref_squeeze %dma_start3A_202 : memref<1x!tpu.dma_semaphore, #tpu.memory_space<semaphore_mem>> -> memref<!tpu.dma_semaphore, #tpu.memory_space<semaphore_mem>>
        tpu.enqueue_indirect_dma source(%dma_start3A_201 : memref<10000x64xf32, #tpu.memory_space<vmem_shared>>) target(%dma_start3A_195 : memref<128x64xf32, #tpu.memory_space<vmem>>) offsets(%dma_start3A_198 : memref<128xi32, #tpu.memory_space<vmem>>) semaphore(%dma_start3A_203 : memref<!tpu.dma_semaphore, #tpu.memory_space<semaphore_mem>>)
      } else {
      }
      "tpu.region"() ({
        %run_scoped3A = tpu.sem_alloc : memref<!tpu.dma_semaphore, #tpu.memory_space<semaphore_mem>>
        %dma_start3A_188 = arith.constant 0 : i32
        %dma_start3A_189 = arith.constant 0 : i32
        %dma_start3A_190 = tpu.memref_slice %arg7[%rem3A_148, %dma_start3A_188, %dma_start3A_189] : memref<2x128x64xf32, #tpu.memory_space<vmem>> -> memref<1x128x64xf32, #tpu.memory_space<vmem>>
        %dma_start3A_191 = tpu.memref_squeeze %dma_start3A_190 : memref<1x128x64xf32, #tpu.memory_space<vmem>> -> memref<128x64xf32, #tpu.memory_space<vmem>>
        %dma_start3A_192 = arith.constant 0 : i32
        %dma_start3A_193 = tpu.memref_slice %arg6[%scan3A_147, %dma_start3A_192] : memref<79x128xi32, #tpu.memory_space<vmem>> -> memref<1x128xi32, #tpu.memory_space<vmem>>
        %dma_start3A_194 = tpu.memref_squeeze %dma_start3A_193 : memref<1x128xi32, #tpu.memory_space<vmem>> -> memref<128xi32, #tpu.memory_space<vmem>>
        %dma_start3A_195 = arith.constant 0 : i32
        %dma_start3A_196 = arith.constant 0 : i32
        %dma_start3A_197 = tpu.memref_slice %arg8[%dma_start3A_195, %dma_start3A_196] : memref<10016x64xf32, #tpu.memory_space<vmem_shared>> -> memref<10016x64xf32, #tpu.memory_space<vmem_shared>>
        tpu.enqueue_indirect_dma source(%dma_start3A_191 : memref<128x64xf32, #tpu.memory_space<vmem>>) target(%dma_start3A_197 : memref<10016x64xf32, #tpu.memory_space<vmem_shared>>) offsets(%dma_start3A_194 : memref<128xi32, #tpu.memory_space<vmem>>) semaphore(%run_scoped3A : memref<!tpu.dma_semaphore, #tpu.memory_space<semaphore_mem>>) {add = true}
        %dma_wait3A_198 = arith.constant 0 : i32
        %dma_wait3A_199 = arith.constant 0 : i32
        %dma_wait3A_200 = tpu.memref_slice %arg7[%rem3A_148, %dma_wait3A_198, %dma_wait3A_199] : memref<2x128x64xf32, #tpu.memory_space<vmem>> -> memref<1x128x64xf32, #tpu.memory_space<vmem>>
        %dma_wait3A_201 = tpu.memref_squeeze %dma_wait3A_200 : memref<1x128x64xf32, #tpu.memory_space<vmem>> -> memref<128x64xf32, #tpu.memory_space<vmem>>
        %dma_wait3A_202 = arith.constant 0 : i32
        %dma_wait3A_203 = tpu.memref_slice %arg6[%scan3A_147, %dma_wait3A_202] : memref<79x128xi32, #tpu.memory_space<vmem>> -> memref<1x128xi32, #tpu.memory_space<vmem>>
        %dma_wait3A_204 = tpu.memref_squeeze %dma_wait3A_203 : memref<1x128xi32, #tpu.memory_space<vmem>> -> memref<128xi32, #tpu.memory_space<vmem>>
        %dma_wait3A_205 = arith.constant 0 : i32
        %dma_wait3A_206 = arith.constant 0 : i32
        %dma_wait3A_207 = tpu.memref_slice %arg8[%dma_wait3A_205, %dma_wait3A_206] : memref<10016x64xf32, #tpu.memory_space<vmem_shared>> -> memref<10016x64xf32, #tpu.memory_space<vmem_shared>>
        tpu.wait_indirect_dma semaphore(%run_scoped3A : memref<!tpu.dma_semaphore, #tpu.memory_space<semaphore_mem>>) src(%dma_wait3A_201 : memref<128x64xf32, #tpu.memory_space<vmem>>) dst(%dma_wait3A_207 : memref<10016x64xf32, #tpu.memory_space<vmem_shared>>)
        tpu.yield
      }) : () -> ()
      %scan3A_166 = arith.constant 1 : i32
      %scan3A_167 = arith.addi %scan3A_147, %scan3A_166 : i32
      %rem3A_168 = arith.constant 2 : i32
      %rem3A_169 = arith.remsi %scan3A_167, %rem3A_168 : i32
      %dma_wait3A_170 = arith.constant 0 : i32
      %dma_wait3A_171 = arith.constant 0 : i32
      %dma_wait3A_172 = tpu.memref_slice %arg7[%rem3A_169, %dma_wait3A_170, %dma_wait3A_171] : memref<2x128x64xf32, #tpu.memory_space<vmem>> -> memref<1x128x64xf32, #tpu.memory_space<vmem>>
      %dma_wait3A_173 = tpu.memref_squeeze %dma_wait3A_172 : memref<1x128x64xf32, #tpu.memory_space<vmem>> -> memref<128x64xf32, #tpu.memory_space<vmem>>
      %dma_wait3A_174 = arith.constant 0 : i32
      %dma_wait3A_175 = tpu.memref_slice %arg5[%scan3A_167, %dma_wait3A_174] : memref<79x128xi32, #tpu.memory_space<vmem>> -> memref<1x128xi32, #tpu.memory_space<vmem>>
      %dma_wait3A_176 = tpu.memref_squeeze %dma_wait3A_175 : memref<1x128xi32, #tpu.memory_space<vmem>> -> memref<128xi32, #tpu.memory_space<vmem>>
      %dma_wait3A_177 = arith.constant 0 : i32
      %dma_wait3A_178 = arith.constant 0 : i32
      %dma_wait3A_179 = tpu.memref_slice %arg9[%dma_wait3A_177, %dma_wait3A_178] : memref<10000x64xf32, #tpu.memory_space<vmem_shared>> -> memref<10000x64xf32, #tpu.memory_space<vmem_shared>>
      %dma_wait3A_180 = tpu.memref_slice %arg10[%rem3A_169] : memref<2x!tpu.dma_semaphore, #tpu.memory_space<semaphore_mem>> -> memref<1x!tpu.dma_semaphore, #tpu.memory_space<semaphore_mem>>
      %dma_wait3A_181 = tpu.memref_squeeze %dma_wait3A_180 : memref<1x!tpu.dma_semaphore, #tpu.memory_space<semaphore_mem>> -> memref<!tpu.dma_semaphore, #tpu.memory_space<semaphore_mem>>
      tpu.wait_indirect_dma semaphore(%dma_wait3A_181 : memref<!tpu.dma_semaphore, #tpu.memory_space<semaphore_mem>>) src(%dma_wait3A_179 : memref<10000x64xf32, #tpu.memory_space<vmem_shared>>) dst(%dma_wait3A_173 : memref<128x64xf32, #tpu.memory_space<vmem>>)
      %sub3A_182 = arith.constant 1 : i32
      %sub3A_183 = arith.subi %select_n3A, %sub3A_182 : i32
      %lt3A_184 = arith.cmpi slt, %scan3A_167, %sub3A_183 : i32
      %convert_element_type3A_185 = arith.extui %lt3A_184 : i1 to i32
      %cond3A_186 = arith.constant 0 : i32
      %cond3A_187 = arith.cmpi ne, %convert_element_type3A_185, %cond3A_186 : i32
      scf.if %cond3A_187 {
        %sub3A_188 = arith.constant 1 : i32
        %sub3A_189 = arith.subi %sub3A_188, %rem3A_169 : i32
        %add3A_190 = arith.constant 1 : i32
        %add3A_191 = arith.addi %scan3A_167, %add3A_190 : i32
        %dma_start3A_192 = arith.constant 0 : i32
        %dma_start3A_193 = arith.constant 0 : i32
        %dma_start3A_194 = tpu.memref_slice %arg7[%sub3A_189, %dma_start3A_192, %dma_start3A_193] : memref<2x128x64xf32, #tpu.memory_space<vmem>> -> memref<1x128x64xf32, #tpu.memory_space<vmem>>
        %dma_start3A_195 = tpu.memref_squeeze %dma_start3A_194 : memref<1x128x64xf32, #tpu.memory_space<vmem>> -> memref<128x64xf32, #tpu.memory_space<vmem>>
        %dma_start3A_196 = arith.constant 0 : i32
        %dma_start3A_197 = tpu.memref_slice %arg5[%add3A_191, %dma_start3A_196] : memref<79x128xi32, #tpu.memory_space<vmem>> -> memref<1x128xi32, #tpu.memory_space<vmem>>
        %dma_start3A_198 = tpu.memref_squeeze %dma_start3A_197 : memref<1x128xi32, #tpu.memory_space<vmem>> -> memref<128xi32, #tpu.memory_space<vmem>>
        %dma_start3A_199 = arith.constant 0 : i32
        %dma_start3A_200 = arith.constant 0 : i32
        %dma_start3A_201 = tpu.memref_slice %arg9[%dma_start3A_199, %dma_start3A_200] : memref<10000x64xf32, #tpu.memory_space<vmem_shared>> -> memref<10000x64xf32, #tpu.memory_space<vmem_shared>>
        %dma_start3A_202 = tpu.memref_slice %arg10[%sub3A_189] : memref<2x!tpu.dma_semaphore, #tpu.memory_space<semaphore_mem>> -> memref<1x!tpu.dma_semaphore, #tpu.memory_space<semaphore_mem>>
        %dma_start3A_203 = tpu.memref_squeeze %dma_start3A_202 : memref<1x!tpu.dma_semaphore, #tpu.memory_space<semaphore_mem>> -> memref<!tpu.dma_semaphore, #tpu.memory_space<semaphore_mem>>
        tpu.enqueue_indirect_dma source(%dma_start3A_201 : memref<10000x64xf32, #tpu.memory_space<vmem_shared>>) target(%dma_start3A_195 : memref<128x64xf32, #tpu.memory_space<vmem>>) offsets(%dma_start3A_198 : memref<128xi32, #tpu.memory_space<vmem>>) semaphore(%dma_start3A_203 : memref<!tpu.dma_semaphore, #tpu.memory_space<semaphore_mem>>)
      } else {
      }
      "tpu.region"() ({
        %run_scoped3A = tpu.sem_alloc : memref<!tpu.dma_semaphore, #tpu.memory_space<semaphore_mem>>
        %dma_start3A_188 = arith.constant 0 : i32
        %dma_start3A_189 = arith.constant 0 : i32
        %dma_start3A_190 = tpu.memref_slice %arg7[%rem3A_169, %dma_start3A_188, %dma_start3A_189] : memref<2x128x64xf32, #tpu.memory_space<vmem>> -> memref<1x128x64xf32, #tpu.memory_space<vmem>>
        %dma_start3A_191 = tpu.memref_squeeze %dma_start3A_190 : memref<1x128x64xf32, #tpu.memory_space<vmem>> -> memref<128x64xf32, #tpu.memory_space<vmem>>
        %dma_start3A_192 = arith.constant 0 : i32
        %dma_start3A_193 = tpu.memref_slice %arg6[%scan3A_167, %dma_start3A_192] : memref<79x128xi32, #tpu.memory_space<vmem>> -> memref<1x128xi32, #tpu.memory_space<vmem>>
        %dma_start3A_194 = tpu.memref_squeeze %dma_start3A_193 : memref<1x128xi32, #tpu.memory_space<vmem>> -> memref<128xi32, #tpu.memory_space<vmem>>
        %dma_start3A_195 = arith.constant 0 : i32
        %dma_start3A_196 = arith.constant 0 : i32
        %dma_start3A_197 = tpu.memref_slice %arg8[%dma_start3A_195, %dma_start3A_196] : memref<10016x64xf32, #tpu.memory_space<vmem_shared>> -> memref<10016x64xf32, #tpu.memory_space<vmem_shared>>
        tpu.enqueue_indirect_dma source(%dma_start3A_191 : memref<128x64xf32, #tpu.memory_space<vmem>>) target(%dma_start3A_197 : memref<10016x64xf32, #tpu.memory_space<vmem_shared>>) offsets(%dma_start3A_194 : memref<128xi32, #tpu.memory_space<vmem>>) semaphore(%run_scoped3A : memref<!tpu.dma_semaphore, #tpu.memory_space<semaphore_mem>>) {add = true}
        %dma_wait3A_198 = arith.constant 0 : i32
        %dma_wait3A_199 = arith.constant 0 : i32
        %dma_wait3A_200 = tpu.memref_slice %arg7[%rem3A_169, %dma_wait3A_198, %dma_wait3A_199] : memref<2x128x64xf32, #tpu.memory_space<vmem>> -> memref<1x128x64xf32, #tpu.memory_space<vmem>>
        %dma_wait3A_201 = tpu.memref_squeeze %dma_wait3A_200 : memref<1x128x64xf32, #tpu.memory_space<vmem>> -> memref<128x64xf32, #tpu.memory_space<vmem>>
        %dma_wait3A_202 = arith.constant 0 : i32
        %dma_wait3A_203 = tpu.memref_slice %arg6[%scan3A_167, %dma_wait3A_202] : memref<79x128xi32, #tpu.memory_space<vmem>> -> memref<1x128xi32, #tpu.memory_space<vmem>>
        %dma_wait3A_204 = tpu.memref_squeeze %dma_wait3A_203 : memref<1x128xi32, #tpu.memory_space<vmem>> -> memref<128xi32, #tpu.memory_space<vmem>>
        %dma_wait3A_205 = arith.constant 0 : i32
        %dma_wait3A_206 = arith.constant 0 : i32
        %dma_wait3A_207 = tpu.memref_slice %arg8[%dma_wait3A_205, %dma_wait3A_206] : memref<10016x64xf32, #tpu.memory_space<vmem_shared>> -> memref<10016x64xf32, #tpu.memory_space<vmem_shared>>
        tpu.wait_indirect_dma semaphore(%run_scoped3A : memref<!tpu.dma_semaphore, #tpu.memory_space<semaphore_mem>>) src(%dma_wait3A_201 : memref<128x64xf32, #tpu.memory_space<vmem>>) dst(%dma_wait3A_207 : memref<10016x64xf32, #tpu.memory_space<vmem_shared>>)
        tpu.yield
      }) : () -> ()
    }
    %scan3A_131 = arith.constant 78 : i32
    %lt3A_132 = arith.constant 4 : i32
    %lt3A_133 = arith.cmpi slt, %add3A, %lt3A_132 : i32
    %convert_element_type3A_134 = arith.extui %lt3A_133 : i1 to i32
    %cond3A_135 = arith.constant 0 : i32
    %cond3A_136 = arith.cmpi ne, %convert_element_type3A_134, %cond3A_135 : i32
    scf.if %cond3A_136 {
      %dma_wait3A_147 = arith.constant 78 : i32
      %dma_wait3A_148 = arith.constant 0 : i32
      %dma_wait3A_149 = arith.constant 0 : i32
      %dma_wait3A_150 = arith.constant 0 : i32
      %dma_wait3A_151 = arith.constant 0 : i32
      %dma_wait3A_152 = tpu.memref_slice %arg7[%dma_wait3A_148, %dma_wait3A_150, %dma_wait3A_151] : memref<2x128x64xf32, #tpu.memory_space<vmem>> -> memref<1x128x64xf32, #tpu.memory_space<vmem>>
      %dma_wait3A_153 = tpu.memref_squeeze %dma_wait3A_152 : memref<1x128x64xf32, #tpu.memory_space<vmem>> -> memref<128x64xf32, #tpu.memory_space<vmem>>
      %dma_wait3A_154 = arith.constant 0 : i32
      %dma_wait3A_155 = tpu.memref_slice %arg5[%dma_wait3A_147, %dma_wait3A_154] : memref<79x128xi32, #tpu.memory_space<vmem>> -> memref<1x128xi32, #tpu.memory_space<vmem>>
      %dma_wait3A_156 = tpu.memref_squeeze %dma_wait3A_155 : memref<1x128xi32, #tpu.memory_space<vmem>> -> memref<128xi32, #tpu.memory_space<vmem>>
      %dma_wait3A_157 = arith.constant 0 : i32
      %dma_wait3A_158 = arith.constant 0 : i32
      %dma_wait3A_159 = tpu.memref_slice %arg9[%dma_wait3A_157, %dma_wait3A_158] : memref<10000x64xf32, #tpu.memory_space<vmem_shared>> -> memref<10000x64xf32, #tpu.memory_space<vmem_shared>>
      %dma_wait3A_160 = tpu.memref_slice %arg10[%dma_wait3A_149] : memref<2x!tpu.dma_semaphore, #tpu.memory_space<semaphore_mem>> -> memref<1x!tpu.dma_semaphore, #tpu.memory_space<semaphore_mem>>
      %dma_wait3A_161 = tpu.memref_squeeze %dma_wait3A_160 : memref<1x!tpu.dma_semaphore, #tpu.memory_space<semaphore_mem>> -> memref<!tpu.dma_semaphore, #tpu.memory_space<semaphore_mem>>
      tpu.wait_indirect_dma semaphore(%dma_wait3A_161 : memref<!tpu.dma_semaphore, #tpu.memory_space<semaphore_mem>>) src(%dma_wait3A_159 : memref<10000x64xf32, #tpu.memory_space<vmem_shared>>) dst(%dma_wait3A_153 : memref<128x64xf32, #tpu.memory_space<vmem>>)
      %run_scoped3A = arith.constant 0 : i32
      %run_scoped3A_162 = arith.constant 78 : i32
      "tpu.region"() ({
        %run_scoped3A_163 = tpu.sem_alloc : memref<!tpu.dma_semaphore, #tpu.memory_space<semaphore_mem>>
        %dma_start3A_164 = arith.constant 0 : i32
        %dma_start3A_165 = arith.constant 0 : i32
        %dma_start3A_166 = tpu.memref_slice %arg7[%run_scoped3A, %dma_start3A_164, %dma_start3A_165] : memref<2x128x64xf32, #tpu.memory_space<vmem>> -> memref<1x128x64xf32, #tpu.memory_space<vmem>>
        %dma_start3A_167 = tpu.memref_squeeze %dma_start3A_166 : memref<1x128x64xf32, #tpu.memory_space<vmem>> -> memref<128x64xf32, #tpu.memory_space<vmem>>
        %dma_start3A_168 = arith.constant 0 : i32
        %dma_start3A_169 = tpu.memref_slice %arg6[%run_scoped3A_162, %dma_start3A_168] : memref<79x128xi32, #tpu.memory_space<vmem>> -> memref<1x128xi32, #tpu.memory_space<vmem>>
        %dma_start3A_170 = tpu.memref_squeeze %dma_start3A_169 : memref<1x128xi32, #tpu.memory_space<vmem>> -> memref<128xi32, #tpu.memory_space<vmem>>
        %dma_start3A_171 = arith.constant 0 : i32
        %dma_start3A_172 = arith.constant 0 : i32
        %dma_start3A_173 = tpu.memref_slice %arg8[%dma_start3A_171, %dma_start3A_172] : memref<10016x64xf32, #tpu.memory_space<vmem_shared>> -> memref<10016x64xf32, #tpu.memory_space<vmem_shared>>
        tpu.enqueue_indirect_dma source(%dma_start3A_167 : memref<128x64xf32, #tpu.memory_space<vmem>>) target(%dma_start3A_173 : memref<10016x64xf32, #tpu.memory_space<vmem_shared>>) offsets(%dma_start3A_170 : memref<128xi32, #tpu.memory_space<vmem>>) semaphore(%run_scoped3A_163 : memref<!tpu.dma_semaphore, #tpu.memory_space<semaphore_mem>>) {add = true}
        %dma_wait3A_174 = arith.constant 0 : i32
        %dma_wait3A_175 = arith.constant 0 : i32
        %dma_wait3A_176 = tpu.memref_slice %arg7[%run_scoped3A, %dma_wait3A_174, %dma_wait3A_175] : memref<2x128x64xf32, #tpu.memory_space<vmem>> -> memref<1x128x64xf32, #tpu.memory_space<vmem>>
        %dma_wait3A_177 = tpu.memref_squeeze %dma_wait3A_176 : memref<1x128x64xf32, #tpu.memory_space<vmem>> -> memref<128x64xf32, #tpu.memory_space<vmem>>
        %dma_wait3A_178 = arith.constant 0 : i32
        %dma_wait3A_179 = tpu.memref_slice %arg6[%run_scoped3A_162, %dma_wait3A_178] : memref<79x128xi32, #tpu.memory_space<vmem>> -> memref<1x128xi32, #tpu.memory_space<vmem>>
        %dma_wait3A_180 = tpu.memref_squeeze %dma_wait3A_179 : memref<1x128xi32, #tpu.memory_space<vmem>> -> memref<128xi32, #tpu.memory_space<vmem>>
        %dma_wait3A_181 = arith.constant 0 : i32
        %dma_wait3A_182 = arith.constant 0 : i32
        %dma_wait3A_183 = tpu.memref_slice %arg8[%dma_wait3A_181, %dma_wait3A_182] : memref<10016x64xf32, #tpu.memory_space<vmem_shared>> -> memref<10016x64xf32, #tpu.memory_space<vmem_shared>>
        tpu.wait_indirect_dma semaphore(%run_scoped3A_163 : memref<!tpu.dma_semaphore, #tpu.memory_space<semaphore_mem>>) src(%dma_wait3A_177 : memref<128x64xf32, #tpu.memory_space<vmem>>) dst(%dma_wait3A_183 : memref<10016x64xf32, #tpu.memory_space<vmem_shared>>)
        tpu.yield
      }) : () -> ()
    } else {
    }
    %barrier3A_137 = arith.constant 0 : index
    tpu.barrier barrier_id(%barrier3A_137)
    %mul3A_138 = arith.constant 624 : i32
    %mul3A_139 = arith.muli %arg1, %mul3A_138 : i32
    %mul3A_140 = arith.constant 624 : i32
    %mul3A_141 = arith.muli %arg1, %mul3A_140 : i32
    "tpu.region"() ({
      %run_scoped3A = tpu.sem_alloc : memref<!tpu.dma_semaphore, #tpu.memory_space<semaphore_mem>>
      %dma_start3A_147 = arith.constant 0 : i32
      %dma_start3A_148 = tpu.memref_slice %arg4[%arg0, %mul3A_141, %dma_start3A_147] : memref<2x10000x64xf32, #tpu.memory_space<hbm>> -> memref<1x624x64xf32, #tpu.memory_space<hbm>>
      %dma_start3A_149 = tpu.memref_squeeze %dma_start3A_148 : memref<1x624x64xf32, #tpu.memory_space<hbm>> -> memref<624x64xf32, #tpu.memory_space<hbm>>
      %dma_start3A_150 = arith.constant 0 : i32
      %dma_start3A_151 = tpu.memref_slice %arg8[%mul3A_139, %dma_start3A_150] : memref<10016x64xf32, #tpu.memory_space<vmem_shared>> -> memref<624x64xf32, #tpu.memory_space<vmem_shared>>
      tpu.enqueue_dma source(%dma_start3A_151 : memref<624x64xf32, #tpu.memory_space<vmem_shared>>) target(%dma_start3A_149 : memref<624x64xf32, #tpu.memory_space<hbm>>) target_semaphore(%run_scoped3A : memref<!tpu.dma_semaphore, #tpu.memory_space<semaphore_mem>>)
      %dma_wait3A_152 = arith.constant 0 : i32
      %dma_wait3A_153 = tpu.memref_slice %arg4[%arg0, %mul3A_141, %dma_wait3A_152] : memref<2x10000x64xf32, #tpu.memory_space<hbm>> -> memref<1x624x64xf32, #tpu.memory_space<hbm>>
      %dma_wait3A_154 = tpu.memref_squeeze %dma_wait3A_153 : memref<1x624x64xf32, #tpu.memory_space<hbm>> -> memref<624x64xf32, #tpu.memory_space<hbm>>
      %dma_wait3A_155 = arith.constant 0 : i32
      %dma_wait3A_156 = tpu.memref_slice %arg8[%mul3A_139, %dma_wait3A_155] : memref<10016x64xf32, #tpu.memory_space<vmem_shared>> -> memref<624x64xf32, #tpu.memory_space<vmem_shared>>
      tpu.wait_dma2 semaphore(%run_scoped3A : memref<!tpu.dma_semaphore, #tpu.memory_space<semaphore_mem>>) src(%dma_wait3A_156 : memref<624x64xf32, #tpu.memory_space<vmem_shared>>) dst(%dma_wait3A_154 : memref<624x64xf32, #tpu.memory_space<hbm>>)
      tpu.yield
    }) : () -> ()
    %eq3A_142 = arith.constant 15 : i32
    %eq3A_143 = arith.cmpi eq, %arg1, %eq3A_142 : i32
    %convert_element_type3A_144 = arith.extui %eq3A_143 : i1 to i32
    %cond3A_145 = arith.constant 0 : i32
    %cond3A_146 = arith.cmpi ne, %convert_element_type3A_144, %cond3A_145 : i32
    scf.if %cond3A_146 {
      "tpu.region"() ({
        %run_scoped3A = tpu.sem_alloc : memref<!tpu.dma_semaphore, #tpu.memory_space<semaphore_mem>>
        %dma_start3A_147 = arith.constant 9984 : i32
        %dma_start3A_148 = arith.constant 0 : i32
        %dma_start3A_149 = tpu.memref_slice %arg4[%arg0, %dma_start3A_147, %dma_start3A_148] : memref<2x10000x64xf32, #tpu.memory_space<hbm>> -> memref<1x16x64xf32, #tpu.memory_space<hbm>>
        %dma_start3A_150 = tpu.memref_squeeze %dma_start3A_149 : memref<1x16x64xf32, #tpu.memory_space<hbm>> -> memref<16x64xf32, #tpu.memory_space<hbm>>
        %dma_start3A_151 = arith.constant 9984 : i32
        %dma_start3A_152 = arith.constant 0 : i32
        %dma_start3A_153 = tpu.memref_slice %arg8[%dma_start3A_151, %dma_start3A_152] : memref<10016x64xf32, #tpu.memory_space<vmem_shared>> -> memref<16x64xf32, #tpu.memory_space<vmem_shared>>
        tpu.enqueue_dma source(%dma_start3A_153 : memref<16x64xf32, #tpu.memory_space<vmem_shared>>) target(%dma_start3A_150 : memref<16x64xf32, #tpu.memory_space<hbm>>) target_semaphore(%run_scoped3A : memref<!tpu.dma_semaphore, #tpu.memory_space<semaphore_mem>>)
        %dma_wait3A_154 = arith.constant 9984 : i32
        %dma_wait3A_155 = arith.constant 0 : i32
        %dma_wait3A_156 = tpu.memref_slice %arg4[%arg0, %dma_wait3A_154, %dma_wait3A_155] : memref<2x10000x64xf32, #tpu.memory_space<hbm>> -> memref<1x16x64xf32, #tpu.memory_space<hbm>>
        %dma_wait3A_157 = tpu.memref_squeeze %dma_wait3A_156 : memref<1x16x64xf32, #tpu.memory_space<hbm>> -> memref<16x64xf32, #tpu.memory_space<hbm>>
        %dma_wait3A_158 = arith.constant 9984 : i32
        %dma_wait3A_159 = arith.constant 0 : i32
        %dma_wait3A_160 = tpu.memref_slice %arg8[%dma_wait3A_158, %dma_wait3A_159] : memref<10016x64xf32, #tpu.memory_space<vmem_shared>> -> memref<16x64xf32, #tpu.memory_space<vmem_shared>>
        tpu.wait_dma2 semaphore(%run_scoped3A : memref<!tpu.dma_semaphore, #tpu.memory_space<semaphore_mem>>) src(%dma_wait3A_160 : memref<16x64xf32, #tpu.memory_space<vmem_shared>>) dst(%dma_wait3A_157 : memref<16x64xf32, #tpu.memory_space<hbm>>)
        tpu.yield
      }) : () -> ()
    } else {
    }
    return
  }
}

#map = affine_map<(d0, d1) -> (0, 0)>
#map1 = affine_map<(d0, d1) -> (0, 0, 0)>
module attributes {stable_mosaic.version = 14 : i64} {
  func.func @agg(%arg0: i32, %arg1: i32, %arg2: memref<10000x64xf32, #tpu.memory_space<hbm>>, %arg3: memref<2x2500x128xi32, #tpu.memory_space<hbm>>, %arg4: memref<2x10000x64xf32, #tpu.memory_space<hbm>>, %arg5: memref<79x128xi32, #tpu.memory_space<vmem>>, %arg6: memref<79x128xi32, #tpu.memory_space<vmem>>, %arg7: memref<2x128x64xf32, #tpu.memory_space<vmem>>, %arg8: memref<10016x64xf32, #tpu.memory_space<vmem_shared>>, %arg9: memref<10000x64xf32, #tpu.memory_space<vmem_shared>>, %arg10: memref<2x!tpu.dma_semaphore, #tpu.memory_space<semaphore_mem>>, %arg11: memref<3x!tpu.dma_semaphore, #tpu.memory_space<semaphore_mem>>) attributes {dimension_semantics = [#tpu.dimension_semantics<core_parallel>, #tpu.dimension_semantics<subcore_parallel>], iteration_bounds = array<i64: 2, 16>, scalar_prefetch = 0 : i64, scratch_operands = 7 : i64, tpu.core_type = #tpu.core_type<sc_vector_subcore>, window_params = [{transform_indices = #map}, {transform_indices = #map1}, {transform_indices = #map1}]} {
    %mul3A = arith.constant 2 : i32
    %mul3A_0 = arith.muli %arg1, %mul3A : i32
    %add3A = arith.addi %mul3A_0, %arg0 : i32
    %lt3A = arith.constant 4 : i32
    %lt3A_1 = arith.cmpi slt, %add3A, %lt3A : i32
    %jit3A = arith.constant 79 : i32
    %jit3A_2 = arith.constant 78 : i32
    %select_n3A = arith.select %lt3A_1, %jit3A, %jit3A_2 : i32
    %mul3A_3 = arith.constant 624 : i32
    %mul3A_4 = arith.muli %arg1, %mul3A_3 : i32
    %mul3A_5 = arith.constant 624 : i32
    %mul3A_6 = arith.muli %arg1, %mul3A_5 : i32
    %dma_start3A = arith.constant 0 : i32
    %dma_start3A_7 = tpu.memref_slice %arg11[%dma_start3A] : memref<3x!tpu.dma_semaphore, #tpu.memory_space<semaphore_mem>> -> memref<1x!tpu.dma_semaphore, #tpu.memory_space<semaphore_mem>>
    %dma_start3A_8 = tpu.memref_squeeze %dma_start3A_7 : memref<1x!tpu.dma_semaphore, #tpu.memory_space<semaphore_mem>> -> memref<!tpu.dma_semaphore, #tpu.memory_space<semaphore_mem>>
    %dma_start3A_9 = arith.constant 0 : i32
    %dma_start3A_10 = tpu.memref_slice %arg9[%mul3A_6, %dma_start3A_9] : memref<10000x64xf32, #tpu.memory_space<vmem_shared>> -> memref<624x64xf32, #tpu.memory_space<vmem_shared>>
    %dma_start3A_11 = arith.constant 0 : i32
    %dma_start3A_12 = tpu.memref_slice %arg2[%mul3A_4, %dma_start3A_11] : memref<10000x64xf32, #tpu.memory_space<hbm>> -> memref<624x64xf32, #tpu.memory_space<hbm>>
    tpu.enqueue_dma source(%dma_start3A_12 : memref<624x64xf32, #tpu.memory_space<hbm>>) target(%dma_start3A_10 : memref<624x64xf32, #tpu.memory_space<vmem_shared>>) target_semaphore(%dma_start3A_8 : memref<!tpu.dma_semaphore, #tpu.memory_space<semaphore_mem>>)
    %mul3A_13 = arith.constant 624 : i32
    %mul3A_14 = arith.muli %arg1, %mul3A_13 : i32
    %mul3A_15 = arith.constant 624 : i32
    %mul3A_16 = arith.muli %arg1, %mul3A_15 : i32
    %dma_start3A_17 = arith.constant 1 : i32
    %dma_start3A_18 = tpu.memref_slice %arg11[%dma_start3A_17] : memref<3x!tpu.dma_semaphore, #tpu.memory_space<semaphore_mem>> -> memref<1x!tpu.dma_semaphore, #tpu.memory_space<semaphore_mem>>
    %dma_start3A_19 = tpu.memref_squeeze %dma_start3A_18 : memref<1x!tpu.dma_semaphore, #tpu.memory_space<semaphore_mem>> -> memref<!tpu.dma_semaphore, #tpu.memory_space<semaphore_mem>>
    %dma_start3A_20 = arith.constant 0 : i32
    %dma_start3A_21 = tpu.memref_slice %arg8[%mul3A_16, %dma_start3A_20] : memref<10016x64xf32, #tpu.memory_space<vmem_shared>> -> memref<624x64xf32, #tpu.memory_space<vmem_shared>>
    %dma_start3A_22 = arith.constant 0 : i32
    %dma_start3A_23 = tpu.memref_slice %arg2[%mul3A_14, %dma_start3A_22] : memref<10000x64xf32, #tpu.memory_space<hbm>> -> memref<624x64xf32, #tpu.memory_space<hbm>>
    tpu.enqueue_dma source(%dma_start3A_23 : memref<624x64xf32, #tpu.memory_space<hbm>>) target(%dma_start3A_21 : memref<624x64xf32, #tpu.memory_space<vmem_shared>>) target_semaphore(%dma_start3A_19 : memref<!tpu.dma_semaphore, #tpu.memory_space<semaphore_mem>>)
    %mul3A_24 = arith.constant 78 : i32
    %mul3A_25 = arith.muli %add3A, %mul3A_24 : i32
    %dma_start3A_26 = arith.constant 0 : i32
    %dma_start3A_27 = arith.constant 2 : i32
    %dma_start3A_28 = arith.constant 0 : i32
    %dma_start3A_29 = arith.constant 0 : i32
    %dma_start3A_30 = tpu.memref_slice %arg5[%dma_start3A_28, %dma_start3A_29] : memref<79x128xi32, #tpu.memory_space<vmem>> -> memref<78x128xi32, #tpu.memory_space<vmem>>
    %dma_start3A_31 = arith.constant 0 : i32
    %dma_start3A_32 = tpu.memref_slice %arg3[%dma_start3A_26, %mul3A_25, %dma_start3A_31] : memref<2x2500x128xi32, #tpu.memory_space<hbm>> -> memref<1x78x128xi32, #tpu.memory_space<hbm>>
    %dma_start3A_33 = tpu.memref_squeeze %dma_start3A_32 : memref<1x78x128xi32, #tpu.memory_space<hbm>> -> memref<78x128xi32, #tpu.memory_space<hbm>>
    %dma_start3A_34 = tpu.memref_slice %arg11[%dma_start3A_27] : memref<3x!tpu.dma_semaphore, #tpu.memory_space<semaphore_mem>> -> memref<1x!tpu.dma_semaphore, #tpu.memory_space<semaphore_mem>>
    %dma_start3A_35 = tpu.memref_squeeze %dma_start3A_34 : memref<1x!tpu.dma_semaphore, #tpu.memory_space<semaphore_mem>> -> memref<!tpu.dma_semaphore, #tpu.memory_space<semaphore_mem>>
    %dma_start3A_36 = arith.constant 0 : i32
    %dma_start3A_37 = arith.constant 0 : i32
    %dma_start3A_38 = tpu.memref_slice %arg5[%dma_start3A_36, %dma_start3A_37] : memref<79x128xi32, #tpu.memory_space<vmem>> -> memref<78x128xi32, #tpu.memory_space<vmem>>
    %dma_start3A_39 = arith.constant 0 : i32
    %dma_start3A_40 = tpu.memref_slice %arg3[%dma_start3A_26, %mul3A_25, %dma_start3A_39] : memref<2x2500x128xi32, #tpu.memory_space<hbm>> -> memref<1x78x128xi32, #tpu.memory_space<hbm>>
    %dma_start3A_41 = tpu.memref_squeeze %dma_start3A_40 : memref<1x78x128xi32, #tpu.memory_space<hbm>> -> memref<78x128xi32, #tpu.memory_space<hbm>>
    tpu.enqueue_dma source(%dma_start3A_41 : memref<78x128xi32, #tpu.memory_space<hbm>>) target(%dma_start3A_38 : memref<78x128xi32, #tpu.memory_space<vmem>>) target_semaphore(%dma_start3A_35 : memref<!tpu.dma_semaphore, #tpu.memory_space<semaphore_mem>>)
    %mul3A_42 = arith.constant 78 : i32
    %mul3A_43 = arith.muli %add3A, %mul3A_42 : i32
    %dma_start3A_44 = arith.constant 1 : i32
    %dma_start3A_45 = arith.constant 2 : i32
    %dma_start3A_46 = arith.constant 0 : i32
    %dma_start3A_47 = arith.constant 0 : i32
    %dma_start3A_48 = tpu.memref_slice %arg6[%dma_start3A_46, %dma_start3A_47] : memref<79x128xi32, #tpu.memory_space<vmem>> -> memref<78x128xi32, #tpu.memory_space<vmem>>
    %dma_start3A_49 = arith.constant 0 : i32
    %dma_start3A_50 = tpu.memref_slice %arg3[%dma_start3A_44, %mul3A_43, %dma_start3A_49] : memref<2x2500x128xi32, #tpu.memory_space<hbm>> -> memref<1x78x128xi32, #tpu.memory_space<hbm>>
    %dma_start3A_51 = tpu.memref_squeeze %dma_start3A_50 : memref<1x78x128xi32, #tpu.memory_space<hbm>> -> memref<78x128xi32, #tpu.memory_space<hbm>>
    %dma_start3A_52 = tpu.memref_slice %arg11[%dma_start3A_45] : memref<3x!tpu.dma_semaphore, #tpu.memory_space<semaphore_mem>> -> memref<1x!tpu.dma_semaphore, #tpu.memory_space<semaphore_mem>>
    %dma_start3A_53 = tpu.memref_squeeze %dma_start3A_52 : memref<1x!tpu.dma_semaphore, #tpu.memory_space<semaphore_mem>> -> memref<!tpu.dma_semaphore, #tpu.memory_space<semaphore_mem>>
    %dma_start3A_54 = arith.constant 0 : i32
    %dma_start3A_55 = arith.constant 0 : i32
    %dma_start3A_56 = tpu.memref_slice %arg6[%dma_start3A_54, %dma_start3A_55] : memref<79x128xi32, #tpu.memory_space<vmem>> -> memref<78x128xi32, #tpu.memory_space<vmem>>
    %dma_start3A_57 = arith.constant 0 : i32
    %dma_start3A_58 = tpu.memref_slice %arg3[%dma_start3A_44, %mul3A_43, %dma_start3A_57] : memref<2x2500x128xi32, #tpu.memory_space<hbm>> -> memref<1x78x128xi32, #tpu.memory_space<hbm>>
    %dma_start3A_59 = tpu.memref_squeeze %dma_start3A_58 : memref<1x78x128xi32, #tpu.memory_space<hbm>> -> memref<78x128xi32, #tpu.memory_space<hbm>>
    tpu.enqueue_dma source(%dma_start3A_59 : memref<78x128xi32, #tpu.memory_space<hbm>>) target(%dma_start3A_56 : memref<78x128xi32, #tpu.memory_space<vmem>>) target_semaphore(%dma_start3A_53 : memref<!tpu.dma_semaphore, #tpu.memory_space<semaphore_mem>>)
    %dma_wait3A = arith.constant 0 : i32
    %dma_wait3A_60 = tpu.memref_slice %arg11[%dma_wait3A] : memref<3x!tpu.dma_semaphore, #tpu.memory_space<semaphore_mem>> -> memref<1x!tpu.dma_semaphore, #tpu.memory_space<semaphore_mem>>
    %dma_wait3A_61 = tpu.memref_squeeze %dma_wait3A_60 : memref<1x!tpu.dma_semaphore, #tpu.memory_space<semaphore_mem>> -> memref<!tpu.dma_semaphore, #tpu.memory_space<semaphore_mem>>
    %dma_wait3A_62 = arith.constant 0 : i32
    %dma_wait3A_63 = tpu.memref_slice %arg9[%mul3A_6, %dma_wait3A_62] : memref<10000x64xf32, #tpu.memory_space<vmem_shared>> -> memref<624x64xf32, #tpu.memory_space<vmem_shared>>
    %dma_wait3A_64 = arith.constant 0 : i32
    %dma_wait3A_65 = tpu.memref_slice %arg2[%mul3A_4, %dma_wait3A_64] : memref<10000x64xf32, #tpu.memory_space<hbm>> -> memref<624x64xf32, #tpu.memory_space<hbm>>
    tpu.wait_dma2 semaphore(%dma_wait3A_61 : memref<!tpu.dma_semaphore, #tpu.memory_space<semaphore_mem>>) src(%dma_wait3A_65 : memref<624x64xf32, #tpu.memory_space<hbm>>) dst(%dma_wait3A_63 : memref<624x64xf32, #tpu.memory_space<vmem_shared>>)
    %dma_wait3A_66 = arith.constant 1 : i32
    %dma_wait3A_67 = tpu.memref_slice %arg11[%dma_wait3A_66] : memref<3x!tpu.dma_semaphore, #tpu.memory_space<semaphore_mem>> -> memref<1x!tpu.dma_semaphore, #tpu.memory_space<semaphore_mem>>
    %dma_wait3A_68 = tpu.memref_squeeze %dma_wait3A_67 : memref<1x!tpu.dma_semaphore, #tpu.memory_space<semaphore_mem>> -> memref<!tpu.dma_semaphore, #tpu.memory_space<semaphore_mem>>
    %dma_wait3A_69 = arith.constant 0 : i32
    %dma_wait3A_70 = tpu.memref_slice %arg8[%mul3A_16, %dma_wait3A_69] : memref<10016x64xf32, #tpu.memory_space<vmem_shared>> -> memref<624x64xf32, #tpu.memory_space<vmem_shared>>
    %dma_wait3A_71 = arith.constant 0 : i32
    %dma_wait3A_72 = tpu.memref_slice %arg2[%mul3A_14, %dma_wait3A_71] : memref<10000x64xf32, #tpu.memory_space<hbm>> -> memref<624x64xf32, #tpu.memory_space<hbm>>
    tpu.wait_dma2 semaphore(%dma_wait3A_68 : memref<!tpu.dma_semaphore, #tpu.memory_space<semaphore_mem>>) src(%dma_wait3A_72 : memref<624x64xf32, #tpu.memory_space<hbm>>) dst(%dma_wait3A_70 : memref<624x64xf32, #tpu.memory_space<vmem_shared>>)
    %dma_wait3A_73 = arith.constant 0 : i32
    %dma_wait3A_74 = arith.constant 2 : i32
    %dma_wait3A_75 = arith.constant 0 : i32
    %dma_wait3A_76 = arith.constant 0 : i32
    %dma_wait3A_77 = tpu.memref_slice %arg5[%dma_wait3A_75, %dma_wait3A_76] : memref<79x128xi32, #tpu.memory_space<vmem>> -> memref<78x128xi32, #tpu.memory_space<vmem>>
    %dma_wait3A_78 = arith.constant 0 : i32
    %dma_wait3A_79 = tpu.memref_slice %arg3[%dma_wait3A_73, %mul3A_25, %dma_wait3A_78] : memref<2x2500x128xi32, #tpu.memory_space<hbm>> -> memref<1x78x128xi32, #tpu.memory_space<hbm>>
    %dma_wait3A_80 = tpu.memref_squeeze %dma_wait3A_79 : memref<1x78x128xi32, #tpu.memory_space<hbm>> -> memref<78x128xi32, #tpu.memory_space<hbm>>
    %dma_wait3A_81 = tpu.memref_slice %arg11[%dma_wait3A_74] : memref<3x!tpu.dma_semaphore, #tpu.memory_space<semaphore_mem>> -> memref<1x!tpu.dma_semaphore, #tpu.memory_space<semaphore_mem>>
    %dma_wait3A_82 = tpu.memref_squeeze %dma_wait3A_81 : memref<1x!tpu.dma_semaphore, #tpu.memory_space<semaphore_mem>> -> memref<!tpu.dma_semaphore, #tpu.memory_space<semaphore_mem>>
    %dma_wait3A_83 = arith.constant 0 : i32
    %dma_wait3A_84 = arith.constant 0 : i32
    %dma_wait3A_85 = tpu.memref_slice %arg5[%dma_wait3A_83, %dma_wait3A_84] : memref<79x128xi32, #tpu.memory_space<vmem>> -> memref<78x128xi32, #tpu.memory_space<vmem>>
    %dma_wait3A_86 = arith.constant 0 : i32
    %dma_wait3A_87 = tpu.memref_slice %arg3[%dma_wait3A_73, %mul3A_25, %dma_wait3A_86] : memref<2x2500x128xi32, #tpu.memory_space<hbm>> -> memref<1x78x128xi32, #tpu.memory_space<hbm>>
    %dma_wait3A_88 = tpu.memref_squeeze %dma_wait3A_87 : memref<1x78x128xi32, #tpu.memory_space<hbm>> -> memref<78x128xi32, #tpu.memory_space<hbm>>
    tpu.wait_dma2 semaphore(%dma_wait3A_82 : memref<!tpu.dma_semaphore, #tpu.memory_space<semaphore_mem>>) src(%dma_wait3A_88 : memref<78x128xi32, #tpu.memory_space<hbm>>) dst(%dma_wait3A_85 : memref<78x128xi32, #tpu.memory_space<vmem>>)
    %dma_wait3A_89 = arith.constant 0 : i32
    %dma_wait3A_90 = arith.constant 2 : i32
    %dma_wait3A_91 = arith.constant 0 : i32
    %dma_wait3A_92 = arith.constant 0 : i32
    %dma_wait3A_93 = tpu.memref_slice %arg5[%dma_wait3A_91, %dma_wait3A_92] : memref<79x128xi32, #tpu.memory_space<vmem>> -> memref<78x128xi32, #tpu.memory_space<vmem>>
    %dma_wait3A_94 = arith.constant 0 : i32
    %dma_wait3A_95 = tpu.memref_slice %arg3[%dma_wait3A_89, %mul3A_25, %dma_wait3A_94] : memref<2x2500x128xi32, #tpu.memory_space<hbm>> -> memref<1x78x128xi32, #tpu.memory_space<hbm>>
    %dma_wait3A_96 = tpu.memref_squeeze %dma_wait3A_95 : memref<1x78x128xi32, #tpu.memory_space<hbm>> -> memref<78x128xi32, #tpu.memory_space<hbm>>
    %dma_wait3A_97 = tpu.memref_slice %arg11[%dma_wait3A_90] : memref<3x!tpu.dma_semaphore, #tpu.memory_space<semaphore_mem>> -> memref<1x!tpu.dma_semaphore, #tpu.memory_space<semaphore_mem>>
    %dma_wait3A_98 = tpu.memref_squeeze %dma_wait3A_97 : memref<1x!tpu.dma_semaphore, #tpu.memory_space<semaphore_mem>> -> memref<!tpu.dma_semaphore, #tpu.memory_space<semaphore_mem>>
    %dma_wait3A_99 = arith.constant 0 : i32
    %dma_wait3A_100 = arith.constant 0 : i32
    %dma_wait3A_101 = tpu.memref_slice %arg5[%dma_wait3A_99, %dma_wait3A_100] : memref<79x128xi32, #tpu.memory_space<vmem>> -> memref<78x128xi32, #tpu.memory_space<vmem>>
    %dma_wait3A_102 = arith.constant 0 : i32
    %dma_wait3A_103 = tpu.memref_slice %arg3[%dma_wait3A_89, %mul3A_25, %dma_wait3A_102] : memref<2x2500x128xi32, #tpu.memory_space<hbm>> -> memref<1x78x128xi32, #tpu.memory_space<hbm>>
    %dma_wait3A_104 = tpu.memref_squeeze %dma_wait3A_103 : memref<1x78x128xi32, #tpu.memory_space<hbm>> -> memref<78x128xi32, #tpu.memory_space<hbm>>
    tpu.wait_dma2 semaphore(%dma_wait3A_98 : memref<!tpu.dma_semaphore, #tpu.memory_space<semaphore_mem>>) src(%dma_wait3A_104 : memref<78x128xi32, #tpu.memory_space<hbm>>) dst(%dma_wait3A_101 : memref<78x128xi32, #tpu.memory_space<vmem>>)
    %lt3A_105 = arith.constant 4 : i32
    %lt3A_106 = arith.cmpi slt, %add3A, %lt3A_105 : i32
    %convert_element_type3A = arith.extui %lt3A_106 : i1 to i32
    %cond3A = arith.constant 0 : i32
    %cond3A_107 = arith.cmpi ne, %convert_element_type3A, %cond3A : i32
    scf.if %cond3A_107 {
      %add3A_147 = arith.constant 2496 : i32
      %add3A_148 = arith.addi %add3A_147, %add3A : i32
      %run_scoped3A = arith.constant 0 : i32
      "tpu.region"() ({
        %run_scoped3A_152 = tpu.sem_alloc : memref<!tpu.dma_semaphore, #tpu.memory_space<semaphore_mem>>
        %dma_start3A_153 = arith.constant 78 : i32
        %dma_start3A_154 = arith.constant 0 : i32
        %dma_start3A_155 = tpu.memref_slice %arg5[%dma_start3A_153, %dma_start3A_154] : memref<79x128xi32, #tpu.memory_space<vmem>> -> memref<1x128xi32, #tpu.memory_space<vmem>>
        %dma_start3A_156 = arith.constant 0 : i32
        %dma_start3A_157 = tpu.memref_slice %arg3[%run_scoped3A, %add3A_148, %dma_start3A_156] : memref<2x2500x128xi32, #tpu.memory_space<hbm>> -> memref<1x1x128xi32, #tpu.memory_space<hbm>>
        %dma_start3A_158 = tpu.memref_squeeze %dma_start3A_157 : memref<1x1x128xi32, #tpu.memory_space<hbm>> -> memref<1x128xi32, #tpu.memory_space<hbm>>
        %dma_start3A_159 = arith.constant 78 : i32
        %dma_start3A_160 = arith.constant 0 : i32
        %dma_start3A_161 = tpu.memref_slice %arg5[%dma_start3A_159, %dma_start3A_160] : memref<79x128xi32, #tpu.memory_space<vmem>> -> memref<1x128xi32, #tpu.memory_space<vmem>>
        %dma_start3A_162 = arith.constant 0 : i32
        %dma_start3A_163 = tpu.memref_slice %arg3[%run_scoped3A, %add3A_148, %dma_start3A_162] : memref<2x2500x128xi32, #tpu.memory_space<hbm>> -> memref<1x1x128xi32, #tpu.memory_space<hbm>>
        %dma_start3A_164 = tpu.memref_squeeze %dma_start3A_163 : memref<1x1x128xi32, #tpu.memory_space<hbm>> -> memref<1x128xi32, #tpu.memory_space<hbm>>
        tpu.enqueue_dma source(%dma_start3A_164 : memref<1x128xi32, #tpu.memory_space<hbm>>) target(%dma_start3A_161 : memref<1x128xi32, #tpu.memory_space<vmem>>) target_semaphore(%run_scoped3A_152 : memref<!tpu.dma_semaphore, #tpu.memory_space<semaphore_mem>>)
        %dma_wait3A_165 = arith.constant 78 : i32
        %dma_wait3A_166 = arith.constant 0 : i32
        %dma_wait3A_167 = tpu.memref_slice %arg5[%dma_wait3A_165, %dma_wait3A_166] : memref<79x128xi32, #tpu.memory_space<vmem>> -> memref<1x128xi32, #tpu.memory_space<vmem>>
        %dma_wait3A_168 = arith.constant 0 : i32
        %dma_wait3A_169 = tpu.memref_slice %arg3[%run_scoped3A, %add3A_148, %dma_wait3A_168] : memref<2x2500x128xi32, #tpu.memory_space<hbm>> -> memref<1x1x128xi32, #tpu.memory_space<hbm>>
        %dma_wait3A_170 = tpu.memref_squeeze %dma_wait3A_169 : memref<1x1x128xi32, #tpu.memory_space<hbm>> -> memref<1x128xi32, #tpu.memory_space<hbm>>
        %dma_wait3A_171 = arith.constant 78 : i32
        %dma_wait3A_172 = arith.constant 0 : i32
        %dma_wait3A_173 = tpu.memref_slice %arg5[%dma_wait3A_171, %dma_wait3A_172] : memref<79x128xi32, #tpu.memory_space<vmem>> -> memref<1x128xi32, #tpu.memory_space<vmem>>
        %dma_wait3A_174 = arith.constant 0 : i32
        %dma_wait3A_175 = tpu.memref_slice %arg3[%run_scoped3A, %add3A_148, %dma_wait3A_174] : memref<2x2500x128xi32, #tpu.memory_space<hbm>> -> memref<1x1x128xi32, #tpu.memory_space<hbm>>
        %dma_wait3A_176 = tpu.memref_squeeze %dma_wait3A_175 : memref<1x1x128xi32, #tpu.memory_space<hbm>> -> memref<1x128xi32, #tpu.memory_space<hbm>>
        tpu.wait_dma2 semaphore(%run_scoped3A_152 : memref<!tpu.dma_semaphore, #tpu.memory_space<semaphore_mem>>) src(%dma_wait3A_176 : memref<1x128xi32, #tpu.memory_space<hbm>>) dst(%dma_wait3A_173 : memref<1x128xi32, #tpu.memory_space<vmem>>)
        tpu.yield
      }) : () -> ()
      %add3A_149 = arith.constant 2496 : i32
      %add3A_150 = arith.addi %add3A_149, %add3A : i32
      %run_scoped3A_151 = arith.constant 1 : i32
      "tpu.region"() ({
        %run_scoped3A_152 = tpu.sem_alloc : memref<!tpu.dma_semaphore, #tpu.memory_space<semaphore_mem>>
        %dma_start3A_153 = arith.constant 78 : i32
        %dma_start3A_154 = arith.constant 0 : i32
        %dma_start3A_155 = tpu.memref_slice %arg6[%dma_start3A_153, %dma_start3A_154] : memref<79x128xi32, #tpu.memory_space<vmem>> -> memref<1x128xi32, #tpu.memory_space<vmem>>
        %dma_start3A_156 = arith.constant 0 : i32
        %dma_start3A_157 = tpu.memref_slice %arg3[%run_scoped3A_151, %add3A_150, %dma_start3A_156] : memref<2x2500x128xi32, #tpu.memory_space<hbm>> -> memref<1x1x128xi32, #tpu.memory_space<hbm>>
        %dma_start3A_158 = tpu.memref_squeeze %dma_start3A_157 : memref<1x1x128xi32, #tpu.memory_space<hbm>> -> memref<1x128xi32, #tpu.memory_space<hbm>>
        %dma_start3A_159 = arith.constant 78 : i32
        %dma_start3A_160 = arith.constant 0 : i32
        %dma_start3A_161 = tpu.memref_slice %arg6[%dma_start3A_159, %dma_start3A_160] : memref<79x128xi32, #tpu.memory_space<vmem>> -> memref<1x128xi32, #tpu.memory_space<vmem>>
        %dma_start3A_162 = arith.constant 0 : i32
        %dma_start3A_163 = tpu.memref_slice %arg3[%run_scoped3A_151, %add3A_150, %dma_start3A_162] : memref<2x2500x128xi32, #tpu.memory_space<hbm>> -> memref<1x1x128xi32, #tpu.memory_space<hbm>>
        %dma_start3A_164 = tpu.memref_squeeze %dma_start3A_163 : memref<1x1x128xi32, #tpu.memory_space<hbm>> -> memref<1x128xi32, #tpu.memory_space<hbm>>
        tpu.enqueue_dma source(%dma_start3A_164 : memref<1x128xi32, #tpu.memory_space<hbm>>) target(%dma_start3A_161 : memref<1x128xi32, #tpu.memory_space<vmem>>) target_semaphore(%run_scoped3A_152 : memref<!tpu.dma_semaphore, #tpu.memory_space<semaphore_mem>>)
        %dma_wait3A_165 = arith.constant 78 : i32
        %dma_wait3A_166 = arith.constant 0 : i32
        %dma_wait3A_167 = tpu.memref_slice %arg6[%dma_wait3A_165, %dma_wait3A_166] : memref<79x128xi32, #tpu.memory_space<vmem>> -> memref<1x128xi32, #tpu.memory_space<vmem>>
        %dma_wait3A_168 = arith.constant 0 : i32
        %dma_wait3A_169 = tpu.memref_slice %arg3[%run_scoped3A_151, %add3A_150, %dma_wait3A_168] : memref<2x2500x128xi32, #tpu.memory_space<hbm>> -> memref<1x1x128xi32, #tpu.memory_space<hbm>>
        %dma_wait3A_170 = tpu.memref_squeeze %dma_wait3A_169 : memref<1x1x128xi32, #tpu.memory_space<hbm>> -> memref<1x128xi32, #tpu.memory_space<hbm>>
        %dma_wait3A_171 = arith.constant 78 : i32
        %dma_wait3A_172 = arith.constant 0 : i32
        %dma_wait3A_173 = tpu.memref_slice %arg6[%dma_wait3A_171, %dma_wait3A_172] : memref<79x128xi32, #tpu.memory_space<vmem>> -> memref<1x128xi32, #tpu.memory_space<vmem>>
        %dma_wait3A_174 = arith.constant 0 : i32
        %dma_wait3A_175 = tpu.memref_slice %arg3[%run_scoped3A_151, %add3A_150, %dma_wait3A_174] : memref<2x2500x128xi32, #tpu.memory_space<hbm>> -> memref<1x1x128xi32, #tpu.memory_space<hbm>>
        %dma_wait3A_176 = tpu.memref_squeeze %dma_wait3A_175 : memref<1x1x128xi32, #tpu.memory_space<hbm>> -> memref<1x128xi32, #tpu.memory_space<hbm>>
        tpu.wait_dma2 semaphore(%run_scoped3A_152 : memref<!tpu.dma_semaphore, #tpu.memory_space<semaphore_mem>>) src(%dma_wait3A_176 : memref<1x128xi32, #tpu.memory_space<hbm>>) dst(%dma_wait3A_173 : memref<1x128xi32, #tpu.memory_space<vmem>>)
        tpu.yield
      }) : () -> ()
    } else {
    }
    %eq3A = arith.constant 15 : i32
    %eq3A_108 = arith.cmpi eq, %arg1, %eq3A : i32
    %convert_element_type3A_109 = arith.extui %eq3A_108 : i1 to i32
    %cond3A_110 = arith.constant 0 : i32
    %cond3A_111 = arith.cmpi ne, %convert_element_type3A_109, %cond3A_110 : i32
    scf.if %cond3A_111 {
      "tpu.region"() ({
        %run_scoped3A = tpu.sem_alloc : memref<!tpu.dma_semaphore, #tpu.memory_space<semaphore_mem>>
        %dma_start3A_147 = arith.constant 9984 : i32
        %dma_start3A_148 = arith.constant 0 : i32
        %dma_start3A_149 = tpu.memref_slice %arg9[%dma_start3A_147, %dma_start3A_148] : memref<10000x64xf32, #tpu.memory_space<vmem_shared>> -> memref<16x64xf32, #tpu.memory_space<vmem_shared>>
        %dma_start3A_150 = arith.constant 9984 : i32
        %dma_start3A_151 = arith.constant 0 : i32
        %dma_start3A_152 = tpu.memref_slice %arg2[%dma_start3A_150, %dma_start3A_151] : memref<10000x64xf32, #tpu.memory_space<hbm>> -> memref<16x64xf32, #tpu.memory_space<hbm>>
        tpu.enqueue_dma source(%dma_start3A_152 : memref<16x64xf32, #tpu.memory_space<hbm>>) target(%dma_start3A_149 : memref<16x64xf32, #tpu.memory_space<vmem_shared>>) target_semaphore(%run_scoped3A : memref<!tpu.dma_semaphore, #tpu.memory_space<semaphore_mem>>)
        %dma_wait3A_153 = arith.constant 9984 : i32
        %dma_wait3A_154 = arith.constant 0 : i32
        %dma_wait3A_155 = tpu.memref_slice %arg9[%dma_wait3A_153, %dma_wait3A_154] : memref<10000x64xf32, #tpu.memory_space<vmem_shared>> -> memref<16x64xf32, #tpu.memory_space<vmem_shared>>
        %dma_wait3A_156 = arith.constant 9984 : i32
        %dma_wait3A_157 = arith.constant 0 : i32
        %dma_wait3A_158 = tpu.memref_slice %arg2[%dma_wait3A_156, %dma_wait3A_157] : memref<10000x64xf32, #tpu.memory_space<hbm>> -> memref<16x64xf32, #tpu.memory_space<hbm>>
        tpu.wait_dma2 semaphore(%run_scoped3A : memref<!tpu.dma_semaphore, #tpu.memory_space<semaphore_mem>>) src(%dma_wait3A_158 : memref<16x64xf32, #tpu.memory_space<hbm>>) dst(%dma_wait3A_155 : memref<16x64xf32, #tpu.memory_space<vmem_shared>>)
        tpu.yield
      }) : () -> ()
      "tpu.region"() ({
        %run_scoped3A = tpu.sem_alloc : memref<!tpu.dma_semaphore, #tpu.memory_space<semaphore_mem>>
        %dma_start3A_147 = arith.constant 9984 : i32
        %dma_start3A_148 = arith.constant 0 : i32
        %dma_start3A_149 = tpu.memref_slice %arg8[%dma_start3A_147, %dma_start3A_148] : memref<10016x64xf32, #tpu.memory_space<vmem_shared>> -> memref<16x64xf32, #tpu.memory_space<vmem_shared>>
        %dma_start3A_150 = arith.constant 9984 : i32
        %dma_start3A_151 = arith.constant 0 : i32
        %dma_start3A_152 = tpu.memref_slice %arg2[%dma_start3A_150, %dma_start3A_151] : memref<10000x64xf32, #tpu.memory_space<hbm>> -> memref<16x64xf32, #tpu.memory_space<hbm>>
        tpu.enqueue_dma source(%dma_start3A_152 : memref<16x64xf32, #tpu.memory_space<hbm>>) target(%dma_start3A_149 : memref<16x64xf32, #tpu.memory_space<vmem_shared>>) target_semaphore(%run_scoped3A : memref<!tpu.dma_semaphore, #tpu.memory_space<semaphore_mem>>)
        %dma_wait3A_153 = arith.constant 9984 : i32
        %dma_wait3A_154 = arith.constant 0 : i32
        %dma_wait3A_155 = tpu.memref_slice %arg8[%dma_wait3A_153, %dma_wait3A_154] : memref<10016x64xf32, #tpu.memory_space<vmem_shared>> -> memref<16x64xf32, #tpu.memory_space<vmem_shared>>
        %dma_wait3A_156 = arith.constant 9984 : i32
        %dma_wait3A_157 = arith.constant 0 : i32
        %dma_wait3A_158 = tpu.memref_slice %arg2[%dma_wait3A_156, %dma_wait3A_157] : memref<10000x64xf32, #tpu.memory_space<hbm>> -> memref<16x64xf32, #tpu.memory_space<hbm>>
        tpu.wait_dma2 semaphore(%run_scoped3A : memref<!tpu.dma_semaphore, #tpu.memory_space<semaphore_mem>>) src(%dma_wait3A_158 : memref<16x64xf32, #tpu.memory_space<hbm>>) dst(%dma_wait3A_155 : memref<16x64xf32, #tpu.memory_space<vmem_shared>>)
        tpu.yield
      }) : () -> ()
    } else {
    }
    %barrier3A = arith.constant 0 : index
    tpu.barrier barrier_id(%barrier3A)
    %dma_start3A_112 = arith.constant 0 : i32
    %dma_start3A_113 = arith.constant 0 : i32
    %dma_start3A_114 = arith.constant 0 : i32
    %dma_start3A_115 = arith.constant 0 : i32
    %dma_start3A_116 = arith.constant 0 : i32
    %dma_start3A_117 = tpu.memref_slice %arg7[%dma_start3A_113, %dma_start3A_115, %dma_start3A_116] : memref<2x128x64xf32, #tpu.memory_space<vmem>> -> memref<1x128x64xf32, #tpu.memory_space<vmem>>
    %dma_start3A_118 = tpu.memref_squeeze %dma_start3A_117 : memref<1x128x64xf32, #tpu.memory_space<vmem>> -> memref<128x64xf32, #tpu.memory_space<vmem>>
    %dma_start3A_119 = arith.constant 0 : i32
    %dma_start3A_120 = tpu.memref_slice %arg5[%dma_start3A_112, %dma_start3A_119] : memref<79x128xi32, #tpu.memory_space<vmem>> -> memref<1x128xi32, #tpu.memory_space<vmem>>
    %dma_start3A_121 = tpu.memref_squeeze %dma_start3A_120 : memref<1x128xi32, #tpu.memory_space<vmem>> -> memref<128xi32, #tpu.memory_space<vmem>>
    %dma_start3A_122 = arith.constant 0 : i32
    %dma_start3A_123 = arith.constant 0 : i32
    %dma_start3A_124 = tpu.memref_slice %arg9[%dma_start3A_122, %dma_start3A_123] : memref<10000x64xf32, #tpu.memory_space<vmem_shared>> -> memref<10000x64xf32, #tpu.memory_space<vmem_shared>>
    %dma_start3A_125 = tpu.memref_slice %arg10[%dma_start3A_114] : memref<2x!tpu.dma_semaphore, #tpu.memory_space<semaphore_mem>> -> memref<1x!tpu.dma_semaphore, #tpu.memory_space<semaphore_mem>>
    %dma_start3A_126 = tpu.memref_squeeze %dma_start3A_125 : memref<1x!tpu.dma_semaphore, #tpu.memory_space<semaphore_mem>> -> memref<!tpu.dma_semaphore, #tpu.memory_space<semaphore_mem>>
    tpu.enqueue_indirect_dma source(%dma_start3A_124 : memref<10000x64xf32, #tpu.memory_space<vmem_shared>>) target(%dma_start3A_118 : memref<128x64xf32, #tpu.memory_space<vmem>>) offsets(%dma_start3A_121 : memref<128xi32, #tpu.memory_space<vmem>>) semaphore(%dma_start3A_126 : memref<!tpu.dma_semaphore, #tpu.memory_space<semaphore_mem>>)
    %scan3A = arith.constant 0 : i32
    %scan3A_127 = arith.constant 0 : i32
    %scan3A_128 = arith.constant 78 : i32
    %scan3A_129 = arith.addi %scan3A_127, %scan3A_128 : i32
    %scan3A_130 = arith.constant 2 : i32
    scf.for %scan3A_147 = %scan3A_127 to %scan3A_129 step %scan3A_130  : i32 {
      %rem3A = arith.constant 2 : i32
      %rem3A_148 = arith.remsi %scan3A_147, %rem3A : i32
      %dma_wait3A_149 = arith.constant 0 : i32
      %dma_wait3A_150 = arith.constant 0 : i32
      %dma_wait3A_151 = tpu.memref_slice %arg7[%rem3A_148, %dma_wait3A_149, %dma_wait3A_150] : memref<2x128x64xf32, #tpu.memory_space<vmem>> -> memref<1x128x64xf32, #tpu.memory_space<vmem>>
      %dma_wait3A_152 = tpu.memref_squeeze %dma_wait3A_151 : memref<1x128x64xf32, #tpu.memory_space<vmem>> -> memref<128x64xf32, #tpu.memory_space<vmem>>
      %dma_wait3A_153 = arith.constant 0 : i32
      %dma_wait3A_154 = tpu.memref_slice %arg5[%scan3A_147, %dma_wait3A_153] : memref<79x128xi32, #tpu.memory_space<vmem>> -> memref<1x128xi32, #tpu.memory_space<vmem>>
      %dma_wait3A_155 = tpu.memref_squeeze %dma_wait3A_154 : memref<1x128xi32, #tpu.memory_space<vmem>> -> memref<128xi32, #tpu.memory_space<vmem>>
      %dma_wait3A_156 = arith.constant 0 : i32
      %dma_wait3A_157 = arith.constant 0 : i32
      %dma_wait3A_158 = tpu.memref_slice %arg9[%dma_wait3A_156, %dma_wait3A_157] : memref<10000x64xf32, #tpu.memory_space<vmem_shared>> -> memref<10000x64xf32, #tpu.memory_space<vmem_shared>>
      %dma_wait3A_159 = tpu.memref_slice %arg10[%rem3A_148] : memref<2x!tpu.dma_semaphore, #tpu.memory_space<semaphore_mem>> -> memref<1x!tpu.dma_semaphore, #tpu.memory_space<semaphore_mem>>
      %dma_wait3A_160 = tpu.memref_squeeze %dma_wait3A_159 : memref<1x!tpu.dma_semaphore, #tpu.memory_space<semaphore_mem>> -> memref<!tpu.dma_semaphore, #tpu.memory_space<semaphore_mem>>
      tpu.wait_indirect_dma semaphore(%dma_wait3A_160 : memref<!tpu.dma_semaphore, #tpu.memory_space<semaphore_mem>>) src(%dma_wait3A_158 : memref<10000x64xf32, #tpu.memory_space<vmem_shared>>) dst(%dma_wait3A_152 : memref<128x64xf32, #tpu.memory_space<vmem>>)
      %sub3A = arith.constant 1 : i32
      %sub3A_161 = arith.subi %select_n3A, %sub3A : i32
      %lt3A_162 = arith.cmpi slt, %scan3A_147, %sub3A_161 : i32
      %convert_element_type3A_163 = arith.extui %lt3A_162 : i1 to i32
      %cond3A_164 = arith.constant 0 : i32
      %cond3A_165 = arith.cmpi ne, %convert_element_type3A_163, %cond3A_164 : i32
      scf.if %cond3A_165 {
        %sub3A_188 = arith.constant 1 : i32
        %sub3A_189 = arith.subi %sub3A_188, %rem3A_148 : i32
        %add3A_190 = arith.constant 1 : i32
        %add3A_191 = arith.addi %scan3A_147, %add3A_190 : i32
        %dma_start3A_192 = arith.constant 0 : i32
        %dma_start3A_193 = arith.constant 0 : i32
        %dma_start3A_194 = tpu.memref_slice %arg7[%sub3A_189, %dma_start3A_192, %dma_start3A_193] : memref<2x128x64xf32, #tpu.memory_space<vmem>> -> memref<1x128x64xf32, #tpu.memory_space<vmem>>
        %dma_start3A_195 = tpu.memref_squeeze %dma_start3A_194 : memref<1x128x64xf32, #tpu.memory_space<vmem>> -> memref<128x64xf32, #tpu.memory_space<vmem>>
        %dma_start3A_196 = arith.constant 0 : i32
        %dma_start3A_197 = tpu.memref_slice %arg5[%add3A_191, %dma_start3A_196] : memref<79x128xi32, #tpu.memory_space<vmem>> -> memref<1x128xi32, #tpu.memory_space<vmem>>
        %dma_start3A_198 = tpu.memref_squeeze %dma_start3A_197 : memref<1x128xi32, #tpu.memory_space<vmem>> -> memref<128xi32, #tpu.memory_space<vmem>>
        %dma_start3A_199 = arith.constant 0 : i32
        %dma_start3A_200 = arith.constant 0 : i32
        %dma_start3A_201 = tpu.memref_slice %arg9[%dma_start3A_199, %dma_start3A_200] : memref<10000x64xf32, #tpu.memory_space<vmem_shared>> -> memref<10000x64xf32, #tpu.memory_space<vmem_shared>>
        %dma_start3A_202 = tpu.memref_slice %arg10[%sub3A_189] : memref<2x!tpu.dma_semaphore, #tpu.memory_space<semaphore_mem>> -> memref<1x!tpu.dma_semaphore, #tpu.memory_space<semaphore_mem>>
        %dma_start3A_203 = tpu.memref_squeeze %dma_start3A_202 : memref<1x!tpu.dma_semaphore, #tpu.memory_space<semaphore_mem>> -> memref<!tpu.dma_semaphore, #tpu.memory_space<semaphore_mem>>
        tpu.enqueue_indirect_dma source(%dma_start3A_201 : memref<10000x64xf32, #tpu.memory_space<vmem_shared>>) target(%dma_start3A_195 : memref<128x64xf32, #tpu.memory_space<vmem>>) offsets(%dma_start3A_198 : memref<128xi32, #tpu.memory_space<vmem>>) semaphore(%dma_start3A_203 : memref<!tpu.dma_semaphore, #tpu.memory_space<semaphore_mem>>)
      } else {
      }
      "tpu.region"() ({
        %run_scoped3A = tpu.sem_alloc : memref<!tpu.dma_semaphore, #tpu.memory_space<semaphore_mem>>
        %dma_start3A_188 = arith.constant 0 : i32
        %dma_start3A_189 = arith.constant 0 : i32
        %dma_start3A_190 = tpu.memref_slice %arg7[%rem3A_148, %dma_start3A_188, %dma_start3A_189] : memref<2x128x64xf32, #tpu.memory_space<vmem>> -> memref<1x128x64xf32, #tpu.memory_space<vmem>>
        %dma_start3A_191 = tpu.memref_squeeze %dma_start3A_190 : memref<1x128x64xf32, #tpu.memory_space<vmem>> -> memref<128x64xf32, #tpu.memory_space<vmem>>
        %dma_start3A_192 = arith.constant 0 : i32
        %dma_start3A_193 = tpu.memref_slice %arg6[%scan3A_147, %dma_start3A_192] : memref<79x128xi32, #tpu.memory_space<vmem>> -> memref<1x128xi32, #tpu.memory_space<vmem>>
        %dma_start3A_194 = tpu.memref_squeeze %dma_start3A_193 : memref<1x128xi32, #tpu.memory_space<vmem>> -> memref<128xi32, #tpu.memory_space<vmem>>
        %dma_start3A_195 = arith.constant 0 : i32
        %dma_start3A_196 = arith.constant 0 : i32
        %dma_start3A_197 = tpu.memref_slice %arg8[%dma_start3A_195, %dma_start3A_196] : memref<10016x64xf32, #tpu.memory_space<vmem_shared>> -> memref<10016x64xf32, #tpu.memory_space<vmem_shared>>
        tpu.enqueue_indirect_dma source(%dma_start3A_191 : memref<128x64xf32, #tpu.memory_space<vmem>>) target(%dma_start3A_197 : memref<10016x64xf32, #tpu.memory_space<vmem_shared>>) offsets(%dma_start3A_194 : memref<128xi32, #tpu.memory_space<vmem>>) semaphore(%run_scoped3A : memref<!tpu.dma_semaphore, #tpu.memory_space<semaphore_mem>>) {add = true}
        %dma_wait3A_198 = arith.constant 0 : i32
        %dma_wait3A_199 = arith.constant 0 : i32
        %dma_wait3A_200 = tpu.memref_slice %arg7[%rem3A_148, %dma_wait3A_198, %dma_wait3A_199] : memref<2x128x64xf32, #tpu.memory_space<vmem>> -> memref<1x128x64xf32, #tpu.memory_space<vmem>>
        %dma_wait3A_201 = tpu.memref_squeeze %dma_wait3A_200 : memref<1x128x64xf32, #tpu.memory_space<vmem>> -> memref<128x64xf32, #tpu.memory_space<vmem>>
        %dma_wait3A_202 = arith.constant 0 : i32
        %dma_wait3A_203 = tpu.memref_slice %arg6[%scan3A_147, %dma_wait3A_202] : memref<79x128xi32, #tpu.memory_space<vmem>> -> memref<1x128xi32, #tpu.memory_space<vmem>>
        %dma_wait3A_204 = tpu.memref_squeeze %dma_wait3A_203 : memref<1x128xi32, #tpu.memory_space<vmem>> -> memref<128xi32, #tpu.memory_space<vmem>>
        %dma_wait3A_205 = arith.constant 0 : i32
        %dma_wait3A_206 = arith.constant 0 : i32
        %dma_wait3A_207 = tpu.memref_slice %arg8[%dma_wait3A_205, %dma_wait3A_206] : memref<10016x64xf32, #tpu.memory_space<vmem_shared>> -> memref<10016x64xf32, #tpu.memory_space<vmem_shared>>
        tpu.wait_indirect_dma semaphore(%run_scoped3A : memref<!tpu.dma_semaphore, #tpu.memory_space<semaphore_mem>>) src(%dma_wait3A_201 : memref<128x64xf32, #tpu.memory_space<vmem>>) dst(%dma_wait3A_207 : memref<10016x64xf32, #tpu.memory_space<vmem_shared>>)
        tpu.yield
      }) : () -> ()
      %scan3A_166 = arith.constant 1 : i32
      %scan3A_167 = arith.addi %scan3A_147, %scan3A_166 : i32
      %rem3A_168 = arith.constant 2 : i32
      %rem3A_169 = arith.remsi %scan3A_167, %rem3A_168 : i32
      %dma_wait3A_170 = arith.constant 0 : i32
      %dma_wait3A_171 = arith.constant 0 : i32
      %dma_wait3A_172 = tpu.memref_slice %arg7[%rem3A_169, %dma_wait3A_170, %dma_wait3A_171] : memref<2x128x64xf32, #tpu.memory_space<vmem>> -> memref<1x128x64xf32, #tpu.memory_space<vmem>>
      %dma_wait3A_173 = tpu.memref_squeeze %dma_wait3A_172 : memref<1x128x64xf32, #tpu.memory_space<vmem>> -> memref<128x64xf32, #tpu.memory_space<vmem>>
      %dma_wait3A_174 = arith.constant 0 : i32
      %dma_wait3A_175 = tpu.memref_slice %arg5[%scan3A_167, %dma_wait3A_174] : memref<79x128xi32, #tpu.memory_space<vmem>> -> memref<1x128xi32, #tpu.memory_space<vmem>>
      %dma_wait3A_176 = tpu.memref_squeeze %dma_wait3A_175 : memref<1x128xi32, #tpu.memory_space<vmem>> -> memref<128xi32, #tpu.memory_space<vmem>>
      %dma_wait3A_177 = arith.constant 0 : i32
      %dma_wait3A_178 = arith.constant 0 : i32
      %dma_wait3A_179 = tpu.memref_slice %arg9[%dma_wait3A_177, %dma_wait3A_178] : memref<10000x64xf32, #tpu.memory_space<vmem_shared>> -> memref<10000x64xf32, #tpu.memory_space<vmem_shared>>
      %dma_wait3A_180 = tpu.memref_slice %arg10[%rem3A_169] : memref<2x!tpu.dma_semaphore, #tpu.memory_space<semaphore_mem>> -> memref<1x!tpu.dma_semaphore, #tpu.memory_space<semaphore_mem>>
      %dma_wait3A_181 = tpu.memref_squeeze %dma_wait3A_180 : memref<1x!tpu.dma_semaphore, #tpu.memory_space<semaphore_mem>> -> memref<!tpu.dma_semaphore, #tpu.memory_space<semaphore_mem>>
      tpu.wait_indirect_dma semaphore(%dma_wait3A_181 : memref<!tpu.dma_semaphore, #tpu.memory_space<semaphore_mem>>) src(%dma_wait3A_179 : memref<10000x64xf32, #tpu.memory_space<vmem_shared>>) dst(%dma_wait3A_173 : memref<128x64xf32, #tpu.memory_space<vmem>>)
      %sub3A_182 = arith.constant 1 : i32
      %sub3A_183 = arith.subi %select_n3A, %sub3A_182 : i32
      %lt3A_184 = arith.cmpi slt, %scan3A_167, %sub3A_183 : i32
      %convert_element_type3A_185 = arith.extui %lt3A_184 : i1 to i32
      %cond3A_186 = arith.constant 0 : i32
      %cond3A_187 = arith.cmpi ne, %convert_element_type3A_185, %cond3A_186 : i32
      scf.if %cond3A_187 {
        %sub3A_188 = arith.constant 1 : i32
        %sub3A_189 = arith.subi %sub3A_188, %rem3A_169 : i32
        %add3A_190 = arith.constant 1 : i32
        %add3A_191 = arith.addi %scan3A_167, %add3A_190 : i32
        %dma_start3A_192 = arith.constant 0 : i32
        %dma_start3A_193 = arith.constant 0 : i32
        %dma_start3A_194 = tpu.memref_slice %arg7[%sub3A_189, %dma_start3A_192, %dma_start3A_193] : memref<2x128x64xf32, #tpu.memory_space<vmem>> -> memref<1x128x64xf32, #tpu.memory_space<vmem>>
        %dma_start3A_195 = tpu.memref_squeeze %dma_start3A_194 : memref<1x128x64xf32, #tpu.memory_space<vmem>> -> memref<128x64xf32, #tpu.memory_space<vmem>>
        %dma_start3A_196 = arith.constant 0 : i32
        %dma_start3A_197 = tpu.memref_slice %arg5[%add3A_191, %dma_start3A_196] : memref<79x128xi32, #tpu.memory_space<vmem>> -> memref<1x128xi32, #tpu.memory_space<vmem>>
        %dma_start3A_198 = tpu.memref_squeeze %dma_start3A_197 : memref<1x128xi32, #tpu.memory_space<vmem>> -> memref<128xi32, #tpu.memory_space<vmem>>
        %dma_start3A_199 = arith.constant 0 : i32
        %dma_start3A_200 = arith.constant 0 : i32
        %dma_start3A_201 = tpu.memref_slice %arg9[%dma_start3A_199, %dma_start3A_200] : memref<10000x64xf32, #tpu.memory_space<vmem_shared>> -> memref<10000x64xf32, #tpu.memory_space<vmem_shared>>
        %dma_start3A_202 = tpu.memref_slice %arg10[%sub3A_189] : memref<2x!tpu.dma_semaphore, #tpu.memory_space<semaphore_mem>> -> memref<1x!tpu.dma_semaphore, #tpu.memory_space<semaphore_mem>>
        %dma_start3A_203 = tpu.memref_squeeze %dma_start3A_202 : memref<1x!tpu.dma_semaphore, #tpu.memory_space<semaphore_mem>> -> memref<!tpu.dma_semaphore, #tpu.memory_space<semaphore_mem>>
        tpu.enqueue_indirect_dma source(%dma_start3A_201 : memref<10000x64xf32, #tpu.memory_space<vmem_shared>>) target(%dma_start3A_195 : memref<128x64xf32, #tpu.memory_space<vmem>>) offsets(%dma_start3A_198 : memref<128xi32, #tpu.memory_space<vmem>>) semaphore(%dma_start3A_203 : memref<!tpu.dma_semaphore, #tpu.memory_space<semaphore_mem>>)
      } else {
      }
      "tpu.region"() ({
        %run_scoped3A = tpu.sem_alloc : memref<!tpu.dma_semaphore, #tpu.memory_space<semaphore_mem>>
        %dma_start3A_188 = arith.constant 0 : i32
        %dma_start3A_189 = arith.constant 0 : i32
        %dma_start3A_190 = tpu.memref_slice %arg7[%rem3A_169, %dma_start3A_188, %dma_start3A_189] : memref<2x128x64xf32, #tpu.memory_space<vmem>> -> memref<1x128x64xf32, #tpu.memory_space<vmem>>
        %dma_start3A_191 = tpu.memref_squeeze %dma_start3A_190 : memref<1x128x64xf32, #tpu.memory_space<vmem>> -> memref<128x64xf32, #tpu.memory_space<vmem>>
        %dma_start3A_192 = arith.constant 0 : i32
        %dma_start3A_193 = tpu.memref_slice %arg6[%scan3A_167, %dma_start3A_192] : memref<79x128xi32, #tpu.memory_space<vmem>> -> memref<1x128xi32, #tpu.memory_space<vmem>>
        %dma_start3A_194 = tpu.memref_squeeze %dma_start3A_193 : memref<1x128xi32, #tpu.memory_space<vmem>> -> memref<128xi32, #tpu.memory_space<vmem>>
        %dma_start3A_195 = arith.constant 0 : i32
        %dma_start3A_196 = arith.constant 0 : i32
        %dma_start3A_197 = tpu.memref_slice %arg8[%dma_start3A_195, %dma_start3A_196] : memref<10016x64xf32, #tpu.memory_space<vmem_shared>> -> memref<10016x64xf32, #tpu.memory_space<vmem_shared>>
        tpu.enqueue_indirect_dma source(%dma_start3A_191 : memref<128x64xf32, #tpu.memory_space<vmem>>) target(%dma_start3A_197 : memref<10016x64xf32, #tpu.memory_space<vmem_shared>>) offsets(%dma_start3A_194 : memref<128xi32, #tpu.memory_space<vmem>>) semaphore(%run_scoped3A : memref<!tpu.dma_semaphore, #tpu.memory_space<semaphore_mem>>) {add = true}
        %dma_wait3A_198 = arith.constant 0 : i32
        %dma_wait3A_199 = arith.constant 0 : i32
        %dma_wait3A_200 = tpu.memref_slice %arg7[%rem3A_169, %dma_wait3A_198, %dma_wait3A_199] : memref<2x128x64xf32, #tpu.memory_space<vmem>> -> memref<1x128x64xf32, #tpu.memory_space<vmem>>
        %dma_wait3A_201 = tpu.memref_squeeze %dma_wait3A_200 : memref<1x128x64xf32, #tpu.memory_space<vmem>> -> memref<128x64xf32, #tpu.memory_space<vmem>>
        %dma_wait3A_202 = arith.constant 0 : i32
        %dma_wait3A_203 = tpu.memref_slice %arg6[%scan3A_167, %dma_wait3A_202] : memref<79x128xi32, #tpu.memory_space<vmem>> -> memref<1x128xi32, #tpu.memory_space<vmem>>
        %dma_wait3A_204 = tpu.memref_squeeze %dma_wait3A_203 : memref<1x128xi32, #tpu.memory_space<vmem>> -> memref<128xi32, #tpu.memory_space<vmem>>
        %dma_wait3A_205 = arith.constant 0 : i32
        %dma_wait3A_206 = arith.constant 0 : i32
        %dma_wait3A_207 = tpu.memref_slice %arg8[%dma_wait3A_205, %dma_wait3A_206] : memref<10016x64xf32, #tpu.memory_space<vmem_shared>> -> memref<10016x64xf32, #tpu.memory_space<vmem_shared>>
        tpu.wait_indirect_dma semaphore(%run_scoped3A : memref<!tpu.dma_semaphore, #tpu.memory_space<semaphore_mem>>) src(%dma_wait3A_201 : memref<128x64xf32, #tpu.memory_space<vmem>>) dst(%dma_wait3A_207 : memref<10016x64xf32, #tpu.memory_space<vmem_shared>>)
        tpu.yield
      }) : () -> ()
    }
    %scan3A_131 = arith.constant 78 : i32
    %lt3A_132 = arith.constant 4 : i32
    %lt3A_133 = arith.cmpi slt, %add3A, %lt3A_132 : i32
    %convert_element_type3A_134 = arith.extui %lt3A_133 : i1 to i32
    %cond3A_135 = arith.constant 0 : i32
    %cond3A_136 = arith.cmpi ne, %convert_element_type3A_134, %cond3A_135 : i32
    scf.if %cond3A_136 {
      %dma_wait3A_147 = arith.constant 78 : i32
      %dma_wait3A_148 = arith.constant 0 : i32
      %dma_wait3A_149 = arith.constant 0 : i32
      %dma_wait3A_150 = arith.constant 0 : i32
      %dma_wait3A_151 = arith.constant 0 : i32
      %dma_wait3A_152 = tpu.memref_slice %arg7[%dma_wait3A_148, %dma_wait3A_150, %dma_wait3A_151] : memref<2x128x64xf32, #tpu.memory_space<vmem>> -> memref<1x128x64xf32, #tpu.memory_space<vmem>>
      %dma_wait3A_153 = tpu.memref_squeeze %dma_wait3A_152 : memref<1x128x64xf32, #tpu.memory_space<vmem>> -> memref<128x64xf32, #tpu.memory_space<vmem>>
      %dma_wait3A_154 = arith.constant 0 : i32
      %dma_wait3A_155 = tpu.memref_slice %arg5[%dma_wait3A_147, %dma_wait3A_154] : memref<79x128xi32, #tpu.memory_space<vmem>> -> memref<1x128xi32, #tpu.memory_space<vmem>>
      %dma_wait3A_156 = tpu.memref_squeeze %dma_wait3A_155 : memref<1x128xi32, #tpu.memory_space<vmem>> -> memref<128xi32, #tpu.memory_space<vmem>>
      %dma_wait3A_157 = arith.constant 0 : i32
      %dma_wait3A_158 = arith.constant 0 : i32
      %dma_wait3A_159 = tpu.memref_slice %arg9[%dma_wait3A_157, %dma_wait3A_158] : memref<10000x64xf32, #tpu.memory_space<vmem_shared>> -> memref<10000x64xf32, #tpu.memory_space<vmem_shared>>
      %dma_wait3A_160 = tpu.memref_slice %arg10[%dma_wait3A_149] : memref<2x!tpu.dma_semaphore, #tpu.memory_space<semaphore_mem>> -> memref<1x!tpu.dma_semaphore, #tpu.memory_space<semaphore_mem>>
      %dma_wait3A_161 = tpu.memref_squeeze %dma_wait3A_160 : memref<1x!tpu.dma_semaphore, #tpu.memory_space<semaphore_mem>> -> memref<!tpu.dma_semaphore, #tpu.memory_space<semaphore_mem>>
      tpu.wait_indirect_dma semaphore(%dma_wait3A_161 : memref<!tpu.dma_semaphore, #tpu.memory_space<semaphore_mem>>) src(%dma_wait3A_159 : memref<10000x64xf32, #tpu.memory_space<vmem_shared>>) dst(%dma_wait3A_153 : memref<128x64xf32, #tpu.memory_space<vmem>>)
      %run_scoped3A = arith.constant 0 : i32
      %run_scoped3A_162 = arith.constant 78 : i32
      "tpu.region"() ({
        %run_scoped3A_163 = tpu.sem_alloc : memref<!tpu.dma_semaphore, #tpu.memory_space<semaphore_mem>>
        %dma_start3A_164 = arith.constant 0 : i32
        %dma_start3A_165 = arith.constant 0 : i32
        %dma_start3A_166 = tpu.memref_slice %arg7[%run_scoped3A, %dma_start3A_164, %dma_start3A_165] : memref<2x128x64xf32, #tpu.memory_space<vmem>> -> memref<1x128x64xf32, #tpu.memory_space<vmem>>
        %dma_start3A_167 = tpu.memref_squeeze %dma_start3A_166 : memref<1x128x64xf32, #tpu.memory_space<vmem>> -> memref<128x64xf32, #tpu.memory_space<vmem>>
        %dma_start3A_168 = arith.constant 0 : i32
        %dma_start3A_169 = tpu.memref_slice %arg6[%run_scoped3A_162, %dma_start3A_168] : memref<79x128xi32, #tpu.memory_space<vmem>> -> memref<1x128xi32, #tpu.memory_space<vmem>>
        %dma_start3A_170 = tpu.memref_squeeze %dma_start3A_169 : memref<1x128xi32, #tpu.memory_space<vmem>> -> memref<128xi32, #tpu.memory_space<vmem>>
        %dma_start3A_171 = arith.constant 0 : i32
        %dma_start3A_172 = arith.constant 0 : i32
        %dma_start3A_173 = tpu.memref_slice %arg8[%dma_start3A_171, %dma_start3A_172] : memref<10016x64xf32, #tpu.memory_space<vmem_shared>> -> memref<10016x64xf32, #tpu.memory_space<vmem_shared>>
        tpu.enqueue_indirect_dma source(%dma_start3A_167 : memref<128x64xf32, #tpu.memory_space<vmem>>) target(%dma_start3A_173 : memref<10016x64xf32, #tpu.memory_space<vmem_shared>>) offsets(%dma_start3A_170 : memref<128xi32, #tpu.memory_space<vmem>>) semaphore(%run_scoped3A_163 : memref<!tpu.dma_semaphore, #tpu.memory_space<semaphore_mem>>) {add = true}
        %dma_wait3A_174 = arith.constant 0 : i32
        %dma_wait3A_175 = arith.constant 0 : i32
        %dma_wait3A_176 = tpu.memref_slice %arg7[%run_scoped3A, %dma_wait3A_174, %dma_wait3A_175] : memref<2x128x64xf32, #tpu.memory_space<vmem>> -> memref<1x128x64xf32, #tpu.memory_space<vmem>>
        %dma_wait3A_177 = tpu.memref_squeeze %dma_wait3A_176 : memref<1x128x64xf32, #tpu.memory_space<vmem>> -> memref<128x64xf32, #tpu.memory_space<vmem>>
        %dma_wait3A_178 = arith.constant 0 : i32
        %dma_wait3A_179 = tpu.memref_slice %arg6[%run_scoped3A_162, %dma_wait3A_178] : memref<79x128xi32, #tpu.memory_space<vmem>> -> memref<1x128xi32, #tpu.memory_space<vmem>>
        %dma_wait3A_180 = tpu.memref_squeeze %dma_wait3A_179 : memref<1x128xi32, #tpu.memory_space<vmem>> -> memref<128xi32, #tpu.memory_space<vmem>>
        %dma_wait3A_181 = arith.constant 0 : i32
        %dma_wait3A_182 = arith.constant 0 : i32
        %dma_wait3A_183 = tpu.memref_slice %arg8[%dma_wait3A_181, %dma_wait3A_182] : memref<10016x64xf32, #tpu.memory_space<vmem_shared>> -> memref<10016x64xf32, #tpu.memory_space<vmem_shared>>
        tpu.wait_indirect_dma semaphore(%run_scoped3A_163 : memref<!tpu.dma_semaphore, #tpu.memory_space<semaphore_mem>>) src(%dma_wait3A_177 : memref<128x64xf32, #tpu.memory_space<vmem>>) dst(%dma_wait3A_183 : memref<10016x64xf32, #tpu.memory_space<vmem_shared>>)
        tpu.yield
      }) : () -> ()
    } else {
    }
    %barrier3A_137 = arith.constant 0 : index
    tpu.barrier barrier_id(%barrier3A_137)
    %mul3A_138 = arith.constant 624 : i32
    %mul3A_139 = arith.muli %arg1, %mul3A_138 : i32
    %mul3A_140 = arith.constant 624 : i32
    %mul3A_141 = arith.muli %arg1, %mul3A_140 : i32
    "tpu.region"() ({
      %run_scoped3A = tpu.sem_alloc : memref<!tpu.dma_semaphore, #tpu.memory_space<semaphore_mem>>
      %dma_start3A_147 = arith.constant 0 : i32
      %dma_start3A_148 = tpu.memref_slice %arg4[%arg0, %mul3A_141, %dma_start3A_147] : memref<2x10000x64xf32, #tpu.memory_space<hbm>> -> memref<1x624x64xf32, #tpu.memory_space<hbm>>
      %dma_start3A_149 = tpu.memref_squeeze %dma_start3A_148 : memref<1x624x64xf32, #tpu.memory_space<hbm>> -> memref<624x64xf32, #tpu.memory_space<hbm>>
      %dma_start3A_150 = arith.constant 0 : i32
      %dma_start3A_151 = tpu.memref_slice %arg8[%mul3A_139, %dma_start3A_150] : memref<10016x64xf32, #tpu.memory_space<vmem_shared>> -> memref<624x64xf32, #tpu.memory_space<vmem_shared>>
      tpu.enqueue_dma source(%dma_start3A_151 : memref<624x64xf32, #tpu.memory_space<vmem_shared>>) target(%dma_start3A_149 : memref<624x64xf32, #tpu.memory_space<hbm>>) target_semaphore(%run_scoped3A : memref<!tpu.dma_semaphore, #tpu.memory_space<semaphore_mem>>)
      %dma_wait3A_152 = arith.constant 0 : i32
      %dma_wait3A_153 = tpu.memref_slice %arg4[%arg0, %mul3A_141, %dma_wait3A_152] : memref<2x10000x64xf32, #tpu.memory_space<hbm>> -> memref<1x624x64xf32, #tpu.memory_space<hbm>>
      %dma_wait3A_154 = tpu.memref_squeeze %dma_wait3A_153 : memref<1x624x64xf32, #tpu.memory_space<hbm>> -> memref<624x64xf32, #tpu.memory_space<hbm>>
      %dma_wait3A_155 = arith.constant 0 : i32
      %dma_wait3A_156 = tpu.memref_slice %arg8[%mul3A_139, %dma_wait3A_155] : memref<10016x64xf32, #tpu.memory_space<vmem_shared>> -> memref<624x64xf32, #tpu.memory_space<vmem_shared>>
      tpu.wait_dma2 semaphore(%run_scoped3A : memref<!tpu.dma_semaphore, #tpu.memory_space<semaphore_mem>>) src(%dma_wait3A_156 : memref<624x64xf32, #tpu.memory_space<vmem_shared>>) dst(%dma_wait3A_154 : memref<624x64xf32, #tpu.memory_space<hbm>>)
      tpu.yield
    }) : () -> ()
    %eq3A_142 = arith.constant 15 : i32
    %eq3A_143 = arith.cmpi eq, %arg1, %eq3A_142 : i32
    %convert_element_type3A_144 = arith.extui %eq3A_143 : i1 to i32
    %cond3A_145 = arith.constant 0 : i32
    %cond3A_146 = arith.cmpi ne, %convert_element_type3A_144, %cond3A_145 : i32
    scf.if %cond3A_146 {
      "tpu.region"() ({
        %run_scoped3A = tpu.sem_alloc : memref<!tpu.dma_semaphore, #tpu.memory_space<semaphore_mem>>
        %dma_start3A_147 = arith.constant 9984 : i32
        %dma_start3A_148 = arith.constant 0 : i32
        %dma_start3A_149 = tpu.memref_slice %arg4[%arg0, %dma_start3A_147, %dma_start3A_148] : memref<2x10000x64xf32, #tpu.memory_space<hbm>> -> memref<1x16x64xf32, #tpu.memory_space<hbm>>
        %dma_start3A_150 = tpu.memref_squeeze %dma_start3A_149 : memref<1x16x64xf32, #tpu.memory_space<hbm>> -> memref<16x64xf32, #tpu.memory_space<hbm>>
        %dma_start3A_151 = arith.constant 9984 : i32
        %dma_start3A_152 = arith.constant 0 : i32
        %dma_start3A_153 = tpu.memref_slice %arg8[%dma_start3A_151, %dma_start3A_152] : memref<10016x64xf32, #tpu.memory_space<vmem_shared>> -> memref<16x64xf32, #tpu.memory_space<vmem_shared>>
        tpu.enqueue_dma source(%dma_start3A_153 : memref<16x64xf32, #tpu.memory_space<vmem_shared>>) target(%dma_start3A_150 : memref<16x64xf32, #tpu.memory_space<hbm>>) target_semaphore(%run_scoped3A : memref<!tpu.dma_semaphore, #tpu.memory_space<semaphore_mem>>)
        %dma_wait3A_154 = arith.constant 9984 : i32
        %dma_wait3A_155 = arith.constant 0 : i32
        %dma_wait3A_156 = tpu.memref_slice %arg4[%arg0, %dma_wait3A_154, %dma_wait3A_155] : memref<2x10000x64xf32, #tpu.memory_space<hbm>> -> memref<1x16x64xf32, #tpu.memory_space<hbm>>
        %dma_wait3A_157 = tpu.memref_squeeze %dma_wait3A_156 : memref<1x16x64xf32, #tpu.memory_space<hbm>> -> memref<16x64xf32, #tpu.memory_space<hbm>>
        %dma_wait3A_158 = arith.constant 9984 : i32
        %dma_wait3A_159 = arith.constant 0 : i32
        %dma_wait3A_160 = tpu.memref_slice %arg8[%dma_wait3A_158, %dma_wait3A_159] : memref<10016x64xf32, #tpu.memory_space<vmem_shared>> -> memref<16x64xf32, #tpu.memory_space<vmem_shared>>
        tpu.wait_dma2 semaphore(%run_scoped3A : memref<!tpu.dma_semaphore, #tpu.memory_space<semaphore_mem>>) src(%dma_wait3A_160 : memref<16x64xf32, #tpu.memory_space<vmem_shared>>) dst(%dma_wait3A_157 : memref<16x64xf32, #tpu.memory_space<hbm>>)
        tpu.yield
      }) : () -> ()
    } else {
    }
    return
  }
}

#map = affine_map<(d0, d1) -> (0, 0)>
#map1 = affine_map<(d0, d1) -> (0, 0, 0)>
module attributes {stable_mosaic.version = 14 : i64} {
  func.func @agg(%arg0: i32, %arg1: i32, %arg2: memref<10000x64xf32, #tpu.memory_space<hbm>>, %arg3: memref<2x2500x128xi32, #tpu.memory_space<hbm>>, %arg4: memref<2x10000x64xf32, #tpu.memory_space<hbm>>, %arg5: memref<79x128xi32, #tpu.memory_space<vmem>>, %arg6: memref<79x128xi32, #tpu.memory_space<vmem>>, %arg7: memref<2x128x64xf32, #tpu.memory_space<vmem>>, %arg8: memref<10016x64xf32, #tpu.memory_space<vmem_shared>>, %arg9: memref<10000x64xf32, #tpu.memory_space<vmem_shared>>, %arg10: memref<2x!tpu.dma_semaphore, #tpu.memory_space<semaphore_mem>>, %arg11: memref<3x!tpu.dma_semaphore, #tpu.memory_space<semaphore_mem>>) attributes {dimension_semantics = [#tpu.dimension_semantics<core_parallel>, #tpu.dimension_semantics<subcore_parallel>], iteration_bounds = array<i64: 2, 16>, scalar_prefetch = 0 : i64, scratch_operands = 7 : i64, tpu.core_type = #tpu.core_type<sc_vector_subcore>, window_params = [{transform_indices = #map}, {transform_indices = #map1}, {transform_indices = #map1}]} {
    %mul3A = arith.constant 2 : i32
    %mul3A_0 = arith.muli %arg1, %mul3A : i32
    %add3A = arith.addi %mul3A_0, %arg0 : i32
    %lt3A = arith.constant 4 : i32
    %lt3A_1 = arith.cmpi slt, %add3A, %lt3A : i32
    %jit3A = arith.constant 79 : i32
    %jit3A_2 = arith.constant 78 : i32
    %select_n3A = arith.select %lt3A_1, %jit3A, %jit3A_2 : i32
    %mul3A_3 = arith.constant 624 : i32
    %mul3A_4 = arith.muli %arg1, %mul3A_3 : i32
    %mul3A_5 = arith.constant 624 : i32
    %mul3A_6 = arith.muli %arg1, %mul3A_5 : i32
    %dma_start3A = arith.constant 0 : i32
    %dma_start3A_7 = tpu.memref_slice %arg11[%dma_start3A] : memref<3x!tpu.dma_semaphore, #tpu.memory_space<semaphore_mem>> -> memref<1x!tpu.dma_semaphore, #tpu.memory_space<semaphore_mem>>
    %dma_start3A_8 = tpu.memref_squeeze %dma_start3A_7 : memref<1x!tpu.dma_semaphore, #tpu.memory_space<semaphore_mem>> -> memref<!tpu.dma_semaphore, #tpu.memory_space<semaphore_mem>>
    %dma_start3A_9 = arith.constant 0 : i32
    %dma_start3A_10 = tpu.memref_slice %arg9[%mul3A_6, %dma_start3A_9] : memref<10000x64xf32, #tpu.memory_space<vmem_shared>> -> memref<624x64xf32, #tpu.memory_space<vmem_shared>>
    %dma_start3A_11 = arith.constant 0 : i32
    %dma_start3A_12 = tpu.memref_slice %arg2[%mul3A_4, %dma_start3A_11] : memref<10000x64xf32, #tpu.memory_space<hbm>> -> memref<624x64xf32, #tpu.memory_space<hbm>>
    tpu.enqueue_dma source(%dma_start3A_12 : memref<624x64xf32, #tpu.memory_space<hbm>>) target(%dma_start3A_10 : memref<624x64xf32, #tpu.memory_space<vmem_shared>>) target_semaphore(%dma_start3A_8 : memref<!tpu.dma_semaphore, #tpu.memory_space<semaphore_mem>>)
    %mul3A_13 = arith.constant 624 : i32
    %mul3A_14 = arith.muli %arg1, %mul3A_13 : i32
    %mul3A_15 = arith.constant 624 : i32
    %mul3A_16 = arith.muli %arg1, %mul3A_15 : i32
    %dma_start3A_17 = arith.constant 1 : i32
    %dma_start3A_18 = tpu.memref_slice %arg11[%dma_start3A_17] : memref<3x!tpu.dma_semaphore, #tpu.memory_space<semaphore_mem>> -> memref<1x!tpu.dma_semaphore, #tpu.memory_space<semaphore_mem>>
    %dma_start3A_19 = tpu.memref_squeeze %dma_start3A_18 : memref<1x!tpu.dma_semaphore, #tpu.memory_space<semaphore_mem>> -> memref<!tpu.dma_semaphore, #tpu.memory_space<semaphore_mem>>
    %dma_start3A_20 = arith.constant 0 : i32
    %dma_start3A_21 = tpu.memref_slice %arg8[%mul3A_16, %dma_start3A_20] : memref<10016x64xf32, #tpu.memory_space<vmem_shared>> -> memref<624x64xf32, #tpu.memory_space<vmem_shared>>
    %dma_start3A_22 = arith.constant 0 : i32
    %dma_start3A_23 = tpu.memref_slice %arg2[%mul3A_14, %dma_start3A_22] : memref<10000x64xf32, #tpu.memory_space<hbm>> -> memref<624x64xf32, #tpu.memory_space<hbm>>
    tpu.enqueue_dma source(%dma_start3A_23 : memref<624x64xf32, #tpu.memory_space<hbm>>) target(%dma_start3A_21 : memref<624x64xf32, #tpu.memory_space<vmem_shared>>) target_semaphore(%dma_start3A_19 : memref<!tpu.dma_semaphore, #tpu.memory_space<semaphore_mem>>)
    %mul3A_24 = arith.constant 78 : i32
    %mul3A_25 = arith.muli %add3A, %mul3A_24 : i32
    %dma_start3A_26 = arith.constant 0 : i32
    %dma_start3A_27 = arith.constant 2 : i32
    %dma_start3A_28 = arith.constant 0 : i32
    %dma_start3A_29 = arith.constant 0 : i32
    %dma_start3A_30 = tpu.memref_slice %arg5[%dma_start3A_28, %dma_start3A_29] : memref<79x128xi32, #tpu.memory_space<vmem>> -> memref<78x128xi32, #tpu.memory_space<vmem>>
    %dma_start3A_31 = arith.constant 0 : i32
    %dma_start3A_32 = tpu.memref_slice %arg3[%dma_start3A_26, %mul3A_25, %dma_start3A_31] : memref<2x2500x128xi32, #tpu.memory_space<hbm>> -> memref<1x78x128xi32, #tpu.memory_space<hbm>>
    %dma_start3A_33 = tpu.memref_squeeze %dma_start3A_32 : memref<1x78x128xi32, #tpu.memory_space<hbm>> -> memref<78x128xi32, #tpu.memory_space<hbm>>
    %dma_start3A_34 = tpu.memref_slice %arg11[%dma_start3A_27] : memref<3x!tpu.dma_semaphore, #tpu.memory_space<semaphore_mem>> -> memref<1x!tpu.dma_semaphore, #tpu.memory_space<semaphore_mem>>
    %dma_start3A_35 = tpu.memref_squeeze %dma_start3A_34 : memref<1x!tpu.dma_semaphore, #tpu.memory_space<semaphore_mem>> -> memref<!tpu.dma_semaphore, #tpu.memory_space<semaphore_mem>>
    %dma_start3A_36 = arith.constant 0 : i32
    %dma_start3A_37 = arith.constant 0 : i32
    %dma_start3A_38 = tpu.memref_slice %arg5[%dma_start3A_36, %dma_start3A_37] : memref<79x128xi32, #tpu.memory_space<vmem>> -> memref<78x128xi32, #tpu.memory_space<vmem>>
    %dma_start3A_39 = arith.constant 0 : i32
    %dma_start3A_40 = tpu.memref_slice %arg3[%dma_start3A_26, %mul3A_25, %dma_start3A_39] : memref<2x2500x128xi32, #tpu.memory_space<hbm>> -> memref<1x78x128xi32, #tpu.memory_space<hbm>>
    %dma_start3A_41 = tpu.memref_squeeze %dma_start3A_40 : memref<1x78x128xi32, #tpu.memory_space<hbm>> -> memref<78x128xi32, #tpu.memory_space<hbm>>
    tpu.enqueue_dma source(%dma_start3A_41 : memref<78x128xi32, #tpu.memory_space<hbm>>) target(%dma_start3A_38 : memref<78x128xi32, #tpu.memory_space<vmem>>) target_semaphore(%dma_start3A_35 : memref<!tpu.dma_semaphore, #tpu.memory_space<semaphore_mem>>)
    %mul3A_42 = arith.constant 78 : i32
    %mul3A_43 = arith.muli %add3A, %mul3A_42 : i32
    %dma_start3A_44 = arith.constant 1 : i32
    %dma_start3A_45 = arith.constant 2 : i32
    %dma_start3A_46 = arith.constant 0 : i32
    %dma_start3A_47 = arith.constant 0 : i32
    %dma_start3A_48 = tpu.memref_slice %arg6[%dma_start3A_46, %dma_start3A_47] : memref<79x128xi32, #tpu.memory_space<vmem>> -> memref<78x128xi32, #tpu.memory_space<vmem>>
    %dma_start3A_49 = arith.constant 0 : i32
    %dma_start3A_50 = tpu.memref_slice %arg3[%dma_start3A_44, %mul3A_43, %dma_start3A_49] : memref<2x2500x128xi32, #tpu.memory_space<hbm>> -> memref<1x78x128xi32, #tpu.memory_space<hbm>>
    %dma_start3A_51 = tpu.memref_squeeze %dma_start3A_50 : memref<1x78x128xi32, #tpu.memory_space<hbm>> -> memref<78x128xi32, #tpu.memory_space<hbm>>
    %dma_start3A_52 = tpu.memref_slice %arg11[%dma_start3A_45] : memref<3x!tpu.dma_semaphore, #tpu.memory_space<semaphore_mem>> -> memref<1x!tpu.dma_semaphore, #tpu.memory_space<semaphore_mem>>
    %dma_start3A_53 = tpu.memref_squeeze %dma_start3A_52 : memref<1x!tpu.dma_semaphore, #tpu.memory_space<semaphore_mem>> -> memref<!tpu.dma_semaphore, #tpu.memory_space<semaphore_mem>>
    %dma_start3A_54 = arith.constant 0 : i32
    %dma_start3A_55 = arith.constant 0 : i32
    %dma_start3A_56 = tpu.memref_slice %arg6[%dma_start3A_54, %dma_start3A_55] : memref<79x128xi32, #tpu.memory_space<vmem>> -> memref<78x128xi32, #tpu.memory_space<vmem>>
    %dma_start3A_57 = arith.constant 0 : i32
    %dma_start3A_58 = tpu.memref_slice %arg3[%dma_start3A_44, %mul3A_43, %dma_start3A_57] : memref<2x2500x128xi32, #tpu.memory_space<hbm>> -> memref<1x78x128xi32, #tpu.memory_space<hbm>>
    %dma_start3A_59 = tpu.memref_squeeze %dma_start3A_58 : memref<1x78x128xi32, #tpu.memory_space<hbm>> -> memref<78x128xi32, #tpu.memory_space<hbm>>
    tpu.enqueue_dma source(%dma_start3A_59 : memref<78x128xi32, #tpu.memory_space<hbm>>) target(%dma_start3A_56 : memref<78x128xi32, #tpu.memory_space<vmem>>) target_semaphore(%dma_start3A_53 : memref<!tpu.dma_semaphore, #tpu.memory_space<semaphore_mem>>)
    %dma_wait3A = arith.constant 0 : i32
    %dma_wait3A_60 = tpu.memref_slice %arg11[%dma_wait3A] : memref<3x!tpu.dma_semaphore, #tpu.memory_space<semaphore_mem>> -> memref<1x!tpu.dma_semaphore, #tpu.memory_space<semaphore_mem>>
    %dma_wait3A_61 = tpu.memref_squeeze %dma_wait3A_60 : memref<1x!tpu.dma_semaphore, #tpu.memory_space<semaphore_mem>> -> memref<!tpu.dma_semaphore, #tpu.memory_space<semaphore_mem>>
    %dma_wait3A_62 = arith.constant 0 : i32
    %dma_wait3A_63 = tpu.memref_slice %arg9[%mul3A_6, %dma_wait3A_62] : memref<10000x64xf32, #tpu.memory_space<vmem_shared>> -> memref<624x64xf32, #tpu.memory_space<vmem_shared>>
    %dma_wait3A_64 = arith.constant 0 : i32
    %dma_wait3A_65 = tpu.memref_slice %arg2[%mul3A_4, %dma_wait3A_64] : memref<10000x64xf32, #tpu.memory_space<hbm>> -> memref<624x64xf32, #tpu.memory_space<hbm>>
    tpu.wait_dma2 semaphore(%dma_wait3A_61 : memref<!tpu.dma_semaphore, #tpu.memory_space<semaphore_mem>>) src(%dma_wait3A_65 : memref<624x64xf32, #tpu.memory_space<hbm>>) dst(%dma_wait3A_63 : memref<624x64xf32, #tpu.memory_space<vmem_shared>>)
    %dma_wait3A_66 = arith.constant 1 : i32
    %dma_wait3A_67 = tpu.memref_slice %arg11[%dma_wait3A_66] : memref<3x!tpu.dma_semaphore, #tpu.memory_space<semaphore_mem>> -> memref<1x!tpu.dma_semaphore, #tpu.memory_space<semaphore_mem>>
    %dma_wait3A_68 = tpu.memref_squeeze %dma_wait3A_67 : memref<1x!tpu.dma_semaphore, #tpu.memory_space<semaphore_mem>> -> memref<!tpu.dma_semaphore, #tpu.memory_space<semaphore_mem>>
    %dma_wait3A_69 = arith.constant 0 : i32
    %dma_wait3A_70 = tpu.memref_slice %arg8[%mul3A_16, %dma_wait3A_69] : memref<10016x64xf32, #tpu.memory_space<vmem_shared>> -> memref<624x64xf32, #tpu.memory_space<vmem_shared>>
    %dma_wait3A_71 = arith.constant 0 : i32
    %dma_wait3A_72 = tpu.memref_slice %arg2[%mul3A_14, %dma_wait3A_71] : memref<10000x64xf32, #tpu.memory_space<hbm>> -> memref<624x64xf32, #tpu.memory_space<hbm>>
    tpu.wait_dma2 semaphore(%dma_wait3A_68 : memref<!tpu.dma_semaphore, #tpu.memory_space<semaphore_mem>>) src(%dma_wait3A_72 : memref<624x64xf32, #tpu.memory_space<hbm>>) dst(%dma_wait3A_70 : memref<624x64xf32, #tpu.memory_space<vmem_shared>>)
    %dma_wait3A_73 = arith.constant 0 : i32
    %dma_wait3A_74 = arith.constant 2 : i32
    %dma_wait3A_75 = arith.constant 0 : i32
    %dma_wait3A_76 = arith.constant 0 : i32
    %dma_wait3A_77 = tpu.memref_slice %arg5[%dma_wait3A_75, %dma_wait3A_76] : memref<79x128xi32, #tpu.memory_space<vmem>> -> memref<78x128xi32, #tpu.memory_space<vmem>>
    %dma_wait3A_78 = arith.constant 0 : i32
    %dma_wait3A_79 = tpu.memref_slice %arg3[%dma_wait3A_73, %mul3A_25, %dma_wait3A_78] : memref<2x2500x128xi32, #tpu.memory_space<hbm>> -> memref<1x78x128xi32, #tpu.memory_space<hbm>>
    %dma_wait3A_80 = tpu.memref_squeeze %dma_wait3A_79 : memref<1x78x128xi32, #tpu.memory_space<hbm>> -> memref<78x128xi32, #tpu.memory_space<hbm>>
    %dma_wait3A_81 = tpu.memref_slice %arg11[%dma_wait3A_74] : memref<3x!tpu.dma_semaphore, #tpu.memory_space<semaphore_mem>> -> memref<1x!tpu.dma_semaphore, #tpu.memory_space<semaphore_mem>>
    %dma_wait3A_82 = tpu.memref_squeeze %dma_wait3A_81 : memref<1x!tpu.dma_semaphore, #tpu.memory_space<semaphore_mem>> -> memref<!tpu.dma_semaphore, #tpu.memory_space<semaphore_mem>>
    %dma_wait3A_83 = arith.constant 0 : i32
    %dma_wait3A_84 = arith.constant 0 : i32
    %dma_wait3A_85 = tpu.memref_slice %arg5[%dma_wait3A_83, %dma_wait3A_84] : memref<79x128xi32, #tpu.memory_space<vmem>> -> memref<78x128xi32, #tpu.memory_space<vmem>>
    %dma_wait3A_86 = arith.constant 0 : i32
    %dma_wait3A_87 = tpu.memref_slice %arg3[%dma_wait3A_73, %mul3A_25, %dma_wait3A_86] : memref<2x2500x128xi32, #tpu.memory_space<hbm>> -> memref<1x78x128xi32, #tpu.memory_space<hbm>>
    %dma_wait3A_88 = tpu.memref_squeeze %dma_wait3A_87 : memref<1x78x128xi32, #tpu.memory_space<hbm>> -> memref<78x128xi32, #tpu.memory_space<hbm>>
    tpu.wait_dma2 semaphore(%dma_wait3A_82 : memref<!tpu.dma_semaphore, #tpu.memory_space<semaphore_mem>>) src(%dma_wait3A_88 : memref<78x128xi32, #tpu.memory_space<hbm>>) dst(%dma_wait3A_85 : memref<78x128xi32, #tpu.memory_space<vmem>>)
    %dma_wait3A_89 = arith.constant 0 : i32
    %dma_wait3A_90 = arith.constant 2 : i32
    %dma_wait3A_91 = arith.constant 0 : i32
    %dma_wait3A_92 = arith.constant 0 : i32
    %dma_wait3A_93 = tpu.memref_slice %arg5[%dma_wait3A_91, %dma_wait3A_92] : memref<79x128xi32, #tpu.memory_space<vmem>> -> memref<78x128xi32, #tpu.memory_space<vmem>>
    %dma_wait3A_94 = arith.constant 0 : i32
    %dma_wait3A_95 = tpu.memref_slice %arg3[%dma_wait3A_89, %mul3A_25, %dma_wait3A_94] : memref<2x2500x128xi32, #tpu.memory_space<hbm>> -> memref<1x78x128xi32, #tpu.memory_space<hbm>>
    %dma_wait3A_96 = tpu.memref_squeeze %dma_wait3A_95 : memref<1x78x128xi32, #tpu.memory_space<hbm>> -> memref<78x128xi32, #tpu.memory_space<hbm>>
    %dma_wait3A_97 = tpu.memref_slice %arg11[%dma_wait3A_90] : memref<3x!tpu.dma_semaphore, #tpu.memory_space<semaphore_mem>> -> memref<1x!tpu.dma_semaphore, #tpu.memory_space<semaphore_mem>>
    %dma_wait3A_98 = tpu.memref_squeeze %dma_wait3A_97 : memref<1x!tpu.dma_semaphore, #tpu.memory_space<semaphore_mem>> -> memref<!tpu.dma_semaphore, #tpu.memory_space<semaphore_mem>>
    %dma_wait3A_99 = arith.constant 0 : i32
    %dma_wait3A_100 = arith.constant 0 : i32
    %dma_wait3A_101 = tpu.memref_slice %arg5[%dma_wait3A_99, %dma_wait3A_100] : memref<79x128xi32, #tpu.memory_space<vmem>> -> memref<78x128xi32, #tpu.memory_space<vmem>>
    %dma_wait3A_102 = arith.constant 0 : i32
    %dma_wait3A_103 = tpu.memref_slice %arg3[%dma_wait3A_89, %mul3A_25, %dma_wait3A_102] : memref<2x2500x128xi32, #tpu.memory_space<hbm>> -> memref<1x78x128xi32, #tpu.memory_space<hbm>>
    %dma_wait3A_104 = tpu.memref_squeeze %dma_wait3A_103 : memref<1x78x128xi32, #tpu.memory_space<hbm>> -> memref<78x128xi32, #tpu.memory_space<hbm>>
    tpu.wait_dma2 semaphore(%dma_wait3A_98 : memref<!tpu.dma_semaphore, #tpu.memory_space<semaphore_mem>>) src(%dma_wait3A_104 : memref<78x128xi32, #tpu.memory_space<hbm>>) dst(%dma_wait3A_101 : memref<78x128xi32, #tpu.memory_space<vmem>>)
    %lt3A_105 = arith.constant 4 : i32
    %lt3A_106 = arith.cmpi slt, %add3A, %lt3A_105 : i32
    %convert_element_type3A = arith.extui %lt3A_106 : i1 to i32
    %cond3A = arith.constant 0 : i32
    %cond3A_107 = arith.cmpi ne, %convert_element_type3A, %cond3A : i32
    scf.if %cond3A_107 {
      %add3A_147 = arith.constant 2496 : i32
      %add3A_148 = arith.addi %add3A_147, %add3A : i32
      %run_scoped3A = arith.constant 0 : i32
      "tpu.region"() ({
        %run_scoped3A_152 = tpu.sem_alloc : memref<!tpu.dma_semaphore, #tpu.memory_space<semaphore_mem>>
        %dma_start3A_153 = arith.constant 78 : i32
        %dma_start3A_154 = arith.constant 0 : i32
        %dma_start3A_155 = tpu.memref_slice %arg5[%dma_start3A_153, %dma_start3A_154] : memref<79x128xi32, #tpu.memory_space<vmem>> -> memref<1x128xi32, #tpu.memory_space<vmem>>
        %dma_start3A_156 = arith.constant 0 : i32
        %dma_start3A_157 = tpu.memref_slice %arg3[%run_scoped3A, %add3A_148, %dma_start3A_156] : memref<2x2500x128xi32, #tpu.memory_space<hbm>> -> memref<1x1x128xi32, #tpu.memory_space<hbm>>
        %dma_start3A_158 = tpu.memref_squeeze %dma_start3A_157 : memref<1x1x128xi32, #tpu.memory_space<hbm>> -> memref<1x128xi32, #tpu.memory_space<hbm>>
        %dma_start3A_159 = arith.constant 78 : i32
        %dma_start3A_160 = arith.constant 0 : i32
        %dma_start3A_161 = tpu.memref_slice %arg5[%dma_start3A_159, %dma_start3A_160] : memref<79x128xi32, #tpu.memory_space<vmem>> -> memref<1x128xi32, #tpu.memory_space<vmem>>
        %dma_start3A_162 = arith.constant 0 : i32
        %dma_start3A_163 = tpu.memref_slice %arg3[%run_scoped3A, %add3A_148, %dma_start3A_162] : memref<2x2500x128xi32, #tpu.memory_space<hbm>> -> memref<1x1x128xi32, #tpu.memory_space<hbm>>
        %dma_start3A_164 = tpu.memref_squeeze %dma_start3A_163 : memref<1x1x128xi32, #tpu.memory_space<hbm>> -> memref<1x128xi32, #tpu.memory_space<hbm>>
        tpu.enqueue_dma source(%dma_start3A_164 : memref<1x128xi32, #tpu.memory_space<hbm>>) target(%dma_start3A_161 : memref<1x128xi32, #tpu.memory_space<vmem>>) target_semaphore(%run_scoped3A_152 : memref<!tpu.dma_semaphore, #tpu.memory_space<semaphore_mem>>)
        %dma_wait3A_165 = arith.constant 78 : i32
        %dma_wait3A_166 = arith.constant 0 : i32
        %dma_wait3A_167 = tpu.memref_slice %arg5[%dma_wait3A_165, %dma_wait3A_166] : memref<79x128xi32, #tpu.memory_space<vmem>> -> memref<1x128xi32, #tpu.memory_space<vmem>>
        %dma_wait3A_168 = arith.constant 0 : i32
        %dma_wait3A_169 = tpu.memref_slice %arg3[%run_scoped3A, %add3A_148, %dma_wait3A_168] : memref<2x2500x128xi32, #tpu.memory_space<hbm>> -> memref<1x1x128xi32, #tpu.memory_space<hbm>>
        %dma_wait3A_170 = tpu.memref_squeeze %dma_wait3A_169 : memref<1x1x128xi32, #tpu.memory_space<hbm>> -> memref<1x128xi32, #tpu.memory_space<hbm>>
        %dma_wait3A_171 = arith.constant 78 : i32
        %dma_wait3A_172 = arith.constant 0 : i32
        %dma_wait3A_173 = tpu.memref_slice %arg5[%dma_wait3A_171, %dma_wait3A_172] : memref<79x128xi32, #tpu.memory_space<vmem>> -> memref<1x128xi32, #tpu.memory_space<vmem>>
        %dma_wait3A_174 = arith.constant 0 : i32
        %dma_wait3A_175 = tpu.memref_slice %arg3[%run_scoped3A, %add3A_148, %dma_wait3A_174] : memref<2x2500x128xi32, #tpu.memory_space<hbm>> -> memref<1x1x128xi32, #tpu.memory_space<hbm>>
        %dma_wait3A_176 = tpu.memref_squeeze %dma_wait3A_175 : memref<1x1x128xi32, #tpu.memory_space<hbm>> -> memref<1x128xi32, #tpu.memory_space<hbm>>
        tpu.wait_dma2 semaphore(%run_scoped3A_152 : memref<!tpu.dma_semaphore, #tpu.memory_space<semaphore_mem>>) src(%dma_wait3A_176 : memref<1x128xi32, #tpu.memory_space<hbm>>) dst(%dma_wait3A_173 : memref<1x128xi32, #tpu.memory_space<vmem>>)
        tpu.yield
      }) : () -> ()
      %add3A_149 = arith.constant 2496 : i32
      %add3A_150 = arith.addi %add3A_149, %add3A : i32
      %run_scoped3A_151 = arith.constant 1 : i32
      "tpu.region"() ({
        %run_scoped3A_152 = tpu.sem_alloc : memref<!tpu.dma_semaphore, #tpu.memory_space<semaphore_mem>>
        %dma_start3A_153 = arith.constant 78 : i32
        %dma_start3A_154 = arith.constant 0 : i32
        %dma_start3A_155 = tpu.memref_slice %arg6[%dma_start3A_153, %dma_start3A_154] : memref<79x128xi32, #tpu.memory_space<vmem>> -> memref<1x128xi32, #tpu.memory_space<vmem>>
        %dma_start3A_156 = arith.constant 0 : i32
        %dma_start3A_157 = tpu.memref_slice %arg3[%run_scoped3A_151, %add3A_150, %dma_start3A_156] : memref<2x2500x128xi32, #tpu.memory_space<hbm>> -> memref<1x1x128xi32, #tpu.memory_space<hbm>>
        %dma_start3A_158 = tpu.memref_squeeze %dma_start3A_157 : memref<1x1x128xi32, #tpu.memory_space<hbm>> -> memref<1x128xi32, #tpu.memory_space<hbm>>
        %dma_start3A_159 = arith.constant 78 : i32
        %dma_start3A_160 = arith.constant 0 : i32
        %dma_start3A_161 = tpu.memref_slice %arg6[%dma_start3A_159, %dma_start3A_160] : memref<79x128xi32, #tpu.memory_space<vmem>> -> memref<1x128xi32, #tpu.memory_space<vmem>>
        %dma_start3A_162 = arith.constant 0 : i32
        %dma_start3A_163 = tpu.memref_slice %arg3[%run_scoped3A_151, %add3A_150, %dma_start3A_162] : memref<2x2500x128xi32, #tpu.memory_space<hbm>> -> memref<1x1x128xi32, #tpu.memory_space<hbm>>
        %dma_start3A_164 = tpu.memref_squeeze %dma_start3A_163 : memref<1x1x128xi32, #tpu.memory_space<hbm>> -> memref<1x128xi32, #tpu.memory_space<hbm>>
        tpu.enqueue_dma source(%dma_start3A_164 : memref<1x128xi32, #tpu.memory_space<hbm>>) target(%dma_start3A_161 : memref<1x128xi32, #tpu.memory_space<vmem>>) target_semaphore(%run_scoped3A_152 : memref<!tpu.dma_semaphore, #tpu.memory_space<semaphore_mem>>)
        %dma_wait3A_165 = arith.constant 78 : i32
        %dma_wait3A_166 = arith.constant 0 : i32
        %dma_wait3A_167 = tpu.memref_slice %arg6[%dma_wait3A_165, %dma_wait3A_166] : memref<79x128xi32, #tpu.memory_space<vmem>> -> memref<1x128xi32, #tpu.memory_space<vmem>>
        %dma_wait3A_168 = arith.constant 0 : i32
        %dma_wait3A_169 = tpu.memref_slice %arg3[%run_scoped3A_151, %add3A_150, %dma_wait3A_168] : memref<2x2500x128xi32, #tpu.memory_space<hbm>> -> memref<1x1x128xi32, #tpu.memory_space<hbm>>
        %dma_wait3A_170 = tpu.memref_squeeze %dma_wait3A_169 : memref<1x1x128xi32, #tpu.memory_space<hbm>> -> memref<1x128xi32, #tpu.memory_space<hbm>>
        %dma_wait3A_171 = arith.constant 78 : i32
        %dma_wait3A_172 = arith.constant 0 : i32
        %dma_wait3A_173 = tpu.memref_slice %arg6[%dma_wait3A_171, %dma_wait3A_172] : memref<79x128xi32, #tpu.memory_space<vmem>> -> memref<1x128xi32, #tpu.memory_space<vmem>>
        %dma_wait3A_174 = arith.constant 0 : i32
        %dma_wait3A_175 = tpu.memref_slice %arg3[%run_scoped3A_151, %add3A_150, %dma_wait3A_174] : memref<2x2500x128xi32, #tpu.memory_space<hbm>> -> memref<1x1x128xi32, #tpu.memory_space<hbm>>
        %dma_wait3A_176 = tpu.memref_squeeze %dma_wait3A_175 : memref<1x1x128xi32, #tpu.memory_space<hbm>> -> memref<1x128xi32, #tpu.memory_space<hbm>>
        tpu.wait_dma2 semaphore(%run_scoped3A_152 : memref<!tpu.dma_semaphore, #tpu.memory_space<semaphore_mem>>) src(%dma_wait3A_176 : memref<1x128xi32, #tpu.memory_space<hbm>>) dst(%dma_wait3A_173 : memref<1x128xi32, #tpu.memory_space<vmem>>)
        tpu.yield
      }) : () -> ()
    } else {
    }
    %eq3A = arith.constant 15 : i32
    %eq3A_108 = arith.cmpi eq, %arg1, %eq3A : i32
    %convert_element_type3A_109 = arith.extui %eq3A_108 : i1 to i32
    %cond3A_110 = arith.constant 0 : i32
    %cond3A_111 = arith.cmpi ne, %convert_element_type3A_109, %cond3A_110 : i32
    scf.if %cond3A_111 {
      "tpu.region"() ({
        %run_scoped3A = tpu.sem_alloc : memref<!tpu.dma_semaphore, #tpu.memory_space<semaphore_mem>>
        %dma_start3A_147 = arith.constant 9984 : i32
        %dma_start3A_148 = arith.constant 0 : i32
        %dma_start3A_149 = tpu.memref_slice %arg9[%dma_start3A_147, %dma_start3A_148] : memref<10000x64xf32, #tpu.memory_space<vmem_shared>> -> memref<16x64xf32, #tpu.memory_space<vmem_shared>>
        %dma_start3A_150 = arith.constant 9984 : i32
        %dma_start3A_151 = arith.constant 0 : i32
        %dma_start3A_152 = tpu.memref_slice %arg2[%dma_start3A_150, %dma_start3A_151] : memref<10000x64xf32, #tpu.memory_space<hbm>> -> memref<16x64xf32, #tpu.memory_space<hbm>>
        tpu.enqueue_dma source(%dma_start3A_152 : memref<16x64xf32, #tpu.memory_space<hbm>>) target(%dma_start3A_149 : memref<16x64xf32, #tpu.memory_space<vmem_shared>>) target_semaphore(%run_scoped3A : memref<!tpu.dma_semaphore, #tpu.memory_space<semaphore_mem>>)
        %dma_wait3A_153 = arith.constant 9984 : i32
        %dma_wait3A_154 = arith.constant 0 : i32
        %dma_wait3A_155 = tpu.memref_slice %arg9[%dma_wait3A_153, %dma_wait3A_154] : memref<10000x64xf32, #tpu.memory_space<vmem_shared>> -> memref<16x64xf32, #tpu.memory_space<vmem_shared>>
        %dma_wait3A_156 = arith.constant 9984 : i32
        %dma_wait3A_157 = arith.constant 0 : i32
        %dma_wait3A_158 = tpu.memref_slice %arg2[%dma_wait3A_156, %dma_wait3A_157] : memref<10000x64xf32, #tpu.memory_space<hbm>> -> memref<16x64xf32, #tpu.memory_space<hbm>>
        tpu.wait_dma2 semaphore(%run_scoped3A : memref<!tpu.dma_semaphore, #tpu.memory_space<semaphore_mem>>) src(%dma_wait3A_158 : memref<16x64xf32, #tpu.memory_space<hbm>>) dst(%dma_wait3A_155 : memref<16x64xf32, #tpu.memory_space<vmem_shared>>)
        tpu.yield
      }) : () -> ()
      "tpu.region"() ({
        %run_scoped3A = tpu.sem_alloc : memref<!tpu.dma_semaphore, #tpu.memory_space<semaphore_mem>>
        %dma_start3A_147 = arith.constant 9984 : i32
        %dma_start3A_148 = arith.constant 0 : i32
        %dma_start3A_149 = tpu.memref_slice %arg8[%dma_start3A_147, %dma_start3A_148] : memref<10016x64xf32, #tpu.memory_space<vmem_shared>> -> memref<16x64xf32, #tpu.memory_space<vmem_shared>>
        %dma_start3A_150 = arith.constant 9984 : i32
        %dma_start3A_151 = arith.constant 0 : i32
        %dma_start3A_152 = tpu.memref_slice %arg2[%dma_start3A_150, %dma_start3A_151] : memref<10000x64xf32, #tpu.memory_space<hbm>> -> memref<16x64xf32, #tpu.memory_space<hbm>>
        tpu.enqueue_dma source(%dma_start3A_152 : memref<16x64xf32, #tpu.memory_space<hbm>>) target(%dma_start3A_149 : memref<16x64xf32, #tpu.memory_space<vmem_shared>>) target_semaphore(%run_scoped3A : memref<!tpu.dma_semaphore, #tpu.memory_space<semaphore_mem>>)
        %dma_wait3A_153 = arith.constant 9984 : i32
        %dma_wait3A_154 = arith.constant 0 : i32
        %dma_wait3A_155 = tpu.memref_slice %arg8[%dma_wait3A_153, %dma_wait3A_154] : memref<10016x64xf32, #tpu.memory_space<vmem_shared>> -> memref<16x64xf32, #tpu.memory_space<vmem_shared>>
        %dma_wait3A_156 = arith.constant 9984 : i32
        %dma_wait3A_157 = arith.constant 0 : i32
        %dma_wait3A_158 = tpu.memref_slice %arg2[%dma_wait3A_156, %dma_wait3A_157] : memref<10000x64xf32, #tpu.memory_space<hbm>> -> memref<16x64xf32, #tpu.memory_space<hbm>>
        tpu.wait_dma2 semaphore(%run_scoped3A : memref<!tpu.dma_semaphore, #tpu.memory_space<semaphore_mem>>) src(%dma_wait3A_158 : memref<16x64xf32, #tpu.memory_space<hbm>>) dst(%dma_wait3A_155 : memref<16x64xf32, #tpu.memory_space<vmem_shared>>)
        tpu.yield
      }) : () -> ()
    } else {
    }
    %barrier3A = arith.constant 0 : index
    tpu.barrier barrier_id(%barrier3A)
    %dma_start3A_112 = arith.constant 0 : i32
    %dma_start3A_113 = arith.constant 0 : i32
    %dma_start3A_114 = arith.constant 0 : i32
    %dma_start3A_115 = arith.constant 0 : i32
    %dma_start3A_116 = arith.constant 0 : i32
    %dma_start3A_117 = tpu.memref_slice %arg7[%dma_start3A_113, %dma_start3A_115, %dma_start3A_116] : memref<2x128x64xf32, #tpu.memory_space<vmem>> -> memref<1x128x64xf32, #tpu.memory_space<vmem>>
    %dma_start3A_118 = tpu.memref_squeeze %dma_start3A_117 : memref<1x128x64xf32, #tpu.memory_space<vmem>> -> memref<128x64xf32, #tpu.memory_space<vmem>>
    %dma_start3A_119 = arith.constant 0 : i32
    %dma_start3A_120 = tpu.memref_slice %arg5[%dma_start3A_112, %dma_start3A_119] : memref<79x128xi32, #tpu.memory_space<vmem>> -> memref<1x128xi32, #tpu.memory_space<vmem>>
    %dma_start3A_121 = tpu.memref_squeeze %dma_start3A_120 : memref<1x128xi32, #tpu.memory_space<vmem>> -> memref<128xi32, #tpu.memory_space<vmem>>
    %dma_start3A_122 = arith.constant 0 : i32
    %dma_start3A_123 = arith.constant 0 : i32
    %dma_start3A_124 = tpu.memref_slice %arg9[%dma_start3A_122, %dma_start3A_123] : memref<10000x64xf32, #tpu.memory_space<vmem_shared>> -> memref<10000x64xf32, #tpu.memory_space<vmem_shared>>
    %dma_start3A_125 = tpu.memref_slice %arg10[%dma_start3A_114] : memref<2x!tpu.dma_semaphore, #tpu.memory_space<semaphore_mem>> -> memref<1x!tpu.dma_semaphore, #tpu.memory_space<semaphore_mem>>
    %dma_start3A_126 = tpu.memref_squeeze %dma_start3A_125 : memref<1x!tpu.dma_semaphore, #tpu.memory_space<semaphore_mem>> -> memref<!tpu.dma_semaphore, #tpu.memory_space<semaphore_mem>>
    tpu.enqueue_indirect_dma source(%dma_start3A_124 : memref<10000x64xf32, #tpu.memory_space<vmem_shared>>) target(%dma_start3A_118 : memref<128x64xf32, #tpu.memory_space<vmem>>) offsets(%dma_start3A_121 : memref<128xi32, #tpu.memory_space<vmem>>) semaphore(%dma_start3A_126 : memref<!tpu.dma_semaphore, #tpu.memory_space<semaphore_mem>>)
    %scan3A = arith.constant 0 : i32
    %scan3A_127 = arith.constant 0 : i32
    %scan3A_128 = arith.constant 78 : i32
    %scan3A_129 = arith.addi %scan3A_127, %scan3A_128 : i32
    %scan3A_130 = arith.constant 2 : i32
    scf.for %scan3A_147 = %scan3A_127 to %scan3A_129 step %scan3A_130  : i32 {
      %rem3A = arith.constant 2 : i32
      %rem3A_148 = arith.remsi %scan3A_147, %rem3A : i32
      %dma_wait3A_149 = arith.constant 0 : i32
      %dma_wait3A_150 = arith.constant 0 : i32
      %dma_wait3A_151 = tpu.memref_slice %arg7[%rem3A_148, %dma_wait3A_149, %dma_wait3A_150] : memref<2x128x64xf32, #tpu.memory_space<vmem>> -> memref<1x128x64xf32, #tpu.memory_space<vmem>>
      %dma_wait3A_152 = tpu.memref_squeeze %dma_wait3A_151 : memref<1x128x64xf32, #tpu.memory_space<vmem>> -> memref<128x64xf32, #tpu.memory_space<vmem>>
      %dma_wait3A_153 = arith.constant 0 : i32
      %dma_wait3A_154 = tpu.memref_slice %arg5[%scan3A_147, %dma_wait3A_153] : memref<79x128xi32, #tpu.memory_space<vmem>> -> memref<1x128xi32, #tpu.memory_space<vmem>>
      %dma_wait3A_155 = tpu.memref_squeeze %dma_wait3A_154 : memref<1x128xi32, #tpu.memory_space<vmem>> -> memref<128xi32, #tpu.memory_space<vmem>>
      %dma_wait3A_156 = arith.constant 0 : i32
      %dma_wait3A_157 = arith.constant 0 : i32
      %dma_wait3A_158 = tpu.memref_slice %arg9[%dma_wait3A_156, %dma_wait3A_157] : memref<10000x64xf32, #tpu.memory_space<vmem_shared>> -> memref<10000x64xf32, #tpu.memory_space<vmem_shared>>
      %dma_wait3A_159 = tpu.memref_slice %arg10[%rem3A_148] : memref<2x!tpu.dma_semaphore, #tpu.memory_space<semaphore_mem>> -> memref<1x!tpu.dma_semaphore, #tpu.memory_space<semaphore_mem>>
      %dma_wait3A_160 = tpu.memref_squeeze %dma_wait3A_159 : memref<1x!tpu.dma_semaphore, #tpu.memory_space<semaphore_mem>> -> memref<!tpu.dma_semaphore, #tpu.memory_space<semaphore_mem>>
      tpu.wait_indirect_dma semaphore(%dma_wait3A_160 : memref<!tpu.dma_semaphore, #tpu.memory_space<semaphore_mem>>) src(%dma_wait3A_158 : memref<10000x64xf32, #tpu.memory_space<vmem_shared>>) dst(%dma_wait3A_152 : memref<128x64xf32, #tpu.memory_space<vmem>>)
      %sub3A = arith.constant 1 : i32
      %sub3A_161 = arith.subi %select_n3A, %sub3A : i32
      %lt3A_162 = arith.cmpi slt, %scan3A_147, %sub3A_161 : i32
      %convert_element_type3A_163 = arith.extui %lt3A_162 : i1 to i32
      %cond3A_164 = arith.constant 0 : i32
      %cond3A_165 = arith.cmpi ne, %convert_element_type3A_163, %cond3A_164 : i32
      scf.if %cond3A_165 {
        %sub3A_188 = arith.constant 1 : i32
        %sub3A_189 = arith.subi %sub3A_188, %rem3A_148 : i32
        %add3A_190 = arith.constant 1 : i32
        %add3A_191 = arith.addi %scan3A_147, %add3A_190 : i32
        %dma_start3A_192 = arith.constant 0 : i32
        %dma_start3A_193 = arith.constant 0 : i32
        %dma_start3A_194 = tpu.memref_slice %arg7[%sub3A_189, %dma_start3A_192, %dma_start3A_193] : memref<2x128x64xf32, #tpu.memory_space<vmem>> -> memref<1x128x64xf32, #tpu.memory_space<vmem>>
        %dma_start3A_195 = tpu.memref_squeeze %dma_start3A_194 : memref<1x128x64xf32, #tpu.memory_space<vmem>> -> memref<128x64xf32, #tpu.memory_space<vmem>>
        %dma_start3A_196 = arith.constant 0 : i32
        %dma_start3A_197 = tpu.memref_slice %arg5[%add3A_191, %dma_start3A_196] : memref<79x128xi32, #tpu.memory_space<vmem>> -> memref<1x128xi32, #tpu.memory_space<vmem>>
        %dma_start3A_198 = tpu.memref_squeeze %dma_start3A_197 : memref<1x128xi32, #tpu.memory_space<vmem>> -> memref<128xi32, #tpu.memory_space<vmem>>
        %dma_start3A_199 = arith.constant 0 : i32
        %dma_start3A_200 = arith.constant 0 : i32
        %dma_start3A_201 = tpu.memref_slice %arg9[%dma_start3A_199, %dma_start3A_200] : memref<10000x64xf32, #tpu.memory_space<vmem_shared>> -> memref<10000x64xf32, #tpu.memory_space<vmem_shared>>
        %dma_start3A_202 = tpu.memref_slice %arg10[%sub3A_189] : memref<2x!tpu.dma_semaphore, #tpu.memory_space<semaphore_mem>> -> memref<1x!tpu.dma_semaphore, #tpu.memory_space<semaphore_mem>>
        %dma_start3A_203 = tpu.memref_squeeze %dma_start3A_202 : memref<1x!tpu.dma_semaphore, #tpu.memory_space<semaphore_mem>> -> memref<!tpu.dma_semaphore, #tpu.memory_space<semaphore_mem>>
        tpu.enqueue_indirect_dma source(%dma_start3A_201 : memref<10000x64xf32, #tpu.memory_space<vmem_shared>>) target(%dma_start3A_195 : memref<128x64xf32, #tpu.memory_space<vmem>>) offsets(%dma_start3A_198 : memref<128xi32, #tpu.memory_space<vmem>>) semaphore(%dma_start3A_203 : memref<!tpu.dma_semaphore, #tpu.memory_space<semaphore_mem>>)
      } else {
      }
      "tpu.region"() ({
        %run_scoped3A = tpu.sem_alloc : memref<!tpu.dma_semaphore, #tpu.memory_space<semaphore_mem>>
        %dma_start3A_188 = arith.constant 0 : i32
        %dma_start3A_189 = arith.constant 0 : i32
        %dma_start3A_190 = tpu.memref_slice %arg7[%rem3A_148, %dma_start3A_188, %dma_start3A_189] : memref<2x128x64xf32, #tpu.memory_space<vmem>> -> memref<1x128x64xf32, #tpu.memory_space<vmem>>
        %dma_start3A_191 = tpu.memref_squeeze %dma_start3A_190 : memref<1x128x64xf32, #tpu.memory_space<vmem>> -> memref<128x64xf32, #tpu.memory_space<vmem>>
        %dma_start3A_192 = arith.constant 0 : i32
        %dma_start3A_193 = tpu.memref_slice %arg6[%scan3A_147, %dma_start3A_192] : memref<79x128xi32, #tpu.memory_space<vmem>> -> memref<1x128xi32, #tpu.memory_space<vmem>>
        %dma_start3A_194 = tpu.memref_squeeze %dma_start3A_193 : memref<1x128xi32, #tpu.memory_space<vmem>> -> memref<128xi32, #tpu.memory_space<vmem>>
        %dma_start3A_195 = arith.constant 0 : i32
        %dma_start3A_196 = arith.constant 0 : i32
        %dma_start3A_197 = tpu.memref_slice %arg8[%dma_start3A_195, %dma_start3A_196] : memref<10016x64xf32, #tpu.memory_space<vmem_shared>> -> memref<10016x64xf32, #tpu.memory_space<vmem_shared>>
        tpu.enqueue_indirect_dma source(%dma_start3A_191 : memref<128x64xf32, #tpu.memory_space<vmem>>) target(%dma_start3A_197 : memref<10016x64xf32, #tpu.memory_space<vmem_shared>>) offsets(%dma_start3A_194 : memref<128xi32, #tpu.memory_space<vmem>>) semaphore(%run_scoped3A : memref<!tpu.dma_semaphore, #tpu.memory_space<semaphore_mem>>) {add = true}
        %dma_wait3A_198 = arith.constant 0 : i32
        %dma_wait3A_199 = arith.constant 0 : i32
        %dma_wait3A_200 = tpu.memref_slice %arg7[%rem3A_148, %dma_wait3A_198, %dma_wait3A_199] : memref<2x128x64xf32, #tpu.memory_space<vmem>> -> memref<1x128x64xf32, #tpu.memory_space<vmem>>
        %dma_wait3A_201 = tpu.memref_squeeze %dma_wait3A_200 : memref<1x128x64xf32, #tpu.memory_space<vmem>> -> memref<128x64xf32, #tpu.memory_space<vmem>>
        %dma_wait3A_202 = arith.constant 0 : i32
        %dma_wait3A_203 = tpu.memref_slice %arg6[%scan3A_147, %dma_wait3A_202] : memref<79x128xi32, #tpu.memory_space<vmem>> -> memref<1x128xi32, #tpu.memory_space<vmem>>
        %dma_wait3A_204 = tpu.memref_squeeze %dma_wait3A_203 : memref<1x128xi32, #tpu.memory_space<vmem>> -> memref<128xi32, #tpu.memory_space<vmem>>
        %dma_wait3A_205 = arith.constant 0 : i32
        %dma_wait3A_206 = arith.constant 0 : i32
        %dma_wait3A_207 = tpu.memref_slice %arg8[%dma_wait3A_205, %dma_wait3A_206] : memref<10016x64xf32, #tpu.memory_space<vmem_shared>> -> memref<10016x64xf32, #tpu.memory_space<vmem_shared>>
        tpu.wait_indirect_dma semaphore(%run_scoped3A : memref<!tpu.dma_semaphore, #tpu.memory_space<semaphore_mem>>) src(%dma_wait3A_201 : memref<128x64xf32, #tpu.memory_space<vmem>>) dst(%dma_wait3A_207 : memref<10016x64xf32, #tpu.memory_space<vmem_shared>>)
        tpu.yield
      }) : () -> ()
      %scan3A_166 = arith.constant 1 : i32
      %scan3A_167 = arith.addi %scan3A_147, %scan3A_166 : i32
      %rem3A_168 = arith.constant 2 : i32
      %rem3A_169 = arith.remsi %scan3A_167, %rem3A_168 : i32
      %dma_wait3A_170 = arith.constant 0 : i32
      %dma_wait3A_171 = arith.constant 0 : i32
      %dma_wait3A_172 = tpu.memref_slice %arg7[%rem3A_169, %dma_wait3A_170, %dma_wait3A_171] : memref<2x128x64xf32, #tpu.memory_space<vmem>> -> memref<1x128x64xf32, #tpu.memory_space<vmem>>
      %dma_wait3A_173 = tpu.memref_squeeze %dma_wait3A_172 : memref<1x128x64xf32, #tpu.memory_space<vmem>> -> memref<128x64xf32, #tpu.memory_space<vmem>>
      %dma_wait3A_174 = arith.constant 0 : i32
      %dma_wait3A_175 = tpu.memref_slice %arg5[%scan3A_167, %dma_wait3A_174] : memref<79x128xi32, #tpu.memory_space<vmem>> -> memref<1x128xi32, #tpu.memory_space<vmem>>
      %dma_wait3A_176 = tpu.memref_squeeze %dma_wait3A_175 : memref<1x128xi32, #tpu.memory_space<vmem>> -> memref<128xi32, #tpu.memory_space<vmem>>
      %dma_wait3A_177 = arith.constant 0 : i32
      %dma_wait3A_178 = arith.constant 0 : i32
      %dma_wait3A_179 = tpu.memref_slice %arg9[%dma_wait3A_177, %dma_wait3A_178] : memref<10000x64xf32, #tpu.memory_space<vmem_shared>> -> memref<10000x64xf32, #tpu.memory_space<vmem_shared>>
      %dma_wait3A_180 = tpu.memref_slice %arg10[%rem3A_169] : memref<2x!tpu.dma_semaphore, #tpu.memory_space<semaphore_mem>> -> memref<1x!tpu.dma_semaphore, #tpu.memory_space<semaphore_mem>>
      %dma_wait3A_181 = tpu.memref_squeeze %dma_wait3A_180 : memref<1x!tpu.dma_semaphore, #tpu.memory_space<semaphore_mem>> -> memref<!tpu.dma_semaphore, #tpu.memory_space<semaphore_mem>>
      tpu.wait_indirect_dma semaphore(%dma_wait3A_181 : memref<!tpu.dma_semaphore, #tpu.memory_space<semaphore_mem>>) src(%dma_wait3A_179 : memref<10000x64xf32, #tpu.memory_space<vmem_shared>>) dst(%dma_wait3A_173 : memref<128x64xf32, #tpu.memory_space<vmem>>)
      %sub3A_182 = arith.constant 1 : i32
      %sub3A_183 = arith.subi %select_n3A, %sub3A_182 : i32
      %lt3A_184 = arith.cmpi slt, %scan3A_167, %sub3A_183 : i32
      %convert_element_type3A_185 = arith.extui %lt3A_184 : i1 to i32
      %cond3A_186 = arith.constant 0 : i32
      %cond3A_187 = arith.cmpi ne, %convert_element_type3A_185, %cond3A_186 : i32
      scf.if %cond3A_187 {
        %sub3A_188 = arith.constant 1 : i32
        %sub3A_189 = arith.subi %sub3A_188, %rem3A_169 : i32
        %add3A_190 = arith.constant 1 : i32
        %add3A_191 = arith.addi %scan3A_167, %add3A_190 : i32
        %dma_start3A_192 = arith.constant 0 : i32
        %dma_start3A_193 = arith.constant 0 : i32
        %dma_start3A_194 = tpu.memref_slice %arg7[%sub3A_189, %dma_start3A_192, %dma_start3A_193] : memref<2x128x64xf32, #tpu.memory_space<vmem>> -> memref<1x128x64xf32, #tpu.memory_space<vmem>>
        %dma_start3A_195 = tpu.memref_squeeze %dma_start3A_194 : memref<1x128x64xf32, #tpu.memory_space<vmem>> -> memref<128x64xf32, #tpu.memory_space<vmem>>
        %dma_start3A_196 = arith.constant 0 : i32
        %dma_start3A_197 = tpu.memref_slice %arg5[%add3A_191, %dma_start3A_196] : memref<79x128xi32, #tpu.memory_space<vmem>> -> memref<1x128xi32, #tpu.memory_space<vmem>>
        %dma_start3A_198 = tpu.memref_squeeze %dma_start3A_197 : memref<1x128xi32, #tpu.memory_space<vmem>> -> memref<128xi32, #tpu.memory_space<vmem>>
        %dma_start3A_199 = arith.constant 0 : i32
        %dma_start3A_200 = arith.constant 0 : i32
        %dma_start3A_201 = tpu.memref_slice %arg9[%dma_start3A_199, %dma_start3A_200] : memref<10000x64xf32, #tpu.memory_space<vmem_shared>> -> memref<10000x64xf32, #tpu.memory_space<vmem_shared>>
        %dma_start3A_202 = tpu.memref_slice %arg10[%sub3A_189] : memref<2x!tpu.dma_semaphore, #tpu.memory_space<semaphore_mem>> -> memref<1x!tpu.dma_semaphore, #tpu.memory_space<semaphore_mem>>
        %dma_start3A_203 = tpu.memref_squeeze %dma_start3A_202 : memref<1x!tpu.dma_semaphore, #tpu.memory_space<semaphore_mem>> -> memref<!tpu.dma_semaphore, #tpu.memory_space<semaphore_mem>>
        tpu.enqueue_indirect_dma source(%dma_start3A_201 : memref<10000x64xf32, #tpu.memory_space<vmem_shared>>) target(%dma_start3A_195 : memref<128x64xf32, #tpu.memory_space<vmem>>) offsets(%dma_start3A_198 : memref<128xi32, #tpu.memory_space<vmem>>) semaphore(%dma_start3A_203 : memref<!tpu.dma_semaphore, #tpu.memory_space<semaphore_mem>>)
      } else {
      }
      "tpu.region"() ({
        %run_scoped3A = tpu.sem_alloc : memref<!tpu.dma_semaphore, #tpu.memory_space<semaphore_mem>>
        %dma_start3A_188 = arith.constant 0 : i32
        %dma_start3A_189 = arith.constant 0 : i32
        %dma_start3A_190 = tpu.memref_slice %arg7[%rem3A_169, %dma_start3A_188, %dma_start3A_189] : memref<2x128x64xf32, #tpu.memory_space<vmem>> -> memref<1x128x64xf32, #tpu.memory_space<vmem>>
        %dma_start3A_191 = tpu.memref_squeeze %dma_start3A_190 : memref<1x128x64xf32, #tpu.memory_space<vmem>> -> memref<128x64xf32, #tpu.memory_space<vmem>>
        %dma_start3A_192 = arith.constant 0 : i32
        %dma_start3A_193 = tpu.memref_slice %arg6[%scan3A_167, %dma_start3A_192] : memref<79x128xi32, #tpu.memory_space<vmem>> -> memref<1x128xi32, #tpu.memory_space<vmem>>
        %dma_start3A_194 = tpu.memref_squeeze %dma_start3A_193 : memref<1x128xi32, #tpu.memory_space<vmem>> -> memref<128xi32, #tpu.memory_space<vmem>>
        %dma_start3A_195 = arith.constant 0 : i32
        %dma_start3A_196 = arith.constant 0 : i32
        %dma_start3A_197 = tpu.memref_slice %arg8[%dma_start3A_195, %dma_start3A_196] : memref<10016x64xf32, #tpu.memory_space<vmem_shared>> -> memref<10016x64xf32, #tpu.memory_space<vmem_shared>>
        tpu.enqueue_indirect_dma source(%dma_start3A_191 : memref<128x64xf32, #tpu.memory_space<vmem>>) target(%dma_start3A_197 : memref<10016x64xf32, #tpu.memory_space<vmem_shared>>) offsets(%dma_start3A_194 : memref<128xi32, #tpu.memory_space<vmem>>) semaphore(%run_scoped3A : memref<!tpu.dma_semaphore, #tpu.memory_space<semaphore_mem>>) {add = true}
        %dma_wait3A_198 = arith.constant 0 : i32
        %dma_wait3A_199 = arith.constant 0 : i32
        %dma_wait3A_200 = tpu.memref_slice %arg7[%rem3A_169, %dma_wait3A_198, %dma_wait3A_199] : memref<2x128x64xf32, #tpu.memory_space<vmem>> -> memref<1x128x64xf32, #tpu.memory_space<vmem>>
        %dma_wait3A_201 = tpu.memref_squeeze %dma_wait3A_200 : memref<1x128x64xf32, #tpu.memory_space<vmem>> -> memref<128x64xf32, #tpu.memory_space<vmem>>
        %dma_wait3A_202 = arith.constant 0 : i32
        %dma_wait3A_203 = tpu.memref_slice %arg6[%scan3A_167, %dma_wait3A_202] : memref<79x128xi32, #tpu.memory_space<vmem>> -> memref<1x128xi32, #tpu.memory_space<vmem>>
        %dma_wait3A_204 = tpu.memref_squeeze %dma_wait3A_203 : memref<1x128xi32, #tpu.memory_space<vmem>> -> memref<128xi32, #tpu.memory_space<vmem>>
        %dma_wait3A_205 = arith.constant 0 : i32
        %dma_wait3A_206 = arith.constant 0 : i32
        %dma_wait3A_207 = tpu.memref_slice %arg8[%dma_wait3A_205, %dma_wait3A_206] : memref<10016x64xf32, #tpu.memory_space<vmem_shared>> -> memref<10016x64xf32, #tpu.memory_space<vmem_shared>>
        tpu.wait_indirect_dma semaphore(%run_scoped3A : memref<!tpu.dma_semaphore, #tpu.memory_space<semaphore_mem>>) src(%dma_wait3A_201 : memref<128x64xf32, #tpu.memory_space<vmem>>) dst(%dma_wait3A_207 : memref<10016x64xf32, #tpu.memory_space<vmem_shared>>)
        tpu.yield
      }) : () -> ()
    }
    %scan3A_131 = arith.constant 78 : i32
    %lt3A_132 = arith.constant 4 : i32
    %lt3A_133 = arith.cmpi slt, %add3A, %lt3A_132 : i32
    %convert_element_type3A_134 = arith.extui %lt3A_133 : i1 to i32
    %cond3A_135 = arith.constant 0 : i32
    %cond3A_136 = arith.cmpi ne, %convert_element_type3A_134, %cond3A_135 : i32
    scf.if %cond3A_136 {
      %dma_wait3A_147 = arith.constant 78 : i32
      %dma_wait3A_148 = arith.constant 0 : i32
      %dma_wait3A_149 = arith.constant 0 : i32
      %dma_wait3A_150 = arith.constant 0 : i32
      %dma_wait3A_151 = arith.constant 0 : i32
      %dma_wait3A_152 = tpu.memref_slice %arg7[%dma_wait3A_148, %dma_wait3A_150, %dma_wait3A_151] : memref<2x128x64xf32, #tpu.memory_space<vmem>> -> memref<1x128x64xf32, #tpu.memory_space<vmem>>
      %dma_wait3A_153 = tpu.memref_squeeze %dma_wait3A_152 : memref<1x128x64xf32, #tpu.memory_space<vmem>> -> memref<128x64xf32, #tpu.memory_space<vmem>>
      %dma_wait3A_154 = arith.constant 0 : i32
      %dma_wait3A_155 = tpu.memref_slice %arg5[%dma_wait3A_147, %dma_wait3A_154] : memref<79x128xi32, #tpu.memory_space<vmem>> -> memref<1x128xi32, #tpu.memory_space<vmem>>
      %dma_wait3A_156 = tpu.memref_squeeze %dma_wait3A_155 : memref<1x128xi32, #tpu.memory_space<vmem>> -> memref<128xi32, #tpu.memory_space<vmem>>
      %dma_wait3A_157 = arith.constant 0 : i32
      %dma_wait3A_158 = arith.constant 0 : i32
      %dma_wait3A_159 = tpu.memref_slice %arg9[%dma_wait3A_157, %dma_wait3A_158] : memref<10000x64xf32, #tpu.memory_space<vmem_shared>> -> memref<10000x64xf32, #tpu.memory_space<vmem_shared>>
      %dma_wait3A_160 = tpu.memref_slice %arg10[%dma_wait3A_149] : memref<2x!tpu.dma_semaphore, #tpu.memory_space<semaphore_mem>> -> memref<1x!tpu.dma_semaphore, #tpu.memory_space<semaphore_mem>>
      %dma_wait3A_161 = tpu.memref_squeeze %dma_wait3A_160 : memref<1x!tpu.dma_semaphore, #tpu.memory_space<semaphore_mem>> -> memref<!tpu.dma_semaphore, #tpu.memory_space<semaphore_mem>>
      tpu.wait_indirect_dma semaphore(%dma_wait3A_161 : memref<!tpu.dma_semaphore, #tpu.memory_space<semaphore_mem>>) src(%dma_wait3A_159 : memref<10000x64xf32, #tpu.memory_space<vmem_shared>>) dst(%dma_wait3A_153 : memref<128x64xf32, #tpu.memory_space<vmem>>)
      %run_scoped3A = arith.constant 0 : i32
      %run_scoped3A_162 = arith.constant 78 : i32
      "tpu.region"() ({
        %run_scoped3A_163 = tpu.sem_alloc : memref<!tpu.dma_semaphore, #tpu.memory_space<semaphore_mem>>
        %dma_start3A_164 = arith.constant 0 : i32
        %dma_start3A_165 = arith.constant 0 : i32
        %dma_start3A_166 = tpu.memref_slice %arg7[%run_scoped3A, %dma_start3A_164, %dma_start3A_165] : memref<2x128x64xf32, #tpu.memory_space<vmem>> -> memref<1x128x64xf32, #tpu.memory_space<vmem>>
        %dma_start3A_167 = tpu.memref_squeeze %dma_start3A_166 : memref<1x128x64xf32, #tpu.memory_space<vmem>> -> memref<128x64xf32, #tpu.memory_space<vmem>>
        %dma_start3A_168 = arith.constant 0 : i32
        %dma_start3A_169 = tpu.memref_slice %arg6[%run_scoped3A_162, %dma_start3A_168] : memref<79x128xi32, #tpu.memory_space<vmem>> -> memref<1x128xi32, #tpu.memory_space<vmem>>
        %dma_start3A_170 = tpu.memref_squeeze %dma_start3A_169 : memref<1x128xi32, #tpu.memory_space<vmem>> -> memref<128xi32, #tpu.memory_space<vmem>>
        %dma_start3A_171 = arith.constant 0 : i32
        %dma_start3A_172 = arith.constant 0 : i32
        %dma_start3A_173 = tpu.memref_slice %arg8[%dma_start3A_171, %dma_start3A_172] : memref<10016x64xf32, #tpu.memory_space<vmem_shared>> -> memref<10016x64xf32, #tpu.memory_space<vmem_shared>>
        tpu.enqueue_indirect_dma source(%dma_start3A_167 : memref<128x64xf32, #tpu.memory_space<vmem>>) target(%dma_start3A_173 : memref<10016x64xf32, #tpu.memory_space<vmem_shared>>) offsets(%dma_start3A_170 : memref<128xi32, #tpu.memory_space<vmem>>) semaphore(%run_scoped3A_163 : memref<!tpu.dma_semaphore, #tpu.memory_space<semaphore_mem>>) {add = true}
        %dma_wait3A_174 = arith.constant 0 : i32
        %dma_wait3A_175 = arith.constant 0 : i32
        %dma_wait3A_176 = tpu.memref_slice %arg7[%run_scoped3A, %dma_wait3A_174, %dma_wait3A_175] : memref<2x128x64xf32, #tpu.memory_space<vmem>> -> memref<1x128x64xf32, #tpu.memory_space<vmem>>
        %dma_wait3A_177 = tpu.memref_squeeze %dma_wait3A_176 : memref<1x128x64xf32, #tpu.memory_space<vmem>> -> memref<128x64xf32, #tpu.memory_space<vmem>>
        %dma_wait3A_178 = arith.constant 0 : i32
        %dma_wait3A_179 = tpu.memref_slice %arg6[%run_scoped3A_162, %dma_wait3A_178] : memref<79x128xi32, #tpu.memory_space<vmem>> -> memref<1x128xi32, #tpu.memory_space<vmem>>
        %dma_wait3A_180 = tpu.memref_squeeze %dma_wait3A_179 : memref<1x128xi32, #tpu.memory_space<vmem>> -> memref<128xi32, #tpu.memory_space<vmem>>
        %dma_wait3A_181 = arith.constant 0 : i32
        %dma_wait3A_182 = arith.constant 0 : i32
        %dma_wait3A_183 = tpu.memref_slice %arg8[%dma_wait3A_181, %dma_wait3A_182] : memref<10016x64xf32, #tpu.memory_space<vmem_shared>> -> memref<10016x64xf32, #tpu.memory_space<vmem_shared>>
        tpu.wait_indirect_dma semaphore(%run_scoped3A_163 : memref<!tpu.dma_semaphore, #tpu.memory_space<semaphore_mem>>) src(%dma_wait3A_177 : memref<128x64xf32, #tpu.memory_space<vmem>>) dst(%dma_wait3A_183 : memref<10016x64xf32, #tpu.memory_space<vmem_shared>>)
        tpu.yield
      }) : () -> ()
    } else {
    }
    %barrier3A_137 = arith.constant 0 : index
    tpu.barrier barrier_id(%barrier3A_137)
    %mul3A_138 = arith.constant 624 : i32
    %mul3A_139 = arith.muli %arg1, %mul3A_138 : i32
    %mul3A_140 = arith.constant 624 : i32
    %mul3A_141 = arith.muli %arg1, %mul3A_140 : i32
    "tpu.region"() ({
      %run_scoped3A = tpu.sem_alloc : memref<!tpu.dma_semaphore, #tpu.memory_space<semaphore_mem>>
      %dma_start3A_147 = arith.constant 0 : i32
      %dma_start3A_148 = tpu.memref_slice %arg4[%arg0, %mul3A_141, %dma_start3A_147] : memref<2x10000x64xf32, #tpu.memory_space<hbm>> -> memref<1x624x64xf32, #tpu.memory_space<hbm>>
      %dma_start3A_149 = tpu.memref_squeeze %dma_start3A_148 : memref<1x624x64xf32, #tpu.memory_space<hbm>> -> memref<624x64xf32, #tpu.memory_space<hbm>>
      %dma_start3A_150 = arith.constant 0 : i32
      %dma_start3A_151 = tpu.memref_slice %arg8[%mul3A_139, %dma_start3A_150] : memref<10016x64xf32, #tpu.memory_space<vmem_shared>> -> memref<624x64xf32, #tpu.memory_space<vmem_shared>>
      tpu.enqueue_dma source(%dma_start3A_151 : memref<624x64xf32, #tpu.memory_space<vmem_shared>>) target(%dma_start3A_149 : memref<624x64xf32, #tpu.memory_space<hbm>>) target_semaphore(%run_scoped3A : memref<!tpu.dma_semaphore, #tpu.memory_space<semaphore_mem>>)
      %dma_wait3A_152 = arith.constant 0 : i32
      %dma_wait3A_153 = tpu.memref_slice %arg4[%arg0, %mul3A_141, %dma_wait3A_152] : memref<2x10000x64xf32, #tpu.memory_space<hbm>> -> memref<1x624x64xf32, #tpu.memory_space<hbm>>
      %dma_wait3A_154 = tpu.memref_squeeze %dma_wait3A_153 : memref<1x624x64xf32, #tpu.memory_space<hbm>> -> memref<624x64xf32, #tpu.memory_space<hbm>>
      %dma_wait3A_155 = arith.constant 0 : i32
      %dma_wait3A_156 = tpu.memref_slice %arg8[%mul3A_139, %dma_wait3A_155] : memref<10016x64xf32, #tpu.memory_space<vmem_shared>> -> memref<624x64xf32, #tpu.memory_space<vmem_shared>>
      tpu.wait_dma2 semaphore(%run_scoped3A : memref<!tpu.dma_semaphore, #tpu.memory_space<semaphore_mem>>) src(%dma_wait3A_156 : memref<624x64xf32, #tpu.memory_space<vmem_shared>>) dst(%dma_wait3A_154 : memref<624x64xf32, #tpu.memory_space<hbm>>)
      tpu.yield
    }) : () -> ()
    %eq3A_142 = arith.constant 15 : i32
    %eq3A_143 = arith.cmpi eq, %arg1, %eq3A_142 : i32
    %convert_element_type3A_144 = arith.extui %eq3A_143 : i1 to i32
    %cond3A_145 = arith.constant 0 : i32
    %cond3A_146 = arith.cmpi ne, %convert_element_type3A_144, %cond3A_145 : i32
    scf.if %cond3A_146 {
      "tpu.region"() ({
        %run_scoped3A = tpu.sem_alloc : memref<!tpu.dma_semaphore, #tpu.memory_space<semaphore_mem>>
        %dma_start3A_147 = arith.constant 9984 : i32
        %dma_start3A_148 = arith.constant 0 : i32
        %dma_start3A_149 = tpu.memref_slice %arg4[%arg0, %dma_start3A_147, %dma_start3A_148] : memref<2x10000x64xf32, #tpu.memory_space<hbm>> -> memref<1x16x64xf32, #tpu.memory_space<hbm>>
        %dma_start3A_150 = tpu.memref_squeeze %dma_start3A_149 : memref<1x16x64xf32, #tpu.memory_space<hbm>> -> memref<16x64xf32, #tpu.memory_space<hbm>>
        %dma_start3A_151 = arith.constant 9984 : i32
        %dma_start3A_152 = arith.constant 0 : i32
        %dma_start3A_153 = tpu.memref_slice %arg8[%dma_start3A_151, %dma_start3A_152] : memref<10016x64xf32, #tpu.memory_space<vmem_shared>> -> memref<16x64xf32, #tpu.memory_space<vmem_shared>>
        tpu.enqueue_dma source(%dma_start3A_153 : memref<16x64xf32, #tpu.memory_space<vmem_shared>>) target(%dma_start3A_150 : memref<16x64xf32, #tpu.memory_space<hbm>>) target_semaphore(%run_scoped3A : memref<!tpu.dma_semaphore, #tpu.memory_space<semaphore_mem>>)
        %dma_wait3A_154 = arith.constant 9984 : i32
        %dma_wait3A_155 = arith.constant 0 : i32
        %dma_wait3A_156 = tpu.memref_slice %arg4[%arg0, %dma_wait3A_154, %dma_wait3A_155] : memref<2x10000x64xf32, #tpu.memory_space<hbm>> -> memref<1x16x64xf32, #tpu.memory_space<hbm>>
        %dma_wait3A_157 = tpu.memref_squeeze %dma_wait3A_156 : memref<1x16x64xf32, #tpu.memory_space<hbm>> -> memref<16x64xf32, #tpu.memory_space<hbm>>
        %dma_wait3A_158 = arith.constant 9984 : i32
        %dma_wait3A_159 = arith.constant 0 : i32
        %dma_wait3A_160 = tpu.memref_slice %arg8[%dma_wait3A_158, %dma_wait3A_159] : memref<10016x64xf32, #tpu.memory_space<vmem_shared>> -> memref<16x64xf32, #tpu.memory_space<vmem_shared>>
        tpu.wait_dma2 semaphore(%run_scoped3A : memref<!tpu.dma_semaphore, #tpu.memory_space<semaphore_mem>>) src(%dma_wait3A_160 : memref<16x64xf32, #tpu.memory_space<vmem_shared>>) dst(%dma_wait3A_157 : memref<16x64xf32, #tpu.memory_space<hbm>>)
        tpu.yield
      }) : () -> ()
    } else {
    }
    return
  }
}

module attributes {stable_mosaic.version = 14 : i64} {
  func.func @_mm_body(%arg0: memref<5000x256xf32, #tpu.memory_space<vmem>>, %arg1: memref<256x128xf32, #tpu.memory_space<vmem>>, %arg2: memref<5000x128xf32, #tpu.memory_space<vmem>>) attributes {dimension_semantics = [], scalar_prefetch = 0 : i64, scratch_operands = 0 : i64, tpu.core_type = #tpu.core_type<tc>} {
    %get3A = arith.constant 0 : index
    %get3A_0 = arith.constant 0 : index
    %get3A_1 = vector.load %arg0[%get3A, %get3A_0] : memref<5000x256xf32, #tpu.memory_space<vmem>>, vector<5000x256xf32>
    %get3A_2 = arith.constant 0 : index
    %get3A_3 = arith.constant 0 : index
    %get3A_4 = vector.load %arg1[%get3A_2, %get3A_3] : memref<256x128xf32, #tpu.memory_space<vmem>>, vector<256x128xf32>
    %dot_general3A = arith.constant dense<0.000000e+00> : vector<5000x128xf32>
    %dot_general3A_5 = tpu.matmul %get3A_1, %get3A_4, %dot_general3A {dimension_numbers = #tpu.dot_dimension_numbers<[1], [0], [0], [1], [0, 0, 1, 1], [], []>, precision = #tpu.contract_precision<fp32>, transpose_lhs_hint = false} : vector<5000x256xf32>, vector<256x128xf32>, vector<5000x128xf32> -> vector<5000x128xf32>
    %swap3A = arith.constant 0 : index
    %swap3A_6 = arith.constant 0 : index
    %swap3A_7 = vector.load %arg2[%swap3A, %swap3A_6] : memref<5000x128xf32, #tpu.memory_space<vmem>>, vector<5000x128xf32>
    tpu.vector_store %arg2[%swap3A, %swap3A_6], %dot_general3A_5 {strides = array<i32>} : memref<5000x128xf32, #tpu.memory_space<vmem>>, vector<5000x128xf32>,
    return
  }
}

module attributes {stable_mosaic.version = 14 : i64} {
  func.func @_layer_body(%arg0: memref<5000x128xf32, #tpu.memory_space<vmem>>, %arg1: memref<2x5000x128xf32, #tpu.memory_space<vmem>>, %arg2: memref<1x128xf32, #tpu.memory_space<vmem>>, %arg3: memref<1x128xf32, #tpu.memory_space<vmem>>, %arg4: memref<1x128xf32, #tpu.memory_space<vmem>>, %arg5: memref<128x128xf32, #tpu.memory_space<vmem>>, %arg6: memref<128x128xf32, #tpu.memory_space<vmem>>, %arg7: memref<5000x128xf32, #tpu.memory_space<vmem>>) attributes {dimension_semantics = [], scalar_prefetch = 0 : i64, scratch_operands = 0 : i64, tpu.core_type = #tpu.core_type<tc>} {
    %get3A = arith.constant 0 : index
    %get3A_0 = arith.constant 0 : index
    %get3A_1 = arith.constant 0 : index
    %get3A_2 = vector.load %arg1[%get3A, %get3A_0, %get3A_1] : memref<2x5000x128xf32, #tpu.memory_space<vmem>>, vector<1x5000x128xf32>
    %get3A_3 = vector.shape_cast %get3A_2 : vector<1x5000x128xf32> to vector<5000x128xf32>
    %get3A_4 = arith.constant 1 : index
    %get3A_5 = arith.constant 0 : index
    %get3A_6 = arith.constant 0 : index
    %get3A_7 = vector.load %arg1[%get3A_4, %get3A_5, %get3A_6] : memref<2x5000x128xf32, #tpu.memory_space<vmem>>, vector<1x5000x128xf32>
    %get3A_8 = vector.shape_cast %get3A_7 : vector<1x5000x128xf32> to vector<5000x128xf32>
    %add3A = arith.addf %get3A_3, %get3A_8 : vector<5000x128xf32>
    %get3A_9 = arith.constant 0 : index
    %get3A_10 = arith.constant 0 : index
    %get3A_11 = vector.load %arg0[%get3A_9, %get3A_10] : memref<5000x128xf32, #tpu.memory_space<vmem>>, vector<5000x128xf32>
    %sub3A = arith.subf %add3A, %get3A_11 : vector<5000x128xf32>
    %get3A_12 = arith.constant 0 : index
    %get3A_13 = arith.constant 0 : index
    %get3A_14 = vector.load %arg2[%get3A_12, %get3A_13] : memref<1x128xf32, #tpu.memory_space<vmem>>, vector<1x128xf32>
    %add3A_15 = vector.broadcast %get3A_14 : vector<1x128xf32> to vector<5000x128xf32>
    %add3A_16 = arith.addf %sub3A, %add3A_15 : vector<5000x128xf32>
    %reduce_sum3A = arith.constant dense<0.000000e+00> : vector<128xf32>
    %reduce_sum3A_17 = vector.multi_reduction <add>, %add3A_16, %reduce_sum3A [0] : vector<5000x128xf32> to vector<128xf32>
    %broadcast_in_dim3A = vector.shape_cast %reduce_sum3A_17 : vector<128xf32> to vector<1x128xf32>
    %get3A_18 = arith.constant 0 : index
    %get3A_19 = arith.constant 0 : index
    %get3A_20 = vector.load %arg5[%get3A_18, %get3A_19] : memref<128x128xf32, #tpu.memory_space<vmem>>, vector<128x128xf32>
    %dot_general3A = arith.constant dense<0.000000e+00> : vector<1x128xf32>
    %dot_general3A_21 = tpu.matmul %broadcast_in_dim3A, %get3A_20, %dot_general3A {dimension_numbers = #tpu.dot_dimension_numbers<[1], [0], [0], [1], [0, 0, 1, 1], [], []>, precision = #tpu.contract_precision<fp32>, transpose_lhs_hint = false} : vector<1x128xf32>, vector<128x128xf32>, vector<1x128xf32> -> vector<1x128xf32>
    %mul3A = arith.constant 9.99999974E-5 : f32
    %mul3A_22 = vector.broadcast %mul3A : f32 to vector<1x128xf32>
    %mul3A_23 = arith.mulf %dot_general3A_21, %mul3A_22 : vector<1x128xf32>
    %sub3A_24 = vector.broadcast %mul3A_23 : vector<1x128xf32> to vector<5000x128xf32>
    %sub3A_25 = arith.subf %add3A_16, %sub3A_24 : vector<5000x128xf32>
    %mul3A_26 = arith.mulf %sub3A_25, %sub3A_25 : vector<5000x128xf32>
    %reduce_sum3A_27 = arith.constant dense<0.000000e+00> : vector<128xf32>
    %reduce_sum3A_28 = vector.multi_reduction <add>, %mul3A_26, %reduce_sum3A_27 [0] : vector<5000x128xf32> to vector<128xf32>
    %broadcast_in_dim3A_29 = vector.shape_cast %reduce_sum3A_28 : vector<128xf32> to vector<1x128xf32>
    %get3A_30 = arith.constant 0 : index
    %get3A_31 = arith.constant 0 : index
    %get3A_32 = vector.load %arg5[%get3A_30, %get3A_31] : memref<128x128xf32, #tpu.memory_space<vmem>>, vector<128x128xf32>
    %dot_general3A_33 = arith.constant dense<0.000000e+00> : vector<1x128xf32>
    %dot_general3A_34 = tpu.matmul %broadcast_in_dim3A_29, %get3A_32, %dot_general3A_33 {dimension_numbers = #tpu.dot_dimension_numbers<[1], [0], [0], [1], [0, 0, 1, 1], [], []>, precision = #tpu.contract_precision<fp32>, transpose_lhs_hint = false} : vector<1x128xf32>, vector<128x128xf32>, vector<1x128xf32> -> vector<1x128xf32>
    %mul3A_35 = arith.constant 9.99999974E-5 : f32
    %mul3A_36 = vector.broadcast %mul3A_35 : f32 to vector<1x128xf32>
    %mul3A_37 = arith.mulf %dot_general3A_34, %mul3A_36 : vector<1x128xf32>
    %add3A_38 = arith.constant 9.99999974E-6 : f32
    %add3A_39 = vector.broadcast %add3A_38 : f32 to vector<1x128xf32>
    %add3A_40 = arith.addf %mul3A_37, %add3A_39 : vector<1x128xf32>
    %rsqrt3A = math.rsqrt %add3A_40 : vector<1x128xf32>
    %mul3A_41 = vector.broadcast %rsqrt3A : vector<1x128xf32> to vector<5000x128xf32>
    %mul3A_42 = arith.mulf %sub3A_25, %mul3A_41 : vector<5000x128xf32>
    %get3A_43 = arith.constant 0 : index
    %get3A_44 = arith.constant 0 : index
    %get3A_45 = vector.load %arg3[%get3A_43, %get3A_44] : memref<1x128xf32, #tpu.memory_space<vmem>>, vector<1x128xf32>
    %mul3A_46 = vector.broadcast %get3A_45 : vector<1x128xf32> to vector<5000x128xf32>
    %mul3A_47 = arith.mulf %mul3A_42, %mul3A_46 : vector<5000x128xf32>
    %get3A_48 = arith.constant 0 : index
    %get3A_49 = arith.constant 0 : index
    %get3A_50 = vector.load %arg4[%get3A_48, %get3A_49] : memref<1x128xf32, #tpu.memory_space<vmem>>, vector<1x128xf32>
    %add3A_51 = vector.broadcast %get3A_50 : vector<1x128xf32> to vector<5000x128xf32>
    %add3A_52 = arith.addf %mul3A_47, %add3A_51 : vector<5000x128xf32>
    %max3A = arith.constant 0.000000e+00 : f32
    %max3A_53 = vector.broadcast %max3A : f32 to vector<5000x128xf32>
    %max3A_54 = arith.maximumf %add3A_52, %max3A_53 : vector<5000x128xf32>
    %get3A_55 = arith.constant 0 : index
    %get3A_56 = arith.constant 0 : index
    %get3A_57 = vector.load %arg6[%get3A_55, %get3A_56] : memref<128x128xf32, #tpu.memory_space<vmem>>, vector<128x128xf32>
    %dot_general3A_58 = arith.constant dense<0.000000e+00> : vector<5000x128xf32>
    %dot_general3A_59 = tpu.matmul %max3A_54, %get3A_57, %dot_general3A_58 {dimension_numbers = #tpu.dot_dimension_numbers<[1], [0], [0], [1], [0, 0, 1, 1], [], []>, precision = #tpu.contract_precision<fp32>, transpose_lhs_hint = false} : vector<5000x128xf32>, vector<128x128xf32>, vector<5000x128xf32> -> vector<5000x128xf32>
    %swap3A = arith.constant 0 : index
    %swap3A_60 = arith.constant 0 : index
    %swap3A_61 = vector.load %arg7[%swap3A, %swap3A_60] : memref<5000x128xf32, #tpu.memory_space<vmem>>, vector<5000x128xf32>
    tpu.vector_store %arg7[%swap3A, %swap3A_60], %dot_general3A_59 {strides = array<i32>} : memref<5000x128xf32, #tpu.memory_space<vmem>>, vector<5000x128xf32>,
    return
  }
}

module attributes {stable_mosaic.version = 14 : i64} {
  func.func @_final_body(%arg0: memref<5000x128xf32, #tpu.memory_space<vmem>>, %arg1: memref<2x5000x128xf32, #tpu.memory_space<vmem>>, %arg2: memref<1x128xf32, #tpu.memory_space<vmem>>, %arg3: memref<5000x128xf32, #tpu.memory_space<vmem>>) attributes {dimension_semantics = [], scalar_prefetch = 0 : i64, scratch_operands = 0 : i64, tpu.core_type = #tpu.core_type<tc>} {
    %get3A = arith.constant 0 : index
    %get3A_0 = arith.constant 0 : index
    %get3A_1 = arith.constant 0 : index
    %get3A_2 = vector.load %arg1[%get3A, %get3A_0, %get3A_1] : memref<2x5000x128xf32, #tpu.memory_space<vmem>>, vector<1x5000x128xf32>
    %get3A_3 = vector.shape_cast %get3A_2 : vector<1x5000x128xf32> to vector<5000x128xf32>
    %get3A_4 = arith.constant 1 : index
    %get3A_5 = arith.constant 0 : index
    %get3A_6 = arith.constant 0 : index
    %get3A_7 = vector.load %arg1[%get3A_4, %get3A_5, %get3A_6] : memref<2x5000x128xf32, #tpu.memory_space<vmem>>, vector<1x5000x128xf32>
    %get3A_8 = vector.shape_cast %get3A_7 : vector<1x5000x128xf32> to vector<5000x128xf32>
    %add3A = arith.addf %get3A_3, %get3A_8 : vector<5000x128xf32>
    %get3A_9 = arith.constant 0 : index
    %get3A_10 = arith.constant 0 : index
    %get3A_11 = vector.load %arg0[%get3A_9, %get3A_10] : memref<5000x128xf32, #tpu.memory_space<vmem>>, vector<5000x128xf32>
    %sub3A = arith.subf %add3A, %get3A_11 : vector<5000x128xf32>
    %get3A_12 = arith.constant 0 : index
    %get3A_13 = arith.constant 0 : index
    %get3A_14 = vector.load %arg2[%get3A_12, %get3A_13] : memref<1x128xf32, #tpu.memory_space<vmem>>, vector<1x128xf32>
    %add3A_15 = vector.broadcast %get3A_14 : vector<1x128xf32> to vector<5000x128xf32>
    %add3A_16 = arith.addf %sub3A, %add3A_15 : vector<5000x128xf32>
    %swap3A = arith.constant 0 : index
    %swap3A_17 = arith.constant 0 : index
    %swap3A_18 = vector.load %arg3[%swap3A, %swap3A_17] : memref<5000x128xf32, #tpu.memory_space<vmem>>, vector<5000x128xf32>
    tpu.vector_store %arg3[%swap3A, %swap3A_17], %add3A_16 {strides = array<i32>} : memref<5000x128xf32, #tpu.memory_space<vmem>>, vector<5000x128xf32>,
    return
  }
}

</mosaic_0001>

<sc_bundles>
// kernel: kernel.13.cloned.1.call-start
scs
__scs_entry_jumppad:
0x0: {  	(pc) =	sbr.rel $0x88, $3  }
0x1: {  	(tag) =	ssettag $0x0;
	lr =	simm.s32 $0x1  }
0x2: {  	[smem:$0x3F8D] =	sst lr;
	_ =	strace $0xD0000000  }
0x3: {  	_ = 	snop  }
0x4: {  	_ = 	snop  }
0x5: {  	_ = 	snop  }
0x6: {  	_ = 	snop  }
0x7: {  	_ = 	snop  }
__scs_overlays_trampoline_lowered:
0x8: {  	[smem:$0x3F9C] =	sst s0  }
0x9: {  	[smem:$0x3F9D] =	sst s1  }
0xa: {  	[smem:$0x3F9E] =	sst s2  }
0xb: {  	[smem:$0x3F9F] =	sst s3  }
0xc: {  	[smem:$0x3FA0] =	sst s4  }
0xd: {  	[smem:$0x3FA1] =	sst s5  }
0xe: {  	[smem:$0x3FA2] =	sst s6  }
0xf: {  	[smem:$0x3FA3] =	sst s7  }
0x10: {  	[smem:$0x3FA4] =	sst s8  }
0x11: {  	[smem:$0x3FA5] =	sst s9;
	s0 =	simm.s32 @!p0 $0x0  }
0x12: {  	s1 =	sld [smem:$0x3F8B];
	s0 =	simm.s32 @p0 $0x1  }
0x13: {  	[smem:$0x3FA6] =	sst s0;
	s0 =	simm.s32 @!p1 $0x0  }
0x14: {  	s2 =	sld [smem:$0x3F8A];
	s0 =	simm.s32 @p1 $0x1  }
0x15: {  	[smem:$0x3FA7] =	sst s0;
	s0 =	simm.s32 @!p2 $0x0  }
0x16: {  	s3 =	sld [smem:$0x3FDB];
	s0 =	simm.s32 @p2 $0x1  }
0x17: {  	s4 =	simm.s32 $0x1BF5;
	[smem:$0x3FA9] =	sst s0  }
0x18: {  	s0 =	sld [smem:$0x3F8C];
	_ =	swait.ge [sflag:s4], $0x0  }
0x19: {  	s7 =	sld [smem:$0x3F8D]  }
0x1a: {  	s8 =	sadd.s32 $0xFFFFE003, lr  }
0x1b: {  	s9 =	sadd.s32 $0xFFFFFEF7, lr;
	s5 =	simm.s32 $0xFFFFFFFF;
	p2 =	slt.u32 s8, $0xFFFFF086  }
0x1c: {  	p1 =	slt.u32 s9, $0xF7A;
	s5 =	simm.s32 @!p2 $0x0  }
0x1d: {  	s5 =	simm.s32 @p1 $0x1;
	p0 =	seq.s32 s7, s2  }
0x1e: {  	s7 =	smul.u32 @!p0 $0xF7A, s2;
	p2 =	seq.s32 @!p0 s5, $0x0  }
0x1f: {  	s9 =	smul.u32 $0xF7A, s1;
	s8 =	simm.s32 @!p0 $0x1BF5;
	p2 =	por !p2, p0  }
0x20: {  	[sflag:s8] =	ssyncset.s32 @!p0 $0xFFFFF086;
	s6 =	sadd.s32 @!p0 s3, s7;
	s7 =	simm.s32 @!p0 $0x108  }
0x21: {  	s3 =	sadd.s32 s3, s9;
	s6 =	sadd.s32 @!p0 $0x88, s6;
	s7 =	simm.s32 @p2 $0x1082  }
0x22: {  	[simem:s7], [sflag:s8] =	dma.local @!p0 [hbm:s6], $0xF7A  }
0x23: {  	s9 =	sor.u32 $0xD0000000, s2;
	s6 =	simm.s32 $0x108;
	_ =	swait.ge @!p0 [sflag:s8], $0x0  }
0x24: {  	s3 =	sadd.s32 $0x88, s3;
	s6 =	simm.s32 @!p1 $0x1082;
	[sflag:s4] =	ssyncset.s32 $0xFFFFF086  }
0x25: {  	[simem:s6], [sflag:s4] =	dma.local [hbm:s3], $0xF7A  }
0x26: {  	[smem:$0x3F8D] =	sst s1;
	(tag) =	ssettag s2;
	_ =	strace s9  }
0x27: {  	s1 =	sld [smem:$0x3F9D]  }
0x28: {  	s2 =	sld [smem:$0x3F9E]  }
0x29: {  	s4 =	sld [smem:$0x3FA0]  }
0x2a: {  	p0 =	seq.s32 s5, $0x0;
	s5 =	sld [smem:$0x3FA1]  }
0x2b: {  	s6 =	sld [smem:$0x3FA2]  }
0x2c: {  	s7 =	sld [smem:$0x3FA3]  }
0x2d: {  	s3 =	simm.s32 $0x108;
	s8 =	sld [smem:$0x3FA4]  }
0x2e: {  	s3 =	simm.s32 @!p0 $0x1082;
	s9 =	sld [smem:$0x3FA5]  }
0x2f: {  	lr =	sadd.s32 s0, s3;
	s0 =	sld [smem:$0x3F9C]  }
0x30: {  	s3 =	sld [smem:$0x3F9F]  }
0x31: {  	[smem:$0x3FA8] =	sst s10  }
0x32: {  	s10 =	sld [smem:$0x3FA6];
	_ =	sdelay $0x3  }
0x33: {  	p0 =	seq.s32 s10, $0x1;
	s10 =	sld [smem:$0x3FA8];
	_ =	sdelay $0x3  }
0x34: {  	[smem:$0x3FA8] =	sst s10  }
0x35: {  	s10 =	sld [smem:$0x3FA7];
	_ =	sdelay $0x3  }
0x36: {  	p1 =	seq.s32 s10, $0x1;
	s10 =	sld [smem:$0x3FA8];
	_ =	sdelay $0x3  }
0x37: {  	[smem:$0x3FA8] =	sst s10  }
0x38: {  	s10 =	sld [smem:$0x3FA9]  }
0x39: {  	_ = 	snop;
	(pc) =	sbr.ind lr, $3  }
0x3a: {  	_ = 	snop  }
0x3b: {  	_ = 	snop  }
0x3c: {  	p2 =	seq.s32 s10, $0x1;
	s10 =	sld [smem:$0x3FA8]  }
0x3d: {  	_ =	shalt  }
0x3e: {  	_ =	shalt  }
0x3f: {  	_ =	shalt  }
0x40: {  	_ =	shalt  }
0x41: {  	_ =	shalt  }
0x42: {  	_ =	shalt  }
0x43: {  	_ =	shalt  }
0x44: {  	_ =	shalt  }
0x45: {  	_ =	shalt  }
0x46: {  	_ =	shalt  }
0x47: {  	_ =	shalt  }
0x48: {  	_ =	shalt  }
0x49: {  	_ =	shalt  }
0x4a: {  	_ =	shalt  }
0x4b: {  	_ =	shalt  }
0x4c: {  	_ =	shalt  }
0x4d: {  	_ =	shalt  }
0x4e: {  	_ =	shalt  }
0x4f: {  	_ =	shalt  }
0x50: {  	_ =	shalt  }
0x51: {  	_ =	shalt  }
0x52: {  	_ =	shalt  }
0x53: {  	_ =	shalt  }
0x54: {  	_ =	shalt  }
0x55: {  	_ =	shalt  }
0x56: {  	_ =	shalt  }
0x57: {  	_ =	shalt  }
0x58: {  	_ =	shalt  }
0x59: {  	_ =	shalt  }
0x5a: {  	_ =	shalt  }
0x5b: {  	_ =	shalt  }
0x5c: {  	_ =	shalt  }
0x5d: {  	_ =	shalt  }
0x5e: {  	_ =	shalt  }
0x5f: {  	_ =	shalt  }
0x60: {  	_ =	shalt  }
0x61: {  	_ =	shalt  }
0x62: {  	_ =	shalt  }
0x63: {  	_ =	shalt  }
0x64: {  	_ =	shalt  }
0x65: {  	_ =	shalt  }
0x66: {  	_ =	shalt  }
0x67: {  	_ =	shalt  }
0x68: {  	_ =	shalt  }
0x69: {  	_ =	shalt  }
0x6a: {  	_ =	shalt  }
0x6b: {  	_ =	shalt  }
0x6c: {  	_ =	shalt  }
0x6d: {  	_ =	shalt  }
0x6e: {  	_ =	shalt  }
0x6f: {  	_ =	shalt  }
0x70: {  	_ =	shalt  }
0x71: {  	_ =	shalt  }
0x72: {  	_ =	shalt  }
0x73: {  	_ =	shalt  }
0x74: {  	_ =	shalt  }
0x75: {  	_ =	shalt  }
0x76: {  	_ =	shalt  }
0x77: {  	_ =	shalt  }
0x78: {  	_ =	shalt  }
0x79: {  	_ =	shalt  }
0x7a: {  	_ =	shalt  }
0x7b: {  	_ =	shalt  }
0x7c: {  	_ =	shalt  }
0x7d: {  	_ =	shalt  }
0x7e: {  	_ =	shalt  }
0x7f: {  	_ =	shalt  }
0x80: {  	_ =	shalt  }
0x81: {  	_ =	shalt  }
0x82: {  	_ =	shalt  }
0x83: {  	_ =	shalt  }
0x84: {  	_ =	shalt  }
0x85: {  	_ =	shalt  }
0x86: {  	_ =	shalt  }
0x87: {  	_ =	shalt  }
.Lfunc_end0:
.L_simem_size_0:
called_computation_lowered:
.L_overlay_start_0:
0x88: {  	s2 =	sld [smem:$0x3FD9]  }
0x89: {  	s3 =	sld [smem:$0x3FFE];
	_ =	sdelay $0x1  }
0x8a: {  	s1 =	srdreg.scid  }
0x8b: {  	s0 =	sand.u32 $0x1, s1  }
0x8c: {  	s16 =	sshll.u32 s0, $0xA;
	s2 =	sadd.s32 s3, s2  }
0x8d: {  	s2 =	sadd.s32 s2, s16  }
0x8e: {  	[smem:$0x3FB4] =	sst s2  }
0x8f: {  	_ = 	snop  }
0x90: {  	(tm) =	ssettm $0x1  }
0x91: {  	s17 =	sld [smem:$0x3FFB];
	_ =	sdelay $0x3  }
0x92: {  	_ =	strace s17  }
0x93: {  	s2 =	sld [smem:$0x3FFC];
	_ =	sdelay $0x3  }
0x94: {  	_ =	strace s2  }
0x95: {  	s2 =	sld [smem:$0x3FFD];
	_ =	sdelay $0x3  }
0x96: {  	_ =	strace s2  }
0x97: {  	_ =	strace $0x8FFFFFFF  }
0x98: {  	s18 =	sld [smem:$0x3FDB];
	_ =	sdelay $0x1  }
0x99: {  	s19 =	simm.s32 $_scs_section_size  }
0x9a: {  	s4 =	simm.s32 $_size__tile_overlayer_lowered;
	s5 =	simm.s32 $_tile_overlayer_lowered  }
0x9b: {  	s22 =	simm.s32 $0x1BFF;
	s21 =	sshll.u32 s5, $0x1;
	s2 =	sadd.s32 s19, s18  }
0x9c: {  	s6 =	simm.s32 $0x0;
	s20 =	sshll.u32 s4, $0x1;
	s4 =	sadd.s32 s21, s2  }
0x9d: {  	[timem:s6], [sflag:s22] =	dma.local [hbm:s4], s20  }
0x9e: {  	_ =	swait.ge [sflag:s22], s20  }
0x9f: {  	s3 =	ssub.s32 $0x0, s20;
	[sflag:s22] =	ssyncset.done $0x0  }
0xa0: {  	[sflag:s22] =	ssyncadd.s32 s3;
	_ =	sdelay $0x1  }
0xa1: {  	s23 =	simm.s32 $0x1B8B  }
0xa2: {  	_ =	swait.ge [sflag:s23], $0x1  }
0xa3: {  	[sflag:s23] =	ssyncset.done $0x0  }
0xa4: {  	s25 =	simm.s32 $0x1B8E;
	s24 =	sld [smem:$0x3FFE];
	[sflag:s23] =	ssyncadd.s32 $0xFFFFFFFF  }
0xa5: {  	s26 =	simm.s32 $execute0_lowered;
	[smem:$0x3FD2] =	sst s25  }
0xa6: {  	s4 =	sshll.u32 s26, $0x1;
	_ =	strace $0x80000046;
	[dreg:$0x1] =	wrdreg $0xFFFFFFFF  }
0xa7: {  	s28 =	simm.s32 $_size_execute0_lowered;
	s2 =	sadd.s32 s2, s4;
	[dreg:$0x0] =	wrdreg $0x0  }
0xa8: {  	s4 =	sshll.u32 s28, $0x1;
	[dreg:$0x2] =	wrdreg s2  }
0xa9: {  	[dreg:$0x3] =	wrdreg s4  }
0xaa: {  	[dreg:$0x4] =	wrdreg $0xC0  }
0xab: {  	_ =	task [dreg:s6], $0x5FFFF  }
0xac: {  	[dreg:$0x1] =	wrdreg $0xFFFFFFFF  }
0xad: {  	[dreg:$0x0] =	wrdreg $0x60  }
0xae: {  	[dreg:$0x2] =	wrdreg s24  }
0xaf: {  	[dreg:$0x3] =	wrdreg $0x12B800  }
0xb0: {  	[dreg:$0x4] =	wrdreg $0x8F000  }
0xb1: {  	[dreg:$0x5] =	wrdreg $0x9  }
0xb2: {  	_ =	task.clear_ibuf [dreg:s6], $0x6FFFF;
	_ =	strace $0x90000046  }
0xb3: {  	s29 =	simm.s32 $0x9;
	_ =	strace $0x80000048  }
0xb4: {  	_ =	swait.ge [sflag:s29], $0x1  }
0xb5: {  	[sflag:s29] =	ssyncadd.s32 $0xFFFFFFFF  }
0xb6: {  	_ =	strace $0x90000048  }
0xb7: {  	_ =	sfence  }
0xb8: {  	s30 =	sld [smem:$0x0];
	_ =	sdelay $0x2  }
0xb9: {  	s31 =	sshll.u32 s1, $0xD;
	s1 =	sshrl.u32 s1, $0x2  }
0xba: {  	s3 =	sand.u32 $0x4000, s31;
	s1 =	sadd.s32 s1, s30  }
0xbb: {  	s0 =	sor.u32 s3, s0;
	s1 =	sshll.u32 s1, $0x11  }
0xbc: {  	s0 =	sor.u32 s1, s0  }
0xbd: {  	s0 =	sadd.s32 $0x8F2B, s0  }
0xbe: {  	[sflag:s0] =	ssyncadd.remote.s32 $0x1  }
0xbf: {  	_ =	sfence.sel $0xFFFF  }
0xc0: {  	[dreg:$0x0] =	wrdreg $0xFFFFFFFF;
	(pc) =	sbr.abs _section_cstart, $3  }
0xc1: {  	[dreg:$0x1] =	wrdreg $0xFFFFFFFF  }
0xc2: {  	_ =	task.clear_ibuf [dreg:s6], $0x2FFFF;
	_ =	strace $0x9FFFFFFF  }
0xc3: {  	(tm) =	ssettm $0x7FFFFFFF  }
tec
execute0_lowered:
.L_overlay_start_1:
0x0: {  	(tag) =	ssettag $0x1  }
0x1: {  	s0 =	rddreg [dreg:$0x0]  }
0x2: {  	s1 =	rddreg [dreg:$0x1]  }
0x3: {  	s3 =	rddreg [dreg:$0x2];
	s4 =	simm.s32 $0x0  }
0x4: {  	s9 =	stileid.u32;
	s5 =	srdreg.scid;
	s28 =	simm.s32 $0x6  }
0x5: {  	s29 =	simm.s32 $0x80;
	s30 =	simm.s32 $0x4F00;
	s31 =	simm.s32 $0x1  }
0x6: {  	[smem:$0x7FF] =	sst s4;
	s2 =	smul.u32 $0x9C00, s9;
	s10 =	sand.u32 $0x1, s5  }
0x7: {  	s24 =	sshll.u32 s9, $0x1;
	s12 =	sadd.s32 $0x5800, s0;
	s16 =	sadd.s32 $0x2CC00, s0  }
0x8: {  	p0 =	sgt.u32 s9, $0x1;
	p1 =	sne.s32 s9, $0xF;
	_ =	strace $0x80000047  }
0x9: {  	s7 =	ssub.s32 $0x2, s10;
	s11 =	sor.u32 s10, s24;
	s10 =	smul.u32 $0x9C400, s10  }
0xa: {  	s6 =	sshrl.u32 s2, $0x3;
	s26 =	sshrl.u32 s7, $0x1;
	s8 =	smul.u32 $0x2700, s11  }
0xb: {  	s18 =	sadd.s32 s2, s1;
	s20 =	sadd.s32 s2, s3;
	s25 =	sadd.s32 s6, s0  }
0xc: {  	s17 =	ssub.s32 s7, s26;
	s6 =	sshll.u32 s9, $0x6;
	s0 =	sadd.s32 $0x2CA00, s0  }
0xd: {  	s22 =	sadd.s32 s2, s10;
	s23 =	sshrl.u32 s10, $0x3;
	s18 =	sshrl.u32 s18, $0x3  }
0xe: {  	s20 =	sshrl.u32 s20, $0x3;
	s2 =	simm.s32 $0x6F00;
	s13 =	sshrl.u32 s8, $0x3  }
0xf: {  	s5 =	sadd.s32 $0x19200, s25;
	s14 =	sor.u32 $0x1C03, s6;
	s25 =	sadd.s32 $0x9C000, s1  }
0x10: {  	[dreg:$0x6] =	wrdreg s0;
	s24 =	sadd.s32 s16, s23;
	s17 =	smax.u32 s17, $0x1  }
0x11: {  	s23 =	simm.s32 $0x4;
	s7 =	sadd.s32 s12, s13;
	[dreg:$0x4] =	wrdreg s14  }
0x12: {  	s13 =	sshll.u32 s11, $0x4;
	s11 =	sadd.s32 $0x9C000, s3;
	s14 =	simm.s32 $0x4D  }
0x13: {  	s26 =	sshrl.u32 s25, $0x3;
	s15 =	sadd.s32 $0x9C40, s7;
	s19 =	sadd.s32 s13, s12  }
0x14: {  	s14 =	simm.s32 @!p0 $0x4E;
	[dreg:$0x9] =	wrdreg s26;
	s26 =	simm.s32 $0x0  }
0x15: {  	[dreg:$0x5] =	wrdreg s15;
	s21 =	sadd.s32 $0x9C00, s19;
	s0 =	sadd.s32 $0x13840, s19  }
0x16: {  	s19 =	sor.u32 $0x1C04, s6;
	[dreg:$0x8] =	wrdreg s0;
	s0 =	sshrl.u32 s22, $0x3  }
0x17: {  	[dreg:$0x7] =	wrdreg s21;
	s22 =	simm.s32 $0x3;
	s15 =	sadd.s32 s16, s0  }
0x18: {  	s16 =	sadd.s32 $0x13800, s24;
	s24 =	simm.s32 $0x5;
	s0 =	simm.s32 $0x2  }
.LBB2_1:
0x19: {  	s8 =	rddreg [dreg:$0x4]  }
0x1a: {  	[spmem:s18], [sflag:s8] =	dma.local [hbm:s5], $0x1380  }
0x1b: {  	[spmem:s20], [sflag:s19] =	dma.local [hbm:s5], $0x1380  }
0x1c: {  	[tilespmem:s4], [sflag:$0x5] =	stream.linear.gather [hbm4b:s7+s4], $0x2700, $0x38;
	[tilespmem:$0x1C7C0] =	vst v63  }
0x1d: {  	s9 =	simm.s32 $0x2780;
	s25 =	rddreg [dreg:$0x5]  }
0x1e: {  	[tilespmem:s9], [sflag:$0x5] =	stream.linear.gather [hbm4b:s25+s4], $0x2700, $0x38;
	[tilespmem:$0x1C7C0] =	vst v63  }
0x1f: {  	_ =	swait.ge [sflag:s22], $0x1380  }
0x20: {  	[sflag:s22] =	ssyncset.done $0x0  }
0x21: {  	[sflag:s22] =	ssyncadd.s32 $0xFFFFEC80  }
0x22: {  	_ =	swait.ge [sflag:s23], $0x1380  }
0x23: {  	[sflag:s23] =	ssyncset.done $0x0  }
0x24: {  	[sflag:s23] =	ssyncadd.s32 $0xFFFFEC80  }
0x25: {  	_ =	swait.ge [sflag:s24], $0x2700  }
.Ltmp0:
0x26: {  	[sflag:s24] =	ssyncset.done $0x0;
	(pc) =	sbr.rel @!p0 .LBB2_2-.Ltmp0, $4  }
0x27: {  	[sflag:s24] =	ssyncadd.s32 $0xFFFFD900  }
0x28: {  	_ =	swait.ge [sflag:s24], $0x2700  }
0x29: {  	[sflag:s24] =	ssyncset.done $0x0  }
0x2a: {  	[sflag:s24] =	ssyncadd.s32 $0xFFFFD900  }
.Ltmp1:
0x2b: {  	(pc) =	sbr.rel @p1 .LBB2_6-.Ltmp1, $2  }
0x2c: {  	_ =	sdelay $0x2  }
0x2d: {  	p2 =	por $0x0, $0x0  }
0x2e: {  	s8 =	rddreg [dreg:$0x6]  }
0x2f: {  	s9 =	rddreg [dreg:$0x9];
	s12 =	simm.s32 $0x1FC6  }
0x30: {  	[spmem:s9], [sflag:s12] =	dma.local [hbm:s8], $0x80  }
.Ltmp2:
0x31: {  	_ = 	snop;
	(pc) =	sbr.rel .LBB2_5-.Ltmp2, $4  }
0x32: {  	_ =	swait.ge [sflag:s28], $0x80  }
0x33: {  	[sflag:s28] =	ssyncset.done $0x0  }
0x34: {  	s10 =	sshrl.u32 s11, $0x3;
	[sflag:s28] =	ssyncadd.s32 $0xFFFFFF80  }
0x35: {  	[spmem:s10], [sflag:s12] =	dma.local [hbm:s8], $0x80  }
.LBB2_2:
0x36: {  	s8 =	rddreg [dreg:$0x7];
	s9 =	simm.s32 $0x2700  }
0x37: {  	[tilespmem:s9], [sflag:$0x6] =	stream.linear.gather [hbm4b:s8+s4], $0x80, $0x38;
	[tilespmem:$0x1C7C0] =	vst v63  }
0x38: {  	_ =	swait.ge [sflag:s28], $0x80  }
0x39: {  	[sflag:s28] =	ssyncset.done $0x0  }
0x3a: {  	s25 =	simm.s32 $0x4E80;
	s21 =	rddreg [dreg:$0x8];
	[sflag:s28] =	ssyncadd.s32 $0xFFFFFF80  }
0x3b: {  	[tilespmem:s25], [sflag:$0x6] =	stream.linear.gather [hbm4b:s21+s4], $0x80, $0x38;
	[tilespmem:$0x1C7C0] =	vst v63  }
.LBB2_5:
0x3c: {  	_ =	swait.ge [sflag:s28], $0x80  }
0x3d: {  	[sflag:s28] =	ssyncset.done $0x0  }
0x3e: {  	p2 =	por p0, p0;
	[sflag:s28] =	ssyncadd.s32 $0xFFFFFF80  }
.LBB2_6:
0x3f: {  	[bflag:$0x0] =	sbarrier.arrive $0xFFFF;
	s10 =	simm.s32 $0x0  }
0x40: {  	[tilespmem:s30], [sflag:$0x1] =	stream.indirect.gather [spmem:s1], $0x40, s10, s29, $0xb8;
	[tilespmem:$0x1C7C0] =	vst v63  }
0x41: {  	p3 =	sle.u32 s14, $0x0;
	_ =	swait.ge [sflag:s31], $0x2000  }
0x42: {  	s10 =	simm.s32 @!p3 $0x80;
	[sflag:s31] =	ssyncset.done $0x0  }
0x43: {  	s12 =	simm.s32 @!p3 $0x80;
	s25 =	simm.s32 @!p3 $0x6F00;
	[sflag:s31] =	ssyncadd.s32 $0xFFFFE000  }
0x44: {  	[tilespmem:s25], [sflag:$0x2] =	stream.indirect.gather @!p3 [spmem:s1], $0x40, s10, s12, $0xb8;
	[tilespmem:$0x1C7C0] =	vst v63  }
0x45: {  	s25 =	simm.s32 $0x2780  }
0x46: {  	[spmem:s3] =	stream.indirect.scatter.add.f32 [tilespmem:s30], [sflag:$0x6], $0x40, s25, s29, $0xb8;
	[tilespmem:$0x1C7C0] =	vst v63  }
0x47: {  	_ =	swait.ge [sflag:s28], $0x2000  }
0x48: {  	[sflag:s28] =	ssyncset.done $0x0  }
0x49: {  	[sflag:s28] =	ssyncadd.s32 $0xFFFFE000  }
0x4a: {  	_ =	swait.ge [sflag:s0], $0x2000  }
0x4b: {  	s10 =	simm.s32 $0x100;
	p3 =	sle.u32 s14, $0x1;
	[sflag:s0] =	ssyncset.done $0x0  }
0x4c: {  	s12 =	simm.s32 @!p3 $0x80;
	s13 =	simm.s32 @!p3 $0x4F00;
	[sflag:s0] =	ssyncadd.s32 $0xFFFFE000  }
0x4d: {  	[tilespmem:s13], [sflag:$0x1] =	stream.indirect.gather @!p3 [spmem:s1], $0x40, s10, s12, $0xb8;
	[tilespmem:$0x1C7C0] =	vst v63  }
0x4e: {  	s21 =	simm.s32 $0x2800  }
0x4f: {  	[spmem:s3] =	stream.indirect.scatter.add.f32 [tilespmem:s2], [sflag:$0x6], $0x40, s21, s29, $0xb8;
	[tilespmem:$0x1C7C0] =	vst v63  }
0x50: {  	s12 =	simm.s32 $0x2;
	_ =	swait.ge [sflag:s28], $0x2000  }
.LBB2_7:
0x51: {  	[sflag:s28] =	ssyncset.done $0x0  }
0x52: {  	s10 =	sadd.s32 $0x100, s10;
	s25 =	sadd.s32 $0x100, s25;
	s13 =	smov.u32 s12  }
0x53: {  	p3 =	slt.u32 s12, $0x4C;
	s12 =	sadd.s32 $0x2, s12;
	[sflag:s28] =	ssyncadd.s32 $0xFFFFE000  }
0x54: {  	_ =	swait.ge [sflag:s31], $0x2000  }
0x55: {  	p4 =	sge.u32 s13, s14;
	[sflag:s31] =	ssyncset.done $0x0  }
0x56: {  	s21 =	sadd.s32 @!p4 $0xFFFFFF80, s10;
	s8 =	simm.s32 @!p4 $0x80;
	[sflag:s31] =	ssyncadd.s32 $0xFFFFE000  }
0x57: {  	s9 =	simm.s32 @!p4 $0x6F00  }
0x58: {  	[tilespmem:s9], [sflag:$0x2] =	stream.indirect.gather @!p4 [spmem:s1], $0x40, s21, s8, $0xb8;
	[tilespmem:$0x1C7C0] =	vst v63  }
0x59: {  	_ = 	snop  }
0x5a: {  	[spmem:s3] =	stream.indirect.scatter.add.f32 [tilespmem:s30], [sflag:$0x6], $0x40, s25, s29, $0xb8;
	[tilespmem:$0x1C7C0] =	vst v63  }
0x5b: {  	_ =	swait.ge [sflag:s28], $0x2000  }
0x5c: {  	[sflag:s28] =	ssyncset.done $0x0  }
0x5d: {  	s8 =	sadd.s32 $0x1, s13;
	[sflag:s28] =	ssyncadd.s32 $0xFFFFE000  }
0x5e: {  	p4 =	sge.u32 s8, s14;
	_ =	swait.ge [sflag:s0], $0x2000  }
0x5f: {  	s8 =	simm.s32 @!p4 $0x80;
	s9 =	simm.s32 @!p4 $0x4F00;
	[sflag:s0] =	ssyncset.done $0x0  }
.Ltmp3:
0x60: {  	s13 =	sadd.s32 $0x80, s25;
	[sflag:s0] =	ssyncadd.s32 $0xFFFFE000;
	(pc) =	sbr.rel @p3 .LBB2_7-.Ltmp3, $4  }
0x61: {  	[tilespmem:s9], [sflag:$0x1] =	stream.indirect.gather @!p4 [spmem:s1], $0x40, s10, s8, $0xb8;
	[tilespmem:$0x1C7C0] =	vst v63  }
0x62: {  	_ = 	snop  }
0x63: {  	[spmem:s3] =	stream.indirect.scatter.add.f32 [tilespmem:s2], [sflag:$0x6], $0x40, s13, s29, $0xb8;
	[tilespmem:$0x1C7C0] =	vst v63  }
0x64: {  	_ =	swait.ge [sflag:s28], $0x2000  }
0x65: {  	[sflag:s28] =	ssyncset.done $0x0  }
0x66: {  	s8 =	simm.s32 @!p0 $0x1;
	[sflag:s28] =	ssyncadd.s32 $0xFFFFE000  }
0x67: {  	_ =	swait.ge @!p0 [sflag:s8], $0x2000  }
0x68: {  	s9 =	simm.s32 @!p0 $0x4E80;
	[sflag:s8] =	ssyncset.done @!p0 $0x0  }
0x69: {  	s10 =	simm.s32 @!p0 $0x4F00;
	[sflag:s8] =	ssyncadd.s32 @!p0 $0xFFFFE000;
	s8 =	simm.s32 @!p0 $0x80  }
0x6a: {  	[spmem:s3] =	stream.indirect.scatter.add.f32 @!p0 [tilespmem:s10], [sflag:$0x6], $0x40, s9, s8, $0xb8;
	[tilespmem:$0x1C7C0] =	vst v63  }
0x6b: {  	s8 =	simm.s32 @!p0 $0x6  }
0x6c: {  	_ =	swait.ge @!p0 [sflag:s8], $0x2000  }
0x6d: {  	[sflag:s8] =	ssyncset.done @!p0 $0x0  }
0x6e: {  	[sflag:s8] =	ssyncadd.s32 @!p0 $0xFFFFE000  }
0x6f: {  	s8 =	sor.u32 $0x1C06, s6;
	[bflag:$0x0] =	sbarrier.arrive $0xFFFF  }
0x70: {  	[hbm:s15], [sflag:s8] =	dma.local [spmem:s20], $0x1380  }
0x71: {  	_ =	swait.ge [sflag:s28], $0x1380  }
0x72: {  	s26 =	sadd.s32 $0x1, s26;
	[sflag:s28] =	ssyncset.done $0x0  }
0x73: {  	p3 =	sne.s32 s26, s17;
	s9 =	sshrl.u32 @p2 s11, $0x3;
	[sflag:s28] =	ssyncadd.s32 $0xFFFFEC80  }
0x74: {  	[hbm:s16], [sflag:s8] =	dma.local @p2 [spmem:s9], $0x80  }
.Ltmp4:
0x75: {  	_ = 	snop;
	(pc) =	sbr.rel @p3 .LBB2_1-.Ltmp4, $4  }
0x76: {  	s8 =	simm.s32 @p2 $0x6  }
0x77: {  	_ =	swait.ge @p2 [sflag:s8], $0x80  }
0x78: {  	[sflag:s8] =	ssyncset.done @p2 $0x0  }
0x79: {  	[sflag:s8] =	ssyncadd.s32 @p2 $0xFFFFFF80  }
0x7a: {  	_ =	sfence.sel $0x180000  }
0x7b: {  	[bflag:$0x0] =	sbarrier.arrive $0xFFFF  }
0x7c: {  	_ =	strace $0x90000047  }
0x7d: {  	s0 =	stileid.u32;
	[bflag:$0x2] =	sbarrier.arrive $0xFFFF  }
0x7e: {  	p0 =	sne.s32 s0, $0x0;
	s0 =	rddreg [dreg:$0x3]  }
0x7f: {  	s0 =	sadd.s32 @!p0 $0x100000, s0  }
0x80: {  	[sflag:s0] =	ssyncadd.tile.s32 @!p0 $0x1;
	_ =	shalt  }
.Lfunc_end2:
_tile_overlayer_lowered:
.L_overlay_start_2:
0x81: {  	(tag) =	ssettag $0x2  }
0x82: {  	s0 =	rddreg [dreg:$0x0];
	s2 =	stileid.u32  }
0x83: {  	s1 =	rddreg [dreg:$0x1];
	p0 =	sne.s32 s2, $0x0  }
0x84: {  	s3 =	rddreg [dreg:$0x2];
	[bflag:$0x3] =	sbarrier.arrive $0xFFFF;
	s2 =	simm.s32 @!p0 $0x1C06  }
0x85: {  	[timem:s3], [sflag:s2] =	dma.local @!p0 [hbm:s0], s1  }
0x86: {  	s0 =	simm.s32 @!p0 $0x6  }
0x87: {  	_ =	swait.ge @!p0 [sflag:s0], s1  }
0x88: {  	s1 =	ssub.s32 @!p0 $0x0, s1;
	[sflag:s0] =	ssyncset.done @!p0 $0x0  }
0x89: {  	[sflag:s0] =	ssyncadd.s32 @!p0 s1  }
0x8a: {  	[bflag:$0x3] =	sbarrier.arrive $0xFFFF  }
0x8b: {  	_ =	shalt  }

// kernel: kernel.16.cloned.1.call-start
scs
__scs_entry_jumppad:
0x0: {  	(pc) =	sbr.rel $0x88, $3  }
0x1: {  	(tag) =	ssettag $0x0;
	lr =	simm.s32 $0x1  }
0x2: {  	[smem:$0x3F8D] =	sst lr;
	_ =	strace $0xD0000000  }
0x3: {  	_ = 	snop  }
0x4: {  	_ = 	snop  }
0x5: {  	_ = 	snop  }
0x6: {  	_ = 	snop  }
0x7: {  	_ = 	snop  }
__scs_overlays_trampoline_lowered:
0x8: {  	[smem:$0x3F9C] =	sst s0  }
0x9: {  	[smem:$0x3F9D] =	sst s1  }
0xa: {  	[smem:$0x3F9E] =	sst s2  }
0xb: {  	[smem:$0x3F9F] =	sst s3  }
0xc: {  	[smem:$0x3FA0] =	sst s4  }
0xd: {  	[smem:$0x3FA1] =	sst s5  }
0xe: {  	[smem:$0x3FA2] =	sst s6  }
0xf: {  	[smem:$0x3FA3] =	sst s7  }
0x10: {  	[smem:$0x3FA4] =	sst s8  }
0x11: {  	[smem:$0x3FA5] =	sst s9;
	s0 =	simm.s32 @!p0 $0x0  }
0x12: {  	s1 =	sld [smem:$0x3F8B];
	s0 =	simm.s32 @p0 $0x1  }
0x13: {  	[smem:$0x3FA6] =	sst s0;
	s0 =	simm.s32 @!p1 $0x0  }
0x14: {  	s2 =	sld [smem:$0x3F8A];
	s0 =	simm.s32 @p1 $0x1  }
0x15: {  	[smem:$0x3FA7] =	sst s0;
	s0 =	simm.s32 @!p2 $0x0  }
0x16: {  	s3 =	sld [smem:$0x3FDB];
	s0 =	simm.s32 @p2 $0x1  }
0x17: {  	s4 =	simm.s32 $0x1BF5;
	[smem:$0x3FA9] =	sst s0  }
0x18: {  	s0 =	sld [smem:$0x3F8C];
	_ =	swait.ge [sflag:s4], $0x0  }
0x19: {  	s7 =	sld [smem:$0x3F8D]  }
0x1a: {  	s8 =	sadd.s32 $0xFFFFE003, lr  }
0x1b: {  	s9 =	sadd.s32 $0xFFFFFEF7, lr;
	s5 =	simm.s32 $0xFFFFFFFF;
	p2 =	slt.u32 s8, $0xFFFFF086  }
0x1c: {  	p1 =	slt.u32 s9, $0xF7A;
	s5 =	simm.s32 @!p2 $0x0  }
0x1d: {  	s5 =	simm.s32 @p1 $0x1;
	p0 =	seq.s32 s7, s2  }
0x1e: {  	s7 =	smul.u32 @!p0 $0xF7A, s2;
	p2 =	seq.s32 @!p0 s5, $0x0  }
0x1f: {  	s9 =	smul.u32 $0xF7A, s1;
	s8 =	simm.s32 @!p0 $0x1BF5;
	p2 =	por !p2, p0  }
0x20: {  	[sflag:s8] =	ssyncset.s32 @!p0 $0xFFFFF086;
	s6 =	sadd.s32 @!p0 s3, s7;
	s7 =	simm.s32 @!p0 $0x108  }
0x21: {  	s3 =	sadd.s32 s3, s9;
	s6 =	sadd.s32 @!p0 $0x88, s6;
	s7 =	simm.s32 @p2 $0x1082  }
0x22: {  	[simem:s7], [sflag:s8] =	dma.local @!p0 [hbm:s6], $0xF7A  }
0x23: {  	s9 =	sor.u32 $0xD0000000, s2;
	s6 =	simm.s32 $0x108;
	_ =	swait.ge @!p0 [sflag:s8], $0x0  }
0x24: {  	s3 =	sadd.s32 $0x88, s3;
	s6 =	simm.s32 @!p1 $0x1082;
	[sflag:s4] =	ssyncset.s32 $0xFFFFF086  }
0x25: {  	[simem:s6], [sflag:s4] =	dma.local [hbm:s3], $0xF7A  }
0x26: {  	[smem:$0x3F8D] =	sst s1;
	(tag) =	ssettag s2;
	_ =	strace s9  }
0x27: {  	s1 =	sld [smem:$0x3F9D]  }
0x28: {  	s2 =	sld [smem:$0x3F9E]  }
0x29: {  	s4 =	sld [smem:$0x3FA0]  }
0x2a: {  	p0 =	seq.s32 s5, $0x0;
	s5 =	sld [smem:$0x3FA1]  }
0x2b: {  	s6 =	sld [smem:$0x3FA2]  }
0x2c: {  	s7 =	sld [smem:$0x3FA3]  }
0x2d: {  	s3 =	simm.s32 $0x108;
	s8 =	sld [smem:$0x3FA4]  }
0x2e: {  	s3 =	simm.s32 @!p0 $0x1082;
	s9 =	sld [smem:$0x3FA5]  }
0x2f: {  	lr =	sadd.s32 s0, s3;
	s0 =	sld [smem:$0x3F9C]  }
0x30: {  	s3 =	sld [smem:$0x3F9F]  }
0x31: {  	[smem:$0x3FA8] =	sst s10  }
0x32: {  	s10 =	sld [smem:$0x3FA6];
	_ =	sdelay $0x3  }
0x33: {  	p0 =	seq.s32 s10, $0x1;
	s10 =	sld [smem:$0x3FA8];
	_ =	sdelay $0x3  }
0x34: {  	[smem:$0x3FA8] =	sst s10  }
0x35: {  	s10 =	sld [smem:$0x3FA7];
	_ =	sdelay $0x3  }
0x36: {  	p1 =	seq.s32 s10, $0x1;
	s10 =	sld [smem:$0x3FA8];
	_ =	sdelay $0x3  }
0x37: {  	[smem:$0x3FA8] =	sst s10  }
0x38: {  	s10 =	sld [smem:$0x3FA9]  }
0x39: {  	_ = 	snop;
	(pc) =	sbr.ind lr, $3  }
0x3a: {  	_ = 	snop  }
0x3b: {  	_ = 	snop  }
0x3c: {  	p2 =	seq.s32 s10, $0x1;
	s10 =	sld [smem:$0x3FA8]  }
0x3d: {  	_ =	shalt  }
0x3e: {  	_ =	shalt  }
0x3f: {  	_ =	shalt  }
0x40: {  	_ =	shalt  }
0x41: {  	_ =	shalt  }
0x42: {  	_ =	shalt  }
0x43: {  	_ =	shalt  }
0x44: {  	_ =	shalt  }
0x45: {  	_ =	shalt  }
0x46: {  	_ =	shalt  }
0x47: {  	_ =	shalt  }
0x48: {  	_ =	shalt  }
0x49: {  	_ =	shalt  }
0x4a: {  	_ =	shalt  }
0x4b: {  	_ =	shalt  }
0x4c: {  	_ =	shalt  }
0x4d: {  	_ =	shalt  }
0x4e: {  	_ =	shalt  }
0x4f: {  	_ =	shalt  }
0x50: {  	_ =	shalt  }
0x51: {  	_ =	shalt  }
0x52: {  	_ =	shalt  }
0x53: {  	_ =	shalt  }
0x54: {  	_ =	shalt  }
0x55: {  	_ =	shalt  }
0x56: {  	_ =	shalt  }
0x57: {  	_ =	shalt  }
0x58: {  	_ =	shalt  }
0x59: {  	_ =	shalt  }
0x5a: {  	_ =	shalt  }
0x5b: {  	_ =	shalt  }
0x5c: {  	_ =	shalt  }
0x5d: {  	_ =	shalt  }
0x5e: {  	_ =	shalt  }
0x5f: {  	_ =	shalt  }
0x60: {  	_ =	shalt  }
0x61: {  	_ =	shalt  }
0x62: {  	_ =	shalt  }
0x63: {  	_ =	shalt  }
0x64: {  	_ =	shalt  }
0x65: {  	_ =	shalt  }
0x66: {  	_ =	shalt  }
0x67: {  	_ =	shalt  }
0x68: {  	_ =	shalt  }
0x69: {  	_ =	shalt  }
0x6a: {  	_ =	shalt  }
0x6b: {  	_ =	shalt  }
0x6c: {  	_ =	shalt  }
0x6d: {  	_ =	shalt  }
0x6e: {  	_ =	shalt  }
0x6f: {  	_ =	shalt  }
0x70: {  	_ =	shalt  }
0x71: {  	_ =	shalt  }
0x72: {  	_ =	shalt  }
0x73: {  	_ =	shalt  }
0x74: {  	_ =	shalt  }
0x75: {  	_ =	shalt  }
0x76: {  	_ =	shalt  }
0x77: {  	_ =	shalt  }
0x78: {  	_ =	shalt  }
0x79: {  	_ =	shalt  }
0x7a: {  	_ =	shalt  }
0x7b: {  	_ =	shalt  }
0x7c: {  	_ =	shalt  }
0x7d: {  	_ =	shalt  }
0x7e: {  	_ =	shalt  }
0x7f: {  	_ =	shalt  }
0x80: {  	_ =	shalt  }
0x81: {  	_ =	shalt  }
0x82: {  	_ =	shalt  }
0x83: {  	_ =	shalt  }
0x84: {  	_ =	shalt  }
0x85: {  	_ =	shalt  }
0x86: {  	_ =	shalt  }
0x87: {  	_ =	shalt  }
.Lfunc_end0:
.L_simem_size_0:
called_computation.1_lowered:
.L_overlay_start_0:
0x88: {  	s2 =	sld [smem:$0x3FD9]  }
0x89: {  	s3 =	sld [smem:$0x3FFE];
	_ =	sdelay $0x1  }
0x8a: {  	s1 =	srdreg.scid  }
0x8b: {  	s0 =	sand.u32 $0x1, s1  }
0x8c: {  	s16 =	sshll.u32 s0, $0xA;
	s2 =	sadd.s32 s3, s2  }
0x8d: {  	s2 =	sadd.s32 s2, s16  }
0x8e: {  	[smem:$0x3FB4] =	sst s2  }
0x8f: {  	_ = 	snop  }
0x90: {  	(tm) =	ssettm $0x1  }
0x91: {  	s17 =	sld [smem:$0x3FFB];
	_ =	sdelay $0x3  }
0x92: {  	_ =	strace s17  }
0x93: {  	s2 =	sld [smem:$0x3FFC];
	_ =	sdelay $0x3  }
0x94: {  	_ =	strace s2  }
0x95: {  	s2 =	sld [smem:$0x3FFD];
	_ =	sdelay $0x3  }
0x96: {  	_ =	strace s2  }
0x97: {  	_ =	strace $0x8FFFFFFF  }
0x98: {  	s18 =	sld [smem:$0x3FDB];
	_ =	sdelay $0x1  }
0x99: {  	s19 =	simm.s32 $_scs_section_size  }
0x9a: {  	s4 =	simm.s32 $_size__tile_overlayer_lowered;
	s5 =	simm.s32 $_tile_overlayer_lowered  }
0x9b: {  	s22 =	simm.s32 $0x1BFF;
	s21 =	sshll.u32 s5, $0x1;
	s2 =	sadd.s32 s19, s18  }
0x9c: {  	s6 =	simm.s32 $0x0;
	s20 =	sshll.u32 s4, $0x1;
	s4 =	sadd.s32 s21, s2  }
0x9d: {  	[timem:s6], [sflag:s22] =	dma.local [hbm:s4], s20  }
0x9e: {  	_ =	swait.ge [sflag:s22], s20  }
0x9f: {  	s3 =	ssub.s32 $0x0, s20;
	[sflag:s22] =	ssyncset.done $0x0  }
0xa0: {  	[sflag:s22] =	ssyncadd.s32 s3;
	_ =	sdelay $0x1  }
0xa1: {  	s23 =	simm.s32 $0x1B8B  }
0xa2: {  	_ =	swait.ge [sflag:s23], $0x1  }
0xa3: {  	[sflag:s23] =	ssyncset.done $0x0  }
0xa4: {  	s25 =	simm.s32 $0x1B8E;
	s24 =	sld [smem:$0x3FFE];
	[sflag:s23] =	ssyncadd.s32 $0xFFFFFFFF  }
0xa5: {  	s26 =	simm.s32 $execute0_lowered;
	[smem:$0x3FD2] =	sst s25  }
0xa6: {  	s4 =	sshll.u32 s26, $0x1;
	_ =	strace $0x80000049;
	[dreg:$0x1] =	wrdreg $0xFFFFFFFF  }
0xa7: {  	s28 =	simm.s32 $_size_execute0_lowered;
	s2 =	sadd.s32 s2, s4;
	[dreg:$0x0] =	wrdreg $0x0  }
0xa8: {  	s4 =	sshll.u32 s28, $0x1;
	[dreg:$0x2] =	wrdreg s2  }
0xa9: {  	[dreg:$0x3] =	wrdreg s4  }
0xaa: {  	[dreg:$0x4] =	wrdreg $0xC0  }
0xab: {  	_ =	task [dreg:s6], $0x5FFFF  }
0xac: {  	[dreg:$0x1] =	wrdreg $0xFFFFFFFF  }
0xad: {  	[dreg:$0x0] =	wrdreg $0x60  }
0xae: {  	[dreg:$0x2] =	wrdreg s24  }
0xaf: {  	[dreg:$0x3] =	wrdreg $0x12B800  }
0xb0: {  	[dreg:$0x4] =	wrdreg $0x8F000  }
0xb1: {  	[dreg:$0x5] =	wrdreg $0x9  }
0xb2: {  	_ =	task.clear_ibuf [dreg:s6], $0x6FFFF;
	_ =	strace $0x90000049  }
0xb3: {  	s29 =	simm.s32 $0x9;
	_ =	strace $0x8000004B  }
0xb4: {  	_ =	swait.ge [sflag:s29], $0x1  }
0xb5: {  	[sflag:s29] =	ssyncadd.s32 $0xFFFFFFFF  }
0xb6: {  	_ =	strace $0x9000004B  }
0xb7: {  	_ =	sfence  }
0xb8: {  	s30 =	sld [smem:$0x0];
	_ =	sdelay $0x2  }
0xb9: {  	s31 =	sshll.u32 s1, $0xD;
	s1 =	sshrl.u32 s1, $0x2  }
0xba: {  	s3 =	sand.u32 $0x4000, s31;
	s1 =	sadd.s32 s1, s30  }
0xbb: {  	s0 =	sor.u32 s3, s0;
	s1 =	sshll.u32 s1, $0x11  }
0xbc: {  	s0 =	sor.u32 s1, s0  }
0xbd: {  	s0 =	sadd.s32 $0x8F2B, s0  }
0xbe: {  	[sflag:s0] =	ssyncadd.remote.s32 $0x1  }
0xbf: {  	_ =	sfence.sel $0xFFFF  }
0xc0: {  	[dreg:$0x0] =	wrdreg $0xFFFFFFFF;
	(pc) =	sbr.abs _section_cstart, $3  }
0xc1: {  	[dreg:$0x1] =	wrdreg $0xFFFFFFFF  }
0xc2: {  	_ =	task.clear_ibuf [dreg:s6], $0x2FFFF;
	_ =	strace $0x9FFFFFFF  }
0xc3: {  	(tm) =	ssettm $0x7FFFFFFF  }
tec
execute0_lowered:
.L_overlay_start_1:
0x0: {  	(tag) =	ssettag $0x1  }
0x1: {  	s0 =	rddreg [dreg:$0x0]  }
0x2: {  	s1 =	rddreg [dreg:$0x1]  }
0x3: {  	s3 =	rddreg [dreg:$0x2];
	s4 =	simm.s32 $0x0  }
0x4: {  	s9 =	stileid.u32;
	s5 =	srdreg.scid;
	s28 =	simm.s32 $0x6  }
0x5: {  	s29 =	simm.s32 $0x80;
	s30 =	simm.s32 $0x4F00;
	s31 =	simm.s32 $0x1  }
0x6: {  	[smem:$0x7FF] =	sst s4;
	s2 =	smul.u32 $0x9C00, s9;
	s10 =	sand.u32 $0x1, s5  }
0x7: {  	s24 =	sshll.u32 s9, $0x1;
	s12 =	sadd.s32 $0x5800, s0;
	s16 =	sadd.s32 $0x2CC00, s0  }
0x8: {  	p0 =	sgt.u32 s9, $0x1;
	p1 =	sne.s32 s9, $0xF;
	_ =	strace $0x8000004A  }
0x9: {  	s7 =	ssub.s32 $0x2, s10;
	s11 =	sor.u32 s10, s24;
	s10 =	smul.u32 $0x9C400, s10  }
0xa: {  	s6 =	sshrl.u32 s2, $0x3;
	s26 =	sshrl.u32 s7, $0x1;
	s8 =	smul.u32 $0x2700, s11  }
0xb: {  	s18 =	sadd.s32 s2, s1;
	s20 =	sadd.s32 s2, s3;
	s25 =	sadd.s32 s6, s0  }
0xc: {  	s17 =	ssub.s32 s7, s26;
	s6 =	sshll.u32 s9, $0x6;
	s0 =	sadd.s32 $0x2CA00, s0  }
0xd: {  	s22 =	sadd.s32 s2, s10;
	s23 =	sshrl.u32 s10, $0x3;
	s18 =	sshrl.u32 s18, $0x3  }
0xe: {  	s20 =	sshrl.u32 s20, $0x3;
	s2 =	simm.s32 $0x6F00;
	s13 =	sshrl.u32 s8, $0x3  }
0xf: {  	s5 =	sadd.s32 $0x19200, s25;
	s14 =	sor.u32 $0x1C03, s6;
	s25 =	sadd.s32 $0x9C000, s1  }
0x10: {  	[dreg:$0x6] =	wrdreg s0;
	s24 =	sadd.s32 s16, s23;
	s17 =	smax.u32 s17, $0x1  }
0x11: {  	s23 =	simm.s32 $0x4;
	s7 =	sadd.s32 s12, s13;
	[dreg:$0x4] =	wrdreg s14  }
0x12: {  	s13 =	sshll.u32 s11, $0x4;
	s11 =	sadd.s32 $0x9C000, s3;
	s14 =	simm.s32 $0x4D  }
0x13: {  	s26 =	sshrl.u32 s25, $0x3;
	s15 =	sadd.s32 $0x9C40, s7;
	s19 =	sadd.s32 s13, s12  }
0x14: {  	s14 =	simm.s32 @!p0 $0x4E;
	[dreg:$0x9] =	wrdreg s26;
	s26 =	simm.s32 $0x0  }
0x15: {  	[dreg:$0x5] =	wrdreg s15;
	s21 =	sadd.s32 $0x9C00, s19;
	s0 =	sadd.s32 $0x13840, s19  }
0x16: {  	s19 =	sor.u32 $0x1C04, s6;
	[dreg:$0x8] =	wrdreg s0;
	s0 =	sshrl.u32 s22, $0x3  }
0x17: {  	[dreg:$0x7] =	wrdreg s21;
	s22 =	simm.s32 $0x3;
	s15 =	sadd.s32 s16, s0  }
0x18: {  	s16 =	sadd.s32 $0x13800, s24;
	s24 =	simm.s32 $0x5;
	s0 =	simm.s32 $0x2  }
.LBB2_1:
0x19: {  	s8 =	rddreg [dreg:$0x4]  }
0x1a: {  	[spmem:s18], [sflag:s8] =	dma.local [hbm:s5], $0x1380  }
0x1b: {  	[spmem:s20], [sflag:s19] =	dma.local [hbm:s5], $0x1380  }
0x1c: {  	[tilespmem:s4], [sflag:$0x5] =	stream.linear.gather [hbm4b:s7+s4], $0x2700, $0x38;
	[tilespmem:$0x1C7C0] =	vst v63  }
0x1d: {  	s9 =	simm.s32 $0x2780;
	s25 =	rddreg [dreg:$0x5]  }
0x1e: {  	[tilespmem:s9], [sflag:$0x5] =	stream.linear.gather [hbm4b:s25+s4], $0x2700, $0x38;
	[tilespmem:$0x1C7C0] =	vst v63  }
0x1f: {  	_ =	swait.ge [sflag:s22], $0x1380  }
0x20: {  	[sflag:s22] =	ssyncset.done $0x0  }
0x21: {  	[sflag:s22] =	ssyncadd.s32 $0xFFFFEC80  }
0x22: {  	_ =	swait.ge [sflag:s23], $0x1380  }
0x23: {  	[sflag:s23] =	ssyncset.done $0x0  }
0x24: {  	[sflag:s23] =	ssyncadd.s32 $0xFFFFEC80  }
0x25: {  	_ =	swait.ge [sflag:s24], $0x2700  }
.Ltmp0:
0x26: {  	[sflag:s24] =	ssyncset.done $0x0;
	(pc) =	sbr.rel @!p0 .LBB2_2-.Ltmp0, $4  }
0x27: {  	[sflag:s24] =	ssyncadd.s32 $0xFFFFD900  }
0x28: {  	_ =	swait.ge [sflag:s24], $0x2700  }
0x29: {  	[sflag:s24] =	ssyncset.done $0x0  }
0x2a: {  	[sflag:s24] =	ssyncadd.s32 $0xFFFFD900  }
.Ltmp1:
0x2b: {  	(pc) =	sbr.rel @p1 .LBB2_6-.Ltmp1, $2  }
0x2c: {  	_ =	sdelay $0x2  }
0x2d: {  	p2 =	por $0x0, $0x0  }
0x2e: {  	s8 =	rddreg [dreg:$0x6]  }
0x2f: {  	s9 =	rddreg [dreg:$0x9];
	s12 =	simm.s32 $0x1FC6  }
0x30: {  	[spmem:s9], [sflag:s12] =	dma.local [hbm:s8], $0x80  }
.Ltmp2:
0x31: {  	_ = 	snop;
	(pc) =	sbr.rel .LBB2_5-.Ltmp2, $4  }
0x32: {  	_ =	swait.ge [sflag:s28], $0x80  }
0x33: {  	[sflag:s28] =	ssyncset.done $0x0  }
0x34: {  	s10 =	sshrl.u32 s11, $0x3;
	[sflag:s28] =	ssyncadd.s32 $0xFFFFFF80  }
0x35: {  	[spmem:s10], [sflag:s12] =	dma.local [hbm:s8], $0x80  }
.LBB2_2:
0x36: {  	s8 =	rddreg [dreg:$0x7];
	s9 =	simm.s32 $0x2700  }
0x37: {  	[tilespmem:s9], [sflag:$0x6] =	stream.linear.gather [hbm4b:s8+s4], $0x80, $0x38;
	[tilespmem:$0x1C7C0] =	vst v63  }
0x38: {  	_ =	swait.ge [sflag:s28], $0x80  }
0x39: {  	[sflag:s28] =	ssyncset.done $0x0  }
0x3a: {  	s25 =	simm.s32 $0x4E80;
	s21 =	rddreg [dreg:$0x8];
	[sflag:s28] =	ssyncadd.s32 $0xFFFFFF80  }
0x3b: {  	[tilespmem:s25], [sflag:$0x6] =	stream.linear.gather [hbm4b:s21+s4], $0x80, $0x38;
	[tilespmem:$0x1C7C0] =	vst v63  }
.LBB2_5:
0x3c: {  	_ =	swait.ge [sflag:s28], $0x80  }
0x3d: {  	[sflag:s28] =	ssyncset.done $0x0  }
0x3e: {  	p2 =	por p0, p0;
	[sflag:s28] =	ssyncadd.s32 $0xFFFFFF80  }
.LBB2_6:
0x3f: {  	[bflag:$0x0] =	sbarrier.arrive $0xFFFF;
	s10 =	simm.s32 $0x0  }
0x40: {  	[tilespmem:s30], [sflag:$0x1] =	stream.indirect.gather [spmem:s1], $0x40, s10, s29, $0xb8;
	[tilespmem:$0x1C7C0] =	vst v63  }
0x41: {  	p3 =	sle.u32 s14, $0x0;
	_ =	swait.ge [sflag:s31], $0x2000  }
0x42: {  	s10 =	simm.s32 @!p3 $0x80;
	[sflag:s31] =	ssyncset.done $0x0  }
0x43: {  	s12 =	simm.s32 @!p3 $0x80;
	s25 =	simm.s32 @!p3 $0x6F00;
	[sflag:s31] =	ssyncadd.s32 $0xFFFFE000  }
0x44: {  	[tilespmem:s25], [sflag:$0x2] =	stream.indirect.gather @!p3 [spmem:s1], $0x40, s10, s12, $0xb8;
	[tilespmem:$0x1C7C0] =	vst v63  }
0x45: {  	s25 =	simm.s32 $0x2780  }
0x46: {  	[spmem:s3] =	stream.indirect.scatter.add.f32 [tilespmem:s30], [sflag:$0x6], $0x40, s25, s29, $0xb8;
	[tilespmem:$0x1C7C0] =	vst v63  }
0x47: {  	_ =	swait.ge [sflag:s28], $0x2000  }
0x48: {  	[sflag:s28] =	ssyncset.done $0x0  }
0x49: {  	[sflag:s28] =	ssyncadd.s32 $0xFFFFE000  }
0x4a: {  	_ =	swait.ge [sflag:s0], $0x2000  }
0x4b: {  	s10 =	simm.s32 $0x100;
	p3 =	sle.u32 s14, $0x1;
	[sflag:s0] =	ssyncset.done $0x0  }
0x4c: {  	s12 =	simm.s32 @!p3 $0x80;
	s13 =	simm.s32 @!p3 $0x4F00;
	[sflag:s0] =	ssyncadd.s32 $0xFFFFE000  }
0x4d: {  	[tilespmem:s13], [sflag:$0x1] =	stream.indirect.gather @!p3 [spmem:s1], $0x40, s10, s12, $0xb8;
	[tilespmem:$0x1C7C0] =	vst v63  }
0x4e: {  	s21 =	simm.s32 $0x2800  }
0x4f: {  	[spmem:s3] =	stream.indirect.scatter.add.f32 [tilespmem:s2], [sflag:$0x6], $0x40, s21, s29, $0xb8;
	[tilespmem:$0x1C7C0] =	vst v63  }
0x50: {  	s12 =	simm.s32 $0x2;
	_ =	swait.ge [sflag:s28], $0x2000  }
.LBB2_7:
0x51: {  	[sflag:s28] =	ssyncset.done $0x0  }
0x52: {  	s10 =	sadd.s32 $0x100, s10;
	s25 =	sadd.s32 $0x100, s25;
	s13 =	smov.u32 s12  }
0x53: {  	p3 =	slt.u32 s12, $0x4C;
	s12 =	sadd.s32 $0x2, s12;
	[sflag:s28] =	ssyncadd.s32 $0xFFFFE000  }
0x54: {  	_ =	swait.ge [sflag:s31], $0x2000  }
0x55: {  	p4 =	sge.u32 s13, s14;
	[sflag:s31] =	ssyncset.done $0x0  }
0x56: {  	s21 =	sadd.s32 @!p4 $0xFFFFFF80, s10;
	s8 =	simm.s32 @!p4 $0x80;
	[sflag:s31] =	ssyncadd.s32 $0xFFFFE000  }
0x57: {  	s9 =	simm.s32 @!p4 $0x6F00  }
0x58: {  	[tilespmem:s9], [sflag:$0x2] =	stream.indirect.gather @!p4 [spmem:s1], $0x40, s21, s8, $0xb8;
	[tilespmem:$0x1C7C0] =	vst v63  }
0x59: {  	_ = 	snop  }
0x5a: {  	[spmem:s3] =	stream.indirect.scatter.add.f32 [tilespmem:s30], [sflag:$0x6], $0x40, s25, s29, $0xb8;
	[tilespmem:$0x1C7C0] =	vst v63  }
0x5b: {  	_ =	swait.ge [sflag:s28], $0x2000  }
0x5c: {  	[sflag:s28] =	ssyncset.done $0x0  }
0x5d: {  	s8 =	sadd.s32 $0x1, s13;
	[sflag:s28] =	ssyncadd.s32 $0xFFFFE000  }
0x5e: {  	p4 =	sge.u32 s8, s14;
	_ =	swait.ge [sflag:s0], $0x2000  }
0x5f: {  	s8 =	simm.s32 @!p4 $0x80;
	s9 =	simm.s32 @!p4 $0x4F00;
	[sflag:s0] =	ssyncset.done $0x0  }
.Ltmp3:
0x60: {  	s13 =	sadd.s32 $0x80, s25;
	[sflag:s0] =	ssyncadd.s32 $0xFFFFE000;
	(pc) =	sbr.rel @p3 .LBB2_7-.Ltmp3, $4  }
0x61: {  	[tilespmem:s9], [sflag:$0x1] =	stream.indirect.gather @!p4 [spmem:s1], $0x40, s10, s8, $0xb8;
	[tilespmem:$0x1C7C0] =	vst v63  }
0x62: {  	_ = 	snop  }
0x63: {  	[spmem:s3] =	stream.indirect.scatter.add.f32 [tilespmem:s2], [sflag:$0x6], $0x40, s13, s29, $0xb8;
	[tilespmem:$0x1C7C0] =	vst v63  }
0x64: {  	_ =	swait.ge [sflag:s28], $0x2000  }
0x65: {  	[sflag:s28] =	ssyncset.done $0x0  }
0x66: {  	s8 =	simm.s32 @!p0 $0x1;
	[sflag:s28] =	ssyncadd.s32 $0xFFFFE000  }
0x67: {  	_ =	swait.ge @!p0 [sflag:s8], $0x2000  }
0x68: {  	s9 =	simm.s32 @!p0 $0x4E80;
	[sflag:s8] =	ssyncset.done @!p0 $0x0  }
0x69: {  	s10 =	simm.s32 @!p0 $0x4F00;
	[sflag:s8] =	ssyncadd.s32 @!p0 $0xFFFFE000;
	s8 =	simm.s32 @!p0 $0x80  }
0x6a: {  	[spmem:s3] =	stream.indirect.scatter.add.f32 @!p0 [tilespmem:s10], [sflag:$0x6], $0x40, s9, s8, $0xb8;
	[tilespmem:$0x1C7C0] =	vst v63  }
0x6b: {  	s8 =	simm.s32 @!p0 $0x6  }
0x6c: {  	_ =	swait.ge @!p0 [sflag:s8], $0x2000  }
0x6d: {  	[sflag:s8] =	ssyncset.done @!p0 $0x0  }
0x6e: {  	[sflag:s8] =	ssyncadd.s32 @!p0 $0xFFFFE000  }
0x6f: {  	s8 =	sor.u32 $0x1C06, s6;
	[bflag:$0x0] =	sbarrier.arrive $0xFFFF  }
0x70: {  	[hbm:s15], [sflag:s8] =	dma.local [spmem:s20], $0x1380  }
0x71: {  	_ =	swait.ge [sflag:s28], $0x1380  }
0x72: {  	s26 =	sadd.s32 $0x1, s26;
	[sflag:s28] =	ssyncset.done $0x0  }
0x73: {  	p3 =	sne.s32 s26, s17;
	s9 =	sshrl.u32 @p2 s11, $0x3;
	[sflag:s28] =	ssyncadd.s32 $0xFFFFEC80  }
0x74: {  	[hbm:s16], [sflag:s8] =	dma.local @p2 [spmem:s9], $0x80  }
.Ltmp4:
0x75: {  	_ = 	snop;
	(pc) =	sbr.rel @p3 .LBB2_1-.Ltmp4, $4  }
0x76: {  	s8 =	simm.s32 @p2 $0x6  }
0x77: {  	_ =	swait.ge @p2 [sflag:s8], $0x80  }
0x78: {  	[sflag:s8] =	ssyncset.done @p2 $0x0  }
0x79: {  	[sflag:s8] =	ssyncadd.s32 @p2 $0xFFFFFF80  }
0x7a: {  	_ =	sfence.sel $0x180000  }
0x7b: {  	[bflag:$0x0] =	sbarrier.arrive $0xFFFF  }
0x7c: {  	_ =	strace $0x9000004A  }
0x7d: {  	s0 =	stileid.u32;
	[bflag:$0x2] =	sbarrier.arrive $0xFFFF  }
0x7e: {  	p0 =	sne.s32 s0, $0x0;
	s0 =	rddreg [dreg:$0x3]  }
0x7f: {  	s0 =	sadd.s32 @!p0 $0x100000, s0  }
0x80: {  	[sflag:s0] =	ssyncadd.tile.s32 @!p0 $0x1;
	_ =	shalt  }
.Lfunc_end2:
_tile_overlayer_lowered:
.L_overlay_start_2:
0x81: {  	(tag) =	ssettag $0x2  }
0x82: {  	s0 =	rddreg [dreg:$0x0];
	s2 =	stileid.u32  }
0x83: {  	s1 =	rddreg [dreg:$0x1];
	p0 =	sne.s32 s2, $0x0  }
0x84: {  	s3 =	rddreg [dreg:$0x2];
	[bflag:$0x3] =	sbarrier.arrive $0xFFFF;
	s2 =	simm.s32 @!p0 $0x1C06  }
0x85: {  	[timem:s3], [sflag:s2] =	dma.local @!p0 [hbm:s0], s1  }
0x86: {  	s0 =	simm.s32 @!p0 $0x6  }
0x87: {  	_ =	swait.ge @!p0 [sflag:s0], s1  }
0x88: {  	s1 =	ssub.s32 @!p0 $0x0, s1;
	[sflag:s0] =	ssyncset.done @!p0 $0x0  }
0x89: {  	[sflag:s0] =	ssyncadd.s32 @!p0 s1  }
0x8a: {  	[bflag:$0x3] =	sbarrier.arrive $0xFFFF  }
0x8b: {  	_ =	shalt  }

// kernel: kernel.19.cloned.1.call-start
scs
__scs_entry_jumppad:
0x0: {  	(pc) =	sbr.rel $0x88, $3  }
0x1: {  	(tag) =	ssettag $0x0;
	lr =	simm.s32 $0x1  }
0x2: {  	[smem:$0x3F8D] =	sst lr;
	_ =	strace $0xD0000000  }
0x3: {  	_ = 	snop  }
0x4: {  	_ = 	snop  }
0x5: {  	_ = 	snop  }
0x6: {  	_ = 	snop  }
0x7: {  	_ = 	snop  }
__scs_overlays_trampoline_lowered:
0x8: {  	[smem:$0x3F9C] =	sst s0  }
0x9: {  	[smem:$0x3F9D] =	sst s1  }
0xa: {  	[smem:$0x3F9E] =	sst s2  }
0xb: {  	[smem:$0x3F9F] =	sst s3  }
0xc: {  	[smem:$0x3FA0] =	sst s4  }
0xd: {  	[smem:$0x3FA1] =	sst s5  }
0xe: {  	[smem:$0x3FA2] =	sst s6  }
0xf: {  	[smem:$0x3FA3] =	sst s7  }
0x10: {  	[smem:$0x3FA4] =	sst s8  }
0x11: {  	[smem:$0x3FA5] =	sst s9;
	s0 =	simm.s32 @!p0 $0x0  }
0x12: {  	s1 =	sld [smem:$0x3F8B];
	s0 =	simm.s32 @p0 $0x1  }
0x13: {  	[smem:$0x3FA6] =	sst s0;
	s0 =	simm.s32 @!p1 $0x0  }
0x14: {  	s2 =	sld [smem:$0x3F8A];
	s0 =	simm.s32 @p1 $0x1  }
0x15: {  	[smem:$0x3FA7] =	sst s0;
	s0 =	simm.s32 @!p2 $0x0  }
0x16: {  	s3 =	sld [smem:$0x3FDB];
	s0 =	simm.s32 @p2 $0x1  }
0x17: {  	s4 =	simm.s32 $0x1BF5;
	[smem:$0x3FA9] =	sst s0  }
0x18: {  	s0 =	sld [smem:$0x3F8C];
	_ =	swait.ge [sflag:s4], $0x0  }
0x19: {  	s7 =	sld [smem:$0x3F8D]  }
0x1a: {  	s8 =	sadd.s32 $0xFFFFE003, lr  }
0x1b: {  	s9 =	sadd.s32 $0xFFFFFEF7, lr;
	s5 =	simm.s32 $0xFFFFFFFF;
	p2 =	slt.u32 s8, $0xFFFFF086  }
0x1c: {  	p1 =	slt.u32 s9, $0xF7A;
	s5 =	simm.s32 @!p2 $0x0  }
0x1d: {  	s5 =	simm.s32 @p1 $0x1;
	p0 =	seq.s32 s7, s2  }
0x1e: {  	s7 =	smul.u32 @!p0 $0xF7A, s2;
	p2 =	seq.s32 @!p0 s5, $0x0  }
0x1f: {  	s9 =	smul.u32 $0xF7A, s1;
	s8 =	simm.s32 @!p0 $0x1BF5;
	p2 =	por !p2, p0  }
0x20: {  	[sflag:s8] =	ssyncset.s32 @!p0 $0xFFFFF086;
	s6 =	sadd.s32 @!p0 s3, s7;
	s7 =	simm.s32 @!p0 $0x108  }
0x21: {  	s3 =	sadd.s32 s3, s9;
	s6 =	sadd.s32 @!p0 $0x88, s6;
	s7 =	simm.s32 @p2 $0x1082  }
0x22: {  	[simem:s7], [sflag:s8] =	dma.local @!p0 [hbm:s6], $0xF7A  }
0x23: {  	s9 =	sor.u32 $0xD0000000, s2;
	s6 =	simm.s32 $0x108;
	_ =	swait.ge @!p0 [sflag:s8], $0x0  }
0x24: {  	s3 =	sadd.s32 $0x88, s3;
	s6 =	simm.s32 @!p1 $0x1082;
	[sflag:s4] =	ssyncset.s32 $0xFFFFF086  }
0x25: {  	[simem:s6], [sflag:s4] =	dma.local [hbm:s3], $0xF7A  }
0x26: {  	[smem:$0x3F8D] =	sst s1;
	(tag) =	ssettag s2;
	_ =	strace s9  }
0x27: {  	s1 =	sld [smem:$0x3F9D]  }
0x28: {  	s2 =	sld [smem:$0x3F9E]  }
0x29: {  	s4 =	sld [smem:$0x3FA0]  }
0x2a: {  	p0 =	seq.s32 s5, $0x0;
	s5 =	sld [smem:$0x3FA1]  }
0x2b: {  	s6 =	sld [smem:$0x3FA2]  }
0x2c: {  	s7 =	sld [smem:$0x3FA3]  }
0x2d: {  	s3 =	simm.s32 $0x108;
	s8 =	sld [smem:$0x3FA4]  }
0x2e: {  	s3 =	simm.s32 @!p0 $0x1082;
	s9 =	sld [smem:$0x3FA5]  }
0x2f: {  	lr =	sadd.s32 s0, s3;
	s0 =	sld [smem:$0x3F9C]  }
0x30: {  	s3 =	sld [smem:$0x3F9F]  }
0x31: {  	[smem:$0x3FA8] =	sst s10  }
0x32: {  	s10 =	sld [smem:$0x3FA6];
	_ =	sdelay $0x3  }
0x33: {  	p0 =	seq.s32 s10, $0x1;
	s10 =	sld [smem:$0x3FA8];
	_ =	sdelay $0x3  }
0x34: {  	[smem:$0x3FA8] =	sst s10  }
0x35: {  	s10 =	sld [smem:$0x3FA7];
	_ =	sdelay $0x3  }
0x36: {  	p1 =	seq.s32 s10, $0x1;
	s10 =	sld [smem:$0x3FA8];
	_ =	sdelay $0x3  }
0x37: {  	[smem:$0x3FA8] =	sst s10  }
0x38: {  	s10 =	sld [smem:$0x3FA9]  }
0x39: {  	_ = 	snop;
	(pc) =	sbr.ind lr, $3  }
0x3a: {  	_ = 	snop  }
0x3b: {  	_ = 	snop  }
0x3c: {  	p2 =	seq.s32 s10, $0x1;
	s10 =	sld [smem:$0x3FA8]  }
0x3d: {  	_ =	shalt  }
0x3e: {  	_ =	shalt  }
0x3f: {  	_ =	shalt  }
0x40: {  	_ =	shalt  }
0x41: {  	_ =	shalt  }
0x42: {  	_ =	shalt  }
0x43: {  	_ =	shalt  }
0x44: {  	_ =	shalt  }
0x45: {  	_ =	shalt  }
0x46: {  	_ =	shalt  }
0x47: {  	_ =	shalt  }
0x48: {  	_ =	shalt  }
0x49: {  	_ =	shalt  }
0x4a: {  	_ =	shalt  }
0x4b: {  	_ =	shalt  }
0x4c: {  	_ =	shalt  }
0x4d: {  	_ =	shalt  }
0x4e: {  	_ =	shalt  }
0x4f: {  	_ =	shalt  }
0x50: {  	_ =	shalt  }
0x51: {  	_ =	shalt  }
0x52: {  	_ =	shalt  }
0x53: {  	_ =	shalt  }
0x54: {  	_ =	shalt  }
0x55: {  	_ =	shalt  }
0x56: {  	_ =	shalt  }
0x57: {  	_ =	shalt  }
0x58: {  	_ =	shalt  }
0x59: {  	_ =	shalt  }
0x5a: {  	_ =	shalt  }
0x5b: {  	_ =	shalt  }
0x5c: {  	_ =	shalt  }
0x5d: {  	_ =	shalt  }
0x5e: {  	_ =	shalt  }
0x5f: {  	_ =	shalt  }
0x60: {  	_ =	shalt  }
0x61: {  	_ =	shalt  }
0x62: {  	_ =	shalt  }
0x63: {  	_ =	shalt  }
0x64: {  	_ =	shalt  }
0x65: {  	_ =	shalt  }
0x66: {  	_ =	shalt  }
0x67: {  	_ =	shalt  }
0x68: {  	_ =	shalt  }
0x69: {  	_ =	shalt  }
0x6a: {  	_ =	shalt  }
0x6b: {  	_ =	shalt  }
0x6c: {  	_ =	shalt  }
0x6d: {  	_ =	shalt  }
0x6e: {  	_ =	shalt  }
0x6f: {  	_ =	shalt  }
0x70: {  	_ =	shalt  }
0x71: {  	_ =	shalt  }
0x72: {  	_ =	shalt  }
0x73: {  	_ =	shalt  }
0x74: {  	_ =	shalt  }
0x75: {  	_ =	shalt  }
0x76: {  	_ =	shalt  }
0x77: {  	_ =	shalt  }
0x78: {  	_ =	shalt  }
0x79: {  	_ =	shalt  }
0x7a: {  	_ =	shalt  }
0x7b: {  	_ =	shalt  }
0x7c: {  	_ =	shalt  }
0x7d: {  	_ =	shalt  }
0x7e: {  	_ =	shalt  }
0x7f: {  	_ =	shalt  }
0x80: {  	_ =	shalt  }
0x81: {  	_ =	shalt  }
0x82: {  	_ =	shalt  }
0x83: {  	_ =	shalt  }
0x84: {  	_ =	shalt  }
0x85: {  	_ =	shalt  }
0x86: {  	_ =	shalt  }
0x87: {  	_ =	shalt  }
.Lfunc_end0:
.L_simem_size_0:
called_computation.2_lowered:
.L_overlay_start_0:
0x88: {  	s2 =	sld [smem:$0x3FD9]  }
0x89: {  	s3 =	sld [smem:$0x3FFE];
	_ =	sdelay $0x1  }
0x8a: {  	s1 =	srdreg.scid  }
0x8b: {  	s0 =	sand.u32 $0x1, s1  }
0x8c: {  	s16 =	sshll.u32 s0, $0xA;
	s2 =	sadd.s32 s3, s2  }
0x8d: {  	s2 =	sadd.s32 s2, s16  }
0x8e: {  	[smem:$0x3FB4] =	sst s2  }
0x8f: {  	_ = 	snop  }
0x90: {  	(tm) =	ssettm $0x1  }
0x91: {  	s17 =	sld [smem:$0x3FFB];
	_ =	sdelay $0x3  }
0x92: {  	_ =	strace s17  }
0x93: {  	s2 =	sld [smem:$0x3FFC];
	_ =	sdelay $0x3  }
0x94: {  	_ =	strace s2  }
0x95: {  	s2 =	sld [smem:$0x3FFD];
	_ =	sdelay $0x3  }
0x96: {  	_ =	strace s2  }
0x97: {  	_ =	strace $0x8FFFFFFF  }
0x98: {  	s18 =	sld [smem:$0x3FDB];
	_ =	sdelay $0x1  }
0x99: {  	s19 =	simm.s32 $_scs_section_size  }
0x9a: {  	s4 =	simm.s32 $_size__tile_overlayer_lowered;
	s5 =	simm.s32 $_tile_overlayer_lowered  }
0x9b: {  	s22 =	simm.s32 $0x1BFF;
	s21 =	sshll.u32 s5, $0x1;
	s2 =	sadd.s32 s19, s18  }
0x9c: {  	s6 =	simm.s32 $0x0;
	s20 =	sshll.u32 s4, $0x1;
	s4 =	sadd.s32 s21, s2  }
0x9d: {  	[timem:s6], [sflag:s22] =	dma.local [hbm:s4], s20  }
0x9e: {  	_ =	swait.ge [sflag:s22], s20  }
0x9f: {  	s3 =	ssub.s32 $0x0, s20;
	[sflag:s22] =	ssyncset.done $0x0  }
0xa0: {  	[sflag:s22] =	ssyncadd.s32 s3;
	_ =	sdelay $0x1  }
0xa1: {  	s23 =	simm.s32 $0x1B8B  }
0xa2: {  	_ =	swait.ge [sflag:s23], $0x1  }
0xa3: {  	[sflag:s23] =	ssyncset.done $0x0  }
0xa4: {  	s25 =	simm.s32 $0x1B8E;
	s24 =	sld [smem:$0x3FFE];
	[sflag:s23] =	ssyncadd.s32 $0xFFFFFFFF  }
0xa5: {  	s26 =	simm.s32 $execute0_lowered;
	[smem:$0x3FD2] =	sst s25  }
0xa6: {  	s4 =	sshll.u32 s26, $0x1;
	_ =	strace $0x8000004C;
	[dreg:$0x1] =	wrdreg $0xFFFFFFFF  }
0xa7: {  	s28 =	simm.s32 $_size_execute0_lowered;
	s2 =	sadd.s32 s2, s4;
	[dreg:$0x0] =	wrdreg $0x0  }
0xa8: {  	s4 =	sshll.u32 s28, $0x1;
	[dreg:$0x2] =	wrdreg s2  }
0xa9: {  	[dreg:$0x3] =	wrdreg s4  }
0xaa: {  	[dreg:$0x4] =	wrdreg $0xC0  }
0xab: {  	_ =	task [dreg:s6], $0x5FFFF  }
0xac: {  	[dreg:$0x1] =	wrdreg $0xFFFFFFFF  }
0xad: {  	[dreg:$0x0] =	wrdreg $0x60  }
0xae: {  	[dreg:$0x2] =	wrdreg s24  }
0xaf: {  	[dreg:$0x3] =	wrdreg $0x12B800  }
0xb0: {  	[dreg:$0x4] =	wrdreg $0x8F000  }
0xb1: {  	[dreg:$0x5] =	wrdreg $0x9  }
0xb2: {  	_ =	task.clear_ibuf [dreg:s6], $0x6FFFF;
	_ =	strace $0x9000004C  }
0xb3: {  	s29 =	simm.s32 $0x9;
	_ =	strace $0x8000004E  }
0xb4: {  	_ =	swait.ge [sflag:s29], $0x1  }
0xb5: {  	[sflag:s29] =	ssyncadd.s32 $0xFFFFFFFF  }
0xb6: {  	_ =	strace $0x9000004E  }
0xb7: {  	_ =	sfence  }
0xb8: {  	s30 =	sld [smem:$0x0];
	_ =	sdelay $0x2  }
0xb9: {  	s31 =	sshll.u32 s1, $0xD;
	s1 =	sshrl.u32 s1, $0x2  }
0xba: {  	s3 =	sand.u32 $0x4000, s31;
	s1 =	sadd.s32 s1, s30  }
0xbb: {  	s0 =	sor.u32 s3, s0;
	s1 =	sshll.u32 s1, $0x11  }
0xbc: {  	s0 =	sor.u32 s1, s0  }
0xbd: {  	s0 =	sadd.s32 $0x8F2B, s0  }
0xbe: {  	[sflag:s0] =	ssyncadd.remote.s32 $0x1  }
0xbf: {  	_ =	sfence.sel $0xFFFF  }
0xc0: {  	[dreg:$0x0] =	wrdreg $0xFFFFFFFF;
	(pc) =	sbr.abs _section_cstart, $3  }
0xc1: {  	[dreg:$0x1] =	wrdreg $0xFFFFFFFF  }
0xc2: {  	_ =	task.clear_ibuf [dreg:s6], $0x2FFFF;
	_ =	strace $0x9FFFFFFF  }
0xc3: {  	(tm) =	ssettm $0x7FFFFFFF  }
tec
execute0_lowered:
.L_overlay_start_1:
0x0: {  	(tag) =	ssettag $0x1  }
0x1: {  	s0 =	rddreg [dreg:$0x0]  }
0x2: {  	s1 =	rddreg [dreg:$0x1]  }
0x3: {  	s3 =	rddreg [dreg:$0x2];
	s4 =	simm.s32 $0x0  }
0x4: {  	s9 =	stileid.u32;
	s5 =	srdreg.scid;
	s28 =	simm.s32 $0x6  }
0x5: {  	s29 =	simm.s32 $0x80;
	s30 =	simm.s32 $0x4F00;
	s31 =	simm.s32 $0x1  }
0x6: {  	[smem:$0x7FF] =	sst s4;
	s2 =	smul.u32 $0x9C00, s9;
	s10 =	sand.u32 $0x1, s5  }
0x7: {  	s24 =	sshll.u32 s9, $0x1;
	s12 =	sadd.s32 $0x5800, s0;
	s16 =	sadd.s32 $0x2CC00, s0  }
0x8: {  	p0 =	sgt.u32 s9, $0x1;
	p1 =	sne.s32 s9, $0xF;
	_ =	strace $0x8000004D  }
0x9: {  	s7 =	ssub.s32 $0x2, s10;
	s11 =	sor.u32 s10, s24;
	s10 =	smul.u32 $0x9C400, s10  }
0xa: {  	s6 =	sshrl.u32 s2, $0x3;
	s26 =	sshrl.u32 s7, $0x1;
	s8 =	smul.u32 $0x2700, s11  }
0xb: {  	s18 =	sadd.s32 s2, s1;
	s20 =	sadd.s32 s2, s3;
	s25 =	sadd.s32 s6, s0  }
0xc: {  	s17 =	ssub.s32 s7, s26;
	s6 =	sshll.u32 s9, $0x6;
	s0 =	sadd.s32 $0x2CA00, s0  }
0xd: {  	s22 =	sadd.s32 s2, s10;
	s23 =	sshrl.u32 s10, $0x3;
	s18 =	sshrl.u32 s18, $0x3  }
0xe: {  	s20 =	sshrl.u32 s20, $0x3;
	s2 =	simm.s32 $0x6F00;
	s13 =	sshrl.u32 s8, $0x3  }
0xf: {  	s5 =	sadd.s32 $0x19200, s25;
	s14 =	sor.u32 $0x1C03, s6;
	s25 =	sadd.s32 $0x9C000, s1  }
0x10: {  	[dreg:$0x6] =	wrdreg s0;
	s24 =	sadd.s32 s16, s23;
	s17 =	smax.u32 s17, $0x1  }
0x11: {  	s23 =	simm.s32 $0x4;
	s7 =	sadd.s32 s12, s13;
	[dreg:$0x4] =	wrdreg s14  }
0x12: {  	s13 =	sshll.u32 s11, $0x4;
	s11 =	sadd.s32 $0x9C000, s3;
	s14 =	simm.s32 $0x4D  }
0x13: {  	s26 =	sshrl.u32 s25, $0x3;
	s15 =	sadd.s32 $0x9C40, s7;
	s19 =	sadd.s32 s13, s12  }
0x14: {  	s14 =	simm.s32 @!p0 $0x4E;
	[dreg:$0x9] =	wrdreg s26;
	s26 =	simm.s32 $0x0  }
0x15: {  	[dreg:$0x5] =	wrdreg s15;
	s21 =	sadd.s32 $0x9C00, s19;
	s0 =	sadd.s32 $0x13840, s19  }
0x16: {  	s19 =	sor.u32 $0x1C04, s6;
	[dreg:$0x8] =	wrdreg s0;
	s0 =	sshrl.u32 s22, $0x3  }
0x17: {  	[dreg:$0x7] =	wrdreg s21;
	s22 =	simm.s32 $0x3;
	s15 =	sadd.s32 s16, s0  }
0x18: {  	s16 =	sadd.s32 $0x13800, s24;
	s24 =	simm.s32 $0x5;
	s0 =	simm.s32 $0x2  }
.LBB2_1:
0x19: {  	s8 =	rddreg [dreg:$0x4]  }
0x1a: {  	[spmem:s18], [sflag:s8] =	dma.local [hbm:s5], $0x1380  }
0x1b: {  	[spmem:s20], [sflag:s19] =	dma.local [hbm:s5], $0x1380  }
0x1c: {  	[tilespmem:s4], [sflag:$0x5] =	stream.linear.gather [hbm4b:s7+s4], $0x2700, $0x38;
	[tilespmem:$0x1C7C0] =	vst v63  }
0x1d: {  	s9 =	simm.s32 $0x2780;
	s25 =	rddreg [dreg:$0x5]  }
0x1e: {  	[tilespmem:s9], [sflag:$0x5] =	stream.linear.gather [hbm4b:s25+s4], $0x2700, $0x38;
	[tilespmem:$0x1C7C0] =	vst v63  }
0x1f: {  	_ =	swait.ge [sflag:s22], $0x1380  }
0x20: {  	[sflag:s22] =	ssyncset.done $0x0  }
0x21: {  	[sflag:s22] =	ssyncadd.s32 $0xFFFFEC80  }
0x22: {  	_ =	swait.ge [sflag:s23], $0x1380  }
0x23: {  	[sflag:s23] =	ssyncset.done $0x0  }
0x24: {  	[sflag:s23] =	ssyncadd.s32 $0xFFFFEC80  }
0x25: {  	_ =	swait.ge [sflag:s24], $0x2700  }
.Ltmp0:
0x26: {  	[sflag:s24] =	ssyncset.done $0x0;
	(pc) =	sbr.rel @!p0 .LBB2_2-.Ltmp0, $4  }
0x27: {  	[sflag:s24] =	ssyncadd.s32 $0xFFFFD900  }
0x28: {  	_ =	swait.ge [sflag:s24], $0x2700  }
0x29: {  	[sflag:s24] =	ssyncset.done $0x0  }
0x2a: {  	[sflag:s24] =	ssyncadd.s32 $0xFFFFD900  }
.Ltmp1:
0x2b: {  	(pc) =	sbr.rel @p1 .LBB2_6-.Ltmp1, $2  }
0x2c: {  	_ =	sdelay $0x2  }
0x2d: {  	p2 =	por $0x0, $0x0  }
0x2e: {  	s8 =	rddreg [dreg:$0x6]  }
0x2f: {  	s9 =	rddreg [dreg:$0x9];
	s12 =	simm.s32 $0x1FC6  }
0x30: {  	[spmem:s9], [sflag:s12] =	dma.local [hbm:s8], $0x80  }
.Ltmp2:
0x31: {  	_ = 	snop;
	(pc) =	sbr.rel .LBB2_5-.Ltmp2, $4  }
0x32: {  	_ =	swait.ge [sflag:s28], $0x80  }
0x33: {  	[sflag:s28] =	ssyncset.done $0x0  }
0x34: {  	s10 =	sshrl.u32 s11, $0x3;
	[sflag:s28] =	ssyncadd.s32 $0xFFFFFF80  }
0x35: {  	[spmem:s10], [sflag:s12] =	dma.local [hbm:s8], $0x80  }
.LBB2_2:
0x36: {  	s8 =	rddreg [dreg:$0x7];
	s9 =	simm.s32 $0x2700  }
0x37: {  	[tilespmem:s9], [sflag:$0x6] =	stream.linear.gather [hbm4b:s8+s4], $0x80, $0x38;
	[tilespmem:$0x1C7C0] =	vst v63  }
0x38: {  	_ =	swait.ge [sflag:s28], $0x80  }
0x39: {  	[sflag:s28] =	ssyncset.done $0x0  }
0x3a: {  	s25 =	simm.s32 $0x4E80;
	s21 =	rddreg [dreg:$0x8];
	[sflag:s28] =	ssyncadd.s32 $0xFFFFFF80  }
0x3b: {  	[tilespmem:s25], [sflag:$0x6] =	stream.linear.gather [hbm4b:s21+s4], $0x80, $0x38;
	[tilespmem:$0x1C7C0] =	vst v63  }
.LBB2_5:
0x3c: {  	_ =	swait.ge [sflag:s28], $0x80  }
0x3d: {  	[sflag:s28] =	ssyncset.done $0x0  }
0x3e: {  	p2 =	por p0, p0;
	[sflag:s28] =	ssyncadd.s32 $0xFFFFFF80  }
.LBB2_6:
0x3f: {  	[bflag:$0x0] =	sbarrier.arrive $0xFFFF;
	s10 =	simm.s32 $0x0  }
0x40: {  	[tilespmem:s30], [sflag:$0x1] =	stream.indirect.gather [spmem:s1], $0x40, s10, s29, $0xb8;
	[tilespmem:$0x1C7C0] =	vst v63  }
0x41: {  	p3 =	sle.u32 s14, $0x0;
	_ =	swait.ge [sflag:s31], $0x2000  }
0x42: {  	s10 =	simm.s32 @!p3 $0x80;
	[sflag:s31] =	ssyncset.done $0x0  }
0x43: {  	s12 =	simm.s32 @!p3 $0x80;
	s25 =	simm.s32 @!p3 $0x6F00;
	[sflag:s31] =	ssyncadd.s32 $0xFFFFE000  }
0x44: {  	[tilespmem:s25], [sflag:$0x2] =	stream.indirect.gather @!p3 [spmem:s1], $0x40, s10, s12, $0xb8;
	[tilespmem:$0x1C7C0] =	vst v63  }
0x45: {  	s25 =	simm.s32 $0x2780  }
0x46: {  	[spmem:s3] =	stream.indirect.scatter.add.f32 [tilespmem:s30], [sflag:$0x6], $0x40, s25, s29, $0xb8;
	[tilespmem:$0x1C7C0] =	vst v63  }
0x47: {  	_ =	swait.ge [sflag:s28], $0x2000  }
0x48: {  	[sflag:s28] =	ssyncset.done $0x0  }
0x49: {  	[sflag:s28] =	ssyncadd.s32 $0xFFFFE000  }
0x4a: {  	_ =	swait.ge [sflag:s0], $0x2000  }
0x4b: {  	s10 =	simm.s32 $0x100;
	p3 =	sle.u32 s14, $0x1;
	[sflag:s0] =	ssyncset.done $0x0  }
0x4c: {  	s12 =	simm.s32 @!p3 $0x80;
	s13 =	simm.s32 @!p3 $0x4F00;
	[sflag:s0] =	ssyncadd.s32 $0xFFFFE000  }
0x4d: {  	[tilespmem:s13], [sflag:$0x1] =	stream.indirect.gather @!p3 [spmem:s1], $0x40, s10, s12, $0xb8;
	[tilespmem:$0x1C7C0] =	vst v63  }
0x4e: {  	s21 =	simm.s32 $0x2800  }
0x4f: {  	[spmem:s3] =	stream.indirect.scatter.add.f32 [tilespmem:s2], [sflag:$0x6], $0x40, s21, s29, $0xb8;
	[tilespmem:$0x1C7C0] =	vst v63  }
0x50: {  	s12 =	simm.s32 $0x2;
	_ =	swait.ge [sflag:s28], $0x2000  }
.LBB2_7:
0x51: {  	[sflag:s28] =	ssyncset.done $0x0  }
0x52: {  	s10 =	sadd.s32 $0x100, s10;
	s25 =	sadd.s32 $0x100, s25;
	s13 =	smov.u32 s12  }
0x53: {  	p3 =	slt.u32 s12, $0x4C;
	s12 =	sadd.s32 $0x2, s12;
	[sflag:s28] =	ssyncadd.s32 $0xFFFFE000  }
0x54: {  	_ =	swait.ge [sflag:s31], $0x2000  }
0x55: {  	p4 =	sge.u32 s13, s14;
	[sflag:s31] =	ssyncset.done $0x0  }
0x56: {  	s21 =	sadd.s32 @!p4 $0xFFFFFF80, s10;
	s8 =	simm.s32 @!p4 $0x80;
	[sflag:s31] =	ssyncadd.s32 $0xFFFFE000  }
0x57: {  	s9 =	simm.s32 @!p4 $0x6F00  }
0x58: {  	[tilespmem:s9], [sflag:$0x2] =	stream.indirect.gather @!p4 [spmem:s1], $0x40, s21, s8, $0xb8;
	[tilespmem:$0x1C7C0] =	vst v63  }
0x59: {  	_ = 	snop  }
0x5a: {  	[spmem:s3] =	stream.indirect.scatter.add.f32 [tilespmem:s30], [sflag:$0x6], $0x40, s25, s29, $0xb8;
	[tilespmem:$0x1C7C0] =	vst v63  }
0x5b: {  	_ =	swait.ge [sflag:s28], $0x2000  }
0x5c: {  	[sflag:s28] =	ssyncset.done $0x0  }
0x5d: {  	s8 =	sadd.s32 $0x1, s13;
	[sflag:s28] =	ssyncadd.s32 $0xFFFFE000  }
0x5e: {  	p4 =	sge.u32 s8, s14;
	_ =	swait.ge [sflag:s0], $0x2000  }
0x5f: {  	s8 =	simm.s32 @!p4 $0x80;
	s9 =	simm.s32 @!p4 $0x4F00;
	[sflag:s0] =	ssyncset.done $0x0  }
.Ltmp3:
0x60: {  	s13 =	sadd.s32 $0x80, s25;
	[sflag:s0] =	ssyncadd.s32 $0xFFFFE000;
	(pc) =	sbr.rel @p3 .LBB2_7-.Ltmp3, $4  }
0x61: {  	[tilespmem:s9], [sflag:$0x1] =	stream.indirect.gather @!p4 [spmem:s1], $0x40, s10, s8, $0xb8;
	[tilespmem:$0x1C7C0] =	vst v63  }
0x62: {  	_ = 	snop  }
0x63: {  	[spmem:s3] =	stream.indirect.scatter.add.f32 [tilespmem:s2], [sflag:$0x6], $0x40, s13, s29, $0xb8;
	[tilespmem:$0x1C7C0] =	vst v63  }
0x64: {  	_ =	swait.ge [sflag:s28], $0x2000  }
0x65: {  	[sflag:s28] =	ssyncset.done $0x0  }
0x66: {  	s8 =	simm.s32 @!p0 $0x1;
	[sflag:s28] =	ssyncadd.s32 $0xFFFFE000  }
0x67: {  	_ =	swait.ge @!p0 [sflag:s8], $0x2000  }
0x68: {  	s9 =	simm.s32 @!p0 $0x4E80;
	[sflag:s8] =	ssyncset.done @!p0 $0x0  }
0x69: {  	s10 =	simm.s32 @!p0 $0x4F00;
	[sflag:s8] =	ssyncadd.s32 @!p0 $0xFFFFE000;
	s8 =	simm.s32 @!p0 $0x80  }
0x6a: {  	[spmem:s3] =	stream.indirect.scatter.add.f32 @!p0 [tilespmem:s10], [sflag:$0x6], $0x40, s9, s8, $0xb8;
	[tilespmem:$0x1C7C0] =	vst v63  }
0x6b: {  	s8 =	simm.s32 @!p0 $0x6  }
0x6c: {  	_ =	swait.ge @!p0 [sflag:s8], $0x2000  }
0x6d: {  	[sflag:s8] =	ssyncset.done @!p0 $0x0  }
0x6e: {  	[sflag:s8] =	ssyncadd.s32 @!p0 $0xFFFFE000  }
0x6f: {  	s8 =	sor.u32 $0x1C06, s6;
	[bflag:$0x0] =	sbarrier.arrive $0xFFFF  }
0x70: {  	[hbm:s15], [sflag:s8] =	dma.local [spmem:s20], $0x1380  }
0x71: {  	_ =	swait.ge [sflag:s28], $0x1380  }
0x72: {  	s26 =	sadd.s32 $0x1, s26;
	[sflag:s28] =	ssyncset.done $0x0  }
0x73: {  	p3 =	sne.s32 s26, s17;
	s9 =	sshrl.u32 @p2 s11, $0x3;
	[sflag:s28] =	ssyncadd.s32 $0xFFFFEC80  }
0x74: {  	[hbm:s16], [sflag:s8] =	dma.local @p2 [spmem:s9], $0x80  }
.Ltmp4:
0x75: {  	_ = 	snop;
	(pc) =	sbr.rel @p3 .LBB2_1-.Ltmp4, $4  }
0x76: {  	s8 =	simm.s32 @p2 $0x6  }
0x77: {  	_ =	swait.ge @p2 [sflag:s8], $0x80  }
0x78: {  	[sflag:s8] =	ssyncset.done @p2 $0x0  }
0x79: {  	[sflag:s8] =	ssyncadd.s32 @p2 $0xFFFFFF80  }
0x7a: {  	_ =	sfence.sel $0x180000  }
0x7b: {  	[bflag:$0x0] =	sbarrier.arrive $0xFFFF  }
0x7c: {  	_ =	strace $0x9000004D  }
0x7d: {  	s0 =	stileid.u32;
	[bflag:$0x2] =	sbarrier.arrive $0xFFFF  }
0x7e: {  	p0 =	sne.s32 s0, $0x0;
	s0 =	rddreg [dreg:$0x3]  }
0x7f: {  	s0 =	sadd.s32 @!p0 $0x100000, s0  }
0x80: {  	[sflag:s0] =	ssyncadd.tile.s32 @!p0 $0x1;
	_ =	shalt  }
.Lfunc_end2:
_tile_overlayer_lowered:
.L_overlay_start_2:
0x81: {  	(tag) =	ssettag $0x2  }
0x82: {  	s0 =	rddreg [dreg:$0x0];
	s2 =	stileid.u32  }
0x83: {  	s1 =	rddreg [dreg:$0x1];
	p0 =	sne.s32 s2, $0x0  }
0x84: {  	s3 =	rddreg [dreg:$0x2];
	[bflag:$0x3] =	sbarrier.arrive $0xFFFF;
	s2 =	simm.s32 @!p0 $0x1C06  }
0x85: {  	[timem:s3], [sflag:s2] =	dma.local @!p0 [hbm:s0], s1  }
0x86: {  	s0 =	simm.s32 @!p0 $0x6  }
0x87: {  	_ =	swait.ge @!p0 [sflag:s0], s1  }
0x88: {  	s1 =	ssub.s32 @!p0 $0x0, s1;
	[sflag:s0] =	ssyncset.done @!p0 $0x0  }
0x89: {  	[sflag:s0] =	ssyncadd.s32 @!p0 s1  }
0x8a: {  	[bflag:$0x3] =	sbarrier.arrive $0xFFFF  }
0x8b: {  	_ =	shalt  }

// kernel: kernel.22.cloned.1.call-start
scs
__scs_entry_jumppad:
0x0: {  	(pc) =	sbr.rel $0x88, $3  }
0x1: {  	(tag) =	ssettag $0x0;
	lr =	simm.s32 $0x1  }
0x2: {  	[smem:$0x3F8D] =	sst lr;
	_ =	strace $0xD0000000  }
0x3: {  	_ = 	snop  }
0x4: {  	_ = 	snop  }
0x5: {  	_ = 	snop  }
0x6: {  	_ = 	snop  }
0x7: {  	_ = 	snop  }
__scs_overlays_trampoline_lowered:
0x8: {  	[smem:$0x3F9C] =	sst s0  }
0x9: {  	[smem:$0x3F9D] =	sst s1  }
0xa: {  	[smem:$0x3F9E] =	sst s2  }
0xb: {  	[smem:$0x3F9F] =	sst s3  }
0xc: {  	[smem:$0x3FA0] =	sst s4  }
0xd: {  	[smem:$0x3FA1] =	sst s5  }
0xe: {  	[smem:$0x3FA2] =	sst s6  }
0xf: {  	[smem:$0x3FA3] =	sst s7  }
0x10: {  	[smem:$0x3FA4] =	sst s8  }
0x11: {  	[smem:$0x3FA5] =	sst s9;
	s0 =	simm.s32 @!p0 $0x0  }
0x12: {  	s1 =	sld [smem:$0x3F8B];
	s0 =	simm.s32 @p0 $0x1  }
0x13: {  	[smem:$0x3FA6] =	sst s0;
	s0 =	simm.s32 @!p1 $0x0  }
0x14: {  	s2 =	sld [smem:$0x3F8A];
	s0 =	simm.s32 @p1 $0x1  }
0x15: {  	[smem:$0x3FA7] =	sst s0;
	s0 =	simm.s32 @!p2 $0x0  }
0x16: {  	s3 =	sld [smem:$0x3FDB];
	s0 =	simm.s32 @p2 $0x1  }
0x17: {  	s4 =	simm.s32 $0x1BF5;
	[smem:$0x3FA9] =	sst s0  }
0x18: {  	s0 =	sld [smem:$0x3F8C];
	_ =	swait.ge [sflag:s4], $0x0  }
0x19: {  	s7 =	sld [smem:$0x3F8D]  }
0x1a: {  	s8 =	sadd.s32 $0xFFFFE003, lr  }
0x1b: {  	s9 =	sadd.s32 $0xFFFFFEF7, lr;
	s5 =	simm.s32 $0xFFFFFFFF;
	p2 =	slt.u32 s8, $0xFFFFF086  }
0x1c: {  	p1 =	slt.u32 s9, $0xF7A;
	s5 =	simm.s32 @!p2 $0x0  }
0x1d: {  	s5 =	simm.s32 @p1 $0x1;
	p0 =	seq.s32 s7, s2  }
0x1e: {  	s7 =	smul.u32 @!p0 $0xF7A, s2;
	p2 =	seq.s32 @!p0 s5, $0x0  }
0x1f: {  	s9 =	smul.u32 $0xF7A, s1;
	s8 =	simm.s32 @!p0 $0x1BF5;
	p2 =	por !p2, p0  }
0x20: {  	[sflag:s8] =	ssyncset.s32 @!p0 $0xFFFFF086;
	s6 =	sadd.s32 @!p0 s3, s7;
	s7 =	simm.s32 @!p0 $0x108  }
0x21: {  	s3 =	sadd.s32 s3, s9;
	s6 =	sadd.s32 @!p0 $0x88, s6;
	s7 =	simm.s32 @p2 $0x1082  }
0x22: {  	[simem:s7], [sflag:s8] =	dma.local @!p0 [hbm:s6], $0xF7A  }
0x23: {  	s9 =	sor.u32 $0xD0000000, s2;
	s6 =	simm.s32 $0x108;
	_ =	swait.ge @!p0 [sflag:s8], $0x0  }
0x24: {  	s3 =	sadd.s32 $0x88, s3;
	s6 =	simm.s32 @!p1 $0x1082;
	[sflag:s4] =	ssyncset.s32 $0xFFFFF086  }
0x25: {  	[simem:s6], [sflag:s4] =	dma.local [hbm:s3], $0xF7A  }
0x26: {  	[smem:$0x3F8D] =	sst s1;
	(tag) =	ssettag s2;
	_ =	strace s9  }
0x27: {  	s1 =	sld [smem:$0x3F9D]  }
0x28: {  	s2 =	sld [smem:$0x3F9E]  }
0x29: {  	s4 =	sld [smem:$0x3FA0]  }
0x2a: {  	p0 =	seq.s32 s5, $0x0;
	s5 =	sld [smem:$0x3FA1]  }
0x2b: {  	s6 =	sld [smem:$0x3FA2]  }
0x2c: {  	s7 =	sld [smem:$0x3FA3]  }
0x2d: {  	s3 =	simm.s32 $0x108;
	s8 =	sld [smem:$0x3FA4]  }
0x2e: {  	s3 =	simm.s32 @!p0 $0x1082;
	s9 =	sld [smem:$0x3FA5]  }
0x2f: {  	lr =	sadd.s32 s0, s3;
	s0 =	sld [smem:$0x3F9C]  }
0x30: {  	s3 =	sld [smem:$0x3F9F]  }
0x31: {  	[smem:$0x3FA8] =	sst s10  }
0x32: {  	s10 =	sld [smem:$0x3FA6];
	_ =	sdelay $0x3  }
0x33: {  	p0 =	seq.s32 s10, $0x1;
	s10 =	sld [smem:$0x3FA8];
	_ =	sdelay $0x3  }
0x34: {  	[smem:$0x3FA8] =	sst s10  }
0x35: {  	s10 =	sld [smem:$0x3FA7];
	_ =	sdelay $0x3  }
0x36: {  	p1 =	seq.s32 s10, $0x1;
	s10 =	sld [smem:$0x3FA8];
	_ =	sdelay $0x3  }
0x37: {  	[smem:$0x3FA8] =	sst s10  }
0x38: {  	s10 =	sld [smem:$0x3FA9]  }
0x39: {  	_ = 	snop;
	(pc) =	sbr.ind lr, $3  }
0x3a: {  	_ = 	snop  }
0x3b: {  	_ = 	snop  }
0x3c: {  	p2 =	seq.s32 s10, $0x1;
	s10 =	sld [smem:$0x3FA8]  }
0x3d: {  	_ =	shalt  }
0x3e: {  	_ =	shalt  }
0x3f: {  	_ =	shalt  }
0x40: {  	_ =	shalt  }
0x41: {  	_ =	shalt  }
0x42: {  	_ =	shalt  }
0x43: {  	_ =	shalt  }
0x44: {  	_ =	shalt  }
0x45: {  	_ =	shalt  }
0x46: {  	_ =	shalt  }
0x47: {  	_ =	shalt  }
0x48: {  	_ =	shalt  }
0x49: {  	_ =	shalt  }
0x4a: {  	_ =	shalt  }
0x4b: {  	_ =	shalt  }
0x4c: {  	_ =	shalt  }
0x4d: {  	_ =	shalt  }
0x4e: {  	_ =	shalt  }
0x4f: {  	_ =	shalt  }
0x50: {  	_ =	shalt  }
0x51: {  	_ =	shalt  }
0x52: {  	_ =	shalt  }
0x53: {  	_ =	shalt  }
0x54: {  	_ =	shalt  }
0x55: {  	_ =	shalt  }
0x56: {  	_ =	shalt  }
0x57: {  	_ =	shalt  }
0x58: {  	_ =	shalt  }
0x59: {  	_ =	shalt  }
0x5a: {  	_ =	shalt  }
0x5b: {  	_ =	shalt  }
0x5c: {  	_ =	shalt  }
0x5d: {  	_ =	shalt  }
0x5e: {  	_ =	shalt  }
0x5f: {  	_ =	shalt  }
0x60: {  	_ =	shalt  }
0x61: {  	_ =	shalt  }
0x62: {  	_ =	shalt  }
0x63: {  	_ =	shalt  }
0x64: {  	_ =	shalt  }
0x65: {  	_ =	shalt  }
0x66: {  	_ =	shalt  }
0x67: {  	_ =	shalt  }
0x68: {  	_ =	shalt  }
0x69: {  	_ =	shalt  }
0x6a: {  	_ =	shalt  }
0x6b: {  	_ =	shalt  }
0x6c: {  	_ =	shalt  }
0x6d: {  	_ =	shalt  }
0x6e: {  	_ =	shalt  }
0x6f: {  	_ =	shalt  }
0x70: {  	_ =	shalt  }
0x71: {  	_ =	shalt  }
0x72: {  	_ =	shalt  }
0x73: {  	_ =	shalt  }
0x74: {  	_ =	shalt  }
0x75: {  	_ =	shalt  }
0x76: {  	_ =	shalt  }
0x77: {  	_ =	shalt  }
0x78: {  	_ =	shalt  }
0x79: {  	_ =	shalt  }
0x7a: {  	_ =	shalt  }
0x7b: {  	_ =	shalt  }
0x7c: {  	_ =	shalt  }
0x7d: {  	_ =	shalt  }
0x7e: {  	_ =	shalt  }
0x7f: {  	_ =	shalt  }
0x80: {  	_ =	shalt  }
0x81: {  	_ =	shalt  }
0x82: {  	_ =	shalt  }
0x83: {  	_ =	shalt  }
0x84: {  	_ =	shalt  }
0x85: {  	_ =	shalt  }
0x86: {  	_ =	shalt  }
0x87: {  	_ =	shalt  }
.Lfunc_end0:
.L_simem_size_0:
called_computation.3_lowered:
.L_overlay_start_0:
0x88: {  	s2 =	sld [smem:$0x3FD9]  }
0x89: {  	s3 =	sld [smem:$0x3FFE];
	_ =	sdelay $0x1  }
0x8a: {  	s1 =	srdreg.scid  }
0x8b: {  	s0 =	sand.u32 $0x1, s1  }
0x8c: {  	s16 =	sshll.u32 s0, $0xA;
	s2 =	sadd.s32 s3, s2  }
0x8d: {  	s2 =	sadd.s32 s2, s16  }
0x8e: {  	[smem:$0x3FB4] =	sst s2  }
0x8f: {  	_ = 	snop  }
0x90: {  	(tm) =	ssettm $0x1  }
0x91: {  	s17 =	sld [smem:$0x3FFB];
	_ =	sdelay $0x3  }
0x92: {  	_ =	strace s17  }
0x93: {  	s2 =	sld [smem:$0x3FFC];
	_ =	sdelay $0x3  }
0x94: {  	_ =	strace s2  }
0x95: {  	s2 =	sld [smem:$0x3FFD];
	_ =	sdelay $0x3  }
0x96: {  	_ =	strace s2  }
0x97: {  	_ =	strace $0x8FFFFFFF  }
0x98: {  	s18 =	sld [smem:$0x3FDB];
	_ =	sdelay $0x1  }
0x99: {  	s19 =	simm.s32 $_scs_section_size  }
0x9a: {  	s4 =	simm.s32 $_size__tile_overlayer_lowered;
	s5 =	simm.s32 $_tile_overlayer_lowered  }
0x9b: {  	s22 =	simm.s32 $0x1BFF;
	s21 =	sshll.u32 s5, $0x1;
	s2 =	sadd.s32 s19, s18  }
0x9c: {  	s6 =	simm.s32 $0x0;
	s20 =	sshll.u32 s4, $0x1;
	s4 =	sadd.s32 s21, s2  }
0x9d: {  	[timem:s6], [sflag:s22] =	dma.local [hbm:s4], s20  }
0x9e: {  	_ =	swait.ge [sflag:s22], s20  }
0x9f: {  	s3 =	ssub.s32 $0x0, s20;
	[sflag:s22] =	ssyncset.done $0x0  }
0xa0: {  	[sflag:s22] =	ssyncadd.s32 s3;
	_ =	sdelay $0x1  }
0xa1: {  	s23 =	simm.s32 $0x1B8B  }
0xa2: {  	_ =	swait.ge [sflag:s23], $0x1  }
0xa3: {  	[sflag:s23] =	ssyncset.done $0x0  }
0xa4: {  	s25 =	simm.s32 $0x1B8E;
	s24 =	sld [smem:$0x3FFE];
	[sflag:s23] =	ssyncadd.s32 $0xFFFFFFFF  }
0xa5: {  	s26 =	simm.s32 $execute0_lowered;
	[smem:$0x3FD2] =	sst s25  }
0xa6: {  	s4 =	sshll.u32 s26, $0x1;
	_ =	strace $0x8000004F;
	[dreg:$0x1] =	wrdreg $0xFFFFFFFF  }
0xa7: {  	s28 =	simm.s32 $_size_execute0_lowered;
	s2 =	sadd.s32 s2, s4;
	[dreg:$0x0] =	wrdreg $0x0  }
0xa8: {  	s4 =	sshll.u32 s28, $0x1;
	[dreg:$0x2] =	wrdreg s2  }
0xa9: {  	[dreg:$0x3] =	wrdreg s4  }
0xaa: {  	[dreg:$0x4] =	wrdreg $0xC0  }
0xab: {  	_ =	task [dreg:s6], $0x5FFFF  }
0xac: {  	[dreg:$0x1] =	wrdreg $0xFFFFFFFF  }
0xad: {  	[dreg:$0x0] =	wrdreg $0x60  }
0xae: {  	[dreg:$0x2] =	wrdreg s24  }
0xaf: {  	[dreg:$0x3] =	wrdreg $0x12B800  }
0xb0: {  	[dreg:$0x4] =	wrdreg $0x8F000  }
0xb1: {  	[dreg:$0x5] =	wrdreg $0x9  }
0xb2: {  	_ =	task.clear_ibuf [dreg:s6], $0x6FFFF;
	_ =	strace $0x9000004F  }
0xb3: {  	s29 =	simm.s32 $0x9;
	_ =	strace $0x80000051  }
0xb4: {  	_ =	swait.ge [sflag:s29], $0x1  }
0xb5: {  	[sflag:s29] =	ssyncadd.s32 $0xFFFFFFFF  }
0xb6: {  	_ =	strace $0x90000051  }
0xb7: {  	_ =	sfence  }
0xb8: {  	s30 =	sld [smem:$0x0];
	_ =	sdelay $0x2  }
0xb9: {  	s31 =	sshll.u32 s1, $0xD;
	s1 =	sshrl.u32 s1, $0x2  }
0xba: {  	s3 =	sand.u32 $0x4000, s31;
	s1 =	sadd.s32 s1, s30  }
0xbb: {  	s0 =	sor.u32 s3, s0;
	s1 =	sshll.u32 s1, $0x11  }
0xbc: {  	s0 =	sor.u32 s1, s0  }
0xbd: {  	s0 =	sadd.s32 $0x8F2B, s0  }
0xbe: {  	[sflag:s0] =	ssyncadd.remote.s32 $0x1  }
0xbf: {  	_ =	sfence.sel $0xFFFF  }
0xc0: {  	[dreg:$0x0] =	wrdreg $0xFFFFFFFF;
	(pc) =	sbr.abs _section_cstart, $3  }
0xc1: {  	[dreg:$0x1] =	wrdreg $0xFFFFFFFF  }
0xc2: {  	_ =	task.clear_ibuf [dreg:s6], $0x2FFFF;
	_ =	strace $0x9FFFFFFF  }
0xc3: {  	(tm) =	ssettm $0x7FFFFFFF  }
tec
execute0_lowered:
.L_overlay_start_1:
0x0: {  	(tag) =	ssettag $0x1  }
0x1: {  	s0 =	rddreg [dreg:$0x0]  }
0x2: {  	s1 =	rddreg [dreg:$0x1]  }
0x3: {  	s3 =	rddreg [dreg:$0x2];
	s4 =	simm.s32 $0x0  }
0x4: {  	s9 =	stileid.u32;
	s5 =	srdreg.scid;
	s28 =	simm.s32 $0x6  }
0x5: {  	s29 =	simm.s32 $0x80;
	s30 =	simm.s32 $0x4F00;
	s31 =	simm.s32 $0x1  }
0x6: {  	[smem:$0x7FF] =	sst s4;
	s2 =	smul.u32 $0x9C00, s9;
	s10 =	sand.u32 $0x1, s5  }
0x7: {  	s24 =	sshll.u32 s9, $0x1;
	s12 =	sadd.s32 $0x5800, s0;
	s16 =	sadd.s32 $0x2CC00, s0  }
0x8: {  	p0 =	sgt.u32 s9, $0x1;
	p1 =	sne.s32 s9, $0xF;
	_ =	strace $0x80000050  }
0x9: {  	s7 =	ssub.s32 $0x2, s10;
	s11 =	sor.u32 s10, s24;
	s10 =	smul.u32 $0x9C400, s10  }
0xa: {  	s6 =	sshrl.u32 s2, $0x3;
	s26 =	sshrl.u32 s7, $0x1;
	s8 =	smul.u32 $0x2700, s11  }
0xb: {  	s18 =	sadd.s32 s2, s1;
	s20 =	sadd.s32 s2, s3;
	s25 =	sadd.s32 s6, s0  }
0xc: {  	s17 =	ssub.s32 s7, s26;
	s6 =	sshll.u32 s9, $0x6;
	s0 =	sadd.s32 $0x2CA00, s0  }
0xd: {  	s22 =	sadd.s32 s2, s10;
	s23 =	sshrl.u32 s10, $0x3;
	s18 =	sshrl.u32 s18, $0x3  }
0xe: {  	s20 =	sshrl.u32 s20, $0x3;
	s2 =	simm.s32 $0x6F00;
	s13 =	sshrl.u32 s8, $0x3  }
0xf: {  	s5 =	sadd.s32 $0x19200, s25;
	s14 =	sor.u32 $0x1C03, s6;
	s25 =	sadd.s32 $0x9C000, s1  }
0x10: {  	[dreg:$0x6] =	wrdreg s0;
	s24 =	sadd.s32 s16, s23;
	s17 =	smax.u32 s17, $0x1  }
0x11: {  	s23 =	simm.s32 $0x4;
	s7 =	sadd.s32 s12, s13;
	[dreg:$0x4] =	wrdreg s14  }
0x12: {  	s13 =	sshll.u32 s11, $0x4;
	s11 =	sadd.s32 $0x9C000, s3;
	s14 =	simm.s32 $0x4D  }
0x13: {  	s26 =	sshrl.u32 s25, $0x3;
	s15 =	sadd.s32 $0x9C40, s7;
	s19 =	sadd.s32 s13, s12  }
0x14: {  	s14 =	simm.s32 @!p0 $0x4E;
	[dreg:$0x9] =	wrdreg s26;
	s26 =	simm.s32 $0x0  }
0x15: {  	[dreg:$0x5] =	wrdreg s15;
	s21 =	sadd.s32 $0x9C00, s19;
	s0 =	sadd.s32 $0x13840, s19  }
0x16: {  	s19 =	sor.u32 $0x1C04, s6;
	[dreg:$0x8] =	wrdreg s0;
	s0 =	sshrl.u32 s22, $0x3  }
0x17: {  	[dreg:$0x7] =	wrdreg s21;
	s22 =	simm.s32 $0x3;
	s15 =	sadd.s32 s16, s0  }
0x18: {  	s16 =	sadd.s32 $0x13800, s24;
	s24 =	simm.s32 $0x5;
	s0 =	simm.s32 $0x2  }
.LBB2_1:
0x19: {  	s8 =	rddreg [dreg:$0x4]  }
0x1a: {  	[spmem:s18], [sflag:s8] =	dma.local [hbm:s5], $0x1380  }
0x1b: {  	[spmem:s20], [sflag:s19] =	dma.local [hbm:s5], $0x1380  }
0x1c: {  	[tilespmem:s4], [sflag:$0x5] =	stream.linear.gather [hbm4b:s7+s4], $0x2700, $0x38;
	[tilespmem:$0x1C7C0] =	vst v63  }
0x1d: {  	s9 =	simm.s32 $0x2780;
	s25 =	rddreg [dreg:$0x5]  }
0x1e: {  	[tilespmem:s9], [sflag:$0x5] =	stream.linear.gather [hbm4b:s25+s4], $0x2700, $0x38;
	[tilespmem:$0x1C7C0] =	vst v63  }
0x1f: {  	_ =	swait.ge [sflag:s22], $0x1380  }
0x20: {  	[sflag:s22] =	ssyncset.done $0x0  }
0x21: {  	[sflag:s22] =	ssyncadd.s32 $0xFFFFEC80  }
0x22: {  	_ =	swait.ge [sflag:s23], $0x1380  }
0x23: {  	[sflag:s23] =	ssyncset.done $0x0  }
0x24: {  	[sflag:s23] =	ssyncadd.s32 $0xFFFFEC80  }
0x25: {  	_ =	swait.ge [sflag:s24], $0x2700  }
.Ltmp0:
0x26: {  	[sflag:s24] =	ssyncset.done $0x0;
	(pc) =	sbr.rel @!p0 .LBB2_2-.Ltmp0, $4  }
0x27: {  	[sflag:s24] =	ssyncadd.s32 $0xFFFFD900  }
0x28: {  	_ =	swait.ge [sflag:s24], $0x2700  }
0x29: {  	[sflag:s24] =	ssyncset.done $0x0  }
0x2a: {  	[sflag:s24] =	ssyncadd.s32 $0xFFFFD900  }
.Ltmp1:
0x2b: {  	(pc) =	sbr.rel @p1 .LBB2_6-.Ltmp1, $2  }
0x2c: {  	_ =	sdelay $0x2  }
0x2d: {  	p2 =	por $0x0, $0x0  }
0x2e: {  	s8 =	rddreg [dreg:$0x6]  }
0x2f: {  	s9 =	rddreg [dreg:$0x9];
	s12 =	simm.s32 $0x1FC6  }
0x30: {  	[spmem:s9], [sflag:s12] =	dma.local [hbm:s8], $0x80  }
.Ltmp2:
0x31: {  	_ = 	snop;
	(pc) =	sbr.rel .LBB2_5-.Ltmp2, $4  }
0x32: {  	_ =	swait.ge [sflag:s28], $0x80  }
0x33: {  	[sflag:s28] =	ssyncset.done $0x0  }
0x34: {  	s10 =	sshrl.u32 s11, $0x3;
	[sflag:s28] =	ssyncadd.s32 $0xFFFFFF80  }
0x35: {  	[spmem:s10], [sflag:s12] =	dma.local [hbm:s8], $0x80  }
.LBB2_2:
0x36: {  	s8 =	rddreg [dreg:$0x7];
	s9 =	simm.s32 $0x2700  }
0x37: {  	[tilespmem:s9], [sflag:$0x6] =	stream.linear.gather [hbm4b:s8+s4], $0x80, $0x38;
	[tilespmem:$0x1C7C0] =	vst v63  }
0x38: {  	_ =	swait.ge [sflag:s28], $0x80  }
0x39: {  	[sflag:s28] =	ssyncset.done $0x0  }
0x3a: {  	s25 =	simm.s32 $0x4E80;
	s21 =	rddreg [dreg:$0x8];
	[sflag:s28] =	ssyncadd.s32 $0xFFFFFF80  }
0x3b: {  	[tilespmem:s25], [sflag:$0x6] =	stream.linear.gather [hbm4b:s21+s4], $0x80, $0x38;
	[tilespmem:$0x1C7C0] =	vst v63  }
.LBB2_5:
0x3c: {  	_ =	swait.ge [sflag:s28], $0x80  }
0x3d: {  	[sflag:s28] =	ssyncset.done $0x0  }
0x3e: {  	p2 =	por p0, p0;
	[sflag:s28] =	ssyncadd.s32 $0xFFFFFF80  }
.LBB2_6:
0x3f: {  	[bflag:$0x0] =	sbarrier.arrive $0xFFFF;
	s10 =	simm.s32 $0x0  }
0x40: {  	[tilespmem:s30], [sflag:$0x1] =	stream.indirect.gather [spmem:s1], $0x40, s10, s29, $0xb8;
	[tilespmem:$0x1C7C0] =	vst v63  }
0x41: {  	p3 =	sle.u32 s14, $0x0;
	_ =	swait.ge [sflag:s31], $0x2000  }
0x42: {  	s10 =	simm.s32 @!p3 $0x80;
	[sflag:s31] =	ssyncset.done $0x0  }
0x43: {  	s12 =	simm.s32 @!p3 $0x80;
	s25 =	simm.s32 @!p3 $0x6F00;
	[sflag:s31] =	ssyncadd.s32 $0xFFFFE000  }
0x44: {  	[tilespmem:s25], [sflag:$0x2] =	stream.indirect.gather @!p3 [spmem:s1], $0x40, s10, s12, $0xb8;
	[tilespmem:$0x1C7C0] =	vst v63  }
0x45: {  	s25 =	simm.s32 $0x2780  }
0x46: {  	[spmem:s3] =	stream.indirect.scatter.add.f32 [tilespmem:s30], [sflag:$0x6], $0x40, s25, s29, $0xb8;
	[tilespmem:$0x1C7C0] =	vst v63  }
0x47: {  	_ =	swait.ge [sflag:s28], $0x2000  }
0x48: {  	[sflag:s28] =	ssyncset.done $0x0  }
0x49: {  	[sflag:s28] =	ssyncadd.s32 $0xFFFFE000  }
0x4a: {  	_ =	swait.ge [sflag:s0], $0x2000  }
0x4b: {  	s10 =	simm.s32 $0x100;
	p3 =	sle.u32 s14, $0x1;
	[sflag:s0] =	ssyncset.done $0x0  }
0x4c: {  	s12 =	simm.s32 @!p3 $0x80;
	s13 =	simm.s32 @!p3 $0x4F00;
	[sflag:s0] =	ssyncadd.s32 $0xFFFFE000  }
0x4d: {  	[tilespmem:s13], [sflag:$0x1] =	stream.indirect.gather @!p3 [spmem:s1], $0x40, s10, s12, $0xb8;
	[tilespmem:$0x1C7C0] =	vst v63  }
0x4e: {  	s21 =	simm.s32 $0x2800  }
0x4f: {  	[spmem:s3] =	stream.indirect.scatter.add.f32 [tilespmem:s2], [sflag:$0x6], $0x40, s21, s29, $0xb8;
	[tilespmem:$0x1C7C0] =	vst v63  }
0x50: {  	s12 =	simm.s32 $0x2;
	_ =	swait.ge [sflag:s28], $0x2000  }
.LBB2_7:
0x51: {  	[sflag:s28] =	ssyncset.done $0x0  }
0x52: {  	s10 =	sadd.s32 $0x100, s10;
	s25 =	sadd.s32 $0x100, s25;
	s13 =	smov.u32 s12  }
0x53: {  	p3 =	slt.u32 s12, $0x4C;
	s12 =	sadd.s32 $0x2, s12;
	[sflag:s28] =	ssyncadd.s32 $0xFFFFE000  }
0x54: {  	_ =	swait.ge [sflag:s31], $0x2000  }
0x55: {  	p4 =	sge.u32 s13, s14;
	[sflag:s31] =	ssyncset.done $0x0  }
0x56: {  	s21 =	sadd.s32 @!p4 $0xFFFFFF80, s10;
	s8 =	simm.s32 @!p4 $0x80;
	[sflag:s31] =	ssyncadd.s32 $0xFFFFE000  }
0x57: {  	s9 =	simm.s32 @!p4 $0x6F00  }
0x58: {  	[tilespmem:s9], [sflag:$0x2] =	stream.indirect.gather @!p4 [spmem:s1], $0x40, s21, s8, $0xb8;
	[tilespmem:$0x1C7C0] =	vst v63  }
0x59: {  	_ = 	snop  }
0x5a: {  	[spmem:s3] =	stream.indirect.scatter.add.f32 [tilespmem:s30], [sflag:$0x6], $0x40, s25, s29, $0xb8;
	[tilespmem:$0x1C7C0] =	vst v63  }
0x5b: {  	_ =	swait.ge [sflag:s28], $0x2000  }
0x5c: {  	[sflag:s28] =	ssyncset.done $0x0  }
0x5d: {  	s8 =	sadd.s32 $0x1, s13;
	[sflag:s28] =	ssyncadd.s32 $0xFFFFE000  }
0x5e: {  	p4 =	sge.u32 s8, s14;
	_ =	swait.ge [sflag:s0], $0x2000  }
0x5f: {  	s8 =	simm.s32 @!p4 $0x80;
	s9 =	simm.s32 @!p4 $0x4F00;
	[sflag:s0] =	ssyncset.done $0x0  }
.Ltmp3:
0x60: {  	s13 =	sadd.s32 $0x80, s25;
	[sflag:s0] =	ssyncadd.s32 $0xFFFFE000;
	(pc) =	sbr.rel @p3 .LBB2_7-.Ltmp3, $4  }
0x61: {  	[tilespmem:s9], [sflag:$0x1] =	stream.indirect.gather @!p4 [spmem:s1], $0x40, s10, s8, $0xb8;
	[tilespmem:$0x1C7C0] =	vst v63  }
0x62: {  	_ = 	snop  }
0x63: {  	[spmem:s3] =	stream.indirect.scatter.add.f32 [tilespmem:s2], [sflag:$0x6], $0x40, s13, s29, $0xb8;
	[tilespmem:$0x1C7C0] =	vst v63  }
0x64: {  	_ =	swait.ge [sflag:s28], $0x2000  }
0x65: {  	[sflag:s28] =	ssyncset.done $0x0  }
0x66: {  	s8 =	simm.s32 @!p0 $0x1;
	[sflag:s28] =	ssyncadd.s32 $0xFFFFE000  }
0x67: {  	_ =	swait.ge @!p0 [sflag:s8], $0x2000  }
0x68: {  	s9 =	simm.s32 @!p0 $0x4E80;
	[sflag:s8] =	ssyncset.done @!p0 $0x0  }
0x69: {  	s10 =	simm.s32 @!p0 $0x4F00;
	[sflag:s8] =	ssyncadd.s32 @!p0 $0xFFFFE000;
	s8 =	simm.s32 @!p0 $0x80  }
0x6a: {  	[spmem:s3] =	stream.indirect.scatter.add.f32 @!p0 [tilespmem:s10], [sflag:$0x6], $0x40, s9, s8, $0xb8;
	[tilespmem:$0x1C7C0] =	vst v63  }
0x6b: {  	s8 =	simm.s32 @!p0 $0x6  }
0x6c: {  	_ =	swait.ge @!p0 [sflag:s8], $0x2000  }
0x6d: {  	[sflag:s8] =	ssyncset.done @!p0 $0x0  }
0x6e: {  	[sflag:s8] =	ssyncadd.s32 @!p0 $0xFFFFE000  }
0x6f: {  	s8 =	sor.u32 $0x1C06, s6;
	[bflag:$0x0] =	sbarrier.arrive $0xFFFF  }
0x70: {  	[hbm:s15], [sflag:s8] =	dma.local [spmem:s20], $0x1380  }
0x71: {  	_ =	swait.ge [sflag:s28], $0x1380  }
0x72: {  	s26 =	sadd.s32 $0x1, s26;
	[sflag:s28] =	ssyncset.done $0x0  }
0x73: {  	p3 =	sne.s32 s26, s17;
	s9 =	sshrl.u32 @p2 s11, $0x3;
	[sflag:s28] =	ssyncadd.s32 $0xFFFFEC80  }
0x74: {  	[hbm:s16], [sflag:s8] =	dma.local @p2 [spmem:s9], $0x80  }
.Ltmp4:
0x75: {  	_ = 	snop;
	(pc) =	sbr.rel @p3 .LBB2_1-.Ltmp4, $4  }
0x76: {  	s8 =	simm.s32 @p2 $0x6  }
0x77: {  	_ =	swait.ge @p2 [sflag:s8], $0x80  }
0x78: {  	[sflag:s8] =	ssyncset.done @p2 $0x0  }
0x79: {  	[sflag:s8] =	ssyncadd.s32 @p2 $0xFFFFFF80  }
0x7a: {  	_ =	sfence.sel $0x180000  }
0x7b: {  	[bflag:$0x0] =	sbarrier.arrive $0xFFFF  }
0x7c: {  	_ =	strace $0x90000050  }
0x7d: {  	s0 =	stileid.u32;
	[bflag:$0x2] =	sbarrier.arrive $0xFFFF  }
0x7e: {  	p0 =	sne.s32 s0, $0x0;
	s0 =	rddreg [dreg:$0x3]  }
0x7f: {  	s0 =	sadd.s32 @!p0 $0x100000, s0  }
0x80: {  	[sflag:s0] =	ssyncadd.tile.s32 @!p0 $0x1;
	_ =	shalt  }
.Lfunc_end2:
_tile_overlayer_lowered:
.L_overlay_start_2:
0x81: {  	(tag) =	ssettag $0x2  }
0x82: {  	s0 =	rddreg [dreg:$0x0];
	s2 =	stileid.u32  }
0x83: {  	s1 =	rddreg [dreg:$0x1];
	p0 =	sne.s32 s2, $0x0  }
0x84: {  	s3 =	rddreg [dreg:$0x2];
	[bflag:$0x3] =	sbarrier.arrive $0xFFFF;
	s2 =	simm.s32 @!p0 $0x1C06  }
0x85: {  	[timem:s3], [sflag:s2] =	dma.local @!p0 [hbm:s0], s1  }
0x86: {  	s0 =	simm.s32 @!p0 $0x6  }
0x87: {  	_ =	swait.ge @!p0 [sflag:s0], s1  }
0x88: {  	s1 =	ssub.s32 @!p0 $0x0, s1;
	[sflag:s0] =	ssyncset.done @!p0 $0x0  }
0x89: {  	[sflag:s0] =	ssyncadd.s32 @!p0 s1  }
0x8a: {  	[bflag:$0x3] =	sbarrier.arrive $0xFFFF  }
0x8b: {  	_ =	shalt  }

// kernel: kernel.25.cloned.1.call-start
scs
__scs_entry_jumppad:
0x0: {  	(pc) =	sbr.rel $0x88, $3  }
0x1: {  	(tag) =	ssettag $0x0;
	lr =	simm.s32 $0x1  }
0x2: {  	[smem:$0x3F8D] =	sst lr;
	_ =	strace $0xD0000000  }
0x3: {  	_ = 	snop  }
0x4: {  	_ = 	snop  }
0x5: {  	_ = 	snop  }
0x6: {  	_ = 	snop  }
0x7: {  	_ = 	snop  }
__scs_overlays_trampoline_lowered:
0x8: {  	[smem:$0x3F9C] =	sst s0  }
0x9: {  	[smem:$0x3F9D] =	sst s1  }
0xa: {  	[smem:$0x3F9E] =	sst s2  }
0xb: {  	[smem:$0x3F9F] =	sst s3  }
0xc: {  	[smem:$0x3FA0] =	sst s4  }
0xd: {  	[smem:$0x3FA1] =	sst s5  }
0xe: {  	[smem:$0x3FA2] =	sst s6  }
0xf: {  	[smem:$0x3FA3] =	sst s7  }
0x10: {  	[smem:$0x3FA4] =	sst s8  }
0x11: {  	[smem:$0x3FA5] =	sst s9;
	s0 =	simm.s32 @!p0 $0x0  }
0x12: {  	s1 =	sld [smem:$0x3F8B];
	s0 =	simm.s32 @p0 $0x1  }
0x13: {  	[smem:$0x3FA6] =	sst s0;
	s0 =	simm.s32 @!p1 $0x0  }
0x14: {  	s2 =	sld [smem:$0x3F8A];
	s0 =	simm.s32 @p1 $0x1  }
0x15: {  	[smem:$0x3FA7] =	sst s0;
	s0 =	simm.s32 @!p2 $0x0  }
0x16: {  	s3 =	sld [smem:$0x3FDB];
	s0 =	simm.s32 @p2 $0x1  }
0x17: {  	s4 =	simm.s32 $0x1BF5;
	[smem:$0x3FA9] =	sst s0  }
0x18: {  	s0 =	sld [smem:$0x3F8C];
	_ =	swait.ge [sflag:s4], $0x0  }
0x19: {  	s7 =	sld [smem:$0x3F8D]  }
0x1a: {  	s8 =	sadd.s32 $0xFFFFE003, lr  }
0x1b: {  	s9 =	sadd.s32 $0xFFFFFEF7, lr;
	s5 =	simm.s32 $0xFFFFFFFF;
	p2 =	slt.u32 s8, $0xFFFFF086  }
0x1c: {  	p1 =	slt.u32 s9, $0xF7A;
	s5 =	simm.s32 @!p2 $0x0  }
0x1d: {  	s5 =	simm.s32 @p1 $0x1;
	p0 =	seq.s32 s7, s2  }
0x1e: {  	s7 =	smul.u32 @!p0 $0xF7A, s2;
	p2 =	seq.s32 @!p0 s5, $0x0  }
0x1f: {  	s9 =	smul.u32 $0xF7A, s1;
	s8 =	simm.s32 @!p0 $0x1BF5;
	p2 =	por !p2, p0  }
0x20: {  	[sflag:s8] =	ssyncset.s32 @!p0 $0xFFFFF086;
	s6 =	sadd.s32 @!p0 s3, s7;
	s7 =	simm.s32 @!p0 $0x108  }
0x21: {  	s3 =	sadd.s32 s3, s9;
	s6 =	sadd.s32 @!p0 $0x88, s6;
	s7 =	simm.s32 @p2 $0x1082  }
0x22: {  	[simem:s7], [sflag:s8] =	dma.local @!p0 [hbm:s6], $0xF7A  }
0x23: {  	s9 =	sor.u32 $0xD0000000, s2;
	s6 =	simm.s32 $0x108;
	_ =	swait.ge @!p0 [sflag:s8], $0x0  }
0x24: {  	s3 =	sadd.s32 $0x88, s3;
	s6 =	simm.s32 @!p1 $0x1082;
	[sflag:s4] =	ssyncset.s32 $0xFFFFF086  }
0x25: {  	[simem:s6], [sflag:s4] =	dma.local [hbm:s3], $0xF7A  }
0x26: {  	[smem:$0x3F8D] =	sst s1;
	(tag) =	ssettag s2;
	_ =	strace s9  }
0x27: {  	s1 =	sld [smem:$0x3F9D]  }
0x28: {  	s2 =	sld [smem:$0x3F9E]  }
0x29: {  	s4 =	sld [smem:$0x3FA0]  }
0x2a: {  	p0 =	seq.s32 s5, $0x0;
	s5 =	sld [smem:$0x3FA1]  }
0x2b: {  	s6 =	sld [smem:$0x3FA2]  }
0x2c: {  	s7 =	sld [smem:$0x3FA3]  }
0x2d: {  	s3 =	simm.s32 $0x108;
	s8 =	sld [smem:$0x3FA4]  }
0x2e: {  	s3 =	simm.s32 @!p0 $0x1082;
	s9 =	sld [smem:$0x3FA5]  }
0x2f: {  	lr =	sadd.s32 s0, s3;
	s0 =	sld [smem:$0x3F9C]  }
0x30: {  	s3 =	sld [smem:$0x3F9F]  }
0x31: {  	[smem:$0x3FA8] =	sst s10  }
0x32: {  	s10 =	sld [smem:$0x3FA6];
	_ =	sdelay $0x3  }
0x33: {  	p0 =	seq.s32 s10, $0x1;
	s10 =	sld [smem:$0x3FA8];
	_ =	sdelay $0x3  }
0x34: {  	[smem:$0x3FA8] =	sst s10  }
0x35: {  	s10 =	sld [smem:$0x3FA7];
	_ =	sdelay $0x3  }
0x36: {  	p1 =	seq.s32 s10, $0x1;
	s10 =	sld [smem:$0x3FA8];
	_ =	sdelay $0x3  }
0x37: {  	[smem:$0x3FA8] =	sst s10  }
0x38: {  	s10 =	sld [smem:$0x3FA9]  }
0x39: {  	_ = 	snop;
	(pc) =	sbr.ind lr, $3  }
0x3a: {  	_ = 	snop  }
0x3b: {  	_ = 	snop  }
0x3c: {  	p2 =	seq.s32 s10, $0x1;
	s10 =	sld [smem:$0x3FA8]  }
0x3d: {  	_ =	shalt  }
0x3e: {  	_ =	shalt  }
0x3f: {  	_ =	shalt  }
0x40: {  	_ =	shalt  }
0x41: {  	_ =	shalt  }
0x42: {  	_ =	shalt  }
0x43: {  	_ =	shalt  }
0x44: {  	_ =	shalt  }
0x45: {  	_ =	shalt  }
0x46: {  	_ =	shalt  }
0x47: {  	_ =	shalt  }
0x48: {  	_ =	shalt  }
0x49: {  	_ =	shalt  }
0x4a: {  	_ =	shalt  }
0x4b: {  	_ =	shalt  }
0x4c: {  	_ =	shalt  }
0x4d: {  	_ =	shalt  }
0x4e: {  	_ =	shalt  }
0x4f: {  	_ =	shalt  }
0x50: {  	_ =	shalt  }
0x51: {  	_ =	shalt  }
0x52: {  	_ =	shalt  }
0x53: {  	_ =	shalt  }
0x54: {  	_ =	shalt  }
0x55: {  	_ =	shalt  }
0x56: {  	_ =	shalt  }
0x57: {  	_ =	shalt  }
0x58: {  	_ =	shalt  }
0x59: {  	_ =	shalt  }
0x5a: {  	_ =	shalt  }
0x5b: {  	_ =	shalt  }
0x5c: {  	_ =	shalt  }
0x5d: {  	_ =	shalt  }
0x5e: {  	_ =	shalt  }
0x5f: {  	_ =	shalt  }
0x60: {  	_ =	shalt  }
0x61: {  	_ =	shalt  }
0x62: {  	_ =	shalt  }
0x63: {  	_ =	shalt  }
0x64: {  	_ =	shalt  }
0x65: {  	_ =	shalt  }
0x66: {  	_ =	shalt  }
0x67: {  	_ =	shalt  }
0x68: {  	_ =	shalt  }
0x69: {  	_ =	shalt  }
0x6a: {  	_ =	shalt  }
0x6b: {  	_ =	shalt  }
0x6c: {  	_ =	shalt  }
0x6d: {  	_ =	shalt  }
0x6e: {  	_ =	shalt  }
0x6f: {  	_ =	shalt  }
0x70: {  	_ =	shalt  }
0x71: {  	_ =	shalt  }
0x72: {  	_ =	shalt  }
0x73: {  	_ =	shalt  }
0x74: {  	_ =	shalt  }
0x75: {  	_ =	shalt  }
0x76: {  	_ =	shalt  }
0x77: {  	_ =	shalt  }
0x78: {  	_ =	shalt  }
0x79: {  	_ =	shalt  }
0x7a: {  	_ =	shalt  }
0x7b: {  	_ =	shalt  }
0x7c: {  	_ =	shalt  }
0x7d: {  	_ =	shalt  }
0x7e: {  	_ =	shalt  }
0x7f: {  	_ =	shalt  }
0x80: {  	_ =	shalt  }
0x81: {  	_ =	shalt  }
0x82: {  	_ =	shalt  }
0x83: {  	_ =	shalt  }
0x84: {  	_ =	shalt  }
0x85: {  	_ =	shalt  }
0x86: {  	_ =	shalt  }
0x87: {  	_ =	shalt  }
.Lfunc_end0:
.L_simem_size_0:
called_computation.4_lowered:
.L_overlay_start_0:
0x88: {  	s2 =	sld [smem:$0x3FD9]  }
0x89: {  	s3 =	sld [smem:$0x3FFE];
	_ =	sdelay $0x1  }
0x8a: {  	s1 =	srdreg.scid  }
0x8b: {  	s0 =	sand.u32 $0x1, s1  }
0x8c: {  	s16 =	sshll.u32 s0, $0xA;
	s2 =	sadd.s32 s3, s2  }
0x8d: {  	s2 =	sadd.s32 s2, s16  }
0x8e: {  	[smem:$0x3FB4] =	sst s2  }
0x8f: {  	_ = 	snop  }
0x90: {  	(tm) =	ssettm $0x1  }
0x91: {  	s17 =	sld [smem:$0x3FFB];
	_ =	sdelay $0x3  }
0x92: {  	_ =	strace s17  }
0x93: {  	s2 =	sld [smem:$0x3FFC];
	_ =	sdelay $0x3  }
0x94: {  	_ =	strace s2  }
0x95: {  	s2 =	sld [smem:$0x3FFD];
	_ =	sdelay $0x3  }
0x96: {  	_ =	strace s2  }
0x97: {  	_ =	strace $0x8FFFFFFF  }
0x98: {  	s18 =	sld [smem:$0x3FDB];
	_ =	sdelay $0x1  }
0x99: {  	s19 =	simm.s32 $_scs_section_size  }
0x9a: {  	s4 =	simm.s32 $_size__tile_overlayer_lowered;
	s5 =	simm.s32 $_tile_overlayer_lowered  }
0x9b: {  	s22 =	simm.s32 $0x1BFF;
	s21 =	sshll.u32 s5, $0x1;
	s2 =	sadd.s32 s19, s18  }
0x9c: {  	s6 =	simm.s32 $0x0;
	s20 =	sshll.u32 s4, $0x1;
	s4 =	sadd.s32 s21, s2  }
0x9d: {  	[timem:s6], [sflag:s22] =	dma.local [hbm:s4], s20  }
0x9e: {  	_ =	swait.ge [sflag:s22], s20  }
0x9f: {  	s3 =	ssub.s32 $0x0, s20;
	[sflag:s22] =	ssyncset.done $0x0  }
0xa0: {  	[sflag:s22] =	ssyncadd.s32 s3;
	_ =	sdelay $0x1  }
0xa1: {  	s23 =	simm.s32 $0x1B8B  }
0xa2: {  	_ =	swait.ge [sflag:s23], $0x1  }
0xa3: {  	[sflag:s23] =	ssyncset.done $0x0  }
0xa4: {  	s25 =	simm.s32 $0x1B8E;
	s24 =	sld [smem:$0x3FFE];
	[sflag:s23] =	ssyncadd.s32 $0xFFFFFFFF  }
0xa5: {  	s26 =	simm.s32 $execute0_lowered;
	[smem:$0x3FD2] =	sst s25  }
0xa6: {  	s4 =	sshll.u32 s26, $0x1;
	_ =	strace $0x80000052;
	[dreg:$0x1] =	wrdreg $0xFFFFFFFF  }
0xa7: {  	s28 =	simm.s32 $_size_execute0_lowered;
	s2 =	sadd.s32 s2, s4;
	[dreg:$0x0] =	wrdreg $0x0  }
0xa8: {  	s4 =	sshll.u32 s28, $0x1;
	[dreg:$0x2] =	wrdreg s2  }
0xa9: {  	[dreg:$0x3] =	wrdreg s4  }
0xaa: {  	[dreg:$0x4] =	wrdreg $0xC0  }
0xab: {  	_ =	task [dreg:s6], $0x5FFFF  }
0xac: {  	[dreg:$0x1] =	wrdreg $0xFFFFFFFF  }
0xad: {  	[dreg:$0x0] =	wrdreg $0x60  }
0xae: {  	[dreg:$0x2] =	wrdreg s24  }
0xaf: {  	[dreg:$0x3] =	wrdreg $0x12B800  }
0xb0: {  	[dreg:$0x4] =	wrdreg $0x8F000  }
0xb1: {  	[dreg:$0x5] =	wrdreg $0x9  }
0xb2: {  	_ =	task.clear_ibuf [dreg:s6], $0x6FFFF;
	_ =	strace $0x90000052  }
0xb3: {  	s29 =	simm.s32 $0x9;
	_ =	strace $0x80000054  }
0xb4: {  	_ =	swait.ge [sflag:s29], $0x1  }
0xb5: {  	[sflag:s29] =	ssyncadd.s32 $0xFFFFFFFF  }
0xb6: {  	_ =	strace $0x90000054  }
0xb7: {  	_ =	sfence  }
0xb8: {  	s30 =	sld [smem:$0x0];
	_ =	sdelay $0x2  }
0xb9: {  	s31 =	sshll.u32 s1, $0xD;
	s1 =	sshrl.u32 s1, $0x2  }
0xba: {  	s3 =	sand.u32 $0x4000, s31;
	s1 =	sadd.s32 s1, s30  }
0xbb: {  	s0 =	sor.u32 s3, s0;
	s1 =	sshll.u32 s1, $0x11  }
0xbc: {  	s0 =	sor.u32 s1, s0  }
0xbd: {  	s0 =	sadd.s32 $0x8F2B, s0  }
0xbe: {  	[sflag:s0] =	ssyncadd.remote.s32 $0x1  }
0xbf: {  	_ =	sfence.sel $0xFFFF  }
0xc0: {  	[dreg:$0x0] =	wrdreg $0xFFFFFFFF;
	(pc) =	sbr.abs _section_cstart, $3  }
0xc1: {  	[dreg:$0x1] =	wrdreg $0xFFFFFFFF  }
0xc2: {  	_ =	task.clear_ibuf [dreg:s6], $0x2FFFF;
	_ =	strace $0x9FFFFFFF  }
0xc3: {  	(tm) =	ssettm $0x7FFFFFFF  }
tec
execute0_lowered:
.L_overlay_start_1:
0x0: {  	(tag) =	ssettag $0x1  }
0x1: {  	s0 =	rddreg [dreg:$0x0]  }
0x2: {  	s1 =	rddreg [dreg:$0x1]  }
0x3: {  	s3 =	rddreg [dreg:$0x2];
	s4 =	simm.s32 $0x0  }
0x4: {  	s9 =	stileid.u32;
	s5 =	srdreg.scid;
	s28 =	simm.s32 $0x6  }
0x5: {  	s29 =	simm.s32 $0x80;
	s30 =	simm.s32 $0x4F00;
	s31 =	simm.s32 $0x1  }
0x6: {  	[smem:$0x7FF] =	sst s4;
	s2 =	smul.u32 $0x9C00, s9;
	s10 =	sand.u32 $0x1, s5  }
0x7: {  	s24 =	sshll.u32 s9, $0x1;
	s12 =	sadd.s32 $0x5800, s0;
	s16 =	sadd.s32 $0x2CC00, s0  }
0x8: {  	p0 =	sgt.u32 s9, $0x1;
	p1 =	sne.s32 s9, $0xF;
	_ =	strace $0x80000053  }
0x9: {  	s7 =	ssub.s32 $0x2, s10;
	s11 =	sor.u32 s10, s24;
	s10 =	smul.u32 $0x9C400, s10  }
0xa: {  	s6 =	sshrl.u32 s2, $0x3;
	s26 =	sshrl.u32 s7, $0x1;
	s8 =	smul.u32 $0x2700, s11  }
0xb: {  	s18 =	sadd.s32 s2, s1;
	s20 =	sadd.s32 s2, s3;
	s25 =	sadd.s32 s6, s0  }
0xc: {  	s17 =	ssub.s32 s7, s26;
	s6 =	sshll.u32 s9, $0x6;
	s0 =	sadd.s32 $0x2CA00, s0  }
0xd: {  	s22 =	sadd.s32 s2, s10;
	s23 =	sshrl.u32 s10, $0x3;
	s18 =	sshrl.u32 s18, $0x3  }
0xe: {  	s20 =	sshrl.u32 s20, $0x3;
	s2 =	simm.s32 $0x6F00;
	s13 =	sshrl.u32 s8, $0x3  }
0xf: {  	s5 =	sadd.s32 $0x19200, s25;
	s14 =	sor.u32 $0x1C03, s6;
	s25 =	sadd.s32 $0x9C000, s1  }
0x10: {  	[dreg:$0x6] =	wrdreg s0;
	s24 =	sadd.s32 s16, s23;
	s17 =	smax.u32 s17, $0x1  }
0x11: {  	s23 =	simm.s32 $0x4;
	s7 =	sadd.s32 s12, s13;
	[dreg:$0x4] =	wrdreg s14  }
0x12: {  	s13 =	sshll.u32 s11, $0x4;
	s11 =	sadd.s32 $0x9C000, s3;
	s14 =	simm.s32 $0x4D  }
0x13: {  	s26 =	sshrl.u32 s25, $0x3;
	s15 =	sadd.s32 $0x9C40, s7;
	s19 =	sadd.s32 s13, s12  }
0x14: {  	s14 =	simm.s32 @!p0 $0x4E;
	[dreg:$0x9] =	wrdreg s26;
	s26 =	simm.s32 $0x0  }
0x15: {  	[dreg:$0x5] =	wrdreg s15;
	s21 =	sadd.s32 $0x9C00, s19;
	s0 =	sadd.s32 $0x13840, s19  }
0x16: {  	s19 =	sor.u32 $0x1C04, s6;
	[dreg:$0x8] =	wrdreg s0;
	s0 =	sshrl.u32 s22, $0x3  }
0x17: {  	[dreg:$0x7] =	wrdreg s21;
	s22 =	simm.s32 $0x3;
	s15 =	sadd.s32 s16, s0  }
0x18: {  	s16 =	sadd.s32 $0x13800, s24;
	s24 =	simm.s32 $0x5;
	s0 =	simm.s32 $0x2  }
.LBB2_1:
0x19: {  	s8 =	rddreg [dreg:$0x4]  }
0x1a: {  	[spmem:s18], [sflag:s8] =	dma.local [hbm:s5], $0x1380  }
0x1b: {  	[spmem:s20], [sflag:s19] =	dma.local [hbm:s5], $0x1380  }
0x1c: {  	[tilespmem:s4], [sflag:$0x5] =	stream.linear.gather [hbm4b:s7+s4], $0x2700, $0x38;
	[tilespmem:$0x1C7C0] =	vst v63  }
0x1d: {  	s9 =	simm.s32 $0x2780;
	s25 =	rddreg [dreg:$0x5]  }
0x1e: {  	[tilespmem:s9], [sflag:$0x5] =	stream.linear.gather [hbm4b:s25+s4], $0x2700, $0x38;
	[tilespmem:$0x1C7C0] =	vst v63  }
0x1f: {  	_ =	swait.ge [sflag:s22], $0x1380  }
0x20: {  	[sflag:s22] =	ssyncset.done $0x0  }
0x21: {  	[sflag:s22] =	ssyncadd.s32 $0xFFFFEC80  }
0x22: {  	_ =	swait.ge [sflag:s23], $0x1380  }
0x23: {  	[sflag:s23] =	ssyncset.done $0x0  }
0x24: {  	[sflag:s23] =	ssyncadd.s32 $0xFFFFEC80  }
0x25: {  	_ =	swait.ge [sflag:s24], $0x2700  }
.Ltmp0:
0x26: {  	[sflag:s24] =	ssyncset.done $0x0;
	(pc) =	sbr.rel @!p0 .LBB2_2-.Ltmp0, $4  }
0x27: {  	[sflag:s24] =	ssyncadd.s32 $0xFFFFD900  }
0x28: {  	_ =	swait.ge [sflag:s24], $0x2700  }
0x29: {  	[sflag:s24] =	ssyncset.done $0x0  }
0x2a: {  	[sflag:s24] =	ssyncadd.s32 $0xFFFFD900  }
.Ltmp1:
0x2b: {  	(pc) =	sbr.rel @p1 .LBB2_6-.Ltmp1, $2  }
0x2c: {  	_ =	sdelay $0x2  }
0x2d: {  	p2 =	por $0x0, $0x0  }
0x2e: {  	s8 =	rddreg [dreg:$0x6]  }
0x2f: {  	s9 =	rddreg [dreg:$0x9];
	s12 =	simm.s32 $0x1FC6  }
0x30: {  	[spmem:s9], [sflag:s12] =	dma.local [hbm:s8], $0x80  }
.Ltmp2:
0x31: {  	_ = 	snop;
	(pc) =	sbr.rel .LBB2_5-.Ltmp2, $4  }
0x32: {  	_ =	swait.ge [sflag:s28], $0x80  }
0x33: {  	[sflag:s28] =	ssyncset.done $0x0  }
0x34: {  	s10 =	sshrl.u32 s11, $0x3;
	[sflag:s28] =	ssyncadd.s32 $0xFFFFFF80  }
0x35: {  	[spmem:s10], [sflag:s12] =	dma.local [hbm:s8], $0x80  }
.LBB2_2:
0x36: {  	s8 =	rddreg [dreg:$0x7];
	s9 =	simm.s32 $0x2700  }
0x37: {  	[tilespmem:s9], [sflag:$0x6] =	stream.linear.gather [hbm4b:s8+s4], $0x80, $0x38;
	[tilespmem:$0x1C7C0] =	vst v63  }
0x38: {  	_ =	swait.ge [sflag:s28], $0x80  }
0x39: {  	[sflag:s28] =	ssyncset.done $0x0  }
0x3a: {  	s25 =	simm.s32 $0x4E80;
	s21 =	rddreg [dreg:$0x8];
	[sflag:s28] =	ssyncadd.s32 $0xFFFFFF80  }
0x3b: {  	[tilespmem:s25], [sflag:$0x6] =	stream.linear.gather [hbm4b:s21+s4], $0x80, $0x38;
	[tilespmem:$0x1C7C0] =	vst v63  }
.LBB2_5:
0x3c: {  	_ =	swait.ge [sflag:s28], $0x80  }
0x3d: {  	[sflag:s28] =	ssyncset.done $0x0  }
0x3e: {  	p2 =	por p0, p0;
	[sflag:s28] =	ssyncadd.s32 $0xFFFFFF80  }
.LBB2_6:
0x3f: {  	[bflag:$0x0] =	sbarrier.arrive $0xFFFF;
	s10 =	simm.s32 $0x0  }
0x40: {  	[tilespmem:s30], [sflag:$0x1] =	stream.indirect.gather [spmem:s1], $0x40, s10, s29, $0xb8;
	[tilespmem:$0x1C7C0] =	vst v63  }
0x41: {  	p3 =	sle.u32 s14, $0x0;
	_ =	swait.ge [sflag:s31], $0x2000  }
0x42: {  	s10 =	simm.s32 @!p3 $0x80;
	[sflag:s31] =	ssyncset.done $0x0  }
0x43: {  	s12 =	simm.s32 @!p3 $0x80;
	s25 =	simm.s32 @!p3 $0x6F00;
	[sflag:s31] =	ssyncadd.s32 $0xFFFFE000  }
0x44: {  	[tilespmem:s25], [sflag:$0x2] =	stream.indirect.gather @!p3 [spmem:s1], $0x40, s10, s12, $0xb8;
	[tilespmem:$0x1C7C0] =	vst v63  }
0x45: {  	s25 =	simm.s32 $0x2780  }
0x46: {  	[spmem:s3] =	stream.indirect.scatter.add.f32 [tilespmem:s30], [sflag:$0x6], $0x40, s25, s29, $0xb8;
	[tilespmem:$0x1C7C0] =	vst v63  }
0x47: {  	_ =	swait.ge [sflag:s28], $0x2000  }
0x48: {  	[sflag:s28] =	ssyncset.done $0x0  }
0x49: {  	[sflag:s28] =	ssyncadd.s32 $0xFFFFE000  }
0x4a: {  	_ =	swait.ge [sflag:s0], $0x2000  }
0x4b: {  	s10 =	simm.s32 $0x100;
	p3 =	sle.u32 s14, $0x1;
	[sflag:s0] =	ssyncset.done $0x0  }
0x4c: {  	s12 =	simm.s32 @!p3 $0x80;
	s13 =	simm.s32 @!p3 $0x4F00;
	[sflag:s0] =	ssyncadd.s32 $0xFFFFE000  }
0x4d: {  	[tilespmem:s13], [sflag:$0x1] =	stream.indirect.gather @!p3 [spmem:s1], $0x40, s10, s12, $0xb8;
	[tilespmem:$0x1C7C0] =	vst v63  }
0x4e: {  	s21 =	simm.s32 $0x2800  }
0x4f: {  	[spmem:s3] =	stream.indirect.scatter.add.f32 [tilespmem:s2], [sflag:$0x6], $0x40, s21, s29, $0xb8;
	[tilespmem:$0x1C7C0] =	vst v63  }
0x50: {  	s12 =	simm.s32 $0x2;
	_ =	swait.ge [sflag:s28], $0x2000  }
.LBB2_7:
0x51: {  	[sflag:s28] =	ssyncset.done $0x0  }
0x52: {  	s10 =	sadd.s32 $0x100, s10;
	s25 =	sadd.s32 $0x100, s25;
	s13 =	smov.u32 s12  }
0x53: {  	p3 =	slt.u32 s12, $0x4C;
	s12 =	sadd.s32 $0x2, s12;
	[sflag:s28] =	ssyncadd.s32 $0xFFFFE000  }
0x54: {  	_ =	swait.ge [sflag:s31], $0x2000  }
0x55: {  	p4 =	sge.u32 s13, s14;
	[sflag:s31] =	ssyncset.done $0x0  }
0x56: {  	s21 =	sadd.s32 @!p4 $0xFFFFFF80, s10;
	s8 =	simm.s32 @!p4 $0x80;
	[sflag:s31] =	ssyncadd.s32 $0xFFFFE000  }
0x57: {  	s9 =	simm.s32 @!p4 $0x6F00  }
0x58: {  	[tilespmem:s9], [sflag:$0x2] =	stream.indirect.gather @!p4 [spmem:s1], $0x40, s21, s8, $0xb8;
	[tilespmem:$0x1C7C0] =	vst v63  }
0x59: {  	_ = 	snop  }
0x5a: {  	[spmem:s3] =	stream.indirect.scatter.add.f32 [tilespmem:s30], [sflag:$0x6], $0x40, s25, s29, $0xb8;
	[tilespmem:$0x1C7C0] =	vst v63  }
0x5b: {  	_ =	swait.ge [sflag:s28], $0x2000  }
0x5c: {  	[sflag:s28] =	ssyncset.done $0x0  }
0x5d: {  	s8 =	sadd.s32 $0x1, s13;
	[sflag:s28] =	ssyncadd.s32 $0xFFFFE000  }
0x5e: {  	p4 =	sge.u32 s8, s14;
	_ =	swait.ge [sflag:s0], $0x2000  }
0x5f: {  	s8 =	simm.s32 @!p4 $0x80;
	s9 =	simm.s32 @!p4 $0x4F00;
	[sflag:s0] =	ssyncset.done $0x0  }
.Ltmp3:
0x60: {  	s13 =	sadd.s32 $0x80, s25;
	[sflag:s0] =	ssyncadd.s32 $0xFFFFE000;
	(pc) =	sbr.rel @p3 .LBB2_7-.Ltmp3, $4  }
0x61: {  	[tilespmem:s9], [sflag:$0x1] =	stream.indirect.gather @!p4 [spmem:s1], $0x40, s10, s8, $0xb8;
	[tilespmem:$0x1C7C0] =	vst v63  }
0x62: {  	_ = 	snop  }
0x63: {  	[spmem:s3] =	stream.indirect.scatter.add.f32 [tilespmem:s2], [sflag:$0x6], $0x40, s13, s29, $0xb8;
	[tilespmem:$0x1C7C0] =	vst v63  }
0x64: {  	_ =	swait.ge [sflag:s28], $0x2000  }
0x65: {  	[sflag:s28] =	ssyncset.done $0x0  }
0x66: {  	s8 =	simm.s32 @!p0 $0x1;
	[sflag:s28] =	ssyncadd.s32 $0xFFFFE000  }
0x67: {  	_ =	swait.ge @!p0 [sflag:s8], $0x2000  }
0x68: {  	s9 =	simm.s32 @!p0 $0x4E80;
	[sflag:s8] =	ssyncset.done @!p0 $0x0  }
0x69: {  	s10 =	simm.s32 @!p0 $0x4F00;
	[sflag:s8] =	ssyncadd.s32 @!p0 $0xFFFFE000;
	s8 =	simm.s32 @!p0 $0x80  }
0x6a: {  	[spmem:s3] =	stream.indirect.scatter.add.f32 @!p0 [tilespmem:s10], [sflag:$0x6], $0x40, s9, s8, $0xb8;
	[tilespmem:$0x1C7C0] =	vst v63  }
0x6b: {  	s8 =	simm.s32 @!p0 $0x6  }
0x6c: {  	_ =	swait.ge @!p0 [sflag:s8], $0x2000  }
0x6d: {  	[sflag:s8] =	ssyncset.done @!p0 $0x0  }
0x6e: {  	[sflag:s8] =	ssyncadd.s32 @!p0 $0xFFFFE000  }
0x6f: {  	s8 =	sor.u32 $0x1C06, s6;
	[bflag:$0x0] =	sbarrier.arrive $0xFFFF  }
0x70: {  	[hbm:s15], [sflag:s8] =	dma.local [spmem:s20], $0x1380  }
0x71: {  	_ =	swait.ge [sflag:s28], $0x1380  }
0x72: {  	s26 =	sadd.s32 $0x1, s26;
	[sflag:s28] =	ssyncset.done $0x0  }
0x73: {  	p3 =	sne.s32 s26, s17;
	s9 =	sshrl.u32 @p2 s11, $0x3;
	[sflag:s28] =	ssyncadd.s32 $0xFFFFEC80  }
0x74: {  	[hbm:s16], [sflag:s8] =	dma.local @p2 [spmem:s9], $0x80  }
.Ltmp4:
0x75: {  	_ = 	snop;
	(pc) =	sbr.rel @p3 .LBB2_1-.Ltmp4, $4  }
0x76: {  	s8 =	simm.s32 @p2 $0x6  }
0x77: {  	_ =	swait.ge @p2 [sflag:s8], $0x80  }
0x78: {  	[sflag:s8] =	ssyncset.done @p2 $0x0  }
0x79: {  	[sflag:s8] =	ssyncadd.s32 @p2 $0xFFFFFF80  }
0x7a: {  	_ =	sfence.sel $0x180000  }
0x7b: {  	[bflag:$0x0] =	sbarrier.arrive $0xFFFF  }
0x7c: {  	_ =	strace $0x90000053  }
0x7d: {  	s0 =	stileid.u32;
	[bflag:$0x2] =	sbarrier.arrive $0xFFFF  }
0x7e: {  	p0 =	sne.s32 s0, $0x0;
	s0 =	rddreg [dreg:$0x3]  }
0x7f: {  	s0 =	sadd.s32 @!p0 $0x100000, s0  }
0x80: {  	[sflag:s0] =	ssyncadd.tile.s32 @!p0 $0x1;
	_ =	shalt  }
.Lfunc_end2:
_tile_overlayer_lowered:
.L_overlay_start_2:
0x81: {  	(tag) =	ssettag $0x2  }
0x82: {  	s0 =	rddreg [dreg:$0x0];
	s2 =	stileid.u32  }
0x83: {  	s1 =	rddreg [dreg:$0x1];
	p0 =	sne.s32 s2, $0x0  }
0x84: {  	s3 =	rddreg [dreg:$0x2];
	[bflag:$0x3] =	sbarrier.arrive $0xFFFF;
	s2 =	simm.s32 @!p0 $0x1C06  }
0x85: {  	[timem:s3], [sflag:s2] =	dma.local @!p0 [hbm:s0], s1  }
0x86: {  	s0 =	simm.s32 @!p0 $0x6  }
0x87: {  	_ =	swait.ge @!p0 [sflag:s0], s1  }
0x88: {  	s1 =	ssub.s32 @!p0 $0x0, s1;
	[sflag:s0] =	ssyncset.done @!p0 $0x0  }
0x89: {  	[sflag:s0] =	ssyncadd.s32 @!p0 s1  }
0x8a: {  	[bflag:$0x3] =	sbarrier.arrive $0xFFFF  }
0x8b: {  	_ =	shalt  }

</sc_bundles>
